<compile_context>
chip_gen: v7x
topology: tpu7x:2x2x1
jax: 0.10.2.dev20260603
libtpu: 0.0.44.dev20260713+nightly
codegen_flags: <defaults>
</compile_context>

<pallas_src>
import functools

import jax
import jax.numpy as jnp
from jax import lax
from jax.experimental import pallas as pl
from jax.experimental.pallas import tpu as pltpu
from jax.experimental.pallas import tpu_sc as plsc

N = 10000
E = 320000
D = 128
LH = 64
G = 64
OUT = 64

NC = 2
NS = 16
CH = 128
NCHE = 160
EPT = CH * NCHE
EPAD = EPT * NS
ACC_ROWS = 10112
DEG_ROWS = 10240
CPO = 624
PGCH = 20
PGW = PGCH * CH
SEG_ROWS = 320
SEG_CH = 80


def _wid():
    return lax.axis_index("s") * NC + lax.axis_index("c")


@functools.lru_cache(maxsize=None)
def _mesh():
    return plsc.VectorSubcoreMesh(
        core_axis_name="c", subcore_axis_name="s",
        num_cores=NC, num_subcores=NS)



@functools.lru_cache(maxsize=None)
def _deg_kernel_call():
    return pl.kernel(
        _deg_body,
        out_type=jax.ShapeDtypeStruct((NC * DEG_ROWS,), jnp.float32),
        mesh=_mesh(),
        scratch_types=[
            pltpu.VMEM((EPT // 2,), jnp.int32),
            pltpu.VMEM((CH,), jnp.float32),
            pltpu.VMEM((640,), jnp.float32),
            pltpu.VMEM_SHARED((DEG_ROWS,), jnp.float32),
        ],
    )


def _deg_body(dst_hbm, out_hbm, dst_v, ones_v, z_v, acc_sh):
    c = lax.axis_index("c")
    s = lax.axis_index("s")

    one = jnp.full((16,), 1.0, dtype=jnp.float32)
    zero = jnp.zeros((16,), dtype=jnp.float32)

    def fill(i, _):
        ones_v[pl.ds(i * 16, 16)] = one
        return 0
    lax.fori_loop(0, CH // 16, fill, 0)

    def zfill(i, _):
        z_v[pl.ds(i * 16, 16)] = zero
        return 0
    lax.fori_loop(0, 640 // 16, zfill, 0)
    pltpu.sync_copy(z_v, acc_sh.at[pl.ds(s * 640, 640)])

    pltpu.sync_copy(dst_hbm.at[s].at[pl.ds(c * (EPT // 2), EPT // 2)], dst_v)
    plsc.subcore_barrier()

    def body(j, _):
        pltpu.sync_copy(ones_v, acc_sh.at[dst_v.at[pl.ds(j * CH, CH)]], add=True)
        return 0
    lax.fori_loop(0, NCHE // 2, body, 0)

    plsc.subcore_barrier()
    pltpu.sync_copy(acc_sh.at[pl.ds(s * 640, 640)],
                    out_hbm.at[pl.ds(c * DEG_ROWS + s * 640, 640)])



@functools.lru_cache(maxsize=None)
def _agg_kernel_call():
    return pl.kernel(
        _agg_body,
        out_type=jax.ShapeDtypeStruct((NC, N, LH), jnp.float32),
        mesh=_mesh(),
        scratch_types=[
            pltpu.VMEM((2 * PGW,), jnp.int32),
            pltpu.VMEM((2 * PGW,), jnp.int32),
            [pltpu.VMEM((CH, LH), jnp.float32) for _ in range(4)],
            [pltpu.SemaphoreType.DMA for _ in range(4)],
            [pltpu.SemaphoreType.DMA for _ in range(4)],
            [pltpu.SemaphoreType.DMA for _ in range(2)],
            pltpu.SemaphoreType.DMA,
            pltpu.VMEM_SHARED((ACC_ROWS, LH), jnp.float32),
            pltpu.VMEM_SHARED((N, LH), jnp.float32),
        ],
        compiler_params=pltpu.CompilerParams(use_tc_tiling_on_sc=False),
    )


def _agg_body(hs_hbm, src_hbm, dst_hbm, zero_hbm, out_hbm,
              src_v, dst_v, rows, gsems, ssems, pgsems, stgsem, acc_sh, hs_sp):
    c = lax.axis_index("c")
    s = lax.axis_index("s")
    hs_half = hs_hbm.at[c]
    idx_hbm = (src_hbm.at[s], dst_hbm.at[s])
    NB = 4
    LA = 2

    def _page_copies(p, slot):
        off = pl.ds(pl.multiple_of(p * PGW, PGW), PGW)
        dst = pl.ds(slot * PGW, PGW)
        return ((idx_hbm[0].at[off], src_v.at[dst], pgsems[slot]),
                (idx_hbm[1].at[off], dst_v.at[dst], pgsems[slot]))

    def load_page(p, slot):
        for args in _page_copies(p, slot):
            pltpu.async_copy(*args)

    def wait_page(p, slot):
        for args in _page_copies(p, slot):
            pltpu.make_async_copy(*args).wait()

    load_page(0, 0)
    load_page(1, 1)

    stg = pl.ds(s * CPO, CPO)
    pltpu.async_copy(hs_half.at[stg], hs_sp.at[stg], stgsem)

    pltpu.sync_copy(zero_hbm, acc_sh.at[pl.ds(s * (ACC_ROWS // NS), ACC_ROWS // NS)])

    @pl.when(s == NS - 1)
    def _stg_tail():
        tail = pl.ds(NS * CPO, N - NS * CPO)
        pltpu.sync_copy(hs_half.at[tail], hs_sp.at[tail])

    pltpu.make_async_copy(hs_half.at[stg], hs_sp.at[stg], stgsem).wait()
    wait_page(0, 0)
    plsc.subcore_barrier()

    def _sl(idx_v, j):
        return idx_v.at[pl.ds(pl.multiple_of((j % (2 * PGCH)) * CH, CH), CH)]

    def gather(j, b):
        pltpu.async_copy(hs_sp.at[_sl(src_v, j)], rows[b], gsems[b])

    def wait_gather(j, b):
        pltpu.make_async_copy(hs_sp.at[_sl(src_v, j)], rows[b], gsems[b]).wait()

    def scatter(j, b):
        pltpu.async_copy(rows[b], acc_sh.at[_sl(dst_v, j)], ssems[b], add=True)

    def wait_scatter(j, b):
        pltpu.make_async_copy(rows[b], acc_sh.at[_sl(dst_v, j)], ssems[b]).wait()

    for j in range(LA):
        gather(j, j)
    for j in range(NB):
        if j >= 2:
            wait_scatter(j - 2, j - 2)
        gather(j + LA, (j + LA) % NB)
        wait_gather(j, j)
        scatter(j, j)

    def body(jj, _):
        j0 = jj * NB
        for b in range(NB):
            j = j0 + b
            if b == 1:
                @pl.when(jnp.logical_and(jj % 10 == 4, jj <= 34))
                def _pw1():
                    wait_page((jj + 1) // 5, 1)

                @pl.when(jnp.logical_and(jj % 10 == 9, jj <= 29))
                def _pw0():
                    wait_page((jj + 1) // 5, 0)
            @pl.when(j + LA <= NCHE - 1)
            def _prefetch():
                wait_scatter(j - 2, (b + LA) % NB)
                gather(j + LA, (b + LA) % NB)
            if b == 2:
                @pl.when(jnp.logical_and(jj % 10 == 5, jj <= 25))
                def _pl0():
                    load_page(jj // 5 + 1, 0)

                @pl.when(jnp.logical_and(jj % 10 == 0, jj <= 30))
                def _pl1():
                    load_page(jj // 5 + 1, 1)
            wait_gather(j, b)
            scatter(j, b)
        return 0
    lax.fori_loop(1, NCHE // NB, body, 0)

    for j in range(NCHE - NB, NCHE):
        wait_scatter(j, j % NB)

    plsc.subcore_barrier()
    pltpu.sync_copy(acc_sh.at[pl.ds(s * CPO, CPO)],
                    out_hbm.at[c].at[pl.ds(s * CPO, CPO)])

    @pl.when(s == NS - 1)
    def _tail():
        pltpu.sync_copy(acc_sh.at[pl.ds(NS * CPO, N - NS * CPO)],
                        out_hbm.at[c].at[pl.ds(NS * CPO, N - NS * CPO)])



@functools.lru_cache(maxsize=None)
def _seg_kernel_call():
    return pl.kernel(
        _seg_body,
        out_type=jax.ShapeDtypeStruct((NC * NS * G * D,), jnp.float32),
        mesh=_mesh(),
        scratch_types=[
            pltpu.VMEM((SEG_CH * D,), jnp.float32),
            pltpu.VMEM((SEG_CH + 16,), jnp.int32),
            pltpu.VMEM((G * D,), jnp.float32),
        ],
    )


def _seg_body(jk_hbm, batch_hbm, out_hbm, jkc_v, batch_v, tab_v):
    wid = _wid()
    base = wid * SEG_ROWS
    minf = jnp.full((16,), -jnp.inf, dtype=jnp.float32)

    def ifill(i, _):
        tab_v[pl.ds(i * 16, 16)] = minf
        return 0
    lax.fori_loop(0, G * D // 16, ifill, 0)

    nrows = jnp.minimum(SEG_ROWS, N - base)
    nch = (nrows + SEG_CH - 1) // SEG_CH

    def chunk(j, carry):
        cb = base + j * SEG_CH
        pltpu.sync_copy(batch_hbm.at[pl.ds(cb, SEG_CH)], batch_v.at[pl.ds(0, SEG_CH)])
        pltpu.sync_copy(jk_hbm.at[pl.ds(cb * D, SEG_CH * D)], jkc_v)

        def row(r, carry):
            cur_g = carry[0]
            accs = carry[1:]
            g = batch_v[pl.ds(r, 16)][0]
            vals = tuple(jkc_v[pl.ds(r * D + k * 16, 16)] for k in range(8))
            is_new = g != cur_g

            @pl.when(jnp.logical_and(is_new, cur_g >= 0))
            def _flush():
                for k in range(8):
                    tab_v[pl.ds(cur_g * D + k * 16, 16)] = accs[k]

            new_accs = tuple(
                jnp.where(is_new, vals[k], jnp.maximum(accs[k], vals[k]))
                for k in range(8))
            return (g,) + new_accs

        return lax.fori_loop(0, SEG_CH, row, carry)

    init = (jnp.int32(-1),) + tuple(
        jnp.zeros((16,), dtype=jnp.float32) for _ in range(8))
    carry = lax.fori_loop(0, nch, chunk, init)

    cur_g = carry[0]
    accs = carry[1:]

    @pl.when(cur_g >= 0)
    def _final_flush():
        for k in range(8):
            tab_v[pl.ds(cur_g * D + k * 16, 16)] = accs[k]

    pltpu.sync_copy(tab_v, out_hbm.at[pl.ds(wid * G * D, G * D)])



_BLK = 1000
_GRID = N // _BLK


def _row_spec(shape):
    return pl.BlockSpec((_BLK,) + shape[1:], lambda i: (i,) + (0,) * (len(shape) - 1))


def _full_spec(shape):
    return pl.BlockSpec(shape, lambda i: (0,) * len(shape))


def _half_spec():
    return pl.BlockSpec((NC, _BLK, LH), lambda i: (0, i, 0))


def _cat(h_ref):
    return jnp.concatenate([h_ref[0], h_ref[1]], axis=-1)


def _mm1_body(x_ref, w_ref, dis_ref, hs_ref):
    hs = jnp.dot(x_ref[...], w_ref[...],
                 preferred_element_type=jnp.float32) * dis_ref[...]
    hs_ref[0] = hs[:, :LH]
    hs_ref[1] = hs[:, LH:]


def _mm1(x, W, dis_b):
    return pl.pallas_call(
        _mm1_body,
        grid=(_GRID,),
        in_specs=[_row_spec((N, D)), _full_spec((D, D)), _row_spec((N, D))],
        out_specs=_half_spec(),
        out_shape=jax.ShapeDtypeStruct((NC, N, LH), jnp.float32),
    )(x, W, dis_b)


def _mm2_body(agg_ref, hs_ref, dis_ref, b_ref, w_ref, y_ref, hsn_ref):
    comb = (_cat(agg_ref) + _cat(hs_ref)) * dis_ref[...] + b_ref[...]
    y = jnp.maximum(comb, 0.0)
    y_ref[...] = y
    hsn = jnp.dot(y, w_ref[...],
                  preferred_element_type=jnp.float32) * dis_ref[...]
    hsn_ref[0] = hsn[:, :LH]
    hsn_ref[1] = hsn[:, LH:]


def _mm2(aggp, hs, dis_b, b, Wn):
    return pl.pallas_call(
        _mm2_body,
        grid=(_GRID,),
        in_specs=[_half_spec(), _half_spec(), _row_spec((N, D)),
                  _full_spec((1, D)), _full_spec((D, D))],
        out_specs=[_row_spec((N, D)), _half_spec()],
        out_shape=[jax.ShapeDtypeStruct((N, D), jnp.float32),
                   jax.ShapeDtypeStruct((NC, N, LH), jnp.float32)],
    )(aggp, hs, dis_b, b, Wn)


def _jk_body(agg_ref, hs_ref, dis_ref, b_ref, y1_ref, y2_ref, jk_ref):
    comb = (_cat(agg_ref) + _cat(hs_ref)) * dis_ref[...] + b_ref[...]
    y3 = jnp.maximum(comb, 0.0)
    jk_ref[...] = jnp.maximum(jnp.maximum(y1_ref[...], y2_ref[...]), y3)


def _jk(aggp, hs, dis_b, b, y1, y2):
    return pl.pallas_call(
        _jk_body,
        grid=(_GRID,),
        in_specs=[_half_spec(), _half_spec(), _row_spec((N, D)),
                  _full_spec((1, D)), _row_spec((N, D)), _row_spec((N, D))],
        out_specs=_row_spec((N, D)),
        out_shape=jax.ShapeDtypeStruct((N, D), jnp.float32),
    )(aggp, hs, dis_b, b, y1, y2)


def _final_body(segp_ref, lw_ref, lb_ref, ow_ref, ob_ref, out_ref):
    g = jnp.max(segp_ref[...], axis=0)
    a = jnp.maximum(jnp.dot(g, lw_ref[...],
                            preferred_element_type=jnp.float32) + lb_ref[...], 0.0)
    out_ref[...] = jnp.dot(a, ow_ref[...],
                           preferred_element_type=jnp.float32) + ob_ref[...]


def _final(segp, lin_W, lin_b, out_W, out_b):
    return pl.pallas_call(
        _final_body,
        out_shape=jax.ShapeDtypeStruct((G, OUT), jnp.float32),
    )(segp, lin_W, lin_b.reshape(1, D), out_W, out_b.reshape(1, OUT))



def kernel(x, edge_index, batch, pos, W0, b0, W1, b1, W2, b2,
           lin_W, lin_b, out_W, out_b):
    del pos
    src = edge_index[0]
    dst = edge_index[1]
    npad = EPAD - E
    pad8 = (jnp.arange(npad, dtype=jnp.int32) % 8)
    src_p = jnp.concatenate([src, pad8]).reshape(NS, EPT)
    dst_p = jnp.concatenate([dst, N + pad8]).reshape(NS, EPT)

    degp = _deg_kernel_call()(dst_p).reshape(NC, DEG_ROWS)
    deg = degp[0, :N] + degp[1, :N] + 1.0
    dis_b = jnp.broadcast_to(lax.rsqrt(deg)[:, None], (N, D))

    agg = _agg_kernel_call()
    zero_page = jnp.zeros((ACC_ROWS // NS, LH), jnp.float32)
    hs1 = _mm1(x, W0, dis_b)
    a1 = agg(hs1, src_p, dst_p, zero_page)
    y1, hs2 = _mm2(a1, hs1, dis_b, b0.reshape(1, D), W1)
    a2 = agg(hs2, src_p, dst_p, zero_page)
    y2, hs3 = _mm2(a2, hs2, dis_b, b1.reshape(1, D), W2)
    a3 = agg(hs3, src_p, dst_p, zero_page)
    jk = _jk(a3, hs3, dis_b, b2.reshape(1, D), y1, y2)

    segp = _seg_kernel_call()(jk.reshape(N * D), batch).reshape(NC * NS, G, D)
    return _final(segp, lin_W, lin_b, out_W, out_b)

# --- scband reference (transcript-rebuilt; emitter-appended) ---
"""Pipeline reference for scband-jk-83726092468482 (READ-ONLY COPY).

The authoritative reference and input builder live on the scoring server;
editing this copy changes nothing except your own understanding.
"""

import jax, jax.numpy as jnp
import numpy as np

N = 10000
E = 320000
D = 128
HID = 128
LIN = 128
OUT = 64
G = 64


def setup_inputs(seed: int = 0) -> dict:
    key = jax.random.key(seed)
    ks = jax.random.split(key, 16)
    x = jax.random.normal(ks[0], (N, D), dtype=jnp.float32)
    edge_index = jax.random.randint(ks[1], (2, E), 0, N, dtype=jnp.int32)
    batch = jnp.sort(jax.random.randint(ks[2], (N,), 0, G, dtype=jnp.int32))
    pos = jax.random.normal(ks[3], (N, 3), dtype=jnp.float32)
    def glorot(k, fan_in, fan_out):
        s = jnp.sqrt(6.0 / (fan_in + fan_out))
        return jax.random.uniform(k, (fan_in, fan_out), dtype=jnp.float32, minval=-s, maxval=s)
    W0 = glorot(ks[4], D, HID)
    b0 = jnp.zeros((HID,), dtype=jnp.float32)
    W1 = glorot(ks[5], HID, HID)
    b1 = jnp.zeros((HID,), dtype=jnp.float32)
    W2 = glorot(ks[6], HID, HID)
    b2 = jnp.zeros((HID,), dtype=jnp.float32)
    lin_W = glorot(ks[7], HID, LIN)
    lin_b = jnp.zeros((LIN,), dtype=jnp.float32)
    out_W = glorot(ks[8], LIN, OUT)
    out_b = jnp.zeros((OUT,), dtype=jnp.float32)
    return {"x": x, "edge_index": edge_index, "batch": batch, "pos": pos,
            "W0": W0, "b0": b0, "W1": W1, "b1": b1, "W2": W2, "b2": b2,
            "lin_W": lin_W, "lin_b": lin_b, "out_W": out_W, "out_b": out_b}


def gcn_conv(x, edge_index, W, b):
    # PyG GCNConv: add self-loops, symmetric normalization D^-1/2 (A+I) D^-1/2 (X W) + b
    n = x.shape[0]
    loop = jnp.arange(n, dtype=edge_index.dtype)
    src = jnp.concatenate([edge_index[0], loop])
    dst = jnp.concatenate([edge_index[1], loop])
    deg = jnp.zeros((n,), dtype=x.dtype).at[dst].add(1.0)
    dis = jax.lax.rsqrt(deg)  # deg >= 1 due to self-loops
    norm = dis[src] * dis[dst]
    h = x @ W
    msg = h[src] * norm[:, None]
    out = jnp.zeros_like(h).at[dst].add(msg)
    return out + b


def reference(x, edge_index, batch, pos, W0, b0, W1, b1, W2, b2, lin_W, lin_b, out_W, out_b):
    # pos is accepted by the original forward but unused
    xs = []
    h = x
    for W, b in ((W0, b0), (W1, b1), (W2, b2)):
        h = gcn_conv(h, edge_index, W, b)
        h = jax.nn.relu(h)  # index never equals num_conv_layers, so relu on all layers
        # dropout p=0.5 is identity in eval mode
        xs.append(h)
    h = jnp.max(jnp.stack(xs, axis=0), axis=0)  # JumpingKnowledge 'max'
    g = jax.ops.segment_max(h, batch, num_segments=G)  # global_max_pool
    g = jax.nn.relu(g @ lin_W + lin_b)
    return g @ out_W + out_b

if __name__ == "__main__":
    import jax
    _d = setup_inputs()
    print(jax.jit(kernel)(*tuple(_d.values())))

</pallas_src>

<mosaic_0001>
#map = affine_map<(d0, d1) -> (0, 0)>
#map1 = affine_map<(d0, d1) -> (0)>
module attributes {stable_mosaic.version = 14 : i64} {
  func.func @_deg_body(%arg0: i32, %arg1: i32, %arg2: memref<16x20480xi32, #tpu.memory_space<hbm>>, %arg3: memref<20480xf32, #tpu.memory_space<hbm>>, %arg4: memref<10240xi32, #tpu.memory_space<vmem>>, %arg5: memref<128xf32, #tpu.memory_space<vmem>>, %arg6: memref<640xf32, #tpu.memory_space<vmem>>, %arg7: memref<10240xf32, #tpu.memory_space<vmem_shared>>) attributes {dimension_semantics = [#tpu.dimension_semantics<core_parallel>, #tpu.dimension_semantics<subcore_parallel>], iteration_bounds = array<i64: 2, 16>, scalar_prefetch = 0 : i64, scratch_operands = 4 : i64, tpu.core_type = #tpu.core_type<sc_vector_subcore>, window_params = [{transform_indices = #map}, {transform_indices = #map1}]} {
    %broadcast_in_dim3A = arith.constant 1.000000e+00 : f32
    %broadcast_in_dim3A_0 = vector.broadcast %broadcast_in_dim3A : f32 to vector<16xf32>
    %broadcast_in_dim3A_1 = arith.constant 0.000000e+00 : f32
    %broadcast_in_dim3A_2 = vector.broadcast %broadcast_in_dim3A_1 : f32 to vector<16xf32>
    %scan3A = arith.constant 0 : i32
    %scan3A_3 = arith.constant 0 : i32
    %scan3A_4 = arith.constant 8 : i32
    %scan3A_5 = arith.addi %scan3A_3, %scan3A_4 : i32
    %scan3A_6 = arith.constant 1 : i32
    %scan3A_7 = scf.for %scan3A_33 = %scan3A_3 to %scan3A_5 step %scan3A_6 iter_args(%scan3A_34 = %scan3A) -> (i32)  : i32 {
      %mul3A_35 = arith.constant 16 : i32
      %mul3A_36 = arith.muli %scan3A_33, %mul3A_35 : i32
      %swap3A = arith.index_cast %mul3A_36 : i32 to index
      %swap3A_37 = tpu.vector_load %arg5[%swap3A] {strides = array<i32>} : memref<128xf32, #tpu.memory_space<vmem>>, vector<16xf32>,
      %swap3A_38 = vector.shape_cast %swap3A_37 : vector<16xf32> to vector<16xf32>
      %swap3A_39 = vector.shape_cast %broadcast_in_dim3A_0 : vector<16xf32> to vector<16xf32>
      tpu.vector_store %arg5[%swap3A], %swap3A_39 {strides = array<i32>} : memref<128xf32, #tpu.memory_space<vmem>>, vector<16xf32>,
      %scan3A_40 = arith.constant 0 : i32
      scf.yield %scan3A_40 : i32
    }
    %scan3A_8 = arith.constant 8 : i32
    %scan3A_9 = arith.constant 0 : i32
    %scan3A_10 = arith.constant 0 : i32
    %scan3A_11 = arith.constant 40 : i32
    %scan3A_12 = arith.addi %scan3A_10, %scan3A_11 : i32
    %scan3A_13 = arith.constant 1 : i32
    %scan3A_14 = scf.for %scan3A_33 = %scan3A_10 to %scan3A_12 step %scan3A_13 iter_args(%scan3A_34 = %scan3A_9) -> (i32)  : i32 {
      %mul3A_35 = arith.constant 16 : i32
      %mul3A_36 = arith.muli %scan3A_33, %mul3A_35 : i32
      %swap3A = arith.index_cast %mul3A_36 : i32 to index
      %swap3A_37 = tpu.vector_load %arg6[%swap3A] {strides = array<i32>} : memref<640xf32, #tpu.memory_space<vmem>>, vector<16xf32>,
      %swap3A_38 = vector.shape_cast %swap3A_37 : vector<16xf32> to vector<16xf32>
      %swap3A_39 = vector.shape_cast %broadcast_in_dim3A_2 : vector<16xf32> to vector<16xf32>
      tpu.vector_store %arg6[%swap3A], %swap3A_39 {strides = array<i32>} : memref<640xf32, #tpu.memory_space<vmem>>, vector<16xf32>,
      %scan3A_40 = arith.constant 0 : i32
      scf.yield %scan3A_40 : i32
    }
    %scan3A_15 = arith.constant 40 : i32
    %mul3A = arith.constant 640 : i32
    %mul3A_16 = arith.muli %arg1, %mul3A : i32
    "tpu.region"() ({
      %run_scoped3A = tpu.sem_alloc : memref<!tpu.dma_semaphore, #tpu.memory_space<semaphore_mem>>
      %dma_start3A = tpu.memref_slice %arg7[%mul3A_16] : memref<10240xf32, #tpu.memory_space<vmem_shared>> -> memref<640xf32, #tpu.memory_space<vmem_shared>>
      %dma_start3A_33 = tpu.memref_slice %arg7[%mul3A_16] : memref<10240xf32, #tpu.memory_space<vmem_shared>> -> memref<640xf32, #tpu.memory_space<vmem_shared>>
      tpu.enqueue_dma source(%arg6 : memref<640xf32, #tpu.memory_space<vmem>>) target(%dma_start3A_33 : memref<640xf32, #tpu.memory_space<vmem_shared>>) target_semaphore(%run_scoped3A : memref<!tpu.dma_semaphore, #tpu.memory_space<semaphore_mem>>)
      %dma_wait3A = tpu.memref_slice %arg7[%mul3A_16] : memref<10240xf32, #tpu.memory_space<vmem_shared>> -> memref<640xf32, #tpu.memory_space<vmem_shared>>
      %dma_wait3A_34 = tpu.memref_slice %arg7[%mul3A_16] : memref<10240xf32, #tpu.memory_space<vmem_shared>> -> memref<640xf32, #tpu.memory_space<vmem_shared>>
      tpu.wait_dma2 semaphore(%run_scoped3A : memref<!tpu.dma_semaphore, #tpu.memory_space<semaphore_mem>>) src(%arg6 : memref<640xf32, #tpu.memory_space<vmem>>) dst(%dma_wait3A_34 : memref<640xf32, #tpu.memory_space<vmem_shared>>)
      tpu.yield
    }) : () -> ()
    %mul3A_17 = arith.constant 10240 : i32
    %mul3A_18 = arith.muli %arg0, %mul3A_17 : i32
    "tpu.region"() ({
      %run_scoped3A = tpu.sem_alloc : memref<!tpu.dma_semaphore, #tpu.memory_space<semaphore_mem>>
      %dma_start3A = arith.constant 0 : i32
      %dma_start3A_33 = tpu.memref_slice %arg2[%arg1, %dma_start3A] : memref<16x20480xi32, #tpu.memory_space<hbm>> -> memref<1x20480xi32, #tpu.memory_space<hbm>>
      %dma_start3A_34 = tpu.memref_squeeze %dma_start3A_33 : memref<1x20480xi32, #tpu.memory_space<hbm>> -> memref<20480xi32, #tpu.memory_space<hbm>>
      %dma_start3A_35 = tpu.memref_slice %dma_start3A_34[%mul3A_18] : memref<20480xi32, #tpu.memory_space<hbm>> -> memref<10240xi32, #tpu.memory_space<hbm>>
      %dma_start3A_36 = arith.constant 0 : i32
      %dma_start3A_37 = tpu.memref_slice %arg2[%arg1, %dma_start3A_36] : memref<16x20480xi32, #tpu.memory_space<hbm>> -> memref<1x20480xi32, #tpu.memory_space<hbm>>
      %dma_start3A_38 = tpu.memref_squeeze %dma_start3A_37 : memref<1x20480xi32, #tpu.memory_space<hbm>> -> memref<20480xi32, #tpu.memory_space<hbm>>
      %dma_start3A_39 = tpu.memref_slice %dma_start3A_38[%mul3A_18] : memref<20480xi32, #tpu.memory_space<hbm>> -> memref<10240xi32, #tpu.memory_space<hbm>>
      tpu.enqueue_dma source(%dma_start3A_39 : memref<10240xi32, #tpu.memory_space<hbm>>) target(%arg4 : memref<10240xi32, #tpu.memory_space<vmem>>) target_semaphore(%run_scoped3A : memref<!tpu.dma_semaphore, #tpu.memory_space<semaphore_mem>>)
      %dma_wait3A = arith.constant 0 : i32
      %dma_wait3A_40 = tpu.memref_slice %arg2[%arg1, %dma_wait3A] : memref<16x20480xi32, #tpu.memory_space<hbm>> -> memref<1x20480xi32, #tpu.memory_space<hbm>>
      %dma_wait3A_41 = tpu.memref_squeeze %dma_wait3A_40 : memref<1x20480xi32, #tpu.memory_space<hbm>> -> memref<20480xi32, #tpu.memory_space<hbm>>
      %dma_wait3A_42 = tpu.memref_slice %dma_wait3A_41[%mul3A_18] : memref<20480xi32, #tpu.memory_space<hbm>> -> memref<10240xi32, #tpu.memory_space<hbm>>
      %dma_wait3A_43 = arith.constant 0 : i32
      %dma_wait3A_44 = tpu.memref_slice %arg2[%arg1, %dma_wait3A_43] : memref<16x20480xi32, #tpu.memory_space<hbm>> -> memref<1x20480xi32, #tpu.memory_space<hbm>>
      %dma_wait3A_45 = tpu.memref_squeeze %dma_wait3A_44 : memref<1x20480xi32, #tpu.memory_space<hbm>> -> memref<20480xi32, #tpu.memory_space<hbm>>
      %dma_wait3A_46 = tpu.memref_slice %dma_wait3A_45[%mul3A_18] : memref<20480xi32, #tpu.memory_space<hbm>> -> memref<10240xi32, #tpu.memory_space<hbm>>
      tpu.wait_dma2 semaphore(%run_scoped3A : memref<!tpu.dma_semaphore, #tpu.memory_space<semaphore_mem>>) src(%dma_wait3A_46 : memref<10240xi32, #tpu.memory_space<hbm>>) dst(%arg4 : memref<10240xi32, #tpu.memory_space<vmem>>)
      tpu.yield
    }) : () -> ()
    %barrier3A = arith.constant 0 : index
    tpu.barrier barrier_id(%barrier3A)
    %scan3A_19 = arith.constant 0 : i32
    %scan3A_20 = arith.constant 0 : i32
    %scan3A_21 = arith.constant 80 : i32
    %scan3A_22 = arith.addi %scan3A_20, %scan3A_21 : i32
    %scan3A_23 = arith.constant 1 : i32
    %scan3A_24 = scf.for %scan3A_33 = %scan3A_20 to %scan3A_22 step %scan3A_23 iter_args(%scan3A_34 = %scan3A_19) -> (i32)  : i32 {
      %mul3A_35 = arith.constant 128 : i32
      %mul3A_36 = arith.muli %scan3A_33, %mul3A_35 : i32
      "tpu.region"() ({
        %run_scoped3A = tpu.sem_alloc : memref<!tpu.dma_semaphore, #tpu.memory_space<semaphore_mem>>
        %dma_start3A = tpu.memref_slice %arg4[%mul3A_36] : memref<10240xi32, #tpu.memory_space<vmem>> -> memref<128xi32, #tpu.memory_space<vmem>>
        %dma_start3A_38 = arith.constant 0 : i32
        %dma_start3A_39 = tpu.memref_slice %arg7[%dma_start3A_38] : memref<10240xf32, #tpu.memory_space<vmem_shared>> -> memref<10240xf32, #tpu.memory_space<vmem_shared>>
        tpu.enqueue_indirect_dma source(%arg5 : memref<128xf32, #tpu.memory_space<vmem>>) target(%dma_start3A_39 : memref<10240xf32, #tpu.memory_space<vmem_shared>>) offsets(%dma_start3A : memref<128xi32, #tpu.memory_space<vmem>>) semaphore(%run_scoped3A : memref<!tpu.dma_semaphore, #tpu.memory_space<semaphore_mem>>) {add = true}
        %dma_wait3A = tpu.memref_slice %arg4[%mul3A_36] : memref<10240xi32, #tpu.memory_space<vmem>> -> memref<128xi32, #tpu.memory_space<vmem>>
        %dma_wait3A_40 = arith.constant 0 : i32
        %dma_wait3A_41 = tpu.memref_slice %arg7[%dma_wait3A_40] : memref<10240xf32, #tpu.memory_space<vmem_shared>> -> memref<10240xf32, #tpu.memory_space<vmem_shared>>
        tpu.wait_indirect_dma semaphore(%run_scoped3A : memref<!tpu.dma_semaphore, #tpu.memory_space<semaphore_mem>>) src(%arg5 : memref<128xf32, #tpu.memory_space<vmem>>) dst(%dma_wait3A_41 : memref<10240xf32, #tpu.memory_space<vmem_shared>>)
        tpu.yield
      }) : () -> ()
      %scan3A_37 = arith.constant 0 : i32
      scf.yield %scan3A_37 : i32
    }
    %scan3A_25 = arith.constant 80 : i32
    %barrier3A_26 = arith.constant 0 : index
    tpu.barrier barrier_id(%barrier3A_26)
    %mul3A_27 = arith.constant 640 : i32
    %mul3A_28 = arith.muli %arg1, %mul3A_27 : i32
    %mul3A_29 = arith.constant 10240 : i32
    %mul3A_30 = arith.muli %arg0, %mul3A_29 : i32
    %mul3A_31 = arith.constant 640 : i32
    %mul3A_32 = arith.muli %arg1, %mul3A_31 : i32
    %add3A = arith.addi %mul3A_30, %mul3A_32 : i32
    "tpu.region"() ({
      %run_scoped3A = tpu.sem_alloc : memref<!tpu.dma_semaphore, #tpu.memory_space<semaphore_mem>>
      %dma_start3A = tpu.memref_slice %arg3[%add3A] : memref<20480xf32, #tpu.memory_space<hbm>> -> memref<640xf32, #tpu.memory_space<hbm>>
      %dma_start3A_33 = tpu.memref_slice %arg7[%mul3A_28] : memref<10240xf32, #tpu.memory_space<vmem_shared>> -> memref<640xf32, #tpu.memory_space<vmem_shared>>
      tpu.enqueue_dma source(%dma_start3A_33 : memref<640xf32, #tpu.memory_space<vmem_shared>>) target(%dma_start3A : memref<640xf32, #tpu.memory_space<hbm>>) target_semaphore(%run_scoped3A : memref<!tpu.dma_semaphore, #tpu.memory_space<semaphore_mem>>)
      %dma_wait3A = tpu.memref_slice %arg3[%add3A] : memref<20480xf32, #tpu.memory_space<hbm>> -> memref<640xf32, #tpu.memory_space<hbm>>
      %dma_wait3A_34 = tpu.memref_slice %arg7[%mul3A_28] : memref<10240xf32, #tpu.memory_space<vmem_shared>> -> memref<640xf32, #tpu.memory_space<vmem_shared>>
      tpu.wait_dma2 semaphore(%run_scoped3A : memref<!tpu.dma_semaphore, #tpu.memory_space<semaphore_mem>>) src(%dma_wait3A_34 : memref<640xf32, #tpu.memory_space<vmem_shared>>) dst(%dma_wait3A : memref<640xf32, #tpu.memory_space<hbm>>)
      tpu.yield
    }) : () -> ()
    return
  }
}

#map = affine_map<(d0, d1) -> (0, 0, 0)>
#map1 = affine_map<(d0, d1) -> (0, 0)>
module attributes {stable_mosaic.version = 14 : i64} {
  func.func @_agg_body(%arg0: i32, %arg1: i32, %arg2: memref<2x10000x64xf32, #tpu.memory_space<hbm>>, %arg3: memref<16x20480xi32, #tpu.memory_space<hbm>>, %arg4: memref<16x20480xi32, #tpu.memory_space<hbm>>, %arg5: memref<632x64xf32, #tpu.memory_space<hbm>>, %arg6: memref<2x10000x64xf32, #tpu.memory_space<hbm>>, %arg7: memref<5120xi32, #tpu.memory_space<vmem>>, %arg8: memref<5120xi32, #tpu.memory_space<vmem>>, %arg9: memref<128x64xf32, #tpu.memory_space<vmem>>, %arg10: memref<128x64xf32, #tpu.memory_space<vmem>>, %arg11: memref<128x64xf32, #tpu.memory_space<vmem>>, %arg12: memref<128x64xf32, #tpu.memory_space<vmem>>, %arg13: memref<!tpu.dma_semaphore, #tpu.memory_space<semaphore_mem>>, %arg14: memref<!tpu.dma_semaphore, #tpu.memory_space<semaphore_mem>>, %arg15: memref<!tpu.dma_semaphore, #tpu.memory_space<semaphore_mem>>, %arg16: memref<!tpu.dma_semaphore, #tpu.memory_space<semaphore_mem>>, %arg17: memref<!tpu.dma_semaphore, #tpu.memory_space<semaphore_mem>>, %arg18: memref<!tpu.dma_semaphore, #tpu.memory_space<semaphore_mem>>, %arg19: memref<!tpu.dma_semaphore, #tpu.memory_space<semaphore_mem>>, %arg20: memref<!tpu.dma_semaphore, #tpu.memory_space<semaphore_mem>>, %arg21: memref<!tpu.dma_semaphore, #tpu.memory_space<semaphore_mem>>, %arg22: memref<!tpu.dma_semaphore, #tpu.memory_space<semaphore_mem>>, %arg23: memref<!tpu.dma_semaphore, #tpu.memory_space<semaphore_mem>>, %arg24: memref<10112x64xf32, #tpu.memory_space<vmem_shared>>, %arg25: memref<10000x64xf32, #tpu.memory_space<vmem_shared>>) attributes {dimension_semantics = [#tpu.dimension_semantics<core_parallel>, #tpu.dimension_semantics<subcore_parallel>], iteration_bounds = array<i64: 2, 16>, scalar_prefetch = 0 : i64, scratch_operands = 19 : i64, tpu.core_type = #tpu.core_type<sc_vector_subcore>, window_params = [{transform_indices = #map}, {transform_indices = #map1}, {transform_indices = #map1}, {transform_indices = #map1}, {transform_indices = #map}]} {
    %multiple_of3A = arith.constant 0 : i32
    %multiple_of3A_0 = tpu.assume_multiple %multiple_of3A, 2560 : i32
    %dma_start3A = arith.constant 0 : i32
    %dma_start3A_1 = tpu.memref_slice %arg7[%dma_start3A] : memref<5120xi32, #tpu.memory_space<vmem>> -> memref<2560xi32, #tpu.memory_space<vmem>>
    %dma_start3A_2 = arith.constant 0 : i32
    %dma_start3A_3 = tpu.memref_slice %arg3[%arg1, %dma_start3A_2] : memref<16x20480xi32, #tpu.memory_space<hbm>> -> memref<1x20480xi32, #tpu.memory_space<hbm>>
    %dma_start3A_4 = tpu.memref_squeeze %dma_start3A_3 : memref<1x20480xi32, #tpu.memory_space<hbm>> -> memref<20480xi32, #tpu.memory_space<hbm>>
    %dma_start3A_5 = tpu.memref_slice %dma_start3A_4[%multiple_of3A_0] : memref<20480xi32, #tpu.memory_space<hbm>> -> memref<2560xi32, #tpu.memory_space<hbm>>
    %dma_start3A_6 = arith.constant 0 : i32
    %dma_start3A_7 = tpu.memref_slice %arg7[%dma_start3A_6] : memref<5120xi32, #tpu.memory_space<vmem>> -> memref<2560xi32, #tpu.memory_space<vmem>>
    %dma_start3A_8 = arith.constant 0 : i32
    %dma_start3A_9 = tpu.memref_slice %arg3[%arg1, %dma_start3A_8] : memref<16x20480xi32, #tpu.memory_space<hbm>> -> memref<1x20480xi32, #tpu.memory_space<hbm>>
    %dma_start3A_10 = tpu.memref_squeeze %dma_start3A_9 : memref<1x20480xi32, #tpu.memory_space<hbm>> -> memref<20480xi32, #tpu.memory_space<hbm>>
    %dma_start3A_11 = tpu.memref_slice %dma_start3A_10[%multiple_of3A_0] : memref<20480xi32, #tpu.memory_space<hbm>> -> memref<2560xi32, #tpu.memory_space<hbm>>
    tpu.enqueue_dma source(%dma_start3A_11 : memref<2560xi32, #tpu.memory_space<hbm>>) target(%dma_start3A_7 : memref<2560xi32, #tpu.memory_space<vmem>>) target_semaphore(%arg21 : memref<!tpu.dma_semaphore, #tpu.memory_space<semaphore_mem>>)
    %dma_start3A_12 = arith.constant 0 : i32
    %dma_start3A_13 = tpu.memref_slice %arg8[%dma_start3A_12] : memref<5120xi32, #tpu.memory_space<vmem>> -> memref<2560xi32, #tpu.memory_space<vmem>>
    %dma_start3A_14 = arith.constant 0 : i32
    %dma_start3A_15 = tpu.memref_slice %arg4[%arg1, %dma_start3A_14] : memref<16x20480xi32, #tpu.memory_space<hbm>> -> memref<1x20480xi32, #tpu.memory_space<hbm>>
    %dma_start3A_16 = tpu.memref_squeeze %dma_start3A_15 : memref<1x20480xi32, #tpu.memory_space<hbm>> -> memref<20480xi32, #tpu.memory_space<hbm>>
    %dma_start3A_17 = tpu.memref_slice %dma_start3A_16[%multiple_of3A_0] : memref<20480xi32, #tpu.memory_space<hbm>> -> memref<2560xi32, #tpu.memory_space<hbm>>
    %dma_start3A_18 = arith.constant 0 : i32
    %dma_start3A_19 = tpu.memref_slice %arg8[%dma_start3A_18] : memref<5120xi32, #tpu.memory_space<vmem>> -> memref<2560xi32, #tpu.memory_space<vmem>>
    %dma_start3A_20 = arith.constant 0 : i32
    %dma_start3A_21 = tpu.memref_slice %arg4[%arg1, %dma_start3A_20] : memref<16x20480xi32, #tpu.memory_space<hbm>> -> memref<1x20480xi32, #tpu.memory_space<hbm>>
    %dma_start3A_22 = tpu.memref_squeeze %dma_start3A_21 : memref<1x20480xi32, #tpu.memory_space<hbm>> -> memref<20480xi32, #tpu.memory_space<hbm>>
    %dma_start3A_23 = tpu.memref_slice %dma_start3A_22[%multiple_of3A_0] : memref<20480xi32, #tpu.memory_space<hbm>> -> memref<2560xi32, #tpu.memory_space<hbm>>
    tpu.enqueue_dma source(%dma_start3A_23 : memref<2560xi32, #tpu.memory_space<hbm>>) target(%dma_start3A_19 : memref<2560xi32, #tpu.memory_space<vmem>>) target_semaphore(%arg21 : memref<!tpu.dma_semaphore, #tpu.memory_space<semaphore_mem>>)
    %multiple_of3A_24 = arith.constant 2560 : i32
    %multiple_of3A_25 = tpu.assume_multiple %multiple_of3A_24, 2560 : i32
    %dma_start3A_26 = arith.constant 2560 : i32
    %dma_start3A_27 = tpu.memref_slice %arg7[%dma_start3A_26] : memref<5120xi32, #tpu.memory_space<vmem>> -> memref<2560xi32, #tpu.memory_space<vmem>>
    %dma_start3A_28 = arith.constant 0 : i32
    %dma_start3A_29 = tpu.memref_slice %arg3[%arg1, %dma_start3A_28] : memref<16x20480xi32, #tpu.memory_space<hbm>> -> memref<1x20480xi32, #tpu.memory_space<hbm>>
    %dma_start3A_30 = tpu.memref_squeeze %dma_start3A_29 : memref<1x20480xi32, #tpu.memory_space<hbm>> -> memref<20480xi32, #tpu.memory_space<hbm>>
    %dma_start3A_31 = tpu.memref_slice %dma_start3A_30[%multiple_of3A_25] : memref<20480xi32, #tpu.memory_space<hbm>> -> memref<2560xi32, #tpu.memory_space<hbm>>
    %dma_start3A_32 = arith.constant 2560 : i32
    %dma_start3A_33 = tpu.memref_slice %arg7[%dma_start3A_32] : memref<5120xi32, #tpu.memory_space<vmem>> -> memref<2560xi32, #tpu.memory_space<vmem>>
    %dma_start3A_34 = arith.constant 0 : i32
    %dma_start3A_35 = tpu.memref_slice %arg3[%arg1, %dma_start3A_34] : memref<16x20480xi32, #tpu.memory_space<hbm>> -> memref<1x20480xi32, #tpu.memory_space<hbm>>
    %dma_start3A_36 = tpu.memref_squeeze %dma_start3A_35 : memref<1x20480xi32, #tpu.memory_space<hbm>> -> memref<20480xi32, #tpu.memory_space<hbm>>
    %dma_start3A_37 = tpu.memref_slice %dma_start3A_36[%multiple_of3A_25] : memref<20480xi32, #tpu.memory_space<hbm>> -> memref<2560xi32, #tpu.memory_space<hbm>>
    tpu.enqueue_dma source(%dma_start3A_37 : memref<2560xi32, #tpu.memory_space<hbm>>) target(%dma_start3A_33 : memref<2560xi32, #tpu.memory_space<vmem>>) target_semaphore(%arg22 : memref<!tpu.dma_semaphore, #tpu.memory_space<semaphore_mem>>)
    %dma_start3A_38 = arith.constant 2560 : i32
    %dma_start3A_39 = tpu.memref_slice %arg8[%dma_start3A_38] : memref<5120xi32, #tpu.memory_space<vmem>> -> memref<2560xi32, #tpu.memory_space<vmem>>
    %dma_start3A_40 = arith.constant 0 : i32
    %dma_start3A_41 = tpu.memref_slice %arg4[%arg1, %dma_start3A_40] : memref<16x20480xi32, #tpu.memory_space<hbm>> -> memref<1x20480xi32, #tpu.memory_space<hbm>>
    %dma_start3A_42 = tpu.memref_squeeze %dma_start3A_41 : memref<1x20480xi32, #tpu.memory_space<hbm>> -> memref<20480xi32, #tpu.memory_space<hbm>>
    %dma_start3A_43 = tpu.memref_slice %dma_start3A_42[%multiple_of3A_25] : memref<20480xi32, #tpu.memory_space<hbm>> -> memref<2560xi32, #tpu.memory_space<hbm>>
    %dma_start3A_44 = arith.constant 2560 : i32
    %dma_start3A_45 = tpu.memref_slice %arg8[%dma_start3A_44] : memref<5120xi32, #tpu.memory_space<vmem>> -> memref<2560xi32, #tpu.memory_space<vmem>>
    %dma_start3A_46 = arith.constant 0 : i32
    %dma_start3A_47 = tpu.memref_slice %arg4[%arg1, %dma_start3A_46] : memref<16x20480xi32, #tpu.memory_space<hbm>> -> memref<1x20480xi32, #tpu.memory_space<hbm>>
    %dma_start3A_48 = tpu.memref_squeeze %dma_start3A_47 : memref<1x20480xi32, #tpu.memory_space<hbm>> -> memref<20480xi32, #tpu.memory_space<hbm>>
    %dma_start3A_49 = tpu.memref_slice %dma_start3A_48[%multiple_of3A_25] : memref<20480xi32, #tpu.memory_space<hbm>> -> memref<2560xi32, #tpu.memory_space<hbm>>
    tpu.enqueue_dma source(%dma_start3A_49 : memref<2560xi32, #tpu.memory_space<hbm>>) target(%dma_start3A_45 : memref<2560xi32, #tpu.memory_space<vmem>>) target_semaphore(%arg22 : memref<!tpu.dma_semaphore, #tpu.memory_space<semaphore_mem>>)
    %mul3A = arith.constant 624 : i32
    %mul3A_50 = arith.muli %arg1, %mul3A : i32
    %dma_start3A_51 = arith.constant 0 : i32
    %dma_start3A_52 = tpu.memref_slice %arg25[%mul3A_50, %dma_start3A_51] : memref<10000x64xf32, #tpu.memory_space<vmem_shared>> -> memref<624x64xf32, #tpu.memory_space<vmem_shared>>
    %dma_start3A_53 = arith.constant 0 : i32
    %dma_start3A_54 = arith.constant 0 : i32
    %dma_start3A_55 = tpu.memref_slice %arg2[%arg0, %dma_start3A_53, %dma_start3A_54] : memref<2x10000x64xf32, #tpu.memory_space<hbm>> -> memref<1x10000x64xf32, #tpu.memory_space<hbm>>
    %dma_start3A_56 = tpu.memref_squeeze %dma_start3A_55 : memref<1x10000x64xf32, #tpu.memory_space<hbm>> -> memref<10000x64xf32, #tpu.memory_space<hbm>>
    %dma_start3A_57 = arith.constant 0 : i32
    %dma_start3A_58 = tpu.memref_slice %dma_start3A_56[%mul3A_50, %dma_start3A_57] : memref<10000x64xf32, #tpu.memory_space<hbm>> -> memref<624x64xf32, #tpu.memory_space<hbm>>
    tpu.enqueue_dma source(%dma_start3A_58 : memref<624x64xf32, #tpu.memory_space<hbm>>) target(%dma_start3A_52 : memref<624x64xf32, #tpu.memory_space<vmem_shared>>) target_semaphore(%arg23 : memref<!tpu.dma_semaphore, #tpu.memory_space<semaphore_mem>>)
    %mul3A_59 = arith.constant 632 : i32
    %mul3A_60 = arith.muli %arg1, %mul3A_59 : i32
    "tpu.region"() ({
      %run_scoped3A = tpu.sem_alloc : memref<!tpu.dma_semaphore, #tpu.memory_space<semaphore_mem>>
      %dma_start3A_232 = arith.constant 0 : i32
      %dma_start3A_233 = tpu.memref_slice %arg24[%mul3A_60, %dma_start3A_232] : memref<10112x64xf32, #tpu.memory_space<vmem_shared>> -> memref<632x64xf32, #tpu.memory_space<vmem_shared>>
      tpu.enqueue_dma source(%arg5 : memref<632x64xf32, #tpu.memory_space<hbm>>) target(%dma_start3A_233 : memref<632x64xf32, #tpu.memory_space<vmem_shared>>) target_semaphore(%run_scoped3A : memref<!tpu.dma_semaphore, #tpu.memory_space<semaphore_mem>>)
      %dma_wait3A_234 = arith.constant 0 : i32
      %dma_wait3A_235 = tpu.memref_slice %arg24[%mul3A_60, %dma_wait3A_234] : memref<10112x64xf32, #tpu.memory_space<vmem_shared>> -> memref<632x64xf32, #tpu.memory_space<vmem_shared>>
      tpu.wait_dma2 semaphore(%run_scoped3A : memref<!tpu.dma_semaphore, #tpu.memory_space<semaphore_mem>>) src(%arg5 : memref<632x64xf32, #tpu.memory_space<hbm>>) dst(%dma_wait3A_235 : memref<632x64xf32, #tpu.memory_space<vmem_shared>>)
      tpu.yield
    }) : () -> ()
    %eq3A = arith.constant 15 : i32
    %eq3A_61 = arith.cmpi eq, %arg1, %eq3A : i32
    %convert_element_type3A = arith.extui %eq3A_61 : i1 to i32
    %cond3A = arith.constant 0 : i32
    %cond3A_62 = arith.cmpi ne, %convert_element_type3A, %cond3A : i32
    scf.if %cond3A_62 {
      "tpu.region"() ({
        %run_scoped3A = tpu.sem_alloc : memref<!tpu.dma_semaphore, #tpu.memory_space<semaphore_mem>>
        %dma_start3A_232 = arith.constant 9984 : i32
        %dma_start3A_233 = arith.constant 0 : i32
        %dma_start3A_234 = tpu.memref_slice %arg25[%dma_start3A_232, %dma_start3A_233] : memref<10000x64xf32, #tpu.memory_space<vmem_shared>> -> memref<16x64xf32, #tpu.memory_space<vmem_shared>>
        %dma_start3A_235 = arith.constant 0 : i32
        %dma_start3A_236 = arith.constant 0 : i32
        %dma_start3A_237 = tpu.memref_slice %arg2[%arg0, %dma_start3A_235, %dma_start3A_236] : memref<2x10000x64xf32, #tpu.memory_space<hbm>> -> memref<1x10000x64xf32, #tpu.memory_space<hbm>>
        %dma_start3A_238 = tpu.memref_squeeze %dma_start3A_237 : memref<1x10000x64xf32, #tpu.memory_space<hbm>> -> memref<10000x64xf32, #tpu.memory_space<hbm>>
        %dma_start3A_239 = arith.constant 9984 : i32
        %dma_start3A_240 = arith.constant 0 : i32
        %dma_start3A_241 = tpu.memref_slice %dma_start3A_238[%dma_start3A_239, %dma_start3A_240] : memref<10000x64xf32, #tpu.memory_space<hbm>> -> memref<16x64xf32, #tpu.memory_space<hbm>>
        tpu.enqueue_dma source(%dma_start3A_241 : memref<16x64xf32, #tpu.memory_space<hbm>>) target(%dma_start3A_234 : memref<16x64xf32, #tpu.memory_space<vmem_shared>>) target_semaphore(%run_scoped3A : memref<!tpu.dma_semaphore, #tpu.memory_space<semaphore_mem>>)
        %dma_wait3A_242 = arith.constant 9984 : i32
        %dma_wait3A_243 = arith.constant 0 : i32
        %dma_wait3A_244 = tpu.memref_slice %arg25[%dma_wait3A_242, %dma_wait3A_243] : memref<10000x64xf32, #tpu.memory_space<vmem_shared>> -> memref<16x64xf32, #tpu.memory_space<vmem_shared>>
        %dma_wait3A_245 = arith.constant 0 : i32
        %dma_wait3A_246 = arith.constant 0 : i32
        %dma_wait3A_247 = tpu.memref_slice %arg2[%arg0, %dma_wait3A_245, %dma_wait3A_246] : memref<2x10000x64xf32, #tpu.memory_space<hbm>> -> memref<1x10000x64xf32, #tpu.memory_space<hbm>>
        %dma_wait3A_248 = tpu.memref_squeeze %dma_wait3A_247 : memref<1x10000x64xf32, #tpu.memory_space<hbm>> -> memref<10000x64xf32, #tpu.memory_space<hbm>>
        %dma_wait3A_249 = arith.constant 9984 : i32
        %dma_wait3A_250 = arith.constant 0 : i32
        %dma_wait3A_251 = tpu.memref_slice %dma_wait3A_248[%dma_wait3A_249, %dma_wait3A_250] : memref<10000x64xf32, #tpu.memory_space<hbm>> -> memref<16x64xf32, #tpu.memory_space<hbm>>
        tpu.wait_dma2 semaphore(%run_scoped3A : memref<!tpu.dma_semaphore, #tpu.memory_space<semaphore_mem>>) src(%dma_wait3A_251 : memref<16x64xf32, #tpu.memory_space<hbm>>) dst(%dma_wait3A_244 : memref<16x64xf32, #tpu.memory_space<vmem_shared>>)
        tpu.yield
      }) : () -> ()
    } else {
    }
    %dma_wait3A = arith.constant 0 : i32
    %dma_wait3A_63 = tpu.memref_slice %arg25[%mul3A_50, %dma_wait3A] : memref<10000x64xf32, #tpu.memory_space<vmem_shared>> -> memref<624x64xf32, #tpu.memory_space<vmem_shared>>
    %dma_wait3A_64 = arith.constant 0 : i32
    %dma_wait3A_65 = arith.constant 0 : i32
    %dma_wait3A_66 = tpu.memref_slice %arg2[%arg0, %dma_wait3A_64, %dma_wait3A_65] : memref<2x10000x64xf32, #tpu.memory_space<hbm>> -> memref<1x10000x64xf32, #tpu.memory_space<hbm>>
    %dma_wait3A_67 = tpu.memref_squeeze %dma_wait3A_66 : memref<1x10000x64xf32, #tpu.memory_space<hbm>> -> memref<10000x64xf32, #tpu.memory_space<hbm>>
    %dma_wait3A_68 = arith.constant 0 : i32
    %dma_wait3A_69 = tpu.memref_slice %dma_wait3A_67[%mul3A_50, %dma_wait3A_68] : memref<10000x64xf32, #tpu.memory_space<hbm>> -> memref<624x64xf32, #tpu.memory_space<hbm>>
    tpu.wait_dma2 semaphore(%arg23 : memref<!tpu.dma_semaphore, #tpu.memory_space<semaphore_mem>>) src(%dma_wait3A_69 : memref<624x64xf32, #tpu.memory_space<hbm>>) dst(%dma_wait3A_63 : memref<624x64xf32, #tpu.memory_space<vmem_shared>>)
    %multiple_of3A_70 = arith.constant 0 : i32
    %multiple_of3A_71 = tpu.assume_multiple %multiple_of3A_70, 2560 : i32
    %dma_wait3A_72 = arith.constant 0 : i32
    %dma_wait3A_73 = tpu.memref_slice %arg7[%dma_wait3A_72] : memref<5120xi32, #tpu.memory_space<vmem>> -> memref<2560xi32, #tpu.memory_space<vmem>>
    %dma_wait3A_74 = arith.constant 0 : i32
    %dma_wait3A_75 = tpu.memref_slice %arg3[%arg1, %dma_wait3A_74] : memref<16x20480xi32, #tpu.memory_space<hbm>> -> memref<1x20480xi32, #tpu.memory_space<hbm>>
    %dma_wait3A_76 = tpu.memref_squeeze %dma_wait3A_75 : memref<1x20480xi32, #tpu.memory_space<hbm>> -> memref<20480xi32, #tpu.memory_space<hbm>>
    %dma_wait3A_77 = tpu.memref_slice %dma_wait3A_76[%multiple_of3A_71] : memref<20480xi32, #tpu.memory_space<hbm>> -> memref<2560xi32, #tpu.memory_space<hbm>>
    %dma_wait3A_78 = arith.constant 0 : i32
    %dma_wait3A_79 = tpu.memref_slice %arg7[%dma_wait3A_78] : memref<5120xi32, #tpu.memory_space<vmem>> -> memref<2560xi32, #tpu.memory_space<vmem>>
    %dma_wait3A_80 = arith.constant 0 : i32
    %dma_wait3A_81 = tpu.memref_slice %arg3[%arg1, %dma_wait3A_80] : memref<16x20480xi32, #tpu.memory_space<hbm>> -> memref<1x20480xi32, #tpu.memory_space<hbm>>
    %dma_wait3A_82 = tpu.memref_squeeze %dma_wait3A_81 : memref<1x20480xi32, #tpu.memory_space<hbm>> -> memref<20480xi32, #tpu.memory_space<hbm>>
    %dma_wait3A_83 = tpu.memref_slice %dma_wait3A_82[%multiple_of3A_71] : memref<20480xi32, #tpu.memory_space<hbm>> -> memref<2560xi32, #tpu.memory_space<hbm>>
    tpu.wait_dma2 semaphore(%arg21 : memref<!tpu.dma_semaphore, #tpu.memory_space<semaphore_mem>>) src(%dma_wait3A_83 : memref<2560xi32, #tpu.memory_space<hbm>>) dst(%dma_wait3A_79 : memref<2560xi32, #tpu.memory_space<vmem>>)
    %dma_wait3A_84 = arith.constant 0 : i32
    %dma_wait3A_85 = tpu.memref_slice %arg8[%dma_wait3A_84] : memref<5120xi32, #tpu.memory_space<vmem>> -> memref<2560xi32, #tpu.memory_space<vmem>>
    %dma_wait3A_86 = arith.constant 0 : i32
    %dma_wait3A_87 = tpu.memref_slice %arg4[%arg1, %dma_wait3A_86] : memref<16x20480xi32, #tpu.memory_space<hbm>> -> memref<1x20480xi32, #tpu.memory_space<hbm>>
    %dma_wait3A_88 = tpu.memref_squeeze %dma_wait3A_87 : memref<1x20480xi32, #tpu.memory_space<hbm>> -> memref<20480xi32, #tpu.memory_space<hbm>>
    %dma_wait3A_89 = tpu.memref_slice %dma_wait3A_88[%multiple_of3A_71] : memref<20480xi32, #tpu.memory_space<hbm>> -> memref<2560xi32, #tpu.memory_space<hbm>>
    %dma_wait3A_90 = arith.constant 0 : i32
    %dma_wait3A_91 = tpu.memref_slice %arg8[%dma_wait3A_90] : memref<5120xi32, #tpu.memory_space<vmem>> -> memref<2560xi32, #tpu.memory_space<vmem>>
    %dma_wait3A_92 = arith.constant 0 : i32
    %dma_wait3A_93 = tpu.memref_slice %arg4[%arg1, %dma_wait3A_92] : memref<16x20480xi32, #tpu.memory_space<hbm>> -> memref<1x20480xi32, #tpu.memory_space<hbm>>
    %dma_wait3A_94 = tpu.memref_squeeze %dma_wait3A_93 : memref<1x20480xi32, #tpu.memory_space<hbm>> -> memref<20480xi32, #tpu.memory_space<hbm>>
    %dma_wait3A_95 = tpu.memref_slice %dma_wait3A_94[%multiple_of3A_71] : memref<20480xi32, #tpu.memory_space<hbm>> -> memref<2560xi32, #tpu.memory_space<hbm>>
    tpu.wait_dma2 semaphore(%arg21 : memref<!tpu.dma_semaphore, #tpu.memory_space<semaphore_mem>>) src(%dma_wait3A_95 : memref<2560xi32, #tpu.memory_space<hbm>>) dst(%dma_wait3A_91 : memref<2560xi32, #tpu.memory_space<vmem>>)
    %barrier3A = arith.constant 0 : index
    tpu.barrier barrier_id(%barrier3A)
    %multiple_of3A_96 = arith.constant 0 : i32
    %multiple_of3A_97 = tpu.assume_multiple %multiple_of3A_96, 128 : i32
    %dma_start3A_98 = tpu.memref_slice %arg7[%multiple_of3A_97] : memref<5120xi32, #tpu.memory_space<vmem>> -> memref<128xi32, #tpu.memory_space<vmem>>
    %dma_start3A_99 = arith.constant 0 : i32
    %dma_start3A_100 = arith.constant 0 : i32
    %dma_start3A_101 = tpu.memref_slice %arg25[%dma_start3A_99, %dma_start3A_100] : memref<10000x64xf32, #tpu.memory_space<vmem_shared>> -> memref<10000x64xf32, #tpu.memory_space<vmem_shared>>
    tpu.enqueue_indirect_dma source(%dma_start3A_101 : memref<10000x64xf32, #tpu.memory_space<vmem_shared>>) target(%arg9 : memref<128x64xf32, #tpu.memory_space<vmem>>) offsets(%dma_start3A_98 : memref<128xi32, #tpu.memory_space<vmem>>) semaphore(%arg13 : memref<!tpu.dma_semaphore, #tpu.memory_space<semaphore_mem>>)
    %multiple_of3A_102 = arith.constant 128 : i32
    %multiple_of3A_103 = tpu.assume_multiple %multiple_of3A_102, 128 : i32
    %dma_start3A_104 = tpu.memref_slice %arg7[%multiple_of3A_103] : memref<5120xi32, #tpu.memory_space<vmem>> -> memref<128xi32, #tpu.memory_space<vmem>>
    %dma_start3A_105 = arith.constant 0 : i32
    %dma_start3A_106 = arith.constant 0 : i32
    %dma_start3A_107 = tpu.memref_slice %arg25[%dma_start3A_105, %dma_start3A_106] : memref<10000x64xf32, #tpu.memory_space<vmem_shared>> -> memref<10000x64xf32, #tpu.memory_space<vmem_shared>>
    tpu.enqueue_indirect_dma source(%dma_start3A_107 : memref<10000x64xf32, #tpu.memory_space<vmem_shared>>) target(%arg10 : memref<128x64xf32, #tpu.memory_space<vmem>>) offsets(%dma_start3A_104 : memref<128xi32, #tpu.memory_space<vmem>>) semaphore(%arg14 : memref<!tpu.dma_semaphore, #tpu.memory_space<semaphore_mem>>)
    %multiple_of3A_108 = arith.constant 256 : i32
    %multiple_of3A_109 = tpu.assume_multiple %multiple_of3A_108, 128 : i32
    %dma_start3A_110 = tpu.memref_slice %arg7[%multiple_of3A_109] : memref<5120xi32, #tpu.memory_space<vmem>> -> memref<128xi32, #tpu.memory_space<vmem>>
    %dma_start3A_111 = arith.constant 0 : i32
    %dma_start3A_112 = arith.constant 0 : i32
    %dma_start3A_113 = tpu.memref_slice %arg25[%dma_start3A_111, %dma_start3A_112] : memref<10000x64xf32, #tpu.memory_space<vmem_shared>> -> memref<10000x64xf32, #tpu.memory_space<vmem_shared>>
    tpu.enqueue_indirect_dma source(%dma_start3A_113 : memref<10000x64xf32, #tpu.memory_space<vmem_shared>>) target(%arg11 : memref<128x64xf32, #tpu.memory_space<vmem>>) offsets(%dma_start3A_110 : memref<128xi32, #tpu.memory_space<vmem>>) semaphore(%arg15 : memref<!tpu.dma_semaphore, #tpu.memory_space<semaphore_mem>>)
    %multiple_of3A_114 = arith.constant 0 : i32
    %multiple_of3A_115 = tpu.assume_multiple %multiple_of3A_114, 128 : i32
    %dma_wait3A_116 = tpu.memref_slice %arg7[%multiple_of3A_115] : memref<5120xi32, #tpu.memory_space<vmem>> -> memref<128xi32, #tpu.memory_space<vmem>>
    %dma_wait3A_117 = arith.constant 0 : i32
    %dma_wait3A_118 = arith.constant 0 : i32
    %dma_wait3A_119 = tpu.memref_slice %arg25[%dma_wait3A_117, %dma_wait3A_118] : memref<10000x64xf32, #tpu.memory_space<vmem_shared>> -> memref<10000x64xf32, #tpu.memory_space<vmem_shared>>
    tpu.wait_indirect_dma semaphore(%arg13 : memref<!tpu.dma_semaphore, #tpu.memory_space<semaphore_mem>>) src(%dma_wait3A_119 : memref<10000x64xf32, #tpu.memory_space<vmem_shared>>) dst(%arg9 : memref<128x64xf32, #tpu.memory_space<vmem>>)
    %multiple_of3A_120 = arith.constant 0 : i32
    %multiple_of3A_121 = tpu.assume_multiple %multiple_of3A_120, 128 : i32
    %dma_start3A_122 = tpu.memref_slice %arg8[%multiple_of3A_121] : memref<5120xi32, #tpu.memory_space<vmem>> -> memref<128xi32, #tpu.memory_space<vmem>>
    %dma_start3A_123 = arith.constant 0 : i32
    %dma_start3A_124 = arith.constant 0 : i32
    %dma_start3A_125 = tpu.memref_slice %arg24[%dma_start3A_123, %dma_start3A_124] : memref<10112x64xf32, #tpu.memory_space<vmem_shared>> -> memref<10112x64xf32, #tpu.memory_space<vmem_shared>>
    tpu.enqueue_indirect_dma source(%arg9 : memref<128x64xf32, #tpu.memory_space<vmem>>) target(%dma_start3A_125 : memref<10112x64xf32, #tpu.memory_space<vmem_shared>>) offsets(%dma_start3A_122 : memref<128xi32, #tpu.memory_space<vmem>>) semaphore(%arg17 : memref<!tpu.dma_semaphore, #tpu.memory_space<semaphore_mem>>) {add = true}
    %multiple_of3A_126 = arith.constant 384 : i32
    %multiple_of3A_127 = tpu.assume_multiple %multiple_of3A_126, 128 : i32
    %dma_start3A_128 = tpu.memref_slice %arg7[%multiple_of3A_127] : memref<5120xi32, #tpu.memory_space<vmem>> -> memref<128xi32, #tpu.memory_space<vmem>>
    %dma_start3A_129 = arith.constant 0 : i32
    %dma_start3A_130 = arith.constant 0 : i32
    %dma_start3A_131 = tpu.memref_slice %arg25[%dma_start3A_129, %dma_start3A_130] : memref<10000x64xf32, #tpu.memory_space<vmem_shared>> -> memref<10000x64xf32, #tpu.memory_space<vmem_shared>>
    tpu.enqueue_indirect_dma source(%dma_start3A_131 : memref<10000x64xf32, #tpu.memory_space<vmem_shared>>) target(%arg12 : memref<128x64xf32, #tpu.memory_space<vmem>>) offsets(%dma_start3A_128 : memref<128xi32, #tpu.memory_space<vmem>>) semaphore(%arg16 : memref<!tpu.dma_semaphore, #tpu.memory_space<semaphore_mem>>)
    %multiple_of3A_132 = arith.constant 128 : i32
    %multiple_of3A_133 = tpu.assume_multiple %multiple_of3A_132, 128 : i32
    %dma_wait3A_134 = tpu.memref_slice %arg7[%multiple_of3A_133] : memref<5120xi32, #tpu.memory_space<vmem>> -> memref<128xi32, #tpu.memory_space<vmem>>
    %dma_wait3A_135 = arith.constant 0 : i32
    %dma_wait3A_136 = arith.constant 0 : i32
    %dma_wait3A_137 = tpu.memref_slice %arg25[%dma_wait3A_135, %dma_wait3A_136] : memref<10000x64xf32, #tpu.memory_space<vmem_shared>> -> memref<10000x64xf32, #tpu.memory_space<vmem_shared>>
    tpu.wait_indirect_dma semaphore(%arg14 : memref<!tpu.dma_semaphore, #tpu.memory_space<semaphore_mem>>) src(%dma_wait3A_137 : memref<10000x64xf32, #tpu.memory_space<vmem_shared>>) dst(%arg10 : memref<128x64xf32, #tpu.memory_space<vmem>>)
    %multiple_of3A_138 = arith.constant 128 : i32
    %multiple_of3A_139 = tpu.assume_multiple %multiple_of3A_138, 128 : i32
    %dma_start3A_140 = tpu.memref_slice %arg8[%multiple_of3A_139] : memref<5120xi32, #tpu.memory_space<vmem>> -> memref<128xi32, #tpu.memory_space<vmem>>
    %dma_start3A_141 = arith.constant 0 : i32
    %dma_start3A_142 = arith.constant 0 : i32
    %dma_start3A_143 = tpu.memref_slice %arg24[%dma_start3A_141, %dma_start3A_142] : memref<10112x64xf32, #tpu.memory_space<vmem_shared>> -> memref<10112x64xf32, #tpu.memory_space<vmem_shared>>
    tpu.enqueue_indirect_dma source(%arg10 : memref<128x64xf32, #tpu.memory_space<vmem>>) target(%dma_start3A_143 : memref<10112x64xf32, #tpu.memory_space<vmem_shared>>) offsets(%dma_start3A_140 : memref<128xi32, #tpu.memory_space<vmem>>) semaphore(%arg18 : memref<!tpu.dma_semaphore, #tpu.memory_space<semaphore_mem>>) {add = true}
    %multiple_of3A_144 = arith.constant 0 : i32
    %multiple_of3A_145 = tpu.assume_multiple %multiple_of3A_144, 128 : i32
    %dma_wait3A_146 = tpu.memref_slice %arg8[%multiple_of3A_145] : memref<5120xi32, #tpu.memory_space<vmem>> -> memref<128xi32, #tpu.memory_space<vmem>>
    %dma_wait3A_147 = arith.constant 0 : i32
    %dma_wait3A_148 = arith.constant 0 : i32
    %dma_wait3A_149 = tpu.memref_slice %arg24[%dma_wait3A_147, %dma_wait3A_148] : memref<10112x64xf32, #tpu.memory_space<vmem_shared>> -> memref<10112x64xf32, #tpu.memory_space<vmem_shared>>
    tpu.wait_indirect_dma semaphore(%arg17 : memref<!tpu.dma_semaphore, #tpu.memory_space<semaphore_mem>>) src(%arg9 : memref<128x64xf32, #tpu.memory_space<vmem>>) dst(%dma_wait3A_149 : memref<10112x64xf32, #tpu.memory_space<vmem_shared>>)
    %multiple_of3A_150 = arith.constant 512 : i32
    %multiple_of3A_151 = tpu.assume_multiple %multiple_of3A_150, 128 : i32
    %dma_start3A_152 = tpu.memref_slice %arg7[%multiple_of3A_151] : memref<5120xi32, #tpu.memory_space<vmem>> -> memref<128xi32, #tpu.memory_space<vmem>>
    %dma_start3A_153 = arith.constant 0 : i32
    %dma_start3A_154 = arith.constant 0 : i32
    %dma_start3A_155 = tpu.memref_slice %arg25[%dma_start3A_153, %dma_start3A_154] : memref<10000x64xf32, #tpu.memory_space<vmem_shared>> -> memref<10000x64xf32, #tpu.memory_space<vmem_shared>>
    tpu.enqueue_indirect_dma source(%dma_start3A_155 : memref<10000x64xf32, #tpu.memory_space<vmem_shared>>) target(%arg9 : memref<128x64xf32, #tpu.memory_space<vmem>>) offsets(%dma_start3A_152 : memref<128xi32, #tpu.memory_space<vmem>>) semaphore(%arg13 : memref<!tpu.dma_semaphore, #tpu.memory_space<semaphore_mem>>)
    %multiple_of3A_156 = arith.constant 256 : i32
    %multiple_of3A_157 = tpu.assume_multiple %multiple_of3A_156, 128 : i32
    %dma_wait3A_158 = tpu.memref_slice %arg7[%multiple_of3A_157] : memref<5120xi32, #tpu.memory_space<vmem>> -> memref<128xi32, #tpu.memory_space<vmem>>
    %dma_wait3A_159 = arith.constant 0 : i32
    %dma_wait3A_160 = arith.constant 0 : i32
    %dma_wait3A_161 = tpu.memref_slice %arg25[%dma_wait3A_159, %dma_wait3A_160] : memref<10000x64xf32, #tpu.memory_space<vmem_shared>> -> memref<10000x64xf32, #tpu.memory_space<vmem_shared>>
    tpu.wait_indirect_dma semaphore(%arg15 : memref<!tpu.dma_semaphore, #tpu.memory_space<semaphore_mem>>) src(%dma_wait3A_161 : memref<10000x64xf32, #tpu.memory_space<vmem_shared>>) dst(%arg11 : memref<128x64xf32, #tpu.memory_space<vmem>>)
    %multiple_of3A_162 = arith.constant 256 : i32
    %multiple_of3A_163 = tpu.assume_multiple %multiple_of3A_162, 128 : i32
    %dma_start3A_164 = tpu.memref_slice %arg8[%multiple_of3A_163] : memref<5120xi32, #tpu.memory_space<vmem>> -> memref<128xi32, #tpu.memory_space<vmem>>
    %dma_start3A_165 = arith.constant 0 : i32
    %dma_start3A_166 = arith.constant 0 : i32
    %dma_start3A_167 = tpu.memref_slice %arg24[%dma_start3A_165, %dma_start3A_166] : memref<10112x64xf32, #tpu.memory_space<vmem_shared>> -> memref<10112x64xf32, #tpu.memory_space<vmem_shared>>
    tpu.enqueue_indirect_dma source(%arg11 : memref<128x64xf32, #tpu.memory_space<vmem>>) target(%dma_start3A_167 : memref<10112x64xf32, #tpu.memory_space<vmem_shared>>) offsets(%dma_start3A_164 : memref<128xi32, #tpu.memory_space<vmem>>) semaphore(%arg19 : memref<!tpu.dma_semaphore, #tpu.memory_space<semaphore_mem>>) {add = true}
    %multiple_of3A_168 = arith.constant 128 : i32
    %multiple_of3A_169 = tpu.assume_multiple %multiple_of3A_168, 128 : i32
    %dma_wait3A_170 = tpu.memref_slice %arg8[%multiple_of3A_169] : memref<5120xi32, #tpu.memory_space<vmem>> -> memref<128xi32, #tpu.memory_space<vmem>>
    %dma_wait3A_171 = arith.constant 0 : i32
    %dma_wait3A_172 = arith.constant 0 : i32
    %dma_wait3A_173 = tpu.memref_slice %arg24[%dma_wait3A_171, %dma_wait3A_172] : memref<10112x64xf32, #tpu.memory_space<vmem_shared>> -> memref<10112x64xf32, #tpu.memory_space<vmem_shared>>
    tpu.wait_indirect_dma semaphore(%arg18 : memref<!tpu.dma_semaphore, #tpu.memory_space<semaphore_mem>>) src(%arg10 : memref<128x64xf32, #tpu.memory_space<vmem>>) dst(%dma_wait3A_173 : memref<10112x64xf32, #tpu.memory_space<vmem_shared>>)
    %multiple_of3A_174 = arith.constant 640 : i32
    %multiple_of3A_175 = tpu.assume_multiple %multiple_of3A_174, 128 : i32
    %dma_start3A_176 = tpu.memref_slice %arg7[%multiple_of3A_175] : memref<5120xi32, #tpu.memory_space<vmem>> -> memref<128xi32, #tpu.memory_space<vmem>>
    %dma_start3A_177 = arith.constant 0 : i32
    %dma_start3A_178 = arith.constant 0 : i32
    %dma_start3A_179 = tpu.memref_slice %arg25[%dma_start3A_177, %dma_start3A_178] : memref<10000x64xf32, #tpu.memory_space<vmem_shared>> -> memref<10000x64xf32, #tpu.memory_space<vmem_shared>>
    tpu.enqueue_indirect_dma source(%dma_start3A_179 : memref<10000x64xf32, #tpu.memory_space<vmem_shared>>) target(%arg10 : memref<128x64xf32, #tpu.memory_space<vmem>>) offsets(%dma_start3A_176 : memref<128xi32, #tpu.memory_space<vmem>>) semaphore(%arg14 : memref<!tpu.dma_semaphore, #tpu.memory_space<semaphore_mem>>)
    %multiple_of3A_180 = arith.constant 384 : i32
    %multiple_of3A_181 = tpu.assume_multiple %multiple_of3A_180, 128 : i32
    %dma_wait3A_182 = tpu.memref_slice %arg7[%multiple_of3A_181] : memref<5120xi32, #tpu.memory_space<vmem>> -> memref<128xi32, #tpu.memory_space<vmem>>
    %dma_wait3A_183 = arith.constant 0 : i32
    %dma_wait3A_184 = arith.constant 0 : i32
    %dma_wait3A_185 = tpu.memref_slice %arg25[%dma_wait3A_183, %dma_wait3A_184] : memref<10000x64xf32, #tpu.memory_space<vmem_shared>> -> memref<10000x64xf32, #tpu.memory_space<vmem_shared>>
    tpu.wait_indirect_dma semaphore(%arg16 : memref<!tpu.dma_semaphore, #tpu.memory_space<semaphore_mem>>) src(%dma_wait3A_185 : memref<10000x64xf32, #tpu.memory_space<vmem_shared>>) dst(%arg12 : memref<128x64xf32, #tpu.memory_space<vmem>>)
    %multiple_of3A_186 = arith.constant 384 : i32
    %multiple_of3A_187 = tpu.assume_multiple %multiple_of3A_186, 128 : i32
    %dma_start3A_188 = tpu.memref_slice %arg8[%multiple_of3A_187] : memref<5120xi32, #tpu.memory_space<vmem>> -> memref<128xi32, #tpu.memory_space<vmem>>
    %dma_start3A_189 = arith.constant 0 : i32
    %dma_start3A_190 = arith.constant 0 : i32
    %dma_start3A_191 = tpu.memref_slice %arg24[%dma_start3A_189, %dma_start3A_190] : memref<10112x64xf32, #tpu.memory_space<vmem_shared>> -> memref<10112x64xf32, #tpu.memory_space<vmem_shared>>
    tpu.enqueue_indirect_dma source(%arg12 : memref<128x64xf32, #tpu.memory_space<vmem>>) target(%dma_start3A_191 : memref<10112x64xf32, #tpu.memory_space<vmem_shared>>) offsets(%dma_start3A_188 : memref<128xi32, #tpu.memory_space<vmem>>) semaphore(%arg20 : memref<!tpu.dma_semaphore, #tpu.memory_space<semaphore_mem>>) {add = true}
    %scan3A = arith.constant 0 : i32
    %scan3A_192 = arith.constant 1 : i32
    %scan3A_193 = arith.constant 39 : i32
    %scan3A_194 = arith.addi %scan3A_192, %scan3A_193 : i32
    %scan3A_195 = arith.constant 1 : i32
    %scan3A_196 = scf.for %scan3A_232 = %scan3A_192 to %scan3A_194 step %scan3A_195 iter_args(%scan3A_233 = %scan3A) -> (i32)  : i32 {
      %mul3A_234 = arith.constant 4 : i32
      %mul3A_235 = arith.muli %scan3A_232, %mul3A_234 : i32
      %add3A = arith.constant 0 : i32
      %add3A_236 = arith.addi %mul3A_235, %add3A : i32
      %add3A_237 = arith.constant 2 : i32
      %add3A_238 = arith.addi %add3A_236, %add3A_237 : i32
      %le3A = arith.constant 159 : i32
      %le3A_239 = arith.cmpi sle, %add3A_238, %le3A : i32
      %convert_element_type3A_240 = arith.extui %le3A_239 : i1 to i32
      %cond3A_241 = arith.constant 0 : i32
      %cond3A_242 = arith.cmpi ne, %convert_element_type3A_240, %cond3A_241 : i32
      scf.if %cond3A_242 {
        %sub3A = arith.constant 2 : i32
        %sub3A_545 = arith.subi %add3A_236, %sub3A : i32
        %jit3A_546 = arith.constant 40 : i32
        %eq3A_547 = arith.constant 0 : i32
        %eq3A_548 = arith.cmpi eq, %jit3A_546, %eq3A_547 : i32
        %jit3A_549 = arith.constant 1 : i32
        %select_n3A_550 = arith.select %eq3A_548, %jit3A_549, %jit3A_546 : i32
        %rem3A_551 = arith.remsi %sub3A_545, %select_n3A_550 : i32
        %ne3A_552 = arith.constant 0 : i32
        %ne3A_553 = arith.cmpi ne, %rem3A_551, %ne3A_552 : i32
        %lt3A_554 = arith.constant 0 : i32
        %lt3A_555 = arith.cmpi slt, %rem3A_551, %lt3A_554 : i32
        %lt3A_556 = arith.constant 0 : i32
        %lt3A_557 = arith.cmpi slt, %select_n3A_550, %lt3A_556 : i32
        %ne3A_558 = arith.xori %lt3A_555, %lt3A_557 : i1
        %and3A_559 = arith.andi %ne3A_558, %ne3A_553 : i1
        %add3A_560 = arith.addi %rem3A_551, %select_n3A_550 : i32
        %select_n3A_561 = arith.select %and3A_559, %add3A_560, %rem3A_551 : i32
        %mul3A_562 = arith.constant 128 : i32
        %mul3A_563 = arith.muli %select_n3A_561, %mul3A_562 : i32
        %multiple_of3A_564 = tpu.assume_multiple %mul3A_563, 128 : i32
        %dma_wait3A_565 = tpu.memref_slice %arg8[%multiple_of3A_564] : memref<5120xi32, #tpu.memory_space<vmem>> -> memref<128xi32, #tpu.memory_space<vmem>>
        %dma_wait3A_566 = arith.constant 0 : i32
        %dma_wait3A_567 = arith.constant 0 : i32
        %dma_wait3A_568 = tpu.memref_slice %arg24[%dma_wait3A_566, %dma_wait3A_567] : memref<10112x64xf32, #tpu.memory_space<vmem_shared>> -> memref<10112x64xf32, #tpu.memory_space<vmem_shared>>
        tpu.wait_indirect_dma semaphore(%arg19 : memref<!tpu.dma_semaphore, #tpu.memory_space<semaphore_mem>>) src(%arg11 : memref<128x64xf32, #tpu.memory_space<vmem>>) dst(%dma_wait3A_568 : memref<10112x64xf32, #tpu.memory_space<vmem_shared>>)
        %add3A_569 = arith.constant 2 : i32
        %add3A_570 = arith.addi %add3A_236, %add3A_569 : i32
        %jit3A_571 = arith.constant 40 : i32
        %eq3A_572 = arith.constant 0 : i32
        %eq3A_573 = arith.cmpi eq, %jit3A_571, %eq3A_572 : i32
        %jit3A_574 = arith.constant 1 : i32
        %select_n3A_575 = arith.select %eq3A_573, %jit3A_574, %jit3A_571 : i32
        %rem3A_576 = arith.remsi %add3A_570, %select_n3A_575 : i32
        %ne3A_577 = arith.constant 0 : i32
        %ne3A_578 = arith.cmpi ne, %rem3A_576, %ne3A_577 : i32
        %lt3A_579 = arith.constant 0 : i32
        %lt3A_580 = arith.cmpi slt, %rem3A_576, %lt3A_579 : i32
        %lt3A_581 = arith.constant 0 : i32
        %lt3A_582 = arith.cmpi slt, %select_n3A_575, %lt3A_581 : i32
        %ne3A_583 = arith.xori %lt3A_580, %lt3A_582 : i1
        %and3A_584 = arith.andi %ne3A_583, %ne3A_578 : i1
        %add3A_585 = arith.addi %rem3A_576, %select_n3A_575 : i32
        %select_n3A_586 = arith.select %and3A_584, %add3A_585, %rem3A_576 : i32
        %mul3A_587 = arith.constant 128 : i32
        %mul3A_588 = arith.muli %select_n3A_586, %mul3A_587 : i32
        %multiple_of3A_589 = tpu.assume_multiple %mul3A_588, 128 : i32
        %dma_start3A_590 = tpu.memref_slice %arg7[%multiple_of3A_589] : memref<5120xi32, #tpu.memory_space<vmem>> -> memref<128xi32, #tpu.memory_space<vmem>>
        %dma_start3A_591 = arith.constant 0 : i32
        %dma_start3A_592 = arith.constant 0 : i32
        %dma_start3A_593 = tpu.memref_slice %arg25[%dma_start3A_591, %dma_start3A_592] : memref<10000x64xf32, #tpu.memory_space<vmem_shared>> -> memref<10000x64xf32, #tpu.memory_space<vmem_shared>>
        tpu.enqueue_indirect_dma source(%dma_start3A_593 : memref<10000x64xf32, #tpu.memory_space<vmem_shared>>) target(%arg11 : memref<128x64xf32, #tpu.memory_space<vmem>>) offsets(%dma_start3A_590 : memref<128xi32, #tpu.memory_space<vmem>>) semaphore(%arg15 : memref<!tpu.dma_semaphore, #tpu.memory_space<semaphore_mem>>)
      } else {
      }
      %jit3A = arith.constant 40 : i32
      %eq3A_243 = arith.constant 0 : i32
      %eq3A_244 = arith.cmpi eq, %jit3A, %eq3A_243 : i32
      %jit3A_245 = arith.constant 1 : i32
      %select_n3A = arith.select %eq3A_244, %jit3A_245, %jit3A : i32
      %rem3A = arith.remsi %add3A_236, %select_n3A : i32
      %ne3A = arith.constant 0 : i32
      %ne3A_246 = arith.cmpi ne, %rem3A, %ne3A : i32
      %lt3A = arith.constant 0 : i32
      %lt3A_247 = arith.cmpi slt, %rem3A, %lt3A : i32
      %lt3A_248 = arith.constant 0 : i32
      %lt3A_249 = arith.cmpi slt, %select_n3A, %lt3A_248 : i32
      %ne3A_250 = arith.xori %lt3A_247, %lt3A_249 : i1
      %and3A = arith.andi %ne3A_250, %ne3A_246 : i1
      %add3A_251 = arith.addi %rem3A, %select_n3A : i32
      %select_n3A_252 = arith.select %and3A, %add3A_251, %rem3A : i32
      %mul3A_253 = arith.constant 128 : i32
      %mul3A_254 = arith.muli %select_n3A_252, %mul3A_253 : i32
      %multiple_of3A_255 = tpu.assume_multiple %mul3A_254, 128 : i32
      %dma_wait3A_256 = tpu.memref_slice %arg7[%multiple_of3A_255] : memref<5120xi32, #tpu.memory_space<vmem>> -> memref<128xi32, #tpu.memory_space<vmem>>
      %dma_wait3A_257 = arith.constant 0 : i32
      %dma_wait3A_258 = arith.constant 0 : i32
      %dma_wait3A_259 = tpu.memref_slice %arg25[%dma_wait3A_257, %dma_wait3A_258] : memref<10000x64xf32, #tpu.memory_space<vmem_shared>> -> memref<10000x64xf32, #tpu.memory_space<vmem_shared>>
      tpu.wait_indirect_dma semaphore(%arg13 : memref<!tpu.dma_semaphore, #tpu.memory_space<semaphore_mem>>) src(%dma_wait3A_259 : memref<10000x64xf32, #tpu.memory_space<vmem_shared>>) dst(%arg9 : memref<128x64xf32, #tpu.memory_space<vmem>>)
      %jit3A_260 = arith.constant 40 : i32
      %eq3A_261 = arith.constant 0 : i32
      %eq3A_262 = arith.cmpi eq, %jit3A_260, %eq3A_261 : i32
      %jit3A_263 = arith.constant 1 : i32
      %select_n3A_264 = arith.select %eq3A_262, %jit3A_263, %jit3A_260 : i32
      %rem3A_265 = arith.remsi %add3A_236, %select_n3A_264 : i32
      %ne3A_266 = arith.constant 0 : i32
      %ne3A_267 = arith.cmpi ne, %rem3A_265, %ne3A_266 : i32
      %lt3A_268 = arith.constant 0 : i32
      %lt3A_269 = arith.cmpi slt, %rem3A_265, %lt3A_268 : i32
      %lt3A_270 = arith.constant 0 : i32
      %lt3A_271 = arith.cmpi slt, %select_n3A_264, %lt3A_270 : i32
      %ne3A_272 = arith.xori %lt3A_269, %lt3A_271 : i1
      %and3A_273 = arith.andi %ne3A_272, %ne3A_267 : i1
      %add3A_274 = arith.addi %rem3A_265, %select_n3A_264 : i32
      %select_n3A_275 = arith.select %and3A_273, %add3A_274, %rem3A_265 : i32
      %mul3A_276 = arith.constant 128 : i32
      %mul3A_277 = arith.muli %select_n3A_275, %mul3A_276 : i32
      %multiple_of3A_278 = tpu.assume_multiple %mul3A_277, 128 : i32
      %dma_start3A_279 = tpu.memref_slice %arg8[%multiple_of3A_278] : memref<5120xi32, #tpu.memory_space<vmem>> -> memref<128xi32, #tpu.memory_space<vmem>>
      %dma_start3A_280 = arith.constant 0 : i32
      %dma_start3A_281 = arith.constant 0 : i32
      %dma_start3A_282 = tpu.memref_slice %arg24[%dma_start3A_280, %dma_start3A_281] : memref<10112x64xf32, #tpu.memory_space<vmem_shared>> -> memref<10112x64xf32, #tpu.memory_space<vmem_shared>>
      tpu.enqueue_indirect_dma source(%arg9 : memref<128x64xf32, #tpu.memory_space<vmem>>) target(%dma_start3A_282 : memref<10112x64xf32, #tpu.memory_space<vmem_shared>>) offsets(%dma_start3A_279 : memref<128xi32, #tpu.memory_space<vmem>>) semaphore(%arg17 : memref<!tpu.dma_semaphore, #tpu.memory_space<semaphore_mem>>) {add = true}
      %add3A_283 = arith.constant 1 : i32
      %add3A_284 = arith.addi %mul3A_235, %add3A_283 : i32
      %jit3A_285 = arith.constant 10 : i32
      %eq3A_286 = arith.constant 0 : i32
      %eq3A_287 = arith.cmpi eq, %jit3A_285, %eq3A_286 : i32
      %jit3A_288 = arith.constant 1 : i32
      %select_n3A_289 = arith.select %eq3A_287, %jit3A_288, %jit3A_285 : i32
      %rem3A_290 = arith.remsi %scan3A_232, %select_n3A_289 : i32
      %ne3A_291 = arith.constant 0 : i32
      %ne3A_292 = arith.cmpi ne, %rem3A_290, %ne3A_291 : i32
      %lt3A_293 = arith.constant 0 : i32
      %lt3A_294 = arith.cmpi slt, %rem3A_290, %lt3A_293 : i32
      %lt3A_295 = arith.constant 0 : i32
      %lt3A_296 = arith.cmpi slt, %select_n3A_289, %lt3A_295 : i32
      %ne3A_297 = arith.xori %lt3A_294, %lt3A_296 : i1
      %and3A_298 = arith.andi %ne3A_297, %ne3A_292 : i1
      %add3A_299 = arith.addi %rem3A_290, %select_n3A_289 : i32
      %select_n3A_300 = arith.select %and3A_298, %add3A_299, %rem3A_290 : i32
      %eq3A_301 = arith.constant 4 : i32
      %eq3A_302 = arith.cmpi eq, %select_n3A_300, %eq3A_301 : i32
      %le3A_303 = arith.constant 34 : i32
      %le3A_304 = arith.cmpi sle, %scan3A_232, %le3A_303 : i32
      %and3A_305 = arith.andi %eq3A_302, %le3A_304 : i1
      %convert_element_type3A_306 = arith.extui %and3A_305 : i1 to i32
      %cond3A_307 = arith.constant 0 : i32
      %cond3A_308 = arith.cmpi ne, %convert_element_type3A_306, %cond3A_307 : i32
      scf.if %cond3A_308 {
        %add3A_545 = arith.constant 1 : i32
        %add3A_546 = arith.addi %scan3A_232, %add3A_545 : i32
        %jit3A_547 = arith.constant 5 : i32
        %div3A = arith.divsi %add3A_546, %jit3A_547 : i32
        %sign3A = arith.constant 0 : i32
        %sign3A_548 = arith.cmpi sgt, %add3A_546, %sign3A : i32
        %sign3A_549 = arith.extui %sign3A_548 : i1 to i32
        %sign3A_550 = arith.constant 0 : i32
        %sign3A_551 = arith.cmpi slt, %add3A_546, %sign3A_550 : i32
        %sign3A_552 = arith.extui %sign3A_551 : i1 to i32
        %sign3A_553 = arith.subi %sign3A_549, %sign3A_552 : i32
        %sign3A_554 = arith.constant 0 : i32
        %sign3A_555 = arith.cmpi sgt, %jit3A_547, %sign3A_554 : i32
        %sign3A_556 = arith.extui %sign3A_555 : i1 to i32
        %sign3A_557 = arith.constant 0 : i32
        %sign3A_558 = arith.cmpi slt, %jit3A_547, %sign3A_557 : i32
        %sign3A_559 = arith.extui %sign3A_558 : i1 to i32
        %sign3A_560 = arith.subi %sign3A_556, %sign3A_559 : i32
        %ne3A_561 = arith.cmpi ne, %sign3A_553, %sign3A_560 : i32
        %rem3A_562 = arith.remsi %add3A_546, %jit3A_547 : i32
        %ne3A_563 = arith.constant 0 : i32
        %ne3A_564 = arith.cmpi ne, %rem3A_562, %ne3A_563 : i32
        %and3A_565 = arith.andi %ne3A_561, %ne3A_564 : i1
        %sub3A = arith.constant 1 : i32
        %sub3A_566 = arith.subi %div3A, %sub3A : i32
        %select_n3A_567 = arith.select %and3A_565, %sub3A_566, %div3A : i32
        %mul3A_568 = arith.constant 2560 : i32
        %mul3A_569 = arith.muli %select_n3A_567, %mul3A_568 : i32
        %multiple_of3A_570 = tpu.assume_multiple %mul3A_569, 2560 : i32
        %dma_wait3A_571 = arith.constant 2560 : i32
        %dma_wait3A_572 = tpu.memref_slice %arg7[%dma_wait3A_571] : memref<5120xi32, #tpu.memory_space<vmem>> -> memref<2560xi32, #tpu.memory_space<vmem>>
        %dma_wait3A_573 = arith.constant 0 : i32
        %dma_wait3A_574 = tpu.memref_slice %arg3[%arg1, %dma_wait3A_573] : memref<16x20480xi32, #tpu.memory_space<hbm>> -> memref<1x20480xi32, #tpu.memory_space<hbm>>
        %dma_wait3A_575 = tpu.memref_squeeze %dma_wait3A_574 : memref<1x20480xi32, #tpu.memory_space<hbm>> -> memref<20480xi32, #tpu.memory_space<hbm>>
        %dma_wait3A_576 = tpu.memref_slice %dma_wait3A_575[%multiple_of3A_570] : memref<20480xi32, #tpu.memory_space<hbm>> -> memref<2560xi32, #tpu.memory_space<hbm>>
        %dma_wait3A_577 = arith.constant 2560 : i32
        %dma_wait3A_578 = tpu.memref_slice %arg7[%dma_wait3A_577] : memref<5120xi32, #tpu.memory_space<vmem>> -> memref<2560xi32, #tpu.memory_space<vmem>>
        %dma_wait3A_579 = arith.constant 0 : i32
        %dma_wait3A_580 = tpu.memref_slice %arg3[%arg1, %dma_wait3A_579] : memref<16x20480xi32, #tpu.memory_space<hbm>> -> memref<1x20480xi32, #tpu.memory_space<hbm>>
        %dma_wait3A_581 = tpu.memref_squeeze %dma_wait3A_580 : memref<1x20480xi32, #tpu.memory_space<hbm>> -> memref<20480xi32, #tpu.memory_space<hbm>>
        %dma_wait3A_582 = tpu.memref_slice %dma_wait3A_581[%multiple_of3A_570] : memref<20480xi32, #tpu.memory_space<hbm>> -> memref<2560xi32, #tpu.memory_space<hbm>>
        tpu.wait_dma2 semaphore(%arg22 : memref<!tpu.dma_semaphore, #tpu.memory_space<semaphore_mem>>) src(%dma_wait3A_582 : memref<2560xi32, #tpu.memory_space<hbm>>) dst(%dma_wait3A_578 : memref<2560xi32, #tpu.memory_space<vmem>>)
        %dma_wait3A_583 = arith.constant 2560 : i32
        %dma_wait3A_584 = tpu.memref_slice %arg8[%dma_wait3A_583] : memref<5120xi32, #tpu.memory_space<vmem>> -> memref<2560xi32, #tpu.memory_space<vmem>>
        %dma_wait3A_585 = arith.constant 0 : i32
        %dma_wait3A_586 = tpu.memref_slice %arg4[%arg1, %dma_wait3A_585] : memref<16x20480xi32, #tpu.memory_space<hbm>> -> memref<1x20480xi32, #tpu.memory_space<hbm>>
        %dma_wait3A_587 = tpu.memref_squeeze %dma_wait3A_586 : memref<1x20480xi32, #tpu.memory_space<hbm>> -> memref<20480xi32, #tpu.memory_space<hbm>>
        %dma_wait3A_588 = tpu.memref_slice %dma_wait3A_587[%multiple_of3A_570] : memref<20480xi32, #tpu.memory_space<hbm>> -> memref<2560xi32, #tpu.memory_space<hbm>>
        %dma_wait3A_589 = arith.constant 2560 : i32
        %dma_wait3A_590 = tpu.memref_slice %arg8[%dma_wait3A_589] : memref<5120xi32, #tpu.memory_space<vmem>> -> memref<2560xi32, #tpu.memory_space<vmem>>
        %dma_wait3A_591 = arith.constant 0 : i32
        %dma_wait3A_592 = tpu.memref_slice %arg4[%arg1, %dma_wait3A_591] : memref<16x20480xi32, #tpu.memory_space<hbm>> -> memref<1x20480xi32, #tpu.memory_space<hbm>>
        %dma_wait3A_593 = tpu.memref_squeeze %dma_wait3A_592 : memref<1x20480xi32, #tpu.memory_space<hbm>> -> memref<20480xi32, #tpu.memory_space<hbm>>
        %dma_wait3A_594 = tpu.memref_slice %dma_wait3A_593[%multiple_of3A_570] : memref<20480xi32, #tpu.memory_space<hbm>> -> memref<2560xi32, #tpu.memory_space<hbm>>
        tpu.wait_dma2 semaphore(%arg22 : memref<!tpu.dma_semaphore, #tpu.memory_space<semaphore_mem>>) src(%dma_wait3A_594 : memref<2560xi32, #tpu.memory_space<hbm>>) dst(%dma_wait3A_590 : memref<2560xi32, #tpu.memory_space<vmem>>)
      } else {
      }
      %jit3A_309 = arith.constant 10 : i32
      %eq3A_310 = arith.constant 0 : i32
      %eq3A_311 = arith.cmpi eq, %jit3A_309, %eq3A_310 : i32
      %jit3A_312 = arith.constant 1 : i32
      %select_n3A_313 = arith.select %eq3A_311, %jit3A_312, %jit3A_309 : i32
      %rem3A_314 = arith.remsi %scan3A_232, %select_n3A_313 : i32
      %ne3A_315 = arith.constant 0 : i32
      %ne3A_316 = arith.cmpi ne, %rem3A_314, %ne3A_315 : i32
      %lt3A_317 = arith.constant 0 : i32
      %lt3A_318 = arith.cmpi slt, %rem3A_314, %lt3A_317 : i32
      %lt3A_319 = arith.constant 0 : i32
      %lt3A_320 = arith.cmpi slt, %select_n3A_313, %lt3A_319 : i32
      %ne3A_321 = arith.xori %lt3A_318, %lt3A_320 : i1
      %and3A_322 = arith.andi %ne3A_321, %ne3A_316 : i1
      %add3A_323 = arith.addi %rem3A_314, %select_n3A_313 : i32
      %select_n3A_324 = arith.select %and3A_322, %add3A_323, %rem3A_314 : i32
      %eq3A_325 = arith.constant 9 : i32
      %eq3A_326 = arith.cmpi eq, %select_n3A_324, %eq3A_325 : i32
      %le3A_327 = arith.constant 29 : i32
      %le3A_328 = arith.cmpi sle, %scan3A_232, %le3A_327 : i32
      %and3A_329 = arith.andi %eq3A_326, %le3A_328 : i1
      %convert_element_type3A_330 = arith.extui %and3A_329 : i1 to i32
      %cond3A_331 = arith.constant 0 : i32
      %cond3A_332 = arith.cmpi ne, %convert_element_type3A_330, %cond3A_331 : i32
      scf.if %cond3A_332 {
        %add3A_545 = arith.constant 1 : i32
        %add3A_546 = arith.addi %scan3A_232, %add3A_545 : i32
        %jit3A_547 = arith.constant 5 : i32
        %div3A = arith.divsi %add3A_546, %jit3A_547 : i32
        %sign3A = arith.constant 0 : i32
        %sign3A_548 = arith.cmpi sgt, %add3A_546, %sign3A : i32
        %sign3A_549 = arith.extui %sign3A_548 : i1 to i32
        %sign3A_550 = arith.constant 0 : i32
        %sign3A_551 = arith.cmpi slt, %add3A_546, %sign3A_550 : i32
        %sign3A_552 = arith.extui %sign3A_551 : i1 to i32
        %sign3A_553 = arith.subi %sign3A_549, %sign3A_552 : i32
        %sign3A_554 = arith.constant 0 : i32
        %sign3A_555 = arith.cmpi sgt, %jit3A_547, %sign3A_554 : i32
        %sign3A_556 = arith.extui %sign3A_555 : i1 to i32
        %sign3A_557 = arith.constant 0 : i32
        %sign3A_558 = arith.cmpi slt, %jit3A_547, %sign3A_557 : i32
        %sign3A_559 = arith.extui %sign3A_558 : i1 to i32
        %sign3A_560 = arith.subi %sign3A_556, %sign3A_559 : i32
        %ne3A_561 = arith.cmpi ne, %sign3A_553, %sign3A_560 : i32
        %rem3A_562 = arith.remsi %add3A_546, %jit3A_547 : i32
        %ne3A_563 = arith.constant 0 : i32
        %ne3A_564 = arith.cmpi ne, %rem3A_562, %ne3A_563 : i32
        %and3A_565 = arith.andi %ne3A_561, %ne3A_564 : i1
        %sub3A = arith.constant 1 : i32
        %sub3A_566 = arith.subi %div3A, %sub3A : i32
        %select_n3A_567 = arith.select %and3A_565, %sub3A_566, %div3A : i32
        %mul3A_568 = arith.constant 2560 : i32
        %mul3A_569 = arith.muli %select_n3A_567, %mul3A_568 : i32
        %multiple_of3A_570 = tpu.assume_multiple %mul3A_569, 2560 : i32
        %dma_wait3A_571 = arith.constant 0 : i32
        %dma_wait3A_572 = tpu.memref_slice %arg7[%dma_wait3A_571] : memref<5120xi32, #tpu.memory_space<vmem>> -> memref<2560xi32, #tpu.memory_space<vmem>>
        %dma_wait3A_573 = arith.constant 0 : i32
        %dma_wait3A_574 = tpu.memref_slice %arg3[%arg1, %dma_wait3A_573] : memref<16x20480xi32, #tpu.memory_space<hbm>> -> memref<1x20480xi32, #tpu.memory_space<hbm>>
        %dma_wait3A_575 = tpu.memref_squeeze %dma_wait3A_574 : memref<1x20480xi32, #tpu.memory_space<hbm>> -> memref<20480xi32, #tpu.memory_space<hbm>>
        %dma_wait3A_576 = tpu.memref_slice %dma_wait3A_575[%multiple_of3A_570] : memref<20480xi32, #tpu.memory_space<hbm>> -> memref<2560xi32, #tpu.memory_space<hbm>>
        %dma_wait3A_577 = arith.constant 0 : i32
        %dma_wait3A_578 = tpu.memref_slice %arg7[%dma_wait3A_577] : memref<5120xi32, #tpu.memory_space<vmem>> -> memref<2560xi32, #tpu.memory_space<vmem>>
        %dma_wait3A_579 = arith.constant 0 : i32
        %dma_wait3A_580 = tpu.memref_slice %arg3[%arg1, %dma_wait3A_579] : memref<16x20480xi32, #tpu.memory_space<hbm>> -> memref<1x20480xi32, #tpu.memory_space<hbm>>
        %dma_wait3A_581 = tpu.memref_squeeze %dma_wait3A_580 : memref<1x20480xi32, #tpu.memory_space<hbm>> -> memref<20480xi32, #tpu.memory_space<hbm>>
        %dma_wait3A_582 = tpu.memref_slice %dma_wait3A_581[%multiple_of3A_570] : memref<20480xi32, #tpu.memory_space<hbm>> -> memref<2560xi32, #tpu.memory_space<hbm>>
        tpu.wait_dma2 semaphore(%arg21 : memref<!tpu.dma_semaphore, #tpu.memory_space<semaphore_mem>>) src(%dma_wait3A_582 : memref<2560xi32, #tpu.memory_space<hbm>>) dst(%dma_wait3A_578 : memref<2560xi32, #tpu.memory_space<vmem>>)
        %dma_wait3A_583 = arith.constant 0 : i32
        %dma_wait3A_584 = tpu.memref_slice %arg8[%dma_wait3A_583] : memref<5120xi32, #tpu.memory_space<vmem>> -> memref<2560xi32, #tpu.memory_space<vmem>>
        %dma_wait3A_585 = arith.constant 0 : i32
        %dma_wait3A_586 = tpu.memref_slice %arg4[%arg1, %dma_wait3A_585] : memref<16x20480xi32, #tpu.memory_space<hbm>> -> memref<1x20480xi32, #tpu.memory_space<hbm>>
        %dma_wait3A_587 = tpu.memref_squeeze %dma_wait3A_586 : memref<1x20480xi32, #tpu.memory_space<hbm>> -> memref<20480xi32, #tpu.memory_space<hbm>>
        %dma_wait3A_588 = tpu.memref_slice %dma_wait3A_587[%multiple_of3A_570] : memref<20480xi32, #tpu.memory_space<hbm>> -> memref<2560xi32, #tpu.memory_space<hbm>>
        %dma_wait3A_589 = arith.constant 0 : i32
        %dma_wait3A_590 = tpu.memref_slice %arg8[%dma_wait3A_589] : memref<5120xi32, #tpu.memory_space<vmem>> -> memref<2560xi32, #tpu.memory_space<vmem>>
        %dma_wait3A_591 = arith.constant 0 : i32
        %dma_wait3A_592 = tpu.memref_slice %arg4[%arg1, %dma_wait3A_591] : memref<16x20480xi32, #tpu.memory_space<hbm>> -> memref<1x20480xi32, #tpu.memory_space<hbm>>
        %dma_wait3A_593 = tpu.memref_squeeze %dma_wait3A_592 : memref<1x20480xi32, #tpu.memory_space<hbm>> -> memref<20480xi32, #tpu.memory_space<hbm>>
        %dma_wait3A_594 = tpu.memref_slice %dma_wait3A_593[%multiple_of3A_570] : memref<20480xi32, #tpu.memory_space<hbm>> -> memref<2560xi32, #tpu.memory_space<hbm>>
        tpu.wait_dma2 semaphore(%arg21 : memref<!tpu.dma_semaphore, #tpu.memory_space<semaphore_mem>>) src(%dma_wait3A_594 : memref<2560xi32, #tpu.memory_space<hbm>>) dst(%dma_wait3A_590 : memref<2560xi32, #tpu.memory_space<vmem>>)
      } else {
      }
      %add3A_333 = arith.constant 2 : i32
      %add3A_334 = arith.addi %add3A_284, %add3A_333 : i32
      %le3A_335 = arith.constant 159 : i32
      %le3A_336 = arith.cmpi sle, %add3A_334, %le3A_335 : i32
      %convert_element_type3A_337 = arith.extui %le3A_336 : i1 to i32
      %cond3A_338 = arith.constant 0 : i32
      %cond3A_339 = arith.cmpi ne, %convert_element_type3A_337, %cond3A_338 : i32
      scf.if %cond3A_339 {
        %sub3A = arith.constant 2 : i32
        %sub3A_545 = arith.subi %add3A_284, %sub3A : i32
        %jit3A_546 = arith.constant 40 : i32
        %eq3A_547 = arith.constant 0 : i32
        %eq3A_548 = arith.cmpi eq, %jit3A_546, %eq3A_547 : i32
        %jit3A_549 = arith.constant 1 : i32
        %select_n3A_550 = arith.select %eq3A_548, %jit3A_549, %jit3A_546 : i32
        %rem3A_551 = arith.remsi %sub3A_545, %select_n3A_550 : i32
        %ne3A_552 = arith.constant 0 : i32
        %ne3A_553 = arith.cmpi ne, %rem3A_551, %ne3A_552 : i32
        %lt3A_554 = arith.constant 0 : i32
        %lt3A_555 = arith.cmpi slt, %rem3A_551, %lt3A_554 : i32
        %lt3A_556 = arith.constant 0 : i32
        %lt3A_557 = arith.cmpi slt, %select_n3A_550, %lt3A_556 : i32
        %ne3A_558 = arith.xori %lt3A_555, %lt3A_557 : i1
        %and3A_559 = arith.andi %ne3A_558, %ne3A_553 : i1
        %add3A_560 = arith.addi %rem3A_551, %select_n3A_550 : i32
        %select_n3A_561 = arith.select %and3A_559, %add3A_560, %rem3A_551 : i32
        %mul3A_562 = arith.constant 128 : i32
        %mul3A_563 = arith.muli %select_n3A_561, %mul3A_562 : i32
        %multiple_of3A_564 = tpu.assume_multiple %mul3A_563, 128 : i32
        %dma_wait3A_565 = tpu.memref_slice %arg8[%multiple_of3A_564] : memref<5120xi32, #tpu.memory_space<vmem>> -> memref<128xi32, #tpu.memory_space<vmem>>
        %dma_wait3A_566 = arith.constant 0 : i32
        %dma_wait3A_567 = arith.constant 0 : i32
        %dma_wait3A_568 = tpu.memref_slice %arg24[%dma_wait3A_566, %dma_wait3A_567] : memref<10112x64xf32, #tpu.memory_space<vmem_shared>> -> memref<10112x64xf32, #tpu.memory_space<vmem_shared>>
        tpu.wait_indirect_dma semaphore(%arg20 : memref<!tpu.dma_semaphore, #tpu.memory_space<semaphore_mem>>) src(%arg12 : memref<128x64xf32, #tpu.memory_space<vmem>>) dst(%dma_wait3A_568 : memref<10112x64xf32, #tpu.memory_space<vmem_shared>>)
        %add3A_569 = arith.constant 2 : i32
        %add3A_570 = arith.addi %add3A_284, %add3A_569 : i32
        %jit3A_571 = arith.constant 40 : i32
        %eq3A_572 = arith.constant 0 : i32
        %eq3A_573 = arith.cmpi eq, %jit3A_571, %eq3A_572 : i32
        %jit3A_574 = arith.constant 1 : i32
        %select_n3A_575 = arith.select %eq3A_573, %jit3A_574, %jit3A_571 : i32
        %rem3A_576 = arith.remsi %add3A_570, %select_n3A_575 : i32
        %ne3A_577 = arith.constant 0 : i32
        %ne3A_578 = arith.cmpi ne, %rem3A_576, %ne3A_577 : i32
        %lt3A_579 = arith.constant 0 : i32
        %lt3A_580 = arith.cmpi slt, %rem3A_576, %lt3A_579 : i32
        %lt3A_581 = arith.constant 0 : i32
        %lt3A_582 = arith.cmpi slt, %select_n3A_575, %lt3A_581 : i32
        %ne3A_583 = arith.xori %lt3A_580, %lt3A_582 : i1
        %and3A_584 = arith.andi %ne3A_583, %ne3A_578 : i1
        %add3A_585 = arith.addi %rem3A_576, %select_n3A_575 : i32
        %select_n3A_586 = arith.select %and3A_584, %add3A_585, %rem3A_576 : i32
        %mul3A_587 = arith.constant 128 : i32
        %mul3A_588 = arith.muli %select_n3A_586, %mul3A_587 : i32
        %multiple_of3A_589 = tpu.assume_multiple %mul3A_588, 128 : i32
        %dma_start3A_590 = tpu.memref_slice %arg7[%multiple_of3A_589] : memref<5120xi32, #tpu.memory_space<vmem>> -> memref<128xi32, #tpu.memory_space<vmem>>
        %dma_start3A_591 = arith.constant 0 : i32
        %dma_start3A_592 = arith.constant 0 : i32
        %dma_start3A_593 = tpu.memref_slice %arg25[%dma_start3A_591, %dma_start3A_592] : memref<10000x64xf32, #tpu.memory_space<vmem_shared>> -> memref<10000x64xf32, #tpu.memory_space<vmem_shared>>
        tpu.enqueue_indirect_dma source(%dma_start3A_593 : memref<10000x64xf32, #tpu.memory_space<vmem_shared>>) target(%arg12 : memref<128x64xf32, #tpu.memory_space<vmem>>) offsets(%dma_start3A_590 : memref<128xi32, #tpu.memory_space<vmem>>) semaphore(%arg16 : memref<!tpu.dma_semaphore, #tpu.memory_space<semaphore_mem>>)
      } else {
      }
      %jit3A_340 = arith.constant 40 : i32
      %eq3A_341 = arith.constant 0 : i32
      %eq3A_342 = arith.cmpi eq, %jit3A_340, %eq3A_341 : i32
      %jit3A_343 = arith.constant 1 : i32
      %select_n3A_344 = arith.select %eq3A_342, %jit3A_343, %jit3A_340 : i32
      %rem3A_345 = arith.remsi %add3A_284, %select_n3A_344 : i32
      %ne3A_346 = arith.constant 0 : i32
      %ne3A_347 = arith.cmpi ne, %rem3A_345, %ne3A_346 : i32
      %lt3A_348 = arith.constant 0 : i32
      %lt3A_349 = arith.cmpi slt, %rem3A_345, %lt3A_348 : i32
      %lt3A_350 = arith.constant 0 : i32
      %lt3A_351 = arith.cmpi slt, %select_n3A_344, %lt3A_350 : i32
      %ne3A_352 = arith.xori %lt3A_349, %lt3A_351 : i1
      %and3A_353 = arith.andi %ne3A_352, %ne3A_347 : i1
      %add3A_354 = arith.addi %rem3A_345, %select_n3A_344 : i32
      %select_n3A_355 = arith.select %and3A_353, %add3A_354, %rem3A_345 : i32
      %mul3A_356 = arith.constant 128 : i32
      %mul3A_357 = arith.muli %select_n3A_355, %mul3A_356 : i32
      %multiple_of3A_358 = tpu.assume_multiple %mul3A_357, 128 : i32
      %dma_wait3A_359 = tpu.memref_slice %arg7[%multiple_of3A_358] : memref<5120xi32, #tpu.memory_space<vmem>> -> memref<128xi32, #tpu.memory_space<vmem>>
      %dma_wait3A_360 = arith.constant 0 : i32
      %dma_wait3A_361 = arith.constant 0 : i32
      %dma_wait3A_362 = tpu.memref_slice %arg25[%dma_wait3A_360, %dma_wait3A_361] : memref<10000x64xf32, #tpu.memory_space<vmem_shared>> -> memref<10000x64xf32, #tpu.memory_space<vmem_shared>>
      tpu.wait_indirect_dma semaphore(%arg14 : memref<!tpu.dma_semaphore, #tpu.memory_space<semaphore_mem>>) src(%dma_wait3A_362 : memref<10000x64xf32, #tpu.memory_space<vmem_shared>>) dst(%arg10 : memref<128x64xf32, #tpu.memory_space<vmem>>)
      %jit3A_363 = arith.constant 40 : i32
      %eq3A_364 = arith.constant 0 : i32
      %eq3A_365 = arith.cmpi eq, %jit3A_363, %eq3A_364 : i32
      %jit3A_366 = arith.constant 1 : i32
      %select_n3A_367 = arith.select %eq3A_365, %jit3A_366, %jit3A_363 : i32
      %rem3A_368 = arith.remsi %add3A_284, %select_n3A_367 : i32
      %ne3A_369 = arith.constant 0 : i32
      %ne3A_370 = arith.cmpi ne, %rem3A_368, %ne3A_369 : i32
      %lt3A_371 = arith.constant 0 : i32
      %lt3A_372 = arith.cmpi slt, %rem3A_368, %lt3A_371 : i32
      %lt3A_373 = arith.constant 0 : i32
      %lt3A_374 = arith.cmpi slt, %select_n3A_367, %lt3A_373 : i32
      %ne3A_375 = arith.xori %lt3A_372, %lt3A_374 : i1
      %and3A_376 = arith.andi %ne3A_375, %ne3A_370 : i1
      %add3A_377 = arith.addi %rem3A_368, %select_n3A_367 : i32
      %select_n3A_378 = arith.select %and3A_376, %add3A_377, %rem3A_368 : i32
      %mul3A_379 = arith.constant 128 : i32
      %mul3A_380 = arith.muli %select_n3A_378, %mul3A_379 : i32
      %multiple_of3A_381 = tpu.assume_multiple %mul3A_380, 128 : i32
      %dma_start3A_382 = tpu.memref_slice %arg8[%multiple_of3A_381] : memref<5120xi32, #tpu.memory_space<vmem>> -> memref<128xi32, #tpu.memory_space<vmem>>
      %dma_start3A_383 = arith.constant 0 : i32
      %dma_start3A_384 = arith.constant 0 : i32
      %dma_start3A_385 = tpu.memref_slice %arg24[%dma_start3A_383, %dma_start3A_384] : memref<10112x64xf32, #tpu.memory_space<vmem_shared>> -> memref<10112x64xf32, #tpu.memory_space<vmem_shared>>
      tpu.enqueue_indirect_dma source(%arg10 : memref<128x64xf32, #tpu.memory_space<vmem>>) target(%dma_start3A_385 : memref<10112x64xf32, #tpu.memory_space<vmem_shared>>) offsets(%dma_start3A_382 : memref<128xi32, #tpu.memory_space<vmem>>) semaphore(%arg18 : memref<!tpu.dma_semaphore, #tpu.memory_space<semaphore_mem>>) {add = true}
      %add3A_386 = arith.constant 2 : i32
      %add3A_387 = arith.addi %mul3A_235, %add3A_386 : i32
      %add3A_388 = arith.constant 2 : i32
      %add3A_389 = arith.addi %add3A_387, %add3A_388 : i32
      %le3A_390 = arith.constant 159 : i32
      %le3A_391 = arith.cmpi sle, %add3A_389, %le3A_390 : i32
      %convert_element_type3A_392 = arith.extui %le3A_391 : i1 to i32
      %cond3A_393 = arith.constant 0 : i32
      %cond3A_394 = arith.cmpi ne, %convert_element_type3A_392, %cond3A_393 : i32
      scf.if %cond3A_394 {
        %sub3A = arith.constant 2 : i32
        %sub3A_545 = arith.subi %add3A_387, %sub3A : i32
        %jit3A_546 = arith.constant 40 : i32
        %eq3A_547 = arith.constant 0 : i32
        %eq3A_548 = arith.cmpi eq, %jit3A_546, %eq3A_547 : i32
        %jit3A_549 = arith.constant 1 : i32
        %select_n3A_550 = arith.select %eq3A_548, %jit3A_549, %jit3A_546 : i32
        %rem3A_551 = arith.remsi %sub3A_545, %select_n3A_550 : i32
        %ne3A_552 = arith.constant 0 : i32
        %ne3A_553 = arith.cmpi ne, %rem3A_551, %ne3A_552 : i32
        %lt3A_554 = arith.constant 0 : i32
        %lt3A_555 = arith.cmpi slt, %rem3A_551, %lt3A_554 : i32
        %lt3A_556 = arith.constant 0 : i32
        %lt3A_557 = arith.cmpi slt, %select_n3A_550, %lt3A_556 : i32
        %ne3A_558 = arith.xori %lt3A_555, %lt3A_557 : i1
        %and3A_559 = arith.andi %ne3A_558, %ne3A_553 : i1
        %add3A_560 = arith.addi %rem3A_551, %select_n3A_550 : i32
        %select_n3A_561 = arith.select %and3A_559, %add3A_560, %rem3A_551 : i32
        %mul3A_562 = arith.constant 128 : i32
        %mul3A_563 = arith.muli %select_n3A_561, %mul3A_562 : i32
        %multiple_of3A_564 = tpu.assume_multiple %mul3A_563, 128 : i32
        %dma_wait3A_565 = tpu.memref_slice %arg8[%multiple_of3A_564] : memref<5120xi32, #tpu.memory_space<vmem>> -> memref<128xi32, #tpu.memory_space<vmem>>
        %dma_wait3A_566 = arith.constant 0 : i32
        %dma_wait3A_567 = arith.constant 0 : i32
        %dma_wait3A_568 = tpu.memref_slice %arg24[%dma_wait3A_566, %dma_wait3A_567] : memref<10112x64xf32, #tpu.memory_space<vmem_shared>> -> memref<10112x64xf32, #tpu.memory_space<vmem_shared>>
        tpu.wait_indirect_dma semaphore(%arg17 : memref<!tpu.dma_semaphore, #tpu.memory_space<semaphore_mem>>) src(%arg9 : memref<128x64xf32, #tpu.memory_space<vmem>>) dst(%dma_wait3A_568 : memref<10112x64xf32, #tpu.memory_space<vmem_shared>>)
        %add3A_569 = arith.constant 2 : i32
        %add3A_570 = arith.addi %add3A_387, %add3A_569 : i32
        %jit3A_571 = arith.constant 40 : i32
        %eq3A_572 = arith.constant 0 : i32
        %eq3A_573 = arith.cmpi eq, %jit3A_571, %eq3A_572 : i32
        %jit3A_574 = arith.constant 1 : i32
        %select_n3A_575 = arith.select %eq3A_573, %jit3A_574, %jit3A_571 : i32
        %rem3A_576 = arith.remsi %add3A_570, %select_n3A_575 : i32
        %ne3A_577 = arith.constant 0 : i32
        %ne3A_578 = arith.cmpi ne, %rem3A_576, %ne3A_577 : i32
        %lt3A_579 = arith.constant 0 : i32
        %lt3A_580 = arith.cmpi slt, %rem3A_576, %lt3A_579 : i32
        %lt3A_581 = arith.constant 0 : i32
        %lt3A_582 = arith.cmpi slt, %select_n3A_575, %lt3A_581 : i32
        %ne3A_583 = arith.xori %lt3A_580, %lt3A_582 : i1
        %and3A_584 = arith.andi %ne3A_583, %ne3A_578 : i1
        %add3A_585 = arith.addi %rem3A_576, %select_n3A_575 : i32
        %select_n3A_586 = arith.select %and3A_584, %add3A_585, %rem3A_576 : i32
        %mul3A_587 = arith.constant 128 : i32
        %mul3A_588 = arith.muli %select_n3A_586, %mul3A_587 : i32
        %multiple_of3A_589 = tpu.assume_multiple %mul3A_588, 128 : i32
        %dma_start3A_590 = tpu.memref_slice %arg7[%multiple_of3A_589] : memref<5120xi32, #tpu.memory_space<vmem>> -> memref<128xi32, #tpu.memory_space<vmem>>
        %dma_start3A_591 = arith.constant 0 : i32
        %dma_start3A_592 = arith.constant 0 : i32
        %dma_start3A_593 = tpu.memref_slice %arg25[%dma_start3A_591, %dma_start3A_592] : memref<10000x64xf32, #tpu.memory_space<vmem_shared>> -> memref<10000x64xf32, #tpu.memory_space<vmem_shared>>
        tpu.enqueue_indirect_dma source(%dma_start3A_593 : memref<10000x64xf32, #tpu.memory_space<vmem_shared>>) target(%arg9 : memref<128x64xf32, #tpu.memory_space<vmem>>) offsets(%dma_start3A_590 : memref<128xi32, #tpu.memory_space<vmem>>) semaphore(%arg13 : memref<!tpu.dma_semaphore, #tpu.memory_space<semaphore_mem>>)
      } else {
      }
      %jit3A_395 = arith.constant 10 : i32
      %eq3A_396 = arith.constant 0 : i32
      %eq3A_397 = arith.cmpi eq, %jit3A_395, %eq3A_396 : i32
      %jit3A_398 = arith.constant 1 : i32
      %select_n3A_399 = arith.select %eq3A_397, %jit3A_398, %jit3A_395 : i32
      %rem3A_400 = arith.remsi %scan3A_232, %select_n3A_399 : i32
      %ne3A_401 = arith.constant 0 : i32
      %ne3A_402 = arith.cmpi ne, %rem3A_400, %ne3A_401 : i32
      %lt3A_403 = arith.constant 0 : i32
      %lt3A_404 = arith.cmpi slt, %rem3A_400, %lt3A_403 : i32
      %lt3A_405 = arith.constant 0 : i32
      %lt3A_406 = arith.cmpi slt, %select_n3A_399, %lt3A_405 : i32
      %ne3A_407 = arith.xori %lt3A_404, %lt3A_406 : i1
      %and3A_408 = arith.andi %ne3A_407, %ne3A_402 : i1
      %add3A_409 = arith.addi %rem3A_400, %select_n3A_399 : i32
      %select_n3A_410 = arith.select %and3A_408, %add3A_409, %rem3A_400 : i32
      %eq3A_411 = arith.constant 5 : i32
      %eq3A_412 = arith.cmpi eq, %select_n3A_410, %eq3A_411 : i32
      %le3A_413 = arith.constant 25 : i32
      %le3A_414 = arith.cmpi sle, %scan3A_232, %le3A_413 : i32
      %and3A_415 = arith.andi %eq3A_412, %le3A_414 : i1
      %convert_element_type3A_416 = arith.extui %and3A_415 : i1 to i32
      %cond3A_417 = arith.constant 0 : i32
      %cond3A_418 = arith.cmpi ne, %convert_element_type3A_416, %cond3A_417 : i32
      scf.if %cond3A_418 {
        %jit3A_545 = arith.constant 5 : i32
        %div3A = arith.divsi %scan3A_232, %jit3A_545 : i32
        %sign3A = arith.constant 0 : i32
        %sign3A_546 = arith.cmpi sgt, %scan3A_232, %sign3A : i32
        %sign3A_547 = arith.extui %sign3A_546 : i1 to i32
        %sign3A_548 = arith.constant 0 : i32
        %sign3A_549 = arith.cmpi slt, %scan3A_232, %sign3A_548 : i32
        %sign3A_550 = arith.extui %sign3A_549 : i1 to i32
        %sign3A_551 = arith.subi %sign3A_547, %sign3A_550 : i32
        %sign3A_552 = arith.constant 0 : i32
        %sign3A_553 = arith.cmpi sgt, %jit3A_545, %sign3A_552 : i32
        %sign3A_554 = arith.extui %sign3A_553 : i1 to i32
        %sign3A_555 = arith.constant 0 : i32
        %sign3A_556 = arith.cmpi slt, %jit3A_545, %sign3A_555 : i32
        %sign3A_557 = arith.extui %sign3A_556 : i1 to i32
        %sign3A_558 = arith.subi %sign3A_554, %sign3A_557 : i32
        %ne3A_559 = arith.cmpi ne, %sign3A_551, %sign3A_558 : i32
        %rem3A_560 = arith.remsi %scan3A_232, %jit3A_545 : i32
        %ne3A_561 = arith.constant 0 : i32
        %ne3A_562 = arith.cmpi ne, %rem3A_560, %ne3A_561 : i32
        %and3A_563 = arith.andi %ne3A_559, %ne3A_562 : i1
        %sub3A = arith.constant 1 : i32
        %sub3A_564 = arith.subi %div3A, %sub3A : i32
        %select_n3A_565 = arith.select %and3A_563, %sub3A_564, %div3A : i32
        %add3A_566 = arith.constant 1 : i32
        %add3A_567 = arith.addi %select_n3A_565, %add3A_566 : i32
        %mul3A_568 = arith.constant 2560 : i32
        %mul3A_569 = arith.muli %add3A_567, %mul3A_568 : i32
        %multiple_of3A_570 = tpu.assume_multiple %mul3A_569, 2560 : i32
        %dma_start3A_571 = arith.constant 0 : i32
        %dma_start3A_572 = tpu.memref_slice %arg7[%dma_start3A_571] : memref<5120xi32, #tpu.memory_space<vmem>> -> memref<2560xi32, #tpu.memory_space<vmem>>
        %dma_start3A_573 = arith.constant 0 : i32
        %dma_start3A_574 = tpu.memref_slice %arg3[%arg1, %dma_start3A_573] : memref<16x20480xi32, #tpu.memory_space<hbm>> -> memref<1x20480xi32, #tpu.memory_space<hbm>>
        %dma_start3A_575 = tpu.memref_squeeze %dma_start3A_574 : memref<1x20480xi32, #tpu.memory_space<hbm>> -> memref<20480xi32, #tpu.memory_space<hbm>>
        %dma_start3A_576 = tpu.memref_slice %dma_start3A_575[%multiple_of3A_570] : memref<20480xi32, #tpu.memory_space<hbm>> -> memref<2560xi32, #tpu.memory_space<hbm>>
        %dma_start3A_577 = arith.constant 0 : i32
        %dma_start3A_578 = tpu.memref_slice %arg7[%dma_start3A_577] : memref<5120xi32, #tpu.memory_space<vmem>> -> memref<2560xi32, #tpu.memory_space<vmem>>
        %dma_start3A_579 = arith.constant 0 : i32
        %dma_start3A_580 = tpu.memref_slice %arg3[%arg1, %dma_start3A_579] : memref<16x20480xi32, #tpu.memory_space<hbm>> -> memref<1x20480xi32, #tpu.memory_space<hbm>>
        %dma_start3A_581 = tpu.memref_squeeze %dma_start3A_580 : memref<1x20480xi32, #tpu.memory_space<hbm>> -> memref<20480xi32, #tpu.memory_space<hbm>>
        %dma_start3A_582 = tpu.memref_slice %dma_start3A_581[%multiple_of3A_570] : memref<20480xi32, #tpu.memory_space<hbm>> -> memref<2560xi32, #tpu.memory_space<hbm>>
        tpu.enqueue_dma source(%dma_start3A_582 : memref<2560xi32, #tpu.memory_space<hbm>>) target(%dma_start3A_578 : memref<2560xi32, #tpu.memory_space<vmem>>) target_semaphore(%arg21 : memref<!tpu.dma_semaphore, #tpu.memory_space<semaphore_mem>>)
        %dma_start3A_583 = arith.constant 0 : i32
        %dma_start3A_584 = tpu.memref_slice %arg8[%dma_start3A_583] : memref<5120xi32, #tpu.memory_space<vmem>> -> memref<2560xi32, #tpu.memory_space<vmem>>
        %dma_start3A_585 = arith.constant 0 : i32
        %dma_start3A_586 = tpu.memref_slice %arg4[%arg1, %dma_start3A_585] : memref<16x20480xi32, #tpu.memory_space<hbm>> -> memref<1x20480xi32, #tpu.memory_space<hbm>>
        %dma_start3A_587 = tpu.memref_squeeze %dma_start3A_586 : memref<1x20480xi32, #tpu.memory_space<hbm>> -> memref<20480xi32, #tpu.memory_space<hbm>>
        %dma_start3A_588 = tpu.memref_slice %dma_start3A_587[%multiple_of3A_570] : memref<20480xi32, #tpu.memory_space<hbm>> -> memref<2560xi32, #tpu.memory_space<hbm>>
        %dma_start3A_589 = arith.constant 0 : i32
        %dma_start3A_590 = tpu.memref_slice %arg8[%dma_start3A_589] : memref<5120xi32, #tpu.memory_space<vmem>> -> memref<2560xi32, #tpu.memory_space<vmem>>
        %dma_start3A_591 = arith.constant 0 : i32
        %dma_start3A_592 = tpu.memref_slice %arg4[%arg1, %dma_start3A_591] : memref<16x20480xi32, #tpu.memory_space<hbm>> -> memref<1x20480xi32, #tpu.memory_space<hbm>>
        %dma_start3A_593 = tpu.memref_squeeze %dma_start3A_592 : memref<1x20480xi32, #tpu.memory_space<hbm>> -> memref<20480xi32, #tpu.memory_space<hbm>>
        %dma_start3A_594 = tpu.memref_slice %dma_start3A_593[%multiple_of3A_570] : memref<20480xi32, #tpu.memory_space<hbm>> -> memref<2560xi32, #tpu.memory_space<hbm>>
        tpu.enqueue_dma source(%dma_start3A_594 : memref<2560xi32, #tpu.memory_space<hbm>>) target(%dma_start3A_590 : memref<2560xi32, #tpu.memory_space<vmem>>) target_semaphore(%arg21 : memref<!tpu.dma_semaphore, #tpu.memory_space<semaphore_mem>>)
      } else {
      }
      %jit3A_419 = arith.constant 10 : i32
      %eq3A_420 = arith.constant 0 : i32
      %eq3A_421 = arith.cmpi eq, %jit3A_419, %eq3A_420 : i32
      %jit3A_422 = arith.constant 1 : i32
      %select_n3A_423 = arith.select %eq3A_421, %jit3A_422, %jit3A_419 : i32
      %rem3A_424 = arith.remsi %scan3A_232, %select_n3A_423 : i32
      %ne3A_425 = arith.constant 0 : i32
      %ne3A_426 = arith.cmpi ne, %rem3A_424, %ne3A_425 : i32
      %lt3A_427 = arith.constant 0 : i32
      %lt3A_428 = arith.cmpi slt, %rem3A_424, %lt3A_427 : i32
      %lt3A_429 = arith.constant 0 : i32
      %lt3A_430 = arith.cmpi slt, %select_n3A_423, %lt3A_429 : i32
      %ne3A_431 = arith.xori %lt3A_428, %lt3A_430 : i1
      %and3A_432 = arith.andi %ne3A_431, %ne3A_426 : i1
      %add3A_433 = arith.addi %rem3A_424, %select_n3A_423 : i32
      %select_n3A_434 = arith.select %and3A_432, %add3A_433, %rem3A_424 : i32
      %eq3A_435 = arith.constant 0 : i32
      %eq3A_436 = arith.cmpi eq, %select_n3A_434, %eq3A_435 : i32
      %le3A_437 = arith.constant 30 : i32
      %le3A_438 = arith.cmpi sle, %scan3A_232, %le3A_437 : i32
      %and3A_439 = arith.andi %eq3A_436, %le3A_438 : i1
      %convert_element_type3A_440 = arith.extui %and3A_439 : i1 to i32
      %cond3A_441 = arith.constant 0 : i32
      %cond3A_442 = arith.cmpi ne, %convert_element_type3A_440, %cond3A_441 : i32
      scf.if %cond3A_442 {
        %jit3A_545 = arith.constant 5 : i32
        %div3A = arith.divsi %scan3A_232, %jit3A_545 : i32
        %sign3A = arith.constant 0 : i32
        %sign3A_546 = arith.cmpi sgt, %scan3A_232, %sign3A : i32
        %sign3A_547 = arith.extui %sign3A_546 : i1 to i32
        %sign3A_548 = arith.constant 0 : i32
        %sign3A_549 = arith.cmpi slt, %scan3A_232, %sign3A_548 : i32
        %sign3A_550 = arith.extui %sign3A_549 : i1 to i32
        %sign3A_551 = arith.subi %sign3A_547, %sign3A_550 : i32
        %sign3A_552 = arith.constant 0 : i32
        %sign3A_553 = arith.cmpi sgt, %jit3A_545, %sign3A_552 : i32
        %sign3A_554 = arith.extui %sign3A_553 : i1 to i32
        %sign3A_555 = arith.constant 0 : i32
        %sign3A_556 = arith.cmpi slt, %jit3A_545, %sign3A_555 : i32
        %sign3A_557 = arith.extui %sign3A_556 : i1 to i32
        %sign3A_558 = arith.subi %sign3A_554, %sign3A_557 : i32
        %ne3A_559 = arith.cmpi ne, %sign3A_551, %sign3A_558 : i32
        %rem3A_560 = arith.remsi %scan3A_232, %jit3A_545 : i32
        %ne3A_561 = arith.constant 0 : i32
        %ne3A_562 = arith.cmpi ne, %rem3A_560, %ne3A_561 : i32
        %and3A_563 = arith.andi %ne3A_559, %ne3A_562 : i1
        %sub3A = arith.constant 1 : i32
        %sub3A_564 = arith.subi %div3A, %sub3A : i32
        %select_n3A_565 = arith.select %and3A_563, %sub3A_564, %div3A : i32
        %add3A_566 = arith.constant 1 : i32
        %add3A_567 = arith.addi %select_n3A_565, %add3A_566 : i32
        %mul3A_568 = arith.constant 2560 : i32
        %mul3A_569 = arith.muli %add3A_567, %mul3A_568 : i32
        %multiple_of3A_570 = tpu.assume_multiple %mul3A_569, 2560 : i32
        %dma_start3A_571 = arith.constant 2560 : i32
        %dma_start3A_572 = tpu.memref_slice %arg7[%dma_start3A_571] : memref<5120xi32, #tpu.memory_space<vmem>> -> memref<2560xi32, #tpu.memory_space<vmem>>
        %dma_start3A_573 = arith.constant 0 : i32
        %dma_start3A_574 = tpu.memref_slice %arg3[%arg1, %dma_start3A_573] : memref<16x20480xi32, #tpu.memory_space<hbm>> -> memref<1x20480xi32, #tpu.memory_space<hbm>>
        %dma_start3A_575 = tpu.memref_squeeze %dma_start3A_574 : memref<1x20480xi32, #tpu.memory_space<hbm>> -> memref<20480xi32, #tpu.memory_space<hbm>>
        %dma_start3A_576 = tpu.memref_slice %dma_start3A_575[%multiple_of3A_570] : memref<20480xi32, #tpu.memory_space<hbm>> -> memref<2560xi32, #tpu.memory_space<hbm>>
        %dma_start3A_577 = arith.constant 2560 : i32
        %dma_start3A_578 = tpu.memref_slice %arg7[%dma_start3A_577] : memref<5120xi32, #tpu.memory_space<vmem>> -> memref<2560xi32, #tpu.memory_space<vmem>>
        %dma_start3A_579 = arith.constant 0 : i32
        %dma_start3A_580 = tpu.memref_slice %arg3[%arg1, %dma_start3A_579] : memref<16x20480xi32, #tpu.memory_space<hbm>> -> memref<1x20480xi32, #tpu.memory_space<hbm>>
        %dma_start3A_581 = tpu.memref_squeeze %dma_start3A_580 : memref<1x20480xi32, #tpu.memory_space<hbm>> -> memref<20480xi32, #tpu.memory_space<hbm>>
        %dma_start3A_582 = tpu.memref_slice %dma_start3A_581[%multiple_of3A_570] : memref<20480xi32, #tpu.memory_space<hbm>> -> memref<2560xi32, #tpu.memory_space<hbm>>
        tpu.enqueue_dma source(%dma_start3A_582 : memref<2560xi32, #tpu.memory_space<hbm>>) target(%dma_start3A_578 : memref<2560xi32, #tpu.memory_space<vmem>>) target_semaphore(%arg22 : memref<!tpu.dma_semaphore, #tpu.memory_space<semaphore_mem>>)
        %dma_start3A_583 = arith.constant 2560 : i32
        %dma_start3A_584 = tpu.memref_slice %arg8[%dma_start3A_583] : memref<5120xi32, #tpu.memory_space<vmem>> -> memref<2560xi32, #tpu.memory_space<vmem>>
        %dma_start3A_585 = arith.constant 0 : i32
        %dma_start3A_586 = tpu.memref_slice %arg4[%arg1, %dma_start3A_585] : memref<16x20480xi32, #tpu.memory_space<hbm>> -> memref<1x20480xi32, #tpu.memory_space<hbm>>
        %dma_start3A_587 = tpu.memref_squeeze %dma_start3A_586 : memref<1x20480xi32, #tpu.memory_space<hbm>> -> memref<20480xi32, #tpu.memory_space<hbm>>
        %dma_start3A_588 = tpu.memref_slice %dma_start3A_587[%multiple_of3A_570] : memref<20480xi32, #tpu.memory_space<hbm>> -> memref<2560xi32, #tpu.memory_space<hbm>>
        %dma_start3A_589 = arith.constant 2560 : i32
        %dma_start3A_590 = tpu.memref_slice %arg8[%dma_start3A_589] : memref<5120xi32, #tpu.memory_space<vmem>> -> memref<2560xi32, #tpu.memory_space<vmem>>
        %dma_start3A_591 = arith.constant 0 : i32
        %dma_start3A_592 = tpu.memref_slice %arg4[%arg1, %dma_start3A_591] : memref<16x20480xi32, #tpu.memory_space<hbm>> -> memref<1x20480xi32, #tpu.memory_space<hbm>>
        %dma_start3A_593 = tpu.memref_squeeze %dma_start3A_592 : memref<1x20480xi32, #tpu.memory_space<hbm>> -> memref<20480xi32, #tpu.memory_space<hbm>>
        %dma_start3A_594 = tpu.memref_slice %dma_start3A_593[%multiple_of3A_570] : memref<20480xi32, #tpu.memory_space<hbm>> -> memref<2560xi32, #tpu.memory_space<hbm>>
        tpu.enqueue_dma source(%dma_start3A_594 : memref<2560xi32, #tpu.memory_space<hbm>>) target(%dma_start3A_590 : memref<2560xi32, #tpu.memory_space<vmem>>) target_semaphore(%arg22 : memref<!tpu.dma_semaphore, #tpu.memory_space<semaphore_mem>>)
      } else {
      }
      %jit3A_443 = arith.constant 40 : i32
      %eq3A_444 = arith.constant 0 : i32
      %eq3A_445 = arith.cmpi eq, %jit3A_443, %eq3A_444 : i32
      %jit3A_446 = arith.constant 1 : i32
      %select_n3A_447 = arith.select %eq3A_445, %jit3A_446, %jit3A_443 : i32
      %rem3A_448 = arith.remsi %add3A_387, %select_n3A_447 : i32
      %ne3A_449 = arith.constant 0 : i32
      %ne3A_450 = arith.cmpi ne, %rem3A_448, %ne3A_449 : i32
      %lt3A_451 = arith.constant 0 : i32
      %lt3A_452 = arith.cmpi slt, %rem3A_448, %lt3A_451 : i32
      %lt3A_453 = arith.constant 0 : i32
      %lt3A_454 = arith.cmpi slt, %select_n3A_447, %lt3A_453 : i32
      %ne3A_455 = arith.xori %lt3A_452, %lt3A_454 : i1
      %and3A_456 = arith.andi %ne3A_455, %ne3A_450 : i1
      %add3A_457 = arith.addi %rem3A_448, %select_n3A_447 : i32
      %select_n3A_458 = arith.select %and3A_456, %add3A_457, %rem3A_448 : i32
      %mul3A_459 = arith.constant 128 : i32
      %mul3A_460 = arith.muli %select_n3A_458, %mul3A_459 : i32
      %multiple_of3A_461 = tpu.assume_multiple %mul3A_460, 128 : i32
      %dma_wait3A_462 = tpu.memref_slice %arg7[%multiple_of3A_461] : memref<5120xi32, #tpu.memory_space<vmem>> -> memref<128xi32, #tpu.memory_space<vmem>>
      %dma_wait3A_463 = arith.constant 0 : i32
      %dma_wait3A_464 = arith.constant 0 : i32
      %dma_wait3A_465 = tpu.memref_slice %arg25[%dma_wait3A_463, %dma_wait3A_464] : memref<10000x64xf32, #tpu.memory_space<vmem_shared>> -> memref<10000x64xf32, #tpu.memory_space<vmem_shared>>
      tpu.wait_indirect_dma semaphore(%arg15 : memref<!tpu.dma_semaphore, #tpu.memory_space<semaphore_mem>>) src(%dma_wait3A_465 : memref<10000x64xf32, #tpu.memory_space<vmem_shared>>) dst(%arg11 : memref<128x64xf32, #tpu.memory_space<vmem>>)
      %jit3A_466 = arith.constant 40 : i32
      %eq3A_467 = arith.constant 0 : i32
      %eq3A_468 = arith.cmpi eq, %jit3A_466, %eq3A_467 : i32
      %jit3A_469 = arith.constant 1 : i32
      %select_n3A_470 = arith.select %eq3A_468, %jit3A_469, %jit3A_466 : i32
      %rem3A_471 = arith.remsi %add3A_387, %select_n3A_470 : i32
      %ne3A_472 = arith.constant 0 : i32
      %ne3A_473 = arith.cmpi ne, %rem3A_471, %ne3A_472 : i32
      %lt3A_474 = arith.constant 0 : i32
      %lt3A_475 = arith.cmpi slt, %rem3A_471, %lt3A_474 : i32
      %lt3A_476 = arith.constant 0 : i32
      %lt3A_477 = arith.cmpi slt, %select_n3A_470, %lt3A_476 : i32
      %ne3A_478 = arith.xori %lt3A_475, %lt3A_477 : i1
      %and3A_479 = arith.andi %ne3A_478, %ne3A_473 : i1
      %add3A_480 = arith.addi %rem3A_471, %select_n3A_470 : i32
      %select_n3A_481 = arith.select %and3A_479, %add3A_480, %rem3A_471 : i32
      %mul3A_482 = arith.constant 128 : i32
      %mul3A_483 = arith.muli %select_n3A_481, %mul3A_482 : i32
      %multiple_of3A_484 = tpu.assume_multiple %mul3A_483, 128 : i32
      %dma_start3A_485 = tpu.memref_slice %arg8[%multiple_of3A_484] : memref<5120xi32, #tpu.memory_space<vmem>> -> memref<128xi32, #tpu.memory_space<vmem>>
      %dma_start3A_486 = arith.constant 0 : i32
      %dma_start3A_487 = arith.constant 0 : i32
      %dma_start3A_488 = tpu.memref_slice %arg24[%dma_start3A_486, %dma_start3A_487] : memref<10112x64xf32, #tpu.memory_space<vmem_shared>> -> memref<10112x64xf32, #tpu.memory_space<vmem_shared>>
      tpu.enqueue_indirect_dma source(%arg11 : memref<128x64xf32, #tpu.memory_space<vmem>>) target(%dma_start3A_488 : memref<10112x64xf32, #tpu.memory_space<vmem_shared>>) offsets(%dma_start3A_485 : memref<128xi32, #tpu.memory_space<vmem>>) semaphore(%arg19 : memref<!tpu.dma_semaphore, #tpu.memory_space<semaphore_mem>>) {add = true}
      %add3A_489 = arith.constant 3 : i32
      %add3A_490 = arith.addi %mul3A_235, %add3A_489 : i32
      %add3A_491 = arith.constant 2 : i32
      %add3A_492 = arith.addi %add3A_490, %add3A_491 : i32
      %le3A_493 = arith.constant 159 : i32
      %le3A_494 = arith.cmpi sle, %add3A_492, %le3A_493 : i32
      %convert_element_type3A_495 = arith.extui %le3A_494 : i1 to i32
      %cond3A_496 = arith.constant 0 : i32
      %cond3A_497 = arith.cmpi ne, %convert_element_type3A_495, %cond3A_496 : i32
      scf.if %cond3A_497 {
        %sub3A = arith.constant 2 : i32
        %sub3A_545 = arith.subi %add3A_490, %sub3A : i32
        %jit3A_546 = arith.constant 40 : i32
        %eq3A_547 = arith.constant 0 : i32
        %eq3A_548 = arith.cmpi eq, %jit3A_546, %eq3A_547 : i32
        %jit3A_549 = arith.constant 1 : i32
        %select_n3A_550 = arith.select %eq3A_548, %jit3A_549, %jit3A_546 : i32
        %rem3A_551 = arith.remsi %sub3A_545, %select_n3A_550 : i32
        %ne3A_552 = arith.constant 0 : i32
        %ne3A_553 = arith.cmpi ne, %rem3A_551, %ne3A_552 : i32
        %lt3A_554 = arith.constant 0 : i32
        %lt3A_555 = arith.cmpi slt, %rem3A_551, %lt3A_554 : i32
        %lt3A_556 = arith.constant 0 : i32
        %lt3A_557 = arith.cmpi slt, %select_n3A_550, %lt3A_556 : i32
        %ne3A_558 = arith.xori %lt3A_555, %lt3A_557 : i1
        %and3A_559 = arith.andi %ne3A_558, %ne3A_553 : i1
        %add3A_560 = arith.addi %rem3A_551, %select_n3A_550 : i32
        %select_n3A_561 = arith.select %and3A_559, %add3A_560, %rem3A_551 : i32
        %mul3A_562 = arith.constant 128 : i32
        %mul3A_563 = arith.muli %select_n3A_561, %mul3A_562 : i32
        %multiple_of3A_564 = tpu.assume_multiple %mul3A_563, 128 : i32
        %dma_wait3A_565 = tpu.memref_slice %arg8[%multiple_of3A_564] : memref<5120xi32, #tpu.memory_space<vmem>> -> memref<128xi32, #tpu.memory_space<vmem>>
        %dma_wait3A_566 = arith.constant 0 : i32
        %dma_wait3A_567 = arith.constant 0 : i32
        %dma_wait3A_568 = tpu.memref_slice %arg24[%dma_wait3A_566, %dma_wait3A_567] : memref<10112x64xf32, #tpu.memory_space<vmem_shared>> -> memref<10112x64xf32, #tpu.memory_space<vmem_shared>>
        tpu.wait_indirect_dma semaphore(%arg18 : memref<!tpu.dma_semaphore, #tpu.memory_space<semaphore_mem>>) src(%arg10 : memref<128x64xf32, #tpu.memory_space<vmem>>) dst(%dma_wait3A_568 : memref<10112x64xf32, #tpu.memory_space<vmem_shared>>)
        %add3A_569 = arith.constant 2 : i32
        %add3A_570 = arith.addi %add3A_490, %add3A_569 : i32
        %jit3A_571 = arith.constant 40 : i32
        %eq3A_572 = arith.constant 0 : i32
        %eq3A_573 = arith.cmpi eq, %jit3A_571, %eq3A_572 : i32
        %jit3A_574 = arith.constant 1 : i32
        %select_n3A_575 = arith.select %eq3A_573, %jit3A_574, %jit3A_571 : i32
        %rem3A_576 = arith.remsi %add3A_570, %select_n3A_575 : i32
        %ne3A_577 = arith.constant 0 : i32
        %ne3A_578 = arith.cmpi ne, %rem3A_576, %ne3A_577 : i32
        %lt3A_579 = arith.constant 0 : i32
        %lt3A_580 = arith.cmpi slt, %rem3A_576, %lt3A_579 : i32
        %lt3A_581 = arith.constant 0 : i32
        %lt3A_582 = arith.cmpi slt, %select_n3A_575, %lt3A_581 : i32
        %ne3A_583 = arith.xori %lt3A_580, %lt3A_582 : i1
        %and3A_584 = arith.andi %ne3A_583, %ne3A_578 : i1
        %add3A_585 = arith.addi %rem3A_576, %select_n3A_575 : i32
        %select_n3A_586 = arith.select %and3A_584, %add3A_585, %rem3A_576 : i32
        %mul3A_587 = arith.constant 128 : i32
        %mul3A_588 = arith.muli %select_n3A_586, %mul3A_587 : i32
        %multiple_of3A_589 = tpu.assume_multiple %mul3A_588, 128 : i32
        %dma_start3A_590 = tpu.memref_slice %arg7[%multiple_of3A_589] : memref<5120xi32, #tpu.memory_space<vmem>> -> memref<128xi32, #tpu.memory_space<vmem>>
        %dma_start3A_591 = arith.constant 0 : i32
        %dma_start3A_592 = arith.constant 0 : i32
        %dma_start3A_593 = tpu.memref_slice %arg25[%dma_start3A_591, %dma_start3A_592] : memref<10000x64xf32, #tpu.memory_space<vmem_shared>> -> memref<10000x64xf32, #tpu.memory_space<vmem_shared>>
        tpu.enqueue_indirect_dma source(%dma_start3A_593 : memref<10000x64xf32, #tpu.memory_space<vmem_shared>>) target(%arg10 : memref<128x64xf32, #tpu.memory_space<vmem>>) offsets(%dma_start3A_590 : memref<128xi32, #tpu.memory_space<vmem>>) semaphore(%arg14 : memref<!tpu.dma_semaphore, #tpu.memory_space<semaphore_mem>>)
      } else {
      }
      %jit3A_498 = arith.constant 40 : i32
      %eq3A_499 = arith.constant 0 : i32
      %eq3A_500 = arith.cmpi eq, %jit3A_498, %eq3A_499 : i32
      %jit3A_501 = arith.constant 1 : i32
      %select_n3A_502 = arith.select %eq3A_500, %jit3A_501, %jit3A_498 : i32
      %rem3A_503 = arith.remsi %add3A_490, %select_n3A_502 : i32
      %ne3A_504 = arith.constant 0 : i32
      %ne3A_505 = arith.cmpi ne, %rem3A_503, %ne3A_504 : i32
      %lt3A_506 = arith.constant 0 : i32
      %lt3A_507 = arith.cmpi slt, %rem3A_503, %lt3A_506 : i32
      %lt3A_508 = arith.constant 0 : i32
      %lt3A_509 = arith.cmpi slt, %select_n3A_502, %lt3A_508 : i32
      %ne3A_510 = arith.xori %lt3A_507, %lt3A_509 : i1
      %and3A_511 = arith.andi %ne3A_510, %ne3A_505 : i1
      %add3A_512 = arith.addi %rem3A_503, %select_n3A_502 : i32
      %select_n3A_513 = arith.select %and3A_511, %add3A_512, %rem3A_503 : i32
      %mul3A_514 = arith.constant 128 : i32
      %mul3A_515 = arith.muli %select_n3A_513, %mul3A_514 : i32
      %multiple_of3A_516 = tpu.assume_multiple %mul3A_515, 128 : i32
      %dma_wait3A_517 = tpu.memref_slice %arg7[%multiple_of3A_516] : memref<5120xi32, #tpu.memory_space<vmem>> -> memref<128xi32, #tpu.memory_space<vmem>>
      %dma_wait3A_518 = arith.constant 0 : i32
      %dma_wait3A_519 = arith.constant 0 : i32
      %dma_wait3A_520 = tpu.memref_slice %arg25[%dma_wait3A_518, %dma_wait3A_519] : memref<10000x64xf32, #tpu.memory_space<vmem_shared>> -> memref<10000x64xf32, #tpu.memory_space<vmem_shared>>
      tpu.wait_indirect_dma semaphore(%arg16 : memref<!tpu.dma_semaphore, #tpu.memory_space<semaphore_mem>>) src(%dma_wait3A_520 : memref<10000x64xf32, #tpu.memory_space<vmem_shared>>) dst(%arg12 : memref<128x64xf32, #tpu.memory_space<vmem>>)
      %jit3A_521 = arith.constant 40 : i32
      %eq3A_522 = arith.constant 0 : i32
      %eq3A_523 = arith.cmpi eq, %jit3A_521, %eq3A_522 : i32
      %jit3A_524 = arith.constant 1 : i32
      %select_n3A_525 = arith.select %eq3A_523, %jit3A_524, %jit3A_521 : i32
      %rem3A_526 = arith.remsi %add3A_490, %select_n3A_525 : i32
      %ne3A_527 = arith.constant 0 : i32
      %ne3A_528 = arith.cmpi ne, %rem3A_526, %ne3A_527 : i32
      %lt3A_529 = arith.constant 0 : i32
      %lt3A_530 = arith.cmpi slt, %rem3A_526, %lt3A_529 : i32
      %lt3A_531 = arith.constant 0 : i32
      %lt3A_532 = arith.cmpi slt, %select_n3A_525, %lt3A_531 : i32
      %ne3A_533 = arith.xori %lt3A_530, %lt3A_532 : i1
      %and3A_534 = arith.andi %ne3A_533, %ne3A_528 : i1
      %add3A_535 = arith.addi %rem3A_526, %select_n3A_525 : i32
      %select_n3A_536 = arith.select %and3A_534, %add3A_535, %rem3A_526 : i32
      %mul3A_537 = arith.constant 128 : i32
      %mul3A_538 = arith.muli %select_n3A_536, %mul3A_537 : i32
      %multiple_of3A_539 = tpu.assume_multiple %mul3A_538, 128 : i32
      %dma_start3A_540 = tpu.memref_slice %arg8[%multiple_of3A_539] : memref<5120xi32, #tpu.memory_space<vmem>> -> memref<128xi32, #tpu.memory_space<vmem>>
      %dma_start3A_541 = arith.constant 0 : i32
      %dma_start3A_542 = arith.constant 0 : i32
      %dma_start3A_543 = tpu.memref_slice %arg24[%dma_start3A_541, %dma_start3A_542] : memref<10112x64xf32, #tpu.memory_space<vmem_shared>> -> memref<10112x64xf32, #tpu.memory_space<vmem_shared>>
      tpu.enqueue_indirect_dma source(%arg12 : memref<128x64xf32, #tpu.memory_space<vmem>>) target(%dma_start3A_543 : memref<10112x64xf32, #tpu.memory_space<vmem_shared>>) offsets(%dma_start3A_540 : memref<128xi32, #tpu.memory_space<vmem>>) semaphore(%arg20 : memref<!tpu.dma_semaphore, #tpu.memory_space<semaphore_mem>>) {add = true}
      %scan3A_544 = arith.constant 0 : i32
      scf.yield %scan3A_544 : i32
    }
    %scan3A_197 = arith.constant 39 : i32
    %multiple_of3A_198 = arith.constant 4608 : i32
    %multiple_of3A_199 = tpu.assume_multiple %multiple_of3A_198, 128 : i32
    %dma_wait3A_200 = tpu.memref_slice %arg8[%multiple_of3A_199] : memref<5120xi32, #tpu.memory_space<vmem>> -> memref<128xi32, #tpu.memory_space<vmem>>
    %dma_wait3A_201 = arith.constant 0 : i32
    %dma_wait3A_202 = arith.constant 0 : i32
    %dma_wait3A_203 = tpu.memref_slice %arg24[%dma_wait3A_201, %dma_wait3A_202] : memref<10112x64xf32, #tpu.memory_space<vmem_shared>> -> memref<10112x64xf32, #tpu.memory_space<vmem_shared>>
    tpu.wait_indirect_dma semaphore(%arg17 : memref<!tpu.dma_semaphore, #tpu.memory_space<semaphore_mem>>) src(%arg9 : memref<128x64xf32, #tpu.memory_space<vmem>>) dst(%dma_wait3A_203 : memref<10112x64xf32, #tpu.memory_space<vmem_shared>>)
    %multiple_of3A_204 = arith.constant 4736 : i32
    %multiple_of3A_205 = tpu.assume_multiple %multiple_of3A_204, 128 : i32
    %dma_wait3A_206 = tpu.memref_slice %arg8[%multiple_of3A_205] : memref<5120xi32, #tpu.memory_space<vmem>> -> memref<128xi32, #tpu.memory_space<vmem>>
    %dma_wait3A_207 = arith.constant 0 : i32
    %dma_wait3A_208 = arith.constant 0 : i32
    %dma_wait3A_209 = tpu.memref_slice %arg24[%dma_wait3A_207, %dma_wait3A_208] : memref<10112x64xf32, #tpu.memory_space<vmem_shared>> -> memref<10112x64xf32, #tpu.memory_space<vmem_shared>>
    tpu.wait_indirect_dma semaphore(%arg18 : memref<!tpu.dma_semaphore, #tpu.memory_space<semaphore_mem>>) src(%arg10 : memref<128x64xf32, #tpu.memory_space<vmem>>) dst(%dma_wait3A_209 : memref<10112x64xf32, #tpu.memory_space<vmem_shared>>)
    %multiple_of3A_210 = arith.constant 4864 : i32
    %multiple_of3A_211 = tpu.assume_multiple %multiple_of3A_210, 128 : i32
    %dma_wait3A_212 = tpu.memref_slice %arg8[%multiple_of3A_211] : memref<5120xi32, #tpu.memory_space<vmem>> -> memref<128xi32, #tpu.memory_space<vmem>>
    %dma_wait3A_213 = arith.constant 0 : i32
    %dma_wait3A_214 = arith.constant 0 : i32
    %dma_wait3A_215 = tpu.memref_slice %arg24[%dma_wait3A_213, %dma_wait3A_214] : memref<10112x64xf32, #tpu.memory_space<vmem_shared>> -> memref<10112x64xf32, #tpu.memory_space<vmem_shared>>
    tpu.wait_indirect_dma semaphore(%arg19 : memref<!tpu.dma_semaphore, #tpu.memory_space<semaphore_mem>>) src(%arg11 : memref<128x64xf32, #tpu.memory_space<vmem>>) dst(%dma_wait3A_215 : memref<10112x64xf32, #tpu.memory_space<vmem_shared>>)
    %multiple_of3A_216 = arith.constant 4992 : i32
    %multiple_of3A_217 = tpu.assume_multiple %multiple_of3A_216, 128 : i32
    %dma_wait3A_218 = tpu.memref_slice %arg8[%multiple_of3A_217] : memref<5120xi32, #tpu.memory_space<vmem>> -> memref<128xi32, #tpu.memory_space<vmem>>
    %dma_wait3A_219 = arith.constant 0 : i32
    %dma_wait3A_220 = arith.constant 0 : i32
    %dma_wait3A_221 = tpu.memref_slice %arg24[%dma_wait3A_219, %dma_wait3A_220] : memref<10112x64xf32, #tpu.memory_space<vmem_shared>> -> memref<10112x64xf32, #tpu.memory_space<vmem_shared>>
    tpu.wait_indirect_dma semaphore(%arg20 : memref<!tpu.dma_semaphore, #tpu.memory_space<semaphore_mem>>) src(%arg12 : memref<128x64xf32, #tpu.memory_space<vmem>>) dst(%dma_wait3A_221 : memref<10112x64xf32, #tpu.memory_space<vmem_shared>>)
    %barrier3A_222 = arith.constant 0 : index
    tpu.barrier barrier_id(%barrier3A_222)
    %mul3A_223 = arith.constant 624 : i32
    %mul3A_224 = arith.muli %arg1, %mul3A_223 : i32
    %mul3A_225 = arith.constant 624 : i32
    %mul3A_226 = arith.muli %arg1, %mul3A_225 : i32
    "tpu.region"() ({
      %run_scoped3A = tpu.sem_alloc : memref<!tpu.dma_semaphore, #tpu.memory_space<semaphore_mem>>
      %dma_start3A_232 = arith.constant 0 : i32
      %dma_start3A_233 = arith.constant 0 : i32
      %dma_start3A_234 = tpu.memref_slice %arg6[%arg0, %dma_start3A_232, %dma_start3A_233] : memref<2x10000x64xf32, #tpu.memory_space<hbm>> -> memref<1x10000x64xf32, #tpu.memory_space<hbm>>
      %dma_start3A_235 = tpu.memref_squeeze %dma_start3A_234 : memref<1x10000x64xf32, #tpu.memory_space<hbm>> -> memref<10000x64xf32, #tpu.memory_space<hbm>>
      %dma_start3A_236 = arith.constant 0 : i32
      %dma_start3A_237 = tpu.memref_slice %dma_start3A_235[%mul3A_226, %dma_start3A_236] : memref<10000x64xf32, #tpu.memory_space<hbm>> -> memref<624x64xf32, #tpu.memory_space<hbm>>
      %dma_start3A_238 = arith.constant 0 : i32
      %dma_start3A_239 = tpu.memref_slice %arg24[%mul3A_224, %dma_start3A_238] : memref<10112x64xf32, #tpu.memory_space<vmem_shared>> -> memref<624x64xf32, #tpu.memory_space<vmem_shared>>
      tpu.enqueue_dma source(%dma_start3A_239 : memref<624x64xf32, #tpu.memory_space<vmem_shared>>) target(%dma_start3A_237 : memref<624x64xf32, #tpu.memory_space<hbm>>) target_semaphore(%run_scoped3A : memref<!tpu.dma_semaphore, #tpu.memory_space<semaphore_mem>>)
      %dma_wait3A_240 = arith.constant 0 : i32
      %dma_wait3A_241 = arith.constant 0 : i32
      %dma_wait3A_242 = tpu.memref_slice %arg6[%arg0, %dma_wait3A_240, %dma_wait3A_241] : memref<2x10000x64xf32, #tpu.memory_space<hbm>> -> memref<1x10000x64xf32, #tpu.memory_space<hbm>>
      %dma_wait3A_243 = tpu.memref_squeeze %dma_wait3A_242 : memref<1x10000x64xf32, #tpu.memory_space<hbm>> -> memref<10000x64xf32, #tpu.memory_space<hbm>>
      %dma_wait3A_244 = arith.constant 0 : i32
      %dma_wait3A_245 = tpu.memref_slice %dma_wait3A_243[%mul3A_226, %dma_wait3A_244] : memref<10000x64xf32, #tpu.memory_space<hbm>> -> memref<624x64xf32, #tpu.memory_space<hbm>>
      %dma_wait3A_246 = arith.constant 0 : i32
      %dma_wait3A_247 = tpu.memref_slice %arg24[%mul3A_224, %dma_wait3A_246] : memref<10112x64xf32, #tpu.memory_space<vmem_shared>> -> memref<624x64xf32, #tpu.memory_space<vmem_shared>>
      tpu.wait_dma2 semaphore(%run_scoped3A : memref<!tpu.dma_semaphore, #tpu.memory_space<semaphore_mem>>) src(%dma_wait3A_247 : memref<624x64xf32, #tpu.memory_space<vmem_shared>>) dst(%dma_wait3A_245 : memref<624x64xf32, #tpu.memory_space<hbm>>)
      tpu.yield
    }) : () -> ()
    %eq3A_227 = arith.constant 15 : i32
    %eq3A_228 = arith.cmpi eq, %arg1, %eq3A_227 : i32
    %convert_element_type3A_229 = arith.extui %eq3A_228 : i1 to i32
    %cond3A_230 = arith.constant 0 : i32
    %cond3A_231 = arith.cmpi ne, %convert_element_type3A_229, %cond3A_230 : i32
    scf.if %cond3A_231 {
      "tpu.region"() ({
        %run_scoped3A = tpu.sem_alloc : memref<!tpu.dma_semaphore, #tpu.memory_space<semaphore_mem>>
        %dma_start3A_232 = arith.constant 0 : i32
        %dma_start3A_233 = arith.constant 0 : i32
        %dma_start3A_234 = tpu.memref_slice %arg6[%arg0, %dma_start3A_232, %dma_start3A_233] : memref<2x10000x64xf32, #tpu.memory_space<hbm>> -> memref<1x10000x64xf32, #tpu.memory_space<hbm>>
        %dma_start3A_235 = tpu.memref_squeeze %dma_start3A_234 : memref<1x10000x64xf32, #tpu.memory_space<hbm>> -> memref<10000x64xf32, #tpu.memory_space<hbm>>
        %dma_start3A_236 = arith.constant 9984 : i32
        %dma_start3A_237 = arith.constant 0 : i32
        %dma_start3A_238 = tpu.memref_slice %dma_start3A_235[%dma_start3A_236, %dma_start3A_237] : memref<10000x64xf32, #tpu.memory_space<hbm>> -> memref<16x64xf32, #tpu.memory_space<hbm>>
        %dma_start3A_239 = arith.constant 9984 : i32
        %dma_start3A_240 = arith.constant 0 : i32
        %dma_start3A_241 = tpu.memref_slice %arg24[%dma_start3A_239, %dma_start3A_240] : memref<10112x64xf32, #tpu.memory_space<vmem_shared>> -> memref<16x64xf32, #tpu.memory_space<vmem_shared>>
        tpu.enqueue_dma source(%dma_start3A_241 : memref<16x64xf32, #tpu.memory_space<vmem_shared>>) target(%dma_start3A_238 : memref<16x64xf32, #tpu.memory_space<hbm>>) target_semaphore(%run_scoped3A : memref<!tpu.dma_semaphore, #tpu.memory_space<semaphore_mem>>)
        %dma_wait3A_242 = arith.constant 0 : i32
        %dma_wait3A_243 = arith.constant 0 : i32
        %dma_wait3A_244 = tpu.memref_slice %arg6[%arg0, %dma_wait3A_242, %dma_wait3A_243] : memref<2x10000x64xf32, #tpu.memory_space<hbm>> -> memref<1x10000x64xf32, #tpu.memory_space<hbm>>
        %dma_wait3A_245 = tpu.memref_squeeze %dma_wait3A_244 : memref<1x10000x64xf32, #tpu.memory_space<hbm>> -> memref<10000x64xf32, #tpu.memory_space<hbm>>
        %dma_wait3A_246 = arith.constant 9984 : i32
        %dma_wait3A_247 = arith.constant 0 : i32
        %dma_wait3A_248 = tpu.memref_slice %dma_wait3A_245[%dma_wait3A_246, %dma_wait3A_247] : memref<10000x64xf32, #tpu.memory_space<hbm>> -> memref<16x64xf32, #tpu.memory_space<hbm>>
        %dma_wait3A_249 = arith.constant 9984 : i32
        %dma_wait3A_250 = arith.constant 0 : i32
        %dma_wait3A_251 = tpu.memref_slice %arg24[%dma_wait3A_249, %dma_wait3A_250] : memref<10112x64xf32, #tpu.memory_space<vmem_shared>> -> memref<16x64xf32, #tpu.memory_space<vmem_shared>>
        tpu.wait_dma2 semaphore(%run_scoped3A : memref<!tpu.dma_semaphore, #tpu.memory_space<semaphore_mem>>) src(%dma_wait3A_251 : memref<16x64xf32, #tpu.memory_space<vmem_shared>>) dst(%dma_wait3A_248 : memref<16x64xf32, #tpu.memory_space<hbm>>)
        tpu.yield
      }) : () -> ()
    } else {
    }
    return
  }
}

#map = affine_map<(d0, d1) -> (0, 0, 0)>
#map1 = affine_map<(d0, d1) -> (0, 0)>
module attributes {stable_mosaic.version = 14 : i64} {
  func.func @_agg_body(%arg0: i32, %arg1: i32, %arg2: memref<2x10000x64xf32, #tpu.memory_space<hbm>>, %arg3: memref<16x20480xi32, #tpu.memory_space<hbm>>, %arg4: memref<16x20480xi32, #tpu.memory_space<hbm>>, %arg5: memref<632x64xf32, #tpu.memory_space<hbm>>, %arg6: memref<2x10000x64xf32, #tpu.memory_space<hbm>>, %arg7: memref<5120xi32, #tpu.memory_space<vmem>>, %arg8: memref<5120xi32, #tpu.memory_space<vmem>>, %arg9: memref<128x64xf32, #tpu.memory_space<vmem>>, %arg10: memref<128x64xf32, #tpu.memory_space<vmem>>, %arg11: memref<128x64xf32, #tpu.memory_space<vmem>>, %arg12: memref<128x64xf32, #tpu.memory_space<vmem>>, %arg13: memref<!tpu.dma_semaphore, #tpu.memory_space<semaphore_mem>>, %arg14: memref<!tpu.dma_semaphore, #tpu.memory_space<semaphore_mem>>, %arg15: memref<!tpu.dma_semaphore, #tpu.memory_space<semaphore_mem>>, %arg16: memref<!tpu.dma_semaphore, #tpu.memory_space<semaphore_mem>>, %arg17: memref<!tpu.dma_semaphore, #tpu.memory_space<semaphore_mem>>, %arg18: memref<!tpu.dma_semaphore, #tpu.memory_space<semaphore_mem>>, %arg19: memref<!tpu.dma_semaphore, #tpu.memory_space<semaphore_mem>>, %arg20: memref<!tpu.dma_semaphore, #tpu.memory_space<semaphore_mem>>, %arg21: memref<!tpu.dma_semaphore, #tpu.memory_space<semaphore_mem>>, %arg22: memref<!tpu.dma_semaphore, #tpu.memory_space<semaphore_mem>>, %arg23: memref<!tpu.dma_semaphore, #tpu.memory_space<semaphore_mem>>, %arg24: memref<10112x64xf32, #tpu.memory_space<vmem_shared>>, %arg25: memref<10000x64xf32, #tpu.memory_space<vmem_shared>>) attributes {dimension_semantics = [#tpu.dimension_semantics<core_parallel>, #tpu.dimension_semantics<subcore_parallel>], iteration_bounds = array<i64: 2, 16>, scalar_prefetch = 0 : i64, scratch_operands = 19 : i64, tpu.core_type = #tpu.core_type<sc_vector_subcore>, window_params = [{transform_indices = #map}, {transform_indices = #map1}, {transform_indices = #map1}, {transform_indices = #map1}, {transform_indices = #map}]} {
    %multiple_of3A = arith.constant 0 : i32
    %multiple_of3A_0 = tpu.assume_multiple %multiple_of3A, 2560 : i32
    %dma_start3A = arith.constant 0 : i32
    %dma_start3A_1 = tpu.memref_slice %arg7[%dma_start3A] : memref<5120xi32, #tpu.memory_space<vmem>> -> memref<2560xi32, #tpu.memory_space<vmem>>
    %dma_start3A_2 = arith.constant 0 : i32
    %dma_start3A_3 = tpu.memref_slice %arg3[%arg1, %dma_start3A_2] : memref<16x20480xi32, #tpu.memory_space<hbm>> -> memref<1x20480xi32, #tpu.memory_space<hbm>>
    %dma_start3A_4 = tpu.memref_squeeze %dma_start3A_3 : memref<1x20480xi32, #tpu.memory_space<hbm>> -> memref<20480xi32, #tpu.memory_space<hbm>>
    %dma_start3A_5 = tpu.memref_slice %dma_start3A_4[%multiple_of3A_0] : memref<20480xi32, #tpu.memory_space<hbm>> -> memref<2560xi32, #tpu.memory_space<hbm>>
    %dma_start3A_6 = arith.constant 0 : i32
    %dma_start3A_7 = tpu.memref_slice %arg7[%dma_start3A_6] : memref<5120xi32, #tpu.memory_space<vmem>> -> memref<2560xi32, #tpu.memory_space<vmem>>
    %dma_start3A_8 = arith.constant 0 : i32
    %dma_start3A_9 = tpu.memref_slice %arg3[%arg1, %dma_start3A_8] : memref<16x20480xi32, #tpu.memory_space<hbm>> -> memref<1x20480xi32, #tpu.memory_space<hbm>>
    %dma_start3A_10 = tpu.memref_squeeze %dma_start3A_9 : memref<1x20480xi32, #tpu.memory_space<hbm>> -> memref<20480xi32, #tpu.memory_space<hbm>>
    %dma_start3A_11 = tpu.memref_slice %dma_start3A_10[%multiple_of3A_0] : memref<20480xi32, #tpu.memory_space<hbm>> -> memref<2560xi32, #tpu.memory_space<hbm>>
    tpu.enqueue_dma source(%dma_start3A_11 : memref<2560xi32, #tpu.memory_space<hbm>>) target(%dma_start3A_7 : memref<2560xi32, #tpu.memory_space<vmem>>) target_semaphore(%arg21 : memref<!tpu.dma_semaphore, #tpu.memory_space<semaphore_mem>>)
    %dma_start3A_12 = arith.constant 0 : i32
    %dma_start3A_13 = tpu.memref_slice %arg8[%dma_start3A_12] : memref<5120xi32, #tpu.memory_space<vmem>> -> memref<2560xi32, #tpu.memory_space<vmem>>
    %dma_start3A_14 = arith.constant 0 : i32
    %dma_start3A_15 = tpu.memref_slice %arg4[%arg1, %dma_start3A_14] : memref<16x20480xi32, #tpu.memory_space<hbm>> -> memref<1x20480xi32, #tpu.memory_space<hbm>>
    %dma_start3A_16 = tpu.memref_squeeze %dma_start3A_15 : memref<1x20480xi32, #tpu.memory_space<hbm>> -> memref<20480xi32, #tpu.memory_space<hbm>>
    %dma_start3A_17 = tpu.memref_slice %dma_start3A_16[%multiple_of3A_0] : memref<20480xi32, #tpu.memory_space<hbm>> -> memref<2560xi32, #tpu.memory_space<hbm>>
    %dma_start3A_18 = arith.constant 0 : i32
    %dma_start3A_19 = tpu.memref_slice %arg8[%dma_start3A_18] : memref<5120xi32, #tpu.memory_space<vmem>> -> memref<2560xi32, #tpu.memory_space<vmem>>
    %dma_start3A_20 = arith.constant 0 : i32
    %dma_start3A_21 = tpu.memref_slice %arg4[%arg1, %dma_start3A_20] : memref<16x20480xi32, #tpu.memory_space<hbm>> -> memref<1x20480xi32, #tpu.memory_space<hbm>>
    %dma_start3A_22 = tpu.memref_squeeze %dma_start3A_21 : memref<1x20480xi32, #tpu.memory_space<hbm>> -> memref<20480xi32, #tpu.memory_space<hbm>>
    %dma_start3A_23 = tpu.memref_slice %dma_start3A_22[%multiple_of3A_0] : memref<20480xi32, #tpu.memory_space<hbm>> -> memref<2560xi32, #tpu.memory_space<hbm>>
    tpu.enqueue_dma source(%dma_start3A_23 : memref<2560xi32, #tpu.memory_space<hbm>>) target(%dma_start3A_19 : memref<2560xi32, #tpu.memory_space<vmem>>) target_semaphore(%arg21 : memref<!tpu.dma_semaphore, #tpu.memory_space<semaphore_mem>>)
    %multiple_of3A_24 = arith.constant 2560 : i32
    %multiple_of3A_25 = tpu.assume_multiple %multiple_of3A_24, 2560 : i32
    %dma_start3A_26 = arith.constant 2560 : i32
    %dma_start3A_27 = tpu.memref_slice %arg7[%dma_start3A_26] : memref<5120xi32, #tpu.memory_space<vmem>> -> memref<2560xi32, #tpu.memory_space<vmem>>
    %dma_start3A_28 = arith.constant 0 : i32
    %dma_start3A_29 = tpu.memref_slice %arg3[%arg1, %dma_start3A_28] : memref<16x20480xi32, #tpu.memory_space<hbm>> -> memref<1x20480xi32, #tpu.memory_space<hbm>>
    %dma_start3A_30 = tpu.memref_squeeze %dma_start3A_29 : memref<1x20480xi32, #tpu.memory_space<hbm>> -> memref<20480xi32, #tpu.memory_space<hbm>>
    %dma_start3A_31 = tpu.memref_slice %dma_start3A_30[%multiple_of3A_25] : memref<20480xi32, #tpu.memory_space<hbm>> -> memref<2560xi32, #tpu.memory_space<hbm>>
    %dma_start3A_32 = arith.constant 2560 : i32
    %dma_start3A_33 = tpu.memref_slice %arg7[%dma_start3A_32] : memref<5120xi32, #tpu.memory_space<vmem>> -> memref<2560xi32, #tpu.memory_space<vmem>>
    %dma_start3A_34 = arith.constant 0 : i32
    %dma_start3A_35 = tpu.memref_slice %arg3[%arg1, %dma_start3A_34] : memref<16x20480xi32, #tpu.memory_space<hbm>> -> memref<1x20480xi32, #tpu.memory_space<hbm>>
    %dma_start3A_36 = tpu.memref_squeeze %dma_start3A_35 : memref<1x20480xi32, #tpu.memory_space<hbm>> -> memref<20480xi32, #tpu.memory_space<hbm>>
    %dma_start3A_37 = tpu.memref_slice %dma_start3A_36[%multiple_of3A_25] : memref<20480xi32, #tpu.memory_space<hbm>> -> memref<2560xi32, #tpu.memory_space<hbm>>
    tpu.enqueue_dma source(%dma_start3A_37 : memref<2560xi32, #tpu.memory_space<hbm>>) target(%dma_start3A_33 : memref<2560xi32, #tpu.memory_space<vmem>>) target_semaphore(%arg22 : memref<!tpu.dma_semaphore, #tpu.memory_space<semaphore_mem>>)
    %dma_start3A_38 = arith.constant 2560 : i32
    %dma_start3A_39 = tpu.memref_slice %arg8[%dma_start3A_38] : memref<5120xi32, #tpu.memory_space<vmem>> -> memref<2560xi32, #tpu.memory_space<vmem>>
    %dma_start3A_40 = arith.constant 0 : i32
    %dma_start3A_41 = tpu.memref_slice %arg4[%arg1, %dma_start3A_40] : memref<16x20480xi32, #tpu.memory_space<hbm>> -> memref<1x20480xi32, #tpu.memory_space<hbm>>
    %dma_start3A_42 = tpu.memref_squeeze %dma_start3A_41 : memref<1x20480xi32, #tpu.memory_space<hbm>> -> memref<20480xi32, #tpu.memory_space<hbm>>
    %dma_start3A_43 = tpu.memref_slice %dma_start3A_42[%multiple_of3A_25] : memref<20480xi32, #tpu.memory_space<hbm>> -> memref<2560xi32, #tpu.memory_space<hbm>>
    %dma_start3A_44 = arith.constant 2560 : i32
    %dma_start3A_45 = tpu.memref_slice %arg8[%dma_start3A_44] : memref<5120xi32, #tpu.memory_space<vmem>> -> memref<2560xi32, #tpu.memory_space<vmem>>
    %dma_start3A_46 = arith.constant 0 : i32
    %dma_start3A_47 = tpu.memref_slice %arg4[%arg1, %dma_start3A_46] : memref<16x20480xi32, #tpu.memory_space<hbm>> -> memref<1x20480xi32, #tpu.memory_space<hbm>>
    %dma_start3A_48 = tpu.memref_squeeze %dma_start3A_47 : memref<1x20480xi32, #tpu.memory_space<hbm>> -> memref<20480xi32, #tpu.memory_space<hbm>>
    %dma_start3A_49 = tpu.memref_slice %dma_start3A_48[%multiple_of3A_25] : memref<20480xi32, #tpu.memory_space<hbm>> -> memref<2560xi32, #tpu.memory_space<hbm>>
    tpu.enqueue_dma source(%dma_start3A_49 : memref<2560xi32, #tpu.memory_space<hbm>>) target(%dma_start3A_45 : memref<2560xi32, #tpu.memory_space<vmem>>) target_semaphore(%arg22 : memref<!tpu.dma_semaphore, #tpu.memory_space<semaphore_mem>>)
    %mul3A = arith.constant 624 : i32
    %mul3A_50 = arith.muli %arg1, %mul3A : i32
    %dma_start3A_51 = arith.constant 0 : i32
    %dma_start3A_52 = tpu.memref_slice %arg25[%mul3A_50, %dma_start3A_51] : memref<10000x64xf32, #tpu.memory_space<vmem_shared>> -> memref<624x64xf32, #tpu.memory_space<vmem_shared>>
    %dma_start3A_53 = arith.constant 0 : i32
    %dma_start3A_54 = arith.constant 0 : i32
    %dma_start3A_55 = tpu.memref_slice %arg2[%arg0, %dma_start3A_53, %dma_start3A_54] : memref<2x10000x64xf32, #tpu.memory_space<hbm>> -> memref<1x10000x64xf32, #tpu.memory_space<hbm>>
    %dma_start3A_56 = tpu.memref_squeeze %dma_start3A_55 : memref<1x10000x64xf32, #tpu.memory_space<hbm>> -> memref<10000x64xf32, #tpu.memory_space<hbm>>
    %dma_start3A_57 = arith.constant 0 : i32
    %dma_start3A_58 = tpu.memref_slice %dma_start3A_56[%mul3A_50, %dma_start3A_57] : memref<10000x64xf32, #tpu.memory_space<hbm>> -> memref<624x64xf32, #tpu.memory_space<hbm>>
    tpu.enqueue_dma source(%dma_start3A_58 : memref<624x64xf32, #tpu.memory_space<hbm>>) target(%dma_start3A_52 : memref<624x64xf32, #tpu.memory_space<vmem_shared>>) target_semaphore(%arg23 : memref<!tpu.dma_semaphore, #tpu.memory_space<semaphore_mem>>)
    %mul3A_59 = arith.constant 632 : i32
    %mul3A_60 = arith.muli %arg1, %mul3A_59 : i32
    "tpu.region"() ({
      %run_scoped3A = tpu.sem_alloc : memref<!tpu.dma_semaphore, #tpu.memory_space<semaphore_mem>>
      %dma_start3A_232 = arith.constant 0 : i32
      %dma_start3A_233 = tpu.memref_slice %arg24[%mul3A_60, %dma_start3A_232] : memref<10112x64xf32, #tpu.memory_space<vmem_shared>> -> memref<632x64xf32, #tpu.memory_space<vmem_shared>>
      tpu.enqueue_dma source(%arg5 : memref<632x64xf32, #tpu.memory_space<hbm>>) target(%dma_start3A_233 : memref<632x64xf32, #tpu.memory_space<vmem_shared>>) target_semaphore(%run_scoped3A : memref<!tpu.dma_semaphore, #tpu.memory_space<semaphore_mem>>)
      %dma_wait3A_234 = arith.constant 0 : i32
      %dma_wait3A_235 = tpu.memref_slice %arg24[%mul3A_60, %dma_wait3A_234] : memref<10112x64xf32, #tpu.memory_space<vmem_shared>> -> memref<632x64xf32, #tpu.memory_space<vmem_shared>>
      tpu.wait_dma2 semaphore(%run_scoped3A : memref<!tpu.dma_semaphore, #tpu.memory_space<semaphore_mem>>) src(%arg5 : memref<632x64xf32, #tpu.memory_space<hbm>>) dst(%dma_wait3A_235 : memref<632x64xf32, #tpu.memory_space<vmem_shared>>)
      tpu.yield
    }) : () -> ()
    %eq3A = arith.constant 15 : i32
    %eq3A_61 = arith.cmpi eq, %arg1, %eq3A : i32
    %convert_element_type3A = arith.extui %eq3A_61 : i1 to i32
    %cond3A = arith.constant 0 : i32
    %cond3A_62 = arith.cmpi ne, %convert_element_type3A, %cond3A : i32
    scf.if %cond3A_62 {
      "tpu.region"() ({
        %run_scoped3A = tpu.sem_alloc : memref<!tpu.dma_semaphore, #tpu.memory_space<semaphore_mem>>
        %dma_start3A_232 = arith.constant 9984 : i32
        %dma_start3A_233 = arith.constant 0 : i32
        %dma_start3A_234 = tpu.memref_slice %arg25[%dma_start3A_232, %dma_start3A_233] : memref<10000x64xf32, #tpu.memory_space<vmem_shared>> -> memref<16x64xf32, #tpu.memory_space<vmem_shared>>
        %dma_start3A_235 = arith.constant 0 : i32
        %dma_start3A_236 = arith.constant 0 : i32
        %dma_start3A_237 = tpu.memref_slice %arg2[%arg0, %dma_start3A_235, %dma_start3A_236] : memref<2x10000x64xf32, #tpu.memory_space<hbm>> -> memref<1x10000x64xf32, #tpu.memory_space<hbm>>
        %dma_start3A_238 = tpu.memref_squeeze %dma_start3A_237 : memref<1x10000x64xf32, #tpu.memory_space<hbm>> -> memref<10000x64xf32, #tpu.memory_space<hbm>>
        %dma_start3A_239 = arith.constant 9984 : i32
        %dma_start3A_240 = arith.constant 0 : i32
        %dma_start3A_241 = tpu.memref_slice %dma_start3A_238[%dma_start3A_239, %dma_start3A_240] : memref<10000x64xf32, #tpu.memory_space<hbm>> -> memref<16x64xf32, #tpu.memory_space<hbm>>
        tpu.enqueue_dma source(%dma_start3A_241 : memref<16x64xf32, #tpu.memory_space<hbm>>) target(%dma_start3A_234 : memref<16x64xf32, #tpu.memory_space<vmem_shared>>) target_semaphore(%run_scoped3A : memref<!tpu.dma_semaphore, #tpu.memory_space<semaphore_mem>>)
        %dma_wait3A_242 = arith.constant 9984 : i32
        %dma_wait3A_243 = arith.constant 0 : i32
        %dma_wait3A_244 = tpu.memref_slice %arg25[%dma_wait3A_242, %dma_wait3A_243] : memref<10000x64xf32, #tpu.memory_space<vmem_shared>> -> memref<16x64xf32, #tpu.memory_space<vmem_shared>>
        %dma_wait3A_245 = arith.constant 0 : i32
        %dma_wait3A_246 = arith.constant 0 : i32
        %dma_wait3A_247 = tpu.memref_slice %arg2[%arg0, %dma_wait3A_245, %dma_wait3A_246] : memref<2x10000x64xf32, #tpu.memory_space<hbm>> -> memref<1x10000x64xf32, #tpu.memory_space<hbm>>
        %dma_wait3A_248 = tpu.memref_squeeze %dma_wait3A_247 : memref<1x10000x64xf32, #tpu.memory_space<hbm>> -> memref<10000x64xf32, #tpu.memory_space<hbm>>
        %dma_wait3A_249 = arith.constant 9984 : i32
        %dma_wait3A_250 = arith.constant 0 : i32
        %dma_wait3A_251 = tpu.memref_slice %dma_wait3A_248[%dma_wait3A_249, %dma_wait3A_250] : memref<10000x64xf32, #tpu.memory_space<hbm>> -> memref<16x64xf32, #tpu.memory_space<hbm>>
        tpu.wait_dma2 semaphore(%run_scoped3A : memref<!tpu.dma_semaphore, #tpu.memory_space<semaphore_mem>>) src(%dma_wait3A_251 : memref<16x64xf32, #tpu.memory_space<hbm>>) dst(%dma_wait3A_244 : memref<16x64xf32, #tpu.memory_space<vmem_shared>>)
        tpu.yield
      }) : () -> ()
    } else {
    }
    %dma_wait3A = arith.constant 0 : i32
    %dma_wait3A_63 = tpu.memref_slice %arg25[%mul3A_50, %dma_wait3A] : memref<10000x64xf32, #tpu.memory_space<vmem_shared>> -> memref<624x64xf32, #tpu.memory_space<vmem_shared>>
    %dma_wait3A_64 = arith.constant 0 : i32
    %dma_wait3A_65 = arith.constant 0 : i32
    %dma_wait3A_66 = tpu.memref_slice %arg2[%arg0, %dma_wait3A_64, %dma_wait3A_65] : memref<2x10000x64xf32, #tpu.memory_space<hbm>> -> memref<1x10000x64xf32, #tpu.memory_space<hbm>>
    %dma_wait3A_67 = tpu.memref_squeeze %dma_wait3A_66 : memref<1x10000x64xf32, #tpu.memory_space<hbm>> -> memref<10000x64xf32, #tpu.memory_space<hbm>>
    %dma_wait3A_68 = arith.constant 0 : i32
    %dma_wait3A_69 = tpu.memref_slice %dma_wait3A_67[%mul3A_50, %dma_wait3A_68] : memref<10000x64xf32, #tpu.memory_space<hbm>> -> memref<624x64xf32, #tpu.memory_space<hbm>>
    tpu.wait_dma2 semaphore(%arg23 : memref<!tpu.dma_semaphore, #tpu.memory_space<semaphore_mem>>) src(%dma_wait3A_69 : memref<624x64xf32, #tpu.memory_space<hbm>>) dst(%dma_wait3A_63 : memref<624x64xf32, #tpu.memory_space<vmem_shared>>)
    %multiple_of3A_70 = arith.constant 0 : i32
    %multiple_of3A_71 = tpu.assume_multiple %multiple_of3A_70, 2560 : i32
    %dma_wait3A_72 = arith.constant 0 : i32
    %dma_wait3A_73 = tpu.memref_slice %arg7[%dma_wait3A_72] : memref<5120xi32, #tpu.memory_space<vmem>> -> memref<2560xi32, #tpu.memory_space<vmem>>
    %dma_wait3A_74 = arith.constant 0 : i32
    %dma_wait3A_75 = tpu.memref_slice %arg3[%arg1, %dma_wait3A_74] : memref<16x20480xi32, #tpu.memory_space<hbm>> -> memref<1x20480xi32, #tpu.memory_space<hbm>>
    %dma_wait3A_76 = tpu.memref_squeeze %dma_wait3A_75 : memref<1x20480xi32, #tpu.memory_space<hbm>> -> memref<20480xi32, #tpu.memory_space<hbm>>
    %dma_wait3A_77 = tpu.memref_slice %dma_wait3A_76[%multiple_of3A_71] : memref<20480xi32, #tpu.memory_space<hbm>> -> memref<2560xi32, #tpu.memory_space<hbm>>
    %dma_wait3A_78 = arith.constant 0 : i32
    %dma_wait3A_79 = tpu.memref_slice %arg7[%dma_wait3A_78] : memref<5120xi32, #tpu.memory_space<vmem>> -> memref<2560xi32, #tpu.memory_space<vmem>>
    %dma_wait3A_80 = arith.constant 0 : i32
    %dma_wait3A_81 = tpu.memref_slice %arg3[%arg1, %dma_wait3A_80] : memref<16x20480xi32, #tpu.memory_space<hbm>> -> memref<1x20480xi32, #tpu.memory_space<hbm>>
    %dma_wait3A_82 = tpu.memref_squeeze %dma_wait3A_81 : memref<1x20480xi32, #tpu.memory_space<hbm>> -> memref<20480xi32, #tpu.memory_space<hbm>>
    %dma_wait3A_83 = tpu.memref_slice %dma_wait3A_82[%multiple_of3A_71] : memref<20480xi32, #tpu.memory_space<hbm>> -> memref<2560xi32, #tpu.memory_space<hbm>>
    tpu.wait_dma2 semaphore(%arg21 : memref<!tpu.dma_semaphore, #tpu.memory_space<semaphore_mem>>) src(%dma_wait3A_83 : memref<2560xi32, #tpu.memory_space<hbm>>) dst(%dma_wait3A_79 : memref<2560xi32, #tpu.memory_space<vmem>>)
    %dma_wait3A_84 = arith.constant 0 : i32
    %dma_wait3A_85 = tpu.memref_slice %arg8[%dma_wait3A_84] : memref<5120xi32, #tpu.memory_space<vmem>> -> memref<2560xi32, #tpu.memory_space<vmem>>
    %dma_wait3A_86 = arith.constant 0 : i32
    %dma_wait3A_87 = tpu.memref_slice %arg4[%arg1, %dma_wait3A_86] : memref<16x20480xi32, #tpu.memory_space<hbm>> -> memref<1x20480xi32, #tpu.memory_space<hbm>>
    %dma_wait3A_88 = tpu.memref_squeeze %dma_wait3A_87 : memref<1x20480xi32, #tpu.memory_space<hbm>> -> memref<20480xi32, #tpu.memory_space<hbm>>
    %dma_wait3A_89 = tpu.memref_slice %dma_wait3A_88[%multiple_of3A_71] : memref<20480xi32, #tpu.memory_space<hbm>> -> memref<2560xi32, #tpu.memory_space<hbm>>
    %dma_wait3A_90 = arith.constant 0 : i32
    %dma_wait3A_91 = tpu.memref_slice %arg8[%dma_wait3A_90] : memref<5120xi32, #tpu.memory_space<vmem>> -> memref<2560xi32, #tpu.memory_space<vmem>>
    %dma_wait3A_92 = arith.constant 0 : i32
    %dma_wait3A_93 = tpu.memref_slice %arg4[%arg1, %dma_wait3A_92] : memref<16x20480xi32, #tpu.memory_space<hbm>> -> memref<1x20480xi32, #tpu.memory_space<hbm>>
    %dma_wait3A_94 = tpu.memref_squeeze %dma_wait3A_93 : memref<1x20480xi32, #tpu.memory_space<hbm>> -> memref<20480xi32, #tpu.memory_space<hbm>>
    %dma_wait3A_95 = tpu.memref_slice %dma_wait3A_94[%multiple_of3A_71] : memref<20480xi32, #tpu.memory_space<hbm>> -> memref<2560xi32, #tpu.memory_space<hbm>>
    tpu.wait_dma2 semaphore(%arg21 : memref<!tpu.dma_semaphore, #tpu.memory_space<semaphore_mem>>) src(%dma_wait3A_95 : memref<2560xi32, #tpu.memory_space<hbm>>) dst(%dma_wait3A_91 : memref<2560xi32, #tpu.memory_space<vmem>>)
    %barrier3A = arith.constant 0 : index
    tpu.barrier barrier_id(%barrier3A)
    %multiple_of3A_96 = arith.constant 0 : i32
    %multiple_of3A_97 = tpu.assume_multiple %multiple_of3A_96, 128 : i32
    %dma_start3A_98 = tpu.memref_slice %arg7[%multiple_of3A_97] : memref<5120xi32, #tpu.memory_space<vmem>> -> memref<128xi32, #tpu.memory_space<vmem>>
    %dma_start3A_99 = arith.constant 0 : i32
    %dma_start3A_100 = arith.constant 0 : i32
    %dma_start3A_101 = tpu.memref_slice %arg25[%dma_start3A_99, %dma_start3A_100] : memref<10000x64xf32, #tpu.memory_space<vmem_shared>> -> memref<10000x64xf32, #tpu.memory_space<vmem_shared>>
    tpu.enqueue_indirect_dma source(%dma_start3A_101 : memref<10000x64xf32, #tpu.memory_space<vmem_shared>>) target(%arg9 : memref<128x64xf32, #tpu.memory_space<vmem>>) offsets(%dma_start3A_98 : memref<128xi32, #tpu.memory_space<vmem>>) semaphore(%arg13 : memref<!tpu.dma_semaphore, #tpu.memory_space<semaphore_mem>>)
    %multiple_of3A_102 = arith.constant 128 : i32
    %multiple_of3A_103 = tpu.assume_multiple %multiple_of3A_102, 128 : i32
    %dma_start3A_104 = tpu.memref_slice %arg7[%multiple_of3A_103] : memref<5120xi32, #tpu.memory_space<vmem>> -> memref<128xi32, #tpu.memory_space<vmem>>
    %dma_start3A_105 = arith.constant 0 : i32
    %dma_start3A_106 = arith.constant 0 : i32
    %dma_start3A_107 = tpu.memref_slice %arg25[%dma_start3A_105, %dma_start3A_106] : memref<10000x64xf32, #tpu.memory_space<vmem_shared>> -> memref<10000x64xf32, #tpu.memory_space<vmem_shared>>
    tpu.enqueue_indirect_dma source(%dma_start3A_107 : memref<10000x64xf32, #tpu.memory_space<vmem_shared>>) target(%arg10 : memref<128x64xf32, #tpu.memory_space<vmem>>) offsets(%dma_start3A_104 : memref<128xi32, #tpu.memory_space<vmem>>) semaphore(%arg14 : memref<!tpu.dma_semaphore, #tpu.memory_space<semaphore_mem>>)
    %multiple_of3A_108 = arith.constant 256 : i32
    %multiple_of3A_109 = tpu.assume_multiple %multiple_of3A_108, 128 : i32
    %dma_start3A_110 = tpu.memref_slice %arg7[%multiple_of3A_109] : memref<5120xi32, #tpu.memory_space<vmem>> -> memref<128xi32, #tpu.memory_space<vmem>>
    %dma_start3A_111 = arith.constant 0 : i32
    %dma_start3A_112 = arith.constant 0 : i32
    %dma_start3A_113 = tpu.memref_slice %arg25[%dma_start3A_111, %dma_start3A_112] : memref<10000x64xf32, #tpu.memory_space<vmem_shared>> -> memref<10000x64xf32, #tpu.memory_space<vmem_shared>>
    tpu.enqueue_indirect_dma source(%dma_start3A_113 : memref<10000x64xf32, #tpu.memory_space<vmem_shared>>) target(%arg11 : memref<128x64xf32, #tpu.memory_space<vmem>>) offsets(%dma_start3A_110 : memref<128xi32, #tpu.memory_space<vmem>>) semaphore(%arg15 : memref<!tpu.dma_semaphore, #tpu.memory_space<semaphore_mem>>)
    %multiple_of3A_114 = arith.constant 0 : i32
    %multiple_of3A_115 = tpu.assume_multiple %multiple_of3A_114, 128 : i32
    %dma_wait3A_116 = tpu.memref_slice %arg7[%multiple_of3A_115] : memref<5120xi32, #tpu.memory_space<vmem>> -> memref<128xi32, #tpu.memory_space<vmem>>
    %dma_wait3A_117 = arith.constant 0 : i32
    %dma_wait3A_118 = arith.constant 0 : i32
    %dma_wait3A_119 = tpu.memref_slice %arg25[%dma_wait3A_117, %dma_wait3A_118] : memref<10000x64xf32, #tpu.memory_space<vmem_shared>> -> memref<10000x64xf32, #tpu.memory_space<vmem_shared>>
    tpu.wait_indirect_dma semaphore(%arg13 : memref<!tpu.dma_semaphore, #tpu.memory_space<semaphore_mem>>) src(%dma_wait3A_119 : memref<10000x64xf32, #tpu.memory_space<vmem_shared>>) dst(%arg9 : memref<128x64xf32, #tpu.memory_space<vmem>>)
    %multiple_of3A_120 = arith.constant 0 : i32
    %multiple_of3A_121 = tpu.assume_multiple %multiple_of3A_120, 128 : i32
    %dma_start3A_122 = tpu.memref_slice %arg8[%multiple_of3A_121] : memref<5120xi32, #tpu.memory_space<vmem>> -> memref<128xi32, #tpu.memory_space<vmem>>
    %dma_start3A_123 = arith.constant 0 : i32
    %dma_start3A_124 = arith.constant 0 : i32
    %dma_start3A_125 = tpu.memref_slice %arg24[%dma_start3A_123, %dma_start3A_124] : memref<10112x64xf32, #tpu.memory_space<vmem_shared>> -> memref<10112x64xf32, #tpu.memory_space<vmem_shared>>
    tpu.enqueue_indirect_dma source(%arg9 : memref<128x64xf32, #tpu.memory_space<vmem>>) target(%dma_start3A_125 : memref<10112x64xf32, #tpu.memory_space<vmem_shared>>) offsets(%dma_start3A_122 : memref<128xi32, #tpu.memory_space<vmem>>) semaphore(%arg17 : memref<!tpu.dma_semaphore, #tpu.memory_space<semaphore_mem>>) {add = true}
    %multiple_of3A_126 = arith.constant 384 : i32
    %multiple_of3A_127 = tpu.assume_multiple %multiple_of3A_126, 128 : i32
    %dma_start3A_128 = tpu.memref_slice %arg7[%multiple_of3A_127] : memref<5120xi32, #tpu.memory_space<vmem>> -> memref<128xi32, #tpu.memory_space<vmem>>
    %dma_start3A_129 = arith.constant 0 : i32
    %dma_start3A_130 = arith.constant 0 : i32
    %dma_start3A_131 = tpu.memref_slice %arg25[%dma_start3A_129, %dma_start3A_130] : memref<10000x64xf32, #tpu.memory_space<vmem_shared>> -> memref<10000x64xf32, #tpu.memory_space<vmem_shared>>
    tpu.enqueue_indirect_dma source(%dma_start3A_131 : memref<10000x64xf32, #tpu.memory_space<vmem_shared>>) target(%arg12 : memref<128x64xf32, #tpu.memory_space<vmem>>) offsets(%dma_start3A_128 : memref<128xi32, #tpu.memory_space<vmem>>) semaphore(%arg16 : memref<!tpu.dma_semaphore, #tpu.memory_space<semaphore_mem>>)
    %multiple_of3A_132 = arith.constant 128 : i32
    %multiple_of3A_133 = tpu.assume_multiple %multiple_of3A_132, 128 : i32
    %dma_wait3A_134 = tpu.memref_slice %arg7[%multiple_of3A_133] : memref<5120xi32, #tpu.memory_space<vmem>> -> memref<128xi32, #tpu.memory_space<vmem>>
    %dma_wait3A_135 = arith.constant 0 : i32
    %dma_wait3A_136 = arith.constant 0 : i32
    %dma_wait3A_137 = tpu.memref_slice %arg25[%dma_wait3A_135, %dma_wait3A_136] : memref<10000x64xf32, #tpu.memory_space<vmem_shared>> -> memref<10000x64xf32, #tpu.memory_space<vmem_shared>>
    tpu.wait_indirect_dma semaphore(%arg14 : memref<!tpu.dma_semaphore, #tpu.memory_space<semaphore_mem>>) src(%dma_wait3A_137 : memref<10000x64xf32, #tpu.memory_space<vmem_shared>>) dst(%arg10 : memref<128x64xf32, #tpu.memory_space<vmem>>)
    %multiple_of3A_138 = arith.constant 128 : i32
    %multiple_of3A_139 = tpu.assume_multiple %multiple_of3A_138, 128 : i32
    %dma_start3A_140 = tpu.memref_slice %arg8[%multiple_of3A_139] : memref<5120xi32, #tpu.memory_space<vmem>> -> memref<128xi32, #tpu.memory_space<vmem>>
    %dma_start3A_141 = arith.constant 0 : i32
    %dma_start3A_142 = arith.constant 0 : i32
    %dma_start3A_143 = tpu.memref_slice %arg24[%dma_start3A_141, %dma_start3A_142] : memref<10112x64xf32, #tpu.memory_space<vmem_shared>> -> memref<10112x64xf32, #tpu.memory_space<vmem_shared>>
    tpu.enqueue_indirect_dma source(%arg10 : memref<128x64xf32, #tpu.memory_space<vmem>>) target(%dma_start3A_143 : memref<10112x64xf32, #tpu.memory_space<vmem_shared>>) offsets(%dma_start3A_140 : memref<128xi32, #tpu.memory_space<vmem>>) semaphore(%arg18 : memref<!tpu.dma_semaphore, #tpu.memory_space<semaphore_mem>>) {add = true}
    %multiple_of3A_144 = arith.constant 0 : i32
    %multiple_of3A_145 = tpu.assume_multiple %multiple_of3A_144, 128 : i32
    %dma_wait3A_146 = tpu.memref_slice %arg8[%multiple_of3A_145] : memref<5120xi32, #tpu.memory_space<vmem>> -> memref<128xi32, #tpu.memory_space<vmem>>
    %dma_wait3A_147 = arith.constant 0 : i32
    %dma_wait3A_148 = arith.constant 0 : i32
    %dma_wait3A_149 = tpu.memref_slice %arg24[%dma_wait3A_147, %dma_wait3A_148] : memref<10112x64xf32, #tpu.memory_space<vmem_shared>> -> memref<10112x64xf32, #tpu.memory_space<vmem_shared>>
    tpu.wait_indirect_dma semaphore(%arg17 : memref<!tpu.dma_semaphore, #tpu.memory_space<semaphore_mem>>) src(%arg9 : memref<128x64xf32, #tpu.memory_space<vmem>>) dst(%dma_wait3A_149 : memref<10112x64xf32, #tpu.memory_space<vmem_shared>>)
    %multiple_of3A_150 = arith.constant 512 : i32
    %multiple_of3A_151 = tpu.assume_multiple %multiple_of3A_150, 128 : i32
    %dma_start3A_152 = tpu.memref_slice %arg7[%multiple_of3A_151] : memref<5120xi32, #tpu.memory_space<vmem>> -> memref<128xi32, #tpu.memory_space<vmem>>
    %dma_start3A_153 = arith.constant 0 : i32
    %dma_start3A_154 = arith.constant 0 : i32
    %dma_start3A_155 = tpu.memref_slice %arg25[%dma_start3A_153, %dma_start3A_154] : memref<10000x64xf32, #tpu.memory_space<vmem_shared>> -> memref<10000x64xf32, #tpu.memory_space<vmem_shared>>
    tpu.enqueue_indirect_dma source(%dma_start3A_155 : memref<10000x64xf32, #tpu.memory_space<vmem_shared>>) target(%arg9 : memref<128x64xf32, #tpu.memory_space<vmem>>) offsets(%dma_start3A_152 : memref<128xi32, #tpu.memory_space<vmem>>) semaphore(%arg13 : memref<!tpu.dma_semaphore, #tpu.memory_space<semaphore_mem>>)
    %multiple_of3A_156 = arith.constant 256 : i32
    %multiple_of3A_157 = tpu.assume_multiple %multiple_of3A_156, 128 : i32
    %dma_wait3A_158 = tpu.memref_slice %arg7[%multiple_of3A_157] : memref<5120xi32, #tpu.memory_space<vmem>> -> memref<128xi32, #tpu.memory_space<vmem>>
    %dma_wait3A_159 = arith.constant 0 : i32
    %dma_wait3A_160 = arith.constant 0 : i32
    %dma_wait3A_161 = tpu.memref_slice %arg25[%dma_wait3A_159, %dma_wait3A_160] : memref<10000x64xf32, #tpu.memory_space<vmem_shared>> -> memref<10000x64xf32, #tpu.memory_space<vmem_shared>>
    tpu.wait_indirect_dma semaphore(%arg15 : memref<!tpu.dma_semaphore, #tpu.memory_space<semaphore_mem>>) src(%dma_wait3A_161 : memref<10000x64xf32, #tpu.memory_space<vmem_shared>>) dst(%arg11 : memref<128x64xf32, #tpu.memory_space<vmem>>)
    %multiple_of3A_162 = arith.constant 256 : i32
    %multiple_of3A_163 = tpu.assume_multiple %multiple_of3A_162, 128 : i32
    %dma_start3A_164 = tpu.memref_slice %arg8[%multiple_of3A_163] : memref<5120xi32, #tpu.memory_space<vmem>> -> memref<128xi32, #tpu.memory_space<vmem>>
    %dma_start3A_165 = arith.constant 0 : i32
    %dma_start3A_166 = arith.constant 0 : i32
    %dma_start3A_167 = tpu.memref_slice %arg24[%dma_start3A_165, %dma_start3A_166] : memref<10112x64xf32, #tpu.memory_space<vmem_shared>> -> memref<10112x64xf32, #tpu.memory_space<vmem_shared>>
    tpu.enqueue_indirect_dma source(%arg11 : memref<128x64xf32, #tpu.memory_space<vmem>>) target(%dma_start3A_167 : memref<10112x64xf32, #tpu.memory_space<vmem_shared>>) offsets(%dma_start3A_164 : memref<128xi32, #tpu.memory_space<vmem>>) semaphore(%arg19 : memref<!tpu.dma_semaphore, #tpu.memory_space<semaphore_mem>>) {add = true}
    %multiple_of3A_168 = arith.constant 128 : i32
    %multiple_of3A_169 = tpu.assume_multiple %multiple_of3A_168, 128 : i32
    %dma_wait3A_170 = tpu.memref_slice %arg8[%multiple_of3A_169] : memref<5120xi32, #tpu.memory_space<vmem>> -> memref<128xi32, #tpu.memory_space<vmem>>
    %dma_wait3A_171 = arith.constant 0 : i32
    %dma_wait3A_172 = arith.constant 0 : i32
    %dma_wait3A_173 = tpu.memref_slice %arg24[%dma_wait3A_171, %dma_wait3A_172] : memref<10112x64xf32, #tpu.memory_space<vmem_shared>> -> memref<10112x64xf32, #tpu.memory_space<vmem_shared>>
    tpu.wait_indirect_dma semaphore(%arg18 : memref<!tpu.dma_semaphore, #tpu.memory_space<semaphore_mem>>) src(%arg10 : memref<128x64xf32, #tpu.memory_space<vmem>>) dst(%dma_wait3A_173 : memref<10112x64xf32, #tpu.memory_space<vmem_shared>>)
    %multiple_of3A_174 = arith.constant 640 : i32
    %multiple_of3A_175 = tpu.assume_multiple %multiple_of3A_174, 128 : i32
    %dma_start3A_176 = tpu.memref_slice %arg7[%multiple_of3A_175] : memref<5120xi32, #tpu.memory_space<vmem>> -> memref<128xi32, #tpu.memory_space<vmem>>
    %dma_start3A_177 = arith.constant 0 : i32
    %dma_start3A_178 = arith.constant 0 : i32
    %dma_start3A_179 = tpu.memref_slice %arg25[%dma_start3A_177, %dma_start3A_178] : memref<10000x64xf32, #tpu.memory_space<vmem_shared>> -> memref<10000x64xf32, #tpu.memory_space<vmem_shared>>
    tpu.enqueue_indirect_dma source(%dma_start3A_179 : memref<10000x64xf32, #tpu.memory_space<vmem_shared>>) target(%arg10 : memref<128x64xf32, #tpu.memory_space<vmem>>) offsets(%dma_start3A_176 : memref<128xi32, #tpu.memory_space<vmem>>) semaphore(%arg14 : memref<!tpu.dma_semaphore, #tpu.memory_space<semaphore_mem>>)
    %multiple_of3A_180 = arith.constant 384 : i32
    %multiple_of3A_181 = tpu.assume_multiple %multiple_of3A_180, 128 : i32
    %dma_wait3A_182 = tpu.memref_slice %arg7[%multiple_of3A_181] : memref<5120xi32, #tpu.memory_space<vmem>> -> memref<128xi32, #tpu.memory_space<vmem>>
    %dma_wait3A_183 = arith.constant 0 : i32
    %dma_wait3A_184 = arith.constant 0 : i32
    %dma_wait3A_185 = tpu.memref_slice %arg25[%dma_wait3A_183, %dma_wait3A_184] : memref<10000x64xf32, #tpu.memory_space<vmem_shared>> -> memref<10000x64xf32, #tpu.memory_space<vmem_shared>>
    tpu.wait_indirect_dma semaphore(%arg16 : memref<!tpu.dma_semaphore, #tpu.memory_space<semaphore_mem>>) src(%dma_wait3A_185 : memref<10000x64xf32, #tpu.memory_space<vmem_shared>>) dst(%arg12 : memref<128x64xf32, #tpu.memory_space<vmem>>)
    %multiple_of3A_186 = arith.constant 384 : i32
    %multiple_of3A_187 = tpu.assume_multiple %multiple_of3A_186, 128 : i32
    %dma_start3A_188 = tpu.memref_slice %arg8[%multiple_of3A_187] : memref<5120xi32, #tpu.memory_space<vmem>> -> memref<128xi32, #tpu.memory_space<vmem>>
    %dma_start3A_189 = arith.constant 0 : i32
    %dma_start3A_190 = arith.constant 0 : i32
    %dma_start3A_191 = tpu.memref_slice %arg24[%dma_start3A_189, %dma_start3A_190] : memref<10112x64xf32, #tpu.memory_space<vmem_shared>> -> memref<10112x64xf32, #tpu.memory_space<vmem_shared>>
    tpu.enqueue_indirect_dma source(%arg12 : memref<128x64xf32, #tpu.memory_space<vmem>>) target(%dma_start3A_191 : memref<10112x64xf32, #tpu.memory_space<vmem_shared>>) offsets(%dma_start3A_188 : memref<128xi32, #tpu.memory_space<vmem>>) semaphore(%arg20 : memref<!tpu.dma_semaphore, #tpu.memory_space<semaphore_mem>>) {add = true}
    %scan3A = arith.constant 0 : i32
    %scan3A_192 = arith.constant 1 : i32
    %scan3A_193 = arith.constant 39 : i32
    %scan3A_194 = arith.addi %scan3A_192, %scan3A_193 : i32
    %scan3A_195 = arith.constant 1 : i32
    %scan3A_196 = scf.for %scan3A_232 = %scan3A_192 to %scan3A_194 step %scan3A_195 iter_args(%scan3A_233 = %scan3A) -> (i32)  : i32 {
      %mul3A_234 = arith.constant 4 : i32
      %mul3A_235 = arith.muli %scan3A_232, %mul3A_234 : i32
      %add3A = arith.constant 0 : i32
      %add3A_236 = arith.addi %mul3A_235, %add3A : i32
      %add3A_237 = arith.constant 2 : i32
      %add3A_238 = arith.addi %add3A_236, %add3A_237 : i32
      %le3A = arith.constant 159 : i32
      %le3A_239 = arith.cmpi sle, %add3A_238, %le3A : i32
      %convert_element_type3A_240 = arith.extui %le3A_239 : i1 to i32
      %cond3A_241 = arith.constant 0 : i32
      %cond3A_242 = arith.cmpi ne, %convert_element_type3A_240, %cond3A_241 : i32
      scf.if %cond3A_242 {
        %sub3A = arith.constant 2 : i32
        %sub3A_545 = arith.subi %add3A_236, %sub3A : i32
        %jit3A_546 = arith.constant 40 : i32
        %eq3A_547 = arith.constant 0 : i32
        %eq3A_548 = arith.cmpi eq, %jit3A_546, %eq3A_547 : i32
        %jit3A_549 = arith.constant 1 : i32
        %select_n3A_550 = arith.select %eq3A_548, %jit3A_549, %jit3A_546 : i32
        %rem3A_551 = arith.remsi %sub3A_545, %select_n3A_550 : i32
        %ne3A_552 = arith.constant 0 : i32
        %ne3A_553 = arith.cmpi ne, %rem3A_551, %ne3A_552 : i32
        %lt3A_554 = arith.constant 0 : i32
        %lt3A_555 = arith.cmpi slt, %rem3A_551, %lt3A_554 : i32
        %lt3A_556 = arith.constant 0 : i32
        %lt3A_557 = arith.cmpi slt, %select_n3A_550, %lt3A_556 : i32
        %ne3A_558 = arith.xori %lt3A_555, %lt3A_557 : i1
        %and3A_559 = arith.andi %ne3A_558, %ne3A_553 : i1
        %add3A_560 = arith.addi %rem3A_551, %select_n3A_550 : i32
        %select_n3A_561 = arith.select %and3A_559, %add3A_560, %rem3A_551 : i32
        %mul3A_562 = arith.constant 128 : i32
        %mul3A_563 = arith.muli %select_n3A_561, %mul3A_562 : i32
        %multiple_of3A_564 = tpu.assume_multiple %mul3A_563, 128 : i32
        %dma_wait3A_565 = tpu.memref_slice %arg8[%multiple_of3A_564] : memref<5120xi32, #tpu.memory_space<vmem>> -> memref<128xi32, #tpu.memory_space<vmem>>
        %dma_wait3A_566 = arith.constant 0 : i32
        %dma_wait3A_567 = arith.constant 0 : i32
        %dma_wait3A_568 = tpu.memref_slice %arg24[%dma_wait3A_566, %dma_wait3A_567] : memref<10112x64xf32, #tpu.memory_space<vmem_shared>> -> memref<10112x64xf32, #tpu.memory_space<vmem_shared>>
        tpu.wait_indirect_dma semaphore(%arg19 : memref<!tpu.dma_semaphore, #tpu.memory_space<semaphore_mem>>) src(%arg11 : memref<128x64xf32, #tpu.memory_space<vmem>>) dst(%dma_wait3A_568 : memref<10112x64xf32, #tpu.memory_space<vmem_shared>>)
        %add3A_569 = arith.constant 2 : i32
        %add3A_570 = arith.addi %add3A_236, %add3A_569 : i32
        %jit3A_571 = arith.constant 40 : i32
        %eq3A_572 = arith.constant 0 : i32
        %eq3A_573 = arith.cmpi eq, %jit3A_571, %eq3A_572 : i32
        %jit3A_574 = arith.constant 1 : i32
        %select_n3A_575 = arith.select %eq3A_573, %jit3A_574, %jit3A_571 : i32
        %rem3A_576 = arith.remsi %add3A_570, %select_n3A_575 : i32
        %ne3A_577 = arith.constant 0 : i32
        %ne3A_578 = arith.cmpi ne, %rem3A_576, %ne3A_577 : i32
        %lt3A_579 = arith.constant 0 : i32
        %lt3A_580 = arith.cmpi slt, %rem3A_576, %lt3A_579 : i32
        %lt3A_581 = arith.constant 0 : i32
        %lt3A_582 = arith.cmpi slt, %select_n3A_575, %lt3A_581 : i32
        %ne3A_583 = arith.xori %lt3A_580, %lt3A_582 : i1
        %and3A_584 = arith.andi %ne3A_583, %ne3A_578 : i1
        %add3A_585 = arith.addi %rem3A_576, %select_n3A_575 : i32
        %select_n3A_586 = arith.select %and3A_584, %add3A_585, %rem3A_576 : i32
        %mul3A_587 = arith.constant 128 : i32
        %mul3A_588 = arith.muli %select_n3A_586, %mul3A_587 : i32
        %multiple_of3A_589 = tpu.assume_multiple %mul3A_588, 128 : i32
        %dma_start3A_590 = tpu.memref_slice %arg7[%multiple_of3A_589] : memref<5120xi32, #tpu.memory_space<vmem>> -> memref<128xi32, #tpu.memory_space<vmem>>
        %dma_start3A_591 = arith.constant 0 : i32
        %dma_start3A_592 = arith.constant 0 : i32
        %dma_start3A_593 = tpu.memref_slice %arg25[%dma_start3A_591, %dma_start3A_592] : memref<10000x64xf32, #tpu.memory_space<vmem_shared>> -> memref<10000x64xf32, #tpu.memory_space<vmem_shared>>
        tpu.enqueue_indirect_dma source(%dma_start3A_593 : memref<10000x64xf32, #tpu.memory_space<vmem_shared>>) target(%arg11 : memref<128x64xf32, #tpu.memory_space<vmem>>) offsets(%dma_start3A_590 : memref<128xi32, #tpu.memory_space<vmem>>) semaphore(%arg15 : memref<!tpu.dma_semaphore, #tpu.memory_space<semaphore_mem>>)
      } else {
      }
      %jit3A = arith.constant 40 : i32
      %eq3A_243 = arith.constant 0 : i32
      %eq3A_244 = arith.cmpi eq, %jit3A, %eq3A_243 : i32
      %jit3A_245 = arith.constant 1 : i32
      %select_n3A = arith.select %eq3A_244, %jit3A_245, %jit3A : i32
      %rem3A = arith.remsi %add3A_236, %select_n3A : i32
      %ne3A = arith.constant 0 : i32
      %ne3A_246 = arith.cmpi ne, %rem3A, %ne3A : i32
      %lt3A = arith.constant 0 : i32
      %lt3A_247 = arith.cmpi slt, %rem3A, %lt3A : i32
      %lt3A_248 = arith.constant 0 : i32
      %lt3A_249 = arith.cmpi slt, %select_n3A, %lt3A_248 : i32
      %ne3A_250 = arith.xori %lt3A_247, %lt3A_249 : i1
      %and3A = arith.andi %ne3A_250, %ne3A_246 : i1
      %add3A_251 = arith.addi %rem3A, %select_n3A : i32
      %select_n3A_252 = arith.select %and3A, %add3A_251, %rem3A : i32
      %mul3A_253 = arith.constant 128 : i32
      %mul3A_254 = arith.muli %select_n3A_252, %mul3A_253 : i32
      %multiple_of3A_255 = tpu.assume_multiple %mul3A_254, 128 : i32
      %dma_wait3A_256 = tpu.memref_slice %arg7[%multiple_of3A_255] : memref<5120xi32, #tpu.memory_space<vmem>> -> memref<128xi32, #tpu.memory_space<vmem>>
      %dma_wait3A_257 = arith.constant 0 : i32
      %dma_wait3A_258 = arith.constant 0 : i32
      %dma_wait3A_259 = tpu.memref_slice %arg25[%dma_wait3A_257, %dma_wait3A_258] : memref<10000x64xf32, #tpu.memory_space<vmem_shared>> -> memref<10000x64xf32, #tpu.memory_space<vmem_shared>>
      tpu.wait_indirect_dma semaphore(%arg13 : memref<!tpu.dma_semaphore, #tpu.memory_space<semaphore_mem>>) src(%dma_wait3A_259 : memref<10000x64xf32, #tpu.memory_space<vmem_shared>>) dst(%arg9 : memref<128x64xf32, #tpu.memory_space<vmem>>)
      %jit3A_260 = arith.constant 40 : i32
      %eq3A_261 = arith.constant 0 : i32
      %eq3A_262 = arith.cmpi eq, %jit3A_260, %eq3A_261 : i32
      %jit3A_263 = arith.constant 1 : i32
      %select_n3A_264 = arith.select %eq3A_262, %jit3A_263, %jit3A_260 : i32
      %rem3A_265 = arith.remsi %add3A_236, %select_n3A_264 : i32
      %ne3A_266 = arith.constant 0 : i32
      %ne3A_267 = arith.cmpi ne, %rem3A_265, %ne3A_266 : i32
      %lt3A_268 = arith.constant 0 : i32
      %lt3A_269 = arith.cmpi slt, %rem3A_265, %lt3A_268 : i32
      %lt3A_270 = arith.constant 0 : i32
      %lt3A_271 = arith.cmpi slt, %select_n3A_264, %lt3A_270 : i32
      %ne3A_272 = arith.xori %lt3A_269, %lt3A_271 : i1
      %and3A_273 = arith.andi %ne3A_272, %ne3A_267 : i1
      %add3A_274 = arith.addi %rem3A_265, %select_n3A_264 : i32
      %select_n3A_275 = arith.select %and3A_273, %add3A_274, %rem3A_265 : i32
      %mul3A_276 = arith.constant 128 : i32
      %mul3A_277 = arith.muli %select_n3A_275, %mul3A_276 : i32
      %multiple_of3A_278 = tpu.assume_multiple %mul3A_277, 128 : i32
      %dma_start3A_279 = tpu.memref_slice %arg8[%multiple_of3A_278] : memref<5120xi32, #tpu.memory_space<vmem>> -> memref<128xi32, #tpu.memory_space<vmem>>
      %dma_start3A_280 = arith.constant 0 : i32
      %dma_start3A_281 = arith.constant 0 : i32
      %dma_start3A_282 = tpu.memref_slice %arg24[%dma_start3A_280, %dma_start3A_281] : memref<10112x64xf32, #tpu.memory_space<vmem_shared>> -> memref<10112x64xf32, #tpu.memory_space<vmem_shared>>
      tpu.enqueue_indirect_dma source(%arg9 : memref<128x64xf32, #tpu.memory_space<vmem>>) target(%dma_start3A_282 : memref<10112x64xf32, #tpu.memory_space<vmem_shared>>) offsets(%dma_start3A_279 : memref<128xi32, #tpu.memory_space<vmem>>) semaphore(%arg17 : memref<!tpu.dma_semaphore, #tpu.memory_space<semaphore_mem>>) {add = true}
      %add3A_283 = arith.constant 1 : i32
      %add3A_284 = arith.addi %mul3A_235, %add3A_283 : i32
      %jit3A_285 = arith.constant 10 : i32
      %eq3A_286 = arith.constant 0 : i32
      %eq3A_287 = arith.cmpi eq, %jit3A_285, %eq3A_286 : i32
      %jit3A_288 = arith.constant 1 : i32
      %select_n3A_289 = arith.select %eq3A_287, %jit3A_288, %jit3A_285 : i32
      %rem3A_290 = arith.remsi %scan3A_232, %select_n3A_289 : i32
      %ne3A_291 = arith.constant 0 : i32
      %ne3A_292 = arith.cmpi ne, %rem3A_290, %ne3A_291 : i32
      %lt3A_293 = arith.constant 0 : i32
      %lt3A_294 = arith.cmpi slt, %rem3A_290, %lt3A_293 : i32
      %lt3A_295 = arith.constant 0 : i32
      %lt3A_296 = arith.cmpi slt, %select_n3A_289, %lt3A_295 : i32
      %ne3A_297 = arith.xori %lt3A_294, %lt3A_296 : i1
      %and3A_298 = arith.andi %ne3A_297, %ne3A_292 : i1
      %add3A_299 = arith.addi %rem3A_290, %select_n3A_289 : i32
      %select_n3A_300 = arith.select %and3A_298, %add3A_299, %rem3A_290 : i32
      %eq3A_301 = arith.constant 4 : i32
      %eq3A_302 = arith.cmpi eq, %select_n3A_300, %eq3A_301 : i32
      %le3A_303 = arith.constant 34 : i32
      %le3A_304 = arith.cmpi sle, %scan3A_232, %le3A_303 : i32
      %and3A_305 = arith.andi %eq3A_302, %le3A_304 : i1
      %convert_element_type3A_306 = arith.extui %and3A_305 : i1 to i32
      %cond3A_307 = arith.constant 0 : i32
      %cond3A_308 = arith.cmpi ne, %convert_element_type3A_306, %cond3A_307 : i32
      scf.if %cond3A_308 {
        %add3A_545 = arith.constant 1 : i32
        %add3A_546 = arith.addi %scan3A_232, %add3A_545 : i32
        %jit3A_547 = arith.constant 5 : i32
        %div3A = arith.divsi %add3A_546, %jit3A_547 : i32
        %sign3A = arith.constant 0 : i32
        %sign3A_548 = arith.cmpi sgt, %add3A_546, %sign3A : i32
        %sign3A_549 = arith.extui %sign3A_548 : i1 to i32
        %sign3A_550 = arith.constant 0 : i32
        %sign3A_551 = arith.cmpi slt, %add3A_546, %sign3A_550 : i32
        %sign3A_552 = arith.extui %sign3A_551 : i1 to i32
        %sign3A_553 = arith.subi %sign3A_549, %sign3A_552 : i32
        %sign3A_554 = arith.constant 0 : i32
        %sign3A_555 = arith.cmpi sgt, %jit3A_547, %sign3A_554 : i32
        %sign3A_556 = arith.extui %sign3A_555 : i1 to i32
        %sign3A_557 = arith.constant 0 : i32
        %sign3A_558 = arith.cmpi slt, %jit3A_547, %sign3A_557 : i32
        %sign3A_559 = arith.extui %sign3A_558 : i1 to i32
        %sign3A_560 = arith.subi %sign3A_556, %sign3A_559 : i32
        %ne3A_561 = arith.cmpi ne, %sign3A_553, %sign3A_560 : i32
        %rem3A_562 = arith.remsi %add3A_546, %jit3A_547 : i32
        %ne3A_563 = arith.constant 0 : i32
        %ne3A_564 = arith.cmpi ne, %rem3A_562, %ne3A_563 : i32
        %and3A_565 = arith.andi %ne3A_561, %ne3A_564 : i1
        %sub3A = arith.constant 1 : i32
        %sub3A_566 = arith.subi %div3A, %sub3A : i32
        %select_n3A_567 = arith.select %and3A_565, %sub3A_566, %div3A : i32
        %mul3A_568 = arith.constant 2560 : i32
        %mul3A_569 = arith.muli %select_n3A_567, %mul3A_568 : i32
        %multiple_of3A_570 = tpu.assume_multiple %mul3A_569, 2560 : i32
        %dma_wait3A_571 = arith.constant 2560 : i32
        %dma_wait3A_572 = tpu.memref_slice %arg7[%dma_wait3A_571] : memref<5120xi32, #tpu.memory_space<vmem>> -> memref<2560xi32, #tpu.memory_space<vmem>>
        %dma_wait3A_573 = arith.constant 0 : i32
        %dma_wait3A_574 = tpu.memref_slice %arg3[%arg1, %dma_wait3A_573] : memref<16x20480xi32, #tpu.memory_space<hbm>> -> memref<1x20480xi32, #tpu.memory_space<hbm>>
        %dma_wait3A_575 = tpu.memref_squeeze %dma_wait3A_574 : memref<1x20480xi32, #tpu.memory_space<hbm>> -> memref<20480xi32, #tpu.memory_space<hbm>>
        %dma_wait3A_576 = tpu.memref_slice %dma_wait3A_575[%multiple_of3A_570] : memref<20480xi32, #tpu.memory_space<hbm>> -> memref<2560xi32, #tpu.memory_space<hbm>>
        %dma_wait3A_577 = arith.constant 2560 : i32
        %dma_wait3A_578 = tpu.memref_slice %arg7[%dma_wait3A_577] : memref<5120xi32, #tpu.memory_space<vmem>> -> memref<2560xi32, #tpu.memory_space<vmem>>
        %dma_wait3A_579 = arith.constant 0 : i32
        %dma_wait3A_580 = tpu.memref_slice %arg3[%arg1, %dma_wait3A_579] : memref<16x20480xi32, #tpu.memory_space<hbm>> -> memref<1x20480xi32, #tpu.memory_space<hbm>>
        %dma_wait3A_581 = tpu.memref_squeeze %dma_wait3A_580 : memref<1x20480xi32, #tpu.memory_space<hbm>> -> memref<20480xi32, #tpu.memory_space<hbm>>
        %dma_wait3A_582 = tpu.memref_slice %dma_wait3A_581[%multiple_of3A_570] : memref<20480xi32, #tpu.memory_space<hbm>> -> memref<2560xi32, #tpu.memory_space<hbm>>
        tpu.wait_dma2 semaphore(%arg22 : memref<!tpu.dma_semaphore, #tpu.memory_space<semaphore_mem>>) src(%dma_wait3A_582 : memref<2560xi32, #tpu.memory_space<hbm>>) dst(%dma_wait3A_578 : memref<2560xi32, #tpu.memory_space<vmem>>)
        %dma_wait3A_583 = arith.constant 2560 : i32
        %dma_wait3A_584 = tpu.memref_slice %arg8[%dma_wait3A_583] : memref<5120xi32, #tpu.memory_space<vmem>> -> memref<2560xi32, #tpu.memory_space<vmem>>
        %dma_wait3A_585 = arith.constant 0 : i32
        %dma_wait3A_586 = tpu.memref_slice %arg4[%arg1, %dma_wait3A_585] : memref<16x20480xi32, #tpu.memory_space<hbm>> -> memref<1x20480xi32, #tpu.memory_space<hbm>>
        %dma_wait3A_587 = tpu.memref_squeeze %dma_wait3A_586 : memref<1x20480xi32, #tpu.memory_space<hbm>> -> memref<20480xi32, #tpu.memory_space<hbm>>
        %dma_wait3A_588 = tpu.memref_slice %dma_wait3A_587[%multiple_of3A_570] : memref<20480xi32, #tpu.memory_space<hbm>> -> memref<2560xi32, #tpu.memory_space<hbm>>
        %dma_wait3A_589 = arith.constant 2560 : i32
        %dma_wait3A_590 = tpu.memref_slice %arg8[%dma_wait3A_589] : memref<5120xi32, #tpu.memory_space<vmem>> -> memref<2560xi32, #tpu.memory_space<vmem>>
        %dma_wait3A_591 = arith.constant 0 : i32
        %dma_wait3A_592 = tpu.memref_slice %arg4[%arg1, %dma_wait3A_591] : memref<16x20480xi32, #tpu.memory_space<hbm>> -> memref<1x20480xi32, #tpu.memory_space<hbm>>
        %dma_wait3A_593 = tpu.memref_squeeze %dma_wait3A_592 : memref<1x20480xi32, #tpu.memory_space<hbm>> -> memref<20480xi32, #tpu.memory_space<hbm>>
        %dma_wait3A_594 = tpu.memref_slice %dma_wait3A_593[%multiple_of3A_570] : memref<20480xi32, #tpu.memory_space<hbm>> -> memref<2560xi32, #tpu.memory_space<hbm>>
        tpu.wait_dma2 semaphore(%arg22 : memref<!tpu.dma_semaphore, #tpu.memory_space<semaphore_mem>>) src(%dma_wait3A_594 : memref<2560xi32, #tpu.memory_space<hbm>>) dst(%dma_wait3A_590 : memref<2560xi32, #tpu.memory_space<vmem>>)
      } else {
      }
      %jit3A_309 = arith.constant 10 : i32
      %eq3A_310 = arith.constant 0 : i32
      %eq3A_311 = arith.cmpi eq, %jit3A_309, %eq3A_310 : i32
      %jit3A_312 = arith.constant 1 : i32
      %select_n3A_313 = arith.select %eq3A_311, %jit3A_312, %jit3A_309 : i32
      %rem3A_314 = arith.remsi %scan3A_232, %select_n3A_313 : i32
      %ne3A_315 = arith.constant 0 : i32
      %ne3A_316 = arith.cmpi ne, %rem3A_314, %ne3A_315 : i32
      %lt3A_317 = arith.constant 0 : i32
      %lt3A_318 = arith.cmpi slt, %rem3A_314, %lt3A_317 : i32
      %lt3A_319 = arith.constant 0 : i32
      %lt3A_320 = arith.cmpi slt, %select_n3A_313, %lt3A_319 : i32
      %ne3A_321 = arith.xori %lt3A_318, %lt3A_320 : i1
      %and3A_322 = arith.andi %ne3A_321, %ne3A_316 : i1
      %add3A_323 = arith.addi %rem3A_314, %select_n3A_313 : i32
      %select_n3A_324 = arith.select %and3A_322, %add3A_323, %rem3A_314 : i32
      %eq3A_325 = arith.constant 9 : i32
      %eq3A_326 = arith.cmpi eq, %select_n3A_324, %eq3A_325 : i32
      %le3A_327 = arith.constant 29 : i32
      %le3A_328 = arith.cmpi sle, %scan3A_232, %le3A_327 : i32
      %and3A_329 = arith.andi %eq3A_326, %le3A_328 : i1
      %convert_element_type3A_330 = arith.extui %and3A_329 : i1 to i32
      %cond3A_331 = arith.constant 0 : i32
      %cond3A_332 = arith.cmpi ne, %convert_element_type3A_330, %cond3A_331 : i32
      scf.if %cond3A_332 {
        %add3A_545 = arith.constant 1 : i32
        %add3A_546 = arith.addi %scan3A_232, %add3A_545 : i32
        %jit3A_547 = arith.constant 5 : i32
        %div3A = arith.divsi %add3A_546, %jit3A_547 : i32
        %sign3A = arith.constant 0 : i32
        %sign3A_548 = arith.cmpi sgt, %add3A_546, %sign3A : i32
        %sign3A_549 = arith.extui %sign3A_548 : i1 to i32
        %sign3A_550 = arith.constant 0 : i32
        %sign3A_551 = arith.cmpi slt, %add3A_546, %sign3A_550 : i32
        %sign3A_552 = arith.extui %sign3A_551 : i1 to i32
        %sign3A_553 = arith.subi %sign3A_549, %sign3A_552 : i32
        %sign3A_554 = arith.constant 0 : i32
        %sign3A_555 = arith.cmpi sgt, %jit3A_547, %sign3A_554 : i32
        %sign3A_556 = arith.extui %sign3A_555 : i1 to i32
        %sign3A_557 = arith.constant 0 : i32
        %sign3A_558 = arith.cmpi slt, %jit3A_547, %sign3A_557 : i32
        %sign3A_559 = arith.extui %sign3A_558 : i1 to i32
        %sign3A_560 = arith.subi %sign3A_556, %sign3A_559 : i32
        %ne3A_561 = arith.cmpi ne, %sign3A_553, %sign3A_560 : i32
        %rem3A_562 = arith.remsi %add3A_546, %jit3A_547 : i32
        %ne3A_563 = arith.constant 0 : i32
        %ne3A_564 = arith.cmpi ne, %rem3A_562, %ne3A_563 : i32
        %and3A_565 = arith.andi %ne3A_561, %ne3A_564 : i1
        %sub3A = arith.constant 1 : i32
        %sub3A_566 = arith.subi %div3A, %sub3A : i32
        %select_n3A_567 = arith.select %and3A_565, %sub3A_566, %div3A : i32
        %mul3A_568 = arith.constant 2560 : i32
        %mul3A_569 = arith.muli %select_n3A_567, %mul3A_568 : i32
        %multiple_of3A_570 = tpu.assume_multiple %mul3A_569, 2560 : i32
        %dma_wait3A_571 = arith.constant 0 : i32
        %dma_wait3A_572 = tpu.memref_slice %arg7[%dma_wait3A_571] : memref<5120xi32, #tpu.memory_space<vmem>> -> memref<2560xi32, #tpu.memory_space<vmem>>
        %dma_wait3A_573 = arith.constant 0 : i32
        %dma_wait3A_574 = tpu.memref_slice %arg3[%arg1, %dma_wait3A_573] : memref<16x20480xi32, #tpu.memory_space<hbm>> -> memref<1x20480xi32, #tpu.memory_space<hbm>>
        %dma_wait3A_575 = tpu.memref_squeeze %dma_wait3A_574 : memref<1x20480xi32, #tpu.memory_space<hbm>> -> memref<20480xi32, #tpu.memory_space<hbm>>
        %dma_wait3A_576 = tpu.memref_slice %dma_wait3A_575[%multiple_of3A_570] : memref<20480xi32, #tpu.memory_space<hbm>> -> memref<2560xi32, #tpu.memory_space<hbm>>
        %dma_wait3A_577 = arith.constant 0 : i32
        %dma_wait3A_578 = tpu.memref_slice %arg7[%dma_wait3A_577] : memref<5120xi32, #tpu.memory_space<vmem>> -> memref<2560xi32, #tpu.memory_space<vmem>>
        %dma_wait3A_579 = arith.constant 0 : i32
        %dma_wait3A_580 = tpu.memref_slice %arg3[%arg1, %dma_wait3A_579] : memref<16x20480xi32, #tpu.memory_space<hbm>> -> memref<1x20480xi32, #tpu.memory_space<hbm>>
        %dma_wait3A_581 = tpu.memref_squeeze %dma_wait3A_580 : memref<1x20480xi32, #tpu.memory_space<hbm>> -> memref<20480xi32, #tpu.memory_space<hbm>>
        %dma_wait3A_582 = tpu.memref_slice %dma_wait3A_581[%multiple_of3A_570] : memref<20480xi32, #tpu.memory_space<hbm>> -> memref<2560xi32, #tpu.memory_space<hbm>>
        tpu.wait_dma2 semaphore(%arg21 : memref<!tpu.dma_semaphore, #tpu.memory_space<semaphore_mem>>) src(%dma_wait3A_582 : memref<2560xi32, #tpu.memory_space<hbm>>) dst(%dma_wait3A_578 : memref<2560xi32, #tpu.memory_space<vmem>>)
        %dma_wait3A_583 = arith.constant 0 : i32
        %dma_wait3A_584 = tpu.memref_slice %arg8[%dma_wait3A_583] : memref<5120xi32, #tpu.memory_space<vmem>> -> memref<2560xi32, #tpu.memory_space<vmem>>
        %dma_wait3A_585 = arith.constant 0 : i32
        %dma_wait3A_586 = tpu.memref_slice %arg4[%arg1, %dma_wait3A_585] : memref<16x20480xi32, #tpu.memory_space<hbm>> -> memref<1x20480xi32, #tpu.memory_space<hbm>>
        %dma_wait3A_587 = tpu.memref_squeeze %dma_wait3A_586 : memref<1x20480xi32, #tpu.memory_space<hbm>> -> memref<20480xi32, #tpu.memory_space<hbm>>
        %dma_wait3A_588 = tpu.memref_slice %dma_wait3A_587[%multiple_of3A_570] : memref<20480xi32, #tpu.memory_space<hbm>> -> memref<2560xi32, #tpu.memory_space<hbm>>
        %dma_wait3A_589 = arith.constant 0 : i32
        %dma_wait3A_590 = tpu.memref_slice %arg8[%dma_wait3A_589] : memref<5120xi32, #tpu.memory_space<vmem>> -> memref<2560xi32, #tpu.memory_space<vmem>>
        %dma_wait3A_591 = arith.constant 0 : i32
        %dma_wait3A_592 = tpu.memref_slice %arg4[%arg1, %dma_wait3A_591] : memref<16x20480xi32, #tpu.memory_space<hbm>> -> memref<1x20480xi32, #tpu.memory_space<hbm>>
        %dma_wait3A_593 = tpu.memref_squeeze %dma_wait3A_592 : memref<1x20480xi32, #tpu.memory_space<hbm>> -> memref<20480xi32, #tpu.memory_space<hbm>>
        %dma_wait3A_594 = tpu.memref_slice %dma_wait3A_593[%multiple_of3A_570] : memref<20480xi32, #tpu.memory_space<hbm>> -> memref<2560xi32, #tpu.memory_space<hbm>>
        tpu.wait_dma2 semaphore(%arg21 : memref<!tpu.dma_semaphore, #tpu.memory_space<semaphore_mem>>) src(%dma_wait3A_594 : memref<2560xi32, #tpu.memory_space<hbm>>) dst(%dma_wait3A_590 : memref<2560xi32, #tpu.memory_space<vmem>>)
      } else {
      }
      %add3A_333 = arith.constant 2 : i32
      %add3A_334 = arith.addi %add3A_284, %add3A_333 : i32
      %le3A_335 = arith.constant 159 : i32
      %le3A_336 = arith.cmpi sle, %add3A_334, %le3A_335 : i32
      %convert_element_type3A_337 = arith.extui %le3A_336 : i1 to i32
      %cond3A_338 = arith.constant 0 : i32
      %cond3A_339 = arith.cmpi ne, %convert_element_type3A_337, %cond3A_338 : i32
      scf.if %cond3A_339 {
        %sub3A = arith.constant 2 : i32
        %sub3A_545 = arith.subi %add3A_284, %sub3A : i32
        %jit3A_546 = arith.constant 40 : i32
        %eq3A_547 = arith.constant 0 : i32
        %eq3A_548 = arith.cmpi eq, %jit3A_546, %eq3A_547 : i32
        %jit3A_549 = arith.constant 1 : i32
        %select_n3A_550 = arith.select %eq3A_548, %jit3A_549, %jit3A_546 : i32
        %rem3A_551 = arith.remsi %sub3A_545, %select_n3A_550 : i32
        %ne3A_552 = arith.constant 0 : i32
        %ne3A_553 = arith.cmpi ne, %rem3A_551, %ne3A_552 : i32
        %lt3A_554 = arith.constant 0 : i32
        %lt3A_555 = arith.cmpi slt, %rem3A_551, %lt3A_554 : i32
        %lt3A_556 = arith.constant 0 : i32
        %lt3A_557 = arith.cmpi slt, %select_n3A_550, %lt3A_556 : i32
        %ne3A_558 = arith.xori %lt3A_555, %lt3A_557 : i1
        %and3A_559 = arith.andi %ne3A_558, %ne3A_553 : i1
        %add3A_560 = arith.addi %rem3A_551, %select_n3A_550 : i32
        %select_n3A_561 = arith.select %and3A_559, %add3A_560, %rem3A_551 : i32
        %mul3A_562 = arith.constant 128 : i32
        %mul3A_563 = arith.muli %select_n3A_561, %mul3A_562 : i32
        %multiple_of3A_564 = tpu.assume_multiple %mul3A_563, 128 : i32
        %dma_wait3A_565 = tpu.memref_slice %arg8[%multiple_of3A_564] : memref<5120xi32, #tpu.memory_space<vmem>> -> memref<128xi32, #tpu.memory_space<vmem>>
        %dma_wait3A_566 = arith.constant 0 : i32
        %dma_wait3A_567 = arith.constant 0 : i32
        %dma_wait3A_568 = tpu.memref_slice %arg24[%dma_wait3A_566, %dma_wait3A_567] : memref<10112x64xf32, #tpu.memory_space<vmem_shared>> -> memref<10112x64xf32, #tpu.memory_space<vmem_shared>>
        tpu.wait_indirect_dma semaphore(%arg20 : memref<!tpu.dma_semaphore, #tpu.memory_space<semaphore_mem>>) src(%arg12 : memref<128x64xf32, #tpu.memory_space<vmem>>) dst(%dma_wait3A_568 : memref<10112x64xf32, #tpu.memory_space<vmem_shared>>)
        %add3A_569 = arith.constant 2 : i32
        %add3A_570 = arith.addi %add3A_284, %add3A_569 : i32
        %jit3A_571 = arith.constant 40 : i32
        %eq3A_572 = arith.constant 0 : i32
        %eq3A_573 = arith.cmpi eq, %jit3A_571, %eq3A_572 : i32
        %jit3A_574 = arith.constant 1 : i32
        %select_n3A_575 = arith.select %eq3A_573, %jit3A_574, %jit3A_571 : i32
        %rem3A_576 = arith.remsi %add3A_570, %select_n3A_575 : i32
        %ne3A_577 = arith.constant 0 : i32
        %ne3A_578 = arith.cmpi ne, %rem3A_576, %ne3A_577 : i32
        %lt3A_579 = arith.constant 0 : i32
        %lt3A_580 = arith.cmpi slt, %rem3A_576, %lt3A_579 : i32
        %lt3A_581 = arith.constant 0 : i32
        %lt3A_582 = arith.cmpi slt, %select_n3A_575, %lt3A_581 : i32
        %ne3A_583 = arith.xori %lt3A_580, %lt3A_582 : i1
        %and3A_584 = arith.andi %ne3A_583, %ne3A_578 : i1
        %add3A_585 = arith.addi %rem3A_576, %select_n3A_575 : i32
        %select_n3A_586 = arith.select %and3A_584, %add3A_585, %rem3A_576 : i32
        %mul3A_587 = arith.constant 128 : i32
        %mul3A_588 = arith.muli %select_n3A_586, %mul3A_587 : i32
        %multiple_of3A_589 = tpu.assume_multiple %mul3A_588, 128 : i32
        %dma_start3A_590 = tpu.memref_slice %arg7[%multiple_of3A_589] : memref<5120xi32, #tpu.memory_space<vmem>> -> memref<128xi32, #tpu.memory_space<vmem>>
        %dma_start3A_591 = arith.constant 0 : i32
        %dma_start3A_592 = arith.constant 0 : i32
        %dma_start3A_593 = tpu.memref_slice %arg25[%dma_start3A_591, %dma_start3A_592] : memref<10000x64xf32, #tpu.memory_space<vmem_shared>> -> memref<10000x64xf32, #tpu.memory_space<vmem_shared>>
        tpu.enqueue_indirect_dma source(%dma_start3A_593 : memref<10000x64xf32, #tpu.memory_space<vmem_shared>>) target(%arg12 : memref<128x64xf32, #tpu.memory_space<vmem>>) offsets(%dma_start3A_590 : memref<128xi32, #tpu.memory_space<vmem>>) semaphore(%arg16 : memref<!tpu.dma_semaphore, #tpu.memory_space<semaphore_mem>>)
      } else {
      }
      %jit3A_340 = arith.constant 40 : i32
      %eq3A_341 = arith.constant 0 : i32
      %eq3A_342 = arith.cmpi eq, %jit3A_340, %eq3A_341 : i32
      %jit3A_343 = arith.constant 1 : i32
      %select_n3A_344 = arith.select %eq3A_342, %jit3A_343, %jit3A_340 : i32
      %rem3A_345 = arith.remsi %add3A_284, %select_n3A_344 : i32
      %ne3A_346 = arith.constant 0 : i32
      %ne3A_347 = arith.cmpi ne, %rem3A_345, %ne3A_346 : i32
      %lt3A_348 = arith.constant 0 : i32
      %lt3A_349 = arith.cmpi slt, %rem3A_345, %lt3A_348 : i32
      %lt3A_350 = arith.constant 0 : i32
      %lt3A_351 = arith.cmpi slt, %select_n3A_344, %lt3A_350 : i32
      %ne3A_352 = arith.xori %lt3A_349, %lt3A_351 : i1
      %and3A_353 = arith.andi %ne3A_352, %ne3A_347 : i1
      %add3A_354 = arith.addi %rem3A_345, %select_n3A_344 : i32
      %select_n3A_355 = arith.select %and3A_353, %add3A_354, %rem3A_345 : i32
      %mul3A_356 = arith.constant 128 : i32
      %mul3A_357 = arith.muli %select_n3A_355, %mul3A_356 : i32
      %multiple_of3A_358 = tpu.assume_multiple %mul3A_357, 128 : i32
      %dma_wait3A_359 = tpu.memref_slice %arg7[%multiple_of3A_358] : memref<5120xi32, #tpu.memory_space<vmem>> -> memref<128xi32, #tpu.memory_space<vmem>>
      %dma_wait3A_360 = arith.constant 0 : i32
      %dma_wait3A_361 = arith.constant 0 : i32
      %dma_wait3A_362 = tpu.memref_slice %arg25[%dma_wait3A_360, %dma_wait3A_361] : memref<10000x64xf32, #tpu.memory_space<vmem_shared>> -> memref<10000x64xf32, #tpu.memory_space<vmem_shared>>
      tpu.wait_indirect_dma semaphore(%arg14 : memref<!tpu.dma_semaphore, #tpu.memory_space<semaphore_mem>>) src(%dma_wait3A_362 : memref<10000x64xf32, #tpu.memory_space<vmem_shared>>) dst(%arg10 : memref<128x64xf32, #tpu.memory_space<vmem>>)
      %jit3A_363 = arith.constant 40 : i32
      %eq3A_364 = arith.constant 0 : i32
      %eq3A_365 = arith.cmpi eq, %jit3A_363, %eq3A_364 : i32
      %jit3A_366 = arith.constant 1 : i32
      %select_n3A_367 = arith.select %eq3A_365, %jit3A_366, %jit3A_363 : i32
      %rem3A_368 = arith.remsi %add3A_284, %select_n3A_367 : i32
      %ne3A_369 = arith.constant 0 : i32
      %ne3A_370 = arith.cmpi ne, %rem3A_368, %ne3A_369 : i32
      %lt3A_371 = arith.constant 0 : i32
      %lt3A_372 = arith.cmpi slt, %rem3A_368, %lt3A_371 : i32
      %lt3A_373 = arith.constant 0 : i32
      %lt3A_374 = arith.cmpi slt, %select_n3A_367, %lt3A_373 : i32
      %ne3A_375 = arith.xori %lt3A_372, %lt3A_374 : i1
      %and3A_376 = arith.andi %ne3A_375, %ne3A_370 : i1
      %add3A_377 = arith.addi %rem3A_368, %select_n3A_367 : i32
      %select_n3A_378 = arith.select %and3A_376, %add3A_377, %rem3A_368 : i32
      %mul3A_379 = arith.constant 128 : i32
      %mul3A_380 = arith.muli %select_n3A_378, %mul3A_379 : i32
      %multiple_of3A_381 = tpu.assume_multiple %mul3A_380, 128 : i32
      %dma_start3A_382 = tpu.memref_slice %arg8[%multiple_of3A_381] : memref<5120xi32, #tpu.memory_space<vmem>> -> memref<128xi32, #tpu.memory_space<vmem>>
      %dma_start3A_383 = arith.constant 0 : i32
      %dma_start3A_384 = arith.constant 0 : i32
      %dma_start3A_385 = tpu.memref_slice %arg24[%dma_start3A_383, %dma_start3A_384] : memref<10112x64xf32, #tpu.memory_space<vmem_shared>> -> memref<10112x64xf32, #tpu.memory_space<vmem_shared>>
      tpu.enqueue_indirect_dma source(%arg10 : memref<128x64xf32, #tpu.memory_space<vmem>>) target(%dma_start3A_385 : memref<10112x64xf32, #tpu.memory_space<vmem_shared>>) offsets(%dma_start3A_382 : memref<128xi32, #tpu.memory_space<vmem>>) semaphore(%arg18 : memref<!tpu.dma_semaphore, #tpu.memory_space<semaphore_mem>>) {add = true}
      %add3A_386 = arith.constant 2 : i32
      %add3A_387 = arith.addi %mul3A_235, %add3A_386 : i32
      %add3A_388 = arith.constant 2 : i32
      %add3A_389 = arith.addi %add3A_387, %add3A_388 : i32
      %le3A_390 = arith.constant 159 : i32
      %le3A_391 = arith.cmpi sle, %add3A_389, %le3A_390 : i32
      %convert_element_type3A_392 = arith.extui %le3A_391 : i1 to i32
      %cond3A_393 = arith.constant 0 : i32
      %cond3A_394 = arith.cmpi ne, %convert_element_type3A_392, %cond3A_393 : i32
      scf.if %cond3A_394 {
        %sub3A = arith.constant 2 : i32
        %sub3A_545 = arith.subi %add3A_387, %sub3A : i32
        %jit3A_546 = arith.constant 40 : i32
        %eq3A_547 = arith.constant 0 : i32
        %eq3A_548 = arith.cmpi eq, %jit3A_546, %eq3A_547 : i32
        %jit3A_549 = arith.constant 1 : i32
        %select_n3A_550 = arith.select %eq3A_548, %jit3A_549, %jit3A_546 : i32
        %rem3A_551 = arith.remsi %sub3A_545, %select_n3A_550 : i32
        %ne3A_552 = arith.constant 0 : i32
        %ne3A_553 = arith.cmpi ne, %rem3A_551, %ne3A_552 : i32
        %lt3A_554 = arith.constant 0 : i32
        %lt3A_555 = arith.cmpi slt, %rem3A_551, %lt3A_554 : i32
        %lt3A_556 = arith.constant 0 : i32
        %lt3A_557 = arith.cmpi slt, %select_n3A_550, %lt3A_556 : i32
        %ne3A_558 = arith.xori %lt3A_555, %lt3A_557 : i1
        %and3A_559 = arith.andi %ne3A_558, %ne3A_553 : i1
        %add3A_560 = arith.addi %rem3A_551, %select_n3A_550 : i32
        %select_n3A_561 = arith.select %and3A_559, %add3A_560, %rem3A_551 : i32
        %mul3A_562 = arith.constant 128 : i32
        %mul3A_563 = arith.muli %select_n3A_561, %mul3A_562 : i32
        %multiple_of3A_564 = tpu.assume_multiple %mul3A_563, 128 : i32
        %dma_wait3A_565 = tpu.memref_slice %arg8[%multiple_of3A_564] : memref<5120xi32, #tpu.memory_space<vmem>> -> memref<128xi32, #tpu.memory_space<vmem>>
        %dma_wait3A_566 = arith.constant 0 : i32
        %dma_wait3A_567 = arith.constant 0 : i32
        %dma_wait3A_568 = tpu.memref_slice %arg24[%dma_wait3A_566, %dma_wait3A_567] : memref<10112x64xf32, #tpu.memory_space<vmem_shared>> -> memref<10112x64xf32, #tpu.memory_space<vmem_shared>>
        tpu.wait_indirect_dma semaphore(%arg17 : memref<!tpu.dma_semaphore, #tpu.memory_space<semaphore_mem>>) src(%arg9 : memref<128x64xf32, #tpu.memory_space<vmem>>) dst(%dma_wait3A_568 : memref<10112x64xf32, #tpu.memory_space<vmem_shared>>)
        %add3A_569 = arith.constant 2 : i32
        %add3A_570 = arith.addi %add3A_387, %add3A_569 : i32
        %jit3A_571 = arith.constant 40 : i32
        %eq3A_572 = arith.constant 0 : i32
        %eq3A_573 = arith.cmpi eq, %jit3A_571, %eq3A_572 : i32
        %jit3A_574 = arith.constant 1 : i32
        %select_n3A_575 = arith.select %eq3A_573, %jit3A_574, %jit3A_571 : i32
        %rem3A_576 = arith.remsi %add3A_570, %select_n3A_575 : i32
        %ne3A_577 = arith.constant 0 : i32
        %ne3A_578 = arith.cmpi ne, %rem3A_576, %ne3A_577 : i32
        %lt3A_579 = arith.constant 0 : i32
        %lt3A_580 = arith.cmpi slt, %rem3A_576, %lt3A_579 : i32
        %lt3A_581 = arith.constant 0 : i32
        %lt3A_582 = arith.cmpi slt, %select_n3A_575, %lt3A_581 : i32
        %ne3A_583 = arith.xori %lt3A_580, %lt3A_582 : i1
        %and3A_584 = arith.andi %ne3A_583, %ne3A_578 : i1
        %add3A_585 = arith.addi %rem3A_576, %select_n3A_575 : i32
        %select_n3A_586 = arith.select %and3A_584, %add3A_585, %rem3A_576 : i32
        %mul3A_587 = arith.constant 128 : i32
        %mul3A_588 = arith.muli %select_n3A_586, %mul3A_587 : i32
        %multiple_of3A_589 = tpu.assume_multiple %mul3A_588, 128 : i32
        %dma_start3A_590 = tpu.memref_slice %arg7[%multiple_of3A_589] : memref<5120xi32, #tpu.memory_space<vmem>> -> memref<128xi32, #tpu.memory_space<vmem>>
        %dma_start3A_591 = arith.constant 0 : i32
        %dma_start3A_592 = arith.constant 0 : i32
        %dma_start3A_593 = tpu.memref_slice %arg25[%dma_start3A_591, %dma_start3A_592] : memref<10000x64xf32, #tpu.memory_space<vmem_shared>> -> memref<10000x64xf32, #tpu.memory_space<vmem_shared>>
        tpu.enqueue_indirect_dma source(%dma_start3A_593 : memref<10000x64xf32, #tpu.memory_space<vmem_shared>>) target(%arg9 : memref<128x64xf32, #tpu.memory_space<vmem>>) offsets(%dma_start3A_590 : memref<128xi32, #tpu.memory_space<vmem>>) semaphore(%arg13 : memref<!tpu.dma_semaphore, #tpu.memory_space<semaphore_mem>>)
      } else {
      }
      %jit3A_395 = arith.constant 10 : i32
      %eq3A_396 = arith.constant 0 : i32
      %eq3A_397 = arith.cmpi eq, %jit3A_395, %eq3A_396 : i32
      %jit3A_398 = arith.constant 1 : i32
      %select_n3A_399 = arith.select %eq3A_397, %jit3A_398, %jit3A_395 : i32
      %rem3A_400 = arith.remsi %scan3A_232, %select_n3A_399 : i32
      %ne3A_401 = arith.constant 0 : i32
      %ne3A_402 = arith.cmpi ne, %rem3A_400, %ne3A_401 : i32
      %lt3A_403 = arith.constant 0 : i32
      %lt3A_404 = arith.cmpi slt, %rem3A_400, %lt3A_403 : i32
      %lt3A_405 = arith.constant 0 : i32
      %lt3A_406 = arith.cmpi slt, %select_n3A_399, %lt3A_405 : i32
      %ne3A_407 = arith.xori %lt3A_404, %lt3A_406 : i1
      %and3A_408 = arith.andi %ne3A_407, %ne3A_402 : i1
      %add3A_409 = arith.addi %rem3A_400, %select_n3A_399 : i32
      %select_n3A_410 = arith.select %and3A_408, %add3A_409, %rem3A_400 : i32
      %eq3A_411 = arith.constant 5 : i32
      %eq3A_412 = arith.cmpi eq, %select_n3A_410, %eq3A_411 : i32
      %le3A_413 = arith.constant 25 : i32
      %le3A_414 = arith.cmpi sle, %scan3A_232, %le3A_413 : i32
      %and3A_415 = arith.andi %eq3A_412, %le3A_414 : i1
      %convert_element_type3A_416 = arith.extui %and3A_415 : i1 to i32
      %cond3A_417 = arith.constant 0 : i32
      %cond3A_418 = arith.cmpi ne, %convert_element_type3A_416, %cond3A_417 : i32
      scf.if %cond3A_418 {
        %jit3A_545 = arith.constant 5 : i32
        %div3A = arith.divsi %scan3A_232, %jit3A_545 : i32
        %sign3A = arith.constant 0 : i32
        %sign3A_546 = arith.cmpi sgt, %scan3A_232, %sign3A : i32
        %sign3A_547 = arith.extui %sign3A_546 : i1 to i32
        %sign3A_548 = arith.constant 0 : i32
        %sign3A_549 = arith.cmpi slt, %scan3A_232, %sign3A_548 : i32
        %sign3A_550 = arith.extui %sign3A_549 : i1 to i32
        %sign3A_551 = arith.subi %sign3A_547, %sign3A_550 : i32
        %sign3A_552 = arith.constant 0 : i32
        %sign3A_553 = arith.cmpi sgt, %jit3A_545, %sign3A_552 : i32
        %sign3A_554 = arith.extui %sign3A_553 : i1 to i32
        %sign3A_555 = arith.constant 0 : i32
        %sign3A_556 = arith.cmpi slt, %jit3A_545, %sign3A_555 : i32
        %sign3A_557 = arith.extui %sign3A_556 : i1 to i32
        %sign3A_558 = arith.subi %sign3A_554, %sign3A_557 : i32
        %ne3A_559 = arith.cmpi ne, %sign3A_551, %sign3A_558 : i32
        %rem3A_560 = arith.remsi %scan3A_232, %jit3A_545 : i32
        %ne3A_561 = arith.constant 0 : i32
        %ne3A_562 = arith.cmpi ne, %rem3A_560, %ne3A_561 : i32
        %and3A_563 = arith.andi %ne3A_559, %ne3A_562 : i1
        %sub3A = arith.constant 1 : i32
        %sub3A_564 = arith.subi %div3A, %sub3A : i32
        %select_n3A_565 = arith.select %and3A_563, %sub3A_564, %div3A : i32
        %add3A_566 = arith.constant 1 : i32
        %add3A_567 = arith.addi %select_n3A_565, %add3A_566 : i32
        %mul3A_568 = arith.constant 2560 : i32
        %mul3A_569 = arith.muli %add3A_567, %mul3A_568 : i32
        %multiple_of3A_570 = tpu.assume_multiple %mul3A_569, 2560 : i32
        %dma_start3A_571 = arith.constant 0 : i32
        %dma_start3A_572 = tpu.memref_slice %arg7[%dma_start3A_571] : memref<5120xi32, #tpu.memory_space<vmem>> -> memref<2560xi32, #tpu.memory_space<vmem>>
        %dma_start3A_573 = arith.constant 0 : i32
        %dma_start3A_574 = tpu.memref_slice %arg3[%arg1, %dma_start3A_573] : memref<16x20480xi32, #tpu.memory_space<hbm>> -> memref<1x20480xi32, #tpu.memory_space<hbm>>
        %dma_start3A_575 = tpu.memref_squeeze %dma_start3A_574 : memref<1x20480xi32, #tpu.memory_space<hbm>> -> memref<20480xi32, #tpu.memory_space<hbm>>
        %dma_start3A_576 = tpu.memref_slice %dma_start3A_575[%multiple_of3A_570] : memref<20480xi32, #tpu.memory_space<hbm>> -> memref<2560xi32, #tpu.memory_space<hbm>>
        %dma_start3A_577 = arith.constant 0 : i32
        %dma_start3A_578 = tpu.memref_slice %arg7[%dma_start3A_577] : memref<5120xi32, #tpu.memory_space<vmem>> -> memref<2560xi32, #tpu.memory_space<vmem>>
        %dma_start3A_579 = arith.constant 0 : i32
        %dma_start3A_580 = tpu.memref_slice %arg3[%arg1, %dma_start3A_579] : memref<16x20480xi32, #tpu.memory_space<hbm>> -> memref<1x20480xi32, #tpu.memory_space<hbm>>
        %dma_start3A_581 = tpu.memref_squeeze %dma_start3A_580 : memref<1x20480xi32, #tpu.memory_space<hbm>> -> memref<20480xi32, #tpu.memory_space<hbm>>
        %dma_start3A_582 = tpu.memref_slice %dma_start3A_581[%multiple_of3A_570] : memref<20480xi32, #tpu.memory_space<hbm>> -> memref<2560xi32, #tpu.memory_space<hbm>>
        tpu.enqueue_dma source(%dma_start3A_582 : memref<2560xi32, #tpu.memory_space<hbm>>) target(%dma_start3A_578 : memref<2560xi32, #tpu.memory_space<vmem>>) target_semaphore(%arg21 : memref<!tpu.dma_semaphore, #tpu.memory_space<semaphore_mem>>)
        %dma_start3A_583 = arith.constant 0 : i32
        %dma_start3A_584 = tpu.memref_slice %arg8[%dma_start3A_583] : memref<5120xi32, #tpu.memory_space<vmem>> -> memref<2560xi32, #tpu.memory_space<vmem>>
        %dma_start3A_585 = arith.constant 0 : i32
        %dma_start3A_586 = tpu.memref_slice %arg4[%arg1, %dma_start3A_585] : memref<16x20480xi32, #tpu.memory_space<hbm>> -> memref<1x20480xi32, #tpu.memory_space<hbm>>
        %dma_start3A_587 = tpu.memref_squeeze %dma_start3A_586 : memref<1x20480xi32, #tpu.memory_space<hbm>> -> memref<20480xi32, #tpu.memory_space<hbm>>
        %dma_start3A_588 = tpu.memref_slice %dma_start3A_587[%multiple_of3A_570] : memref<20480xi32, #tpu.memory_space<hbm>> -> memref<2560xi32, #tpu.memory_space<hbm>>
        %dma_start3A_589 = arith.constant 0 : i32
        %dma_start3A_590 = tpu.memref_slice %arg8[%dma_start3A_589] : memref<5120xi32, #tpu.memory_space<vmem>> -> memref<2560xi32, #tpu.memory_space<vmem>>
        %dma_start3A_591 = arith.constant 0 : i32
        %dma_start3A_592 = tpu.memref_slice %arg4[%arg1, %dma_start3A_591] : memref<16x20480xi32, #tpu.memory_space<hbm>> -> memref<1x20480xi32, #tpu.memory_space<hbm>>
        %dma_start3A_593 = tpu.memref_squeeze %dma_start3A_592 : memref<1x20480xi32, #tpu.memory_space<hbm>> -> memref<20480xi32, #tpu.memory_space<hbm>>
        %dma_start3A_594 = tpu.memref_slice %dma_start3A_593[%multiple_of3A_570] : memref<20480xi32, #tpu.memory_space<hbm>> -> memref<2560xi32, #tpu.memory_space<hbm>>
        tpu.enqueue_dma source(%dma_start3A_594 : memref<2560xi32, #tpu.memory_space<hbm>>) target(%dma_start3A_590 : memref<2560xi32, #tpu.memory_space<vmem>>) target_semaphore(%arg21 : memref<!tpu.dma_semaphore, #tpu.memory_space<semaphore_mem>>)
      } else {
      }
      %jit3A_419 = arith.constant 10 : i32
      %eq3A_420 = arith.constant 0 : i32
      %eq3A_421 = arith.cmpi eq, %jit3A_419, %eq3A_420 : i32
      %jit3A_422 = arith.constant 1 : i32
      %select_n3A_423 = arith.select %eq3A_421, %jit3A_422, %jit3A_419 : i32
      %rem3A_424 = arith.remsi %scan3A_232, %select_n3A_423 : i32
      %ne3A_425 = arith.constant 0 : i32
      %ne3A_426 = arith.cmpi ne, %rem3A_424, %ne3A_425 : i32
      %lt3A_427 = arith.constant 0 : i32
      %lt3A_428 = arith.cmpi slt, %rem3A_424, %lt3A_427 : i32
      %lt3A_429 = arith.constant 0 : i32
      %lt3A_430 = arith.cmpi slt, %select_n3A_423, %lt3A_429 : i32
      %ne3A_431 = arith.xori %lt3A_428, %lt3A_430 : i1
      %and3A_432 = arith.andi %ne3A_431, %ne3A_426 : i1
      %add3A_433 = arith.addi %rem3A_424, %select_n3A_423 : i32
      %select_n3A_434 = arith.select %and3A_432, %add3A_433, %rem3A_424 : i32
      %eq3A_435 = arith.constant 0 : i32
      %eq3A_436 = arith.cmpi eq, %select_n3A_434, %eq3A_435 : i32
      %le3A_437 = arith.constant 30 : i32
      %le3A_438 = arith.cmpi sle, %scan3A_232, %le3A_437 : i32
      %and3A_439 = arith.andi %eq3A_436, %le3A_438 : i1
      %convert_element_type3A_440 = arith.extui %and3A_439 : i1 to i32
      %cond3A_441 = arith.constant 0 : i32
      %cond3A_442 = arith.cmpi ne, %convert_element_type3A_440, %cond3A_441 : i32
      scf.if %cond3A_442 {
        %jit3A_545 = arith.constant 5 : i32
        %div3A = arith.divsi %scan3A_232, %jit3A_545 : i32
        %sign3A = arith.constant 0 : i32
        %sign3A_546 = arith.cmpi sgt, %scan3A_232, %sign3A : i32
        %sign3A_547 = arith.extui %sign3A_546 : i1 to i32
        %sign3A_548 = arith.constant 0 : i32
        %sign3A_549 = arith.cmpi slt, %scan3A_232, %sign3A_548 : i32
        %sign3A_550 = arith.extui %sign3A_549 : i1 to i32
        %sign3A_551 = arith.subi %sign3A_547, %sign3A_550 : i32
        %sign3A_552 = arith.constant 0 : i32
        %sign3A_553 = arith.cmpi sgt, %jit3A_545, %sign3A_552 : i32
        %sign3A_554 = arith.extui %sign3A_553 : i1 to i32
        %sign3A_555 = arith.constant 0 : i32
        %sign3A_556 = arith.cmpi slt, %jit3A_545, %sign3A_555 : i32
        %sign3A_557 = arith.extui %sign3A_556 : i1 to i32
        %sign3A_558 = arith.subi %sign3A_554, %sign3A_557 : i32
        %ne3A_559 = arith.cmpi ne, %sign3A_551, %sign3A_558 : i32
        %rem3A_560 = arith.remsi %scan3A_232, %jit3A_545 : i32
        %ne3A_561 = arith.constant 0 : i32
        %ne3A_562 = arith.cmpi ne, %rem3A_560, %ne3A_561 : i32
        %and3A_563 = arith.andi %ne3A_559, %ne3A_562 : i1
        %sub3A = arith.constant 1 : i32
        %sub3A_564 = arith.subi %div3A, %sub3A : i32
        %select_n3A_565 = arith.select %and3A_563, %sub3A_564, %div3A : i32
        %add3A_566 = arith.constant 1 : i32
        %add3A_567 = arith.addi %select_n3A_565, %add3A_566 : i32
        %mul3A_568 = arith.constant 2560 : i32
        %mul3A_569 = arith.muli %add3A_567, %mul3A_568 : i32
        %multiple_of3A_570 = tpu.assume_multiple %mul3A_569, 2560 : i32
        %dma_start3A_571 = arith.constant 2560 : i32
        %dma_start3A_572 = tpu.memref_slice %arg7[%dma_start3A_571] : memref<5120xi32, #tpu.memory_space<vmem>> -> memref<2560xi32, #tpu.memory_space<vmem>>
        %dma_start3A_573 = arith.constant 0 : i32
        %dma_start3A_574 = tpu.memref_slice %arg3[%arg1, %dma_start3A_573] : memref<16x20480xi32, #tpu.memory_space<hbm>> -> memref<1x20480xi32, #tpu.memory_space<hbm>>
        %dma_start3A_575 = tpu.memref_squeeze %dma_start3A_574 : memref<1x20480xi32, #tpu.memory_space<hbm>> -> memref<20480xi32, #tpu.memory_space<hbm>>
        %dma_start3A_576 = tpu.memref_slice %dma_start3A_575[%multiple_of3A_570] : memref<20480xi32, #tpu.memory_space<hbm>> -> memref<2560xi32, #tpu.memory_space<hbm>>
        %dma_start3A_577 = arith.constant 2560 : i32
        %dma_start3A_578 = tpu.memref_slice %arg7[%dma_start3A_577] : memref<5120xi32, #tpu.memory_space<vmem>> -> memref<2560xi32, #tpu.memory_space<vmem>>
        %dma_start3A_579 = arith.constant 0 : i32
        %dma_start3A_580 = tpu.memref_slice %arg3[%arg1, %dma_start3A_579] : memref<16x20480xi32, #tpu.memory_space<hbm>> -> memref<1x20480xi32, #tpu.memory_space<hbm>>
        %dma_start3A_581 = tpu.memref_squeeze %dma_start3A_580 : memref<1x20480xi32, #tpu.memory_space<hbm>> -> memref<20480xi32, #tpu.memory_space<hbm>>
        %dma_start3A_582 = tpu.memref_slice %dma_start3A_581[%multiple_of3A_570] : memref<20480xi32, #tpu.memory_space<hbm>> -> memref<2560xi32, #tpu.memory_space<hbm>>
        tpu.enqueue_dma source(%dma_start3A_582 : memref<2560xi32, #tpu.memory_space<hbm>>) target(%dma_start3A_578 : memref<2560xi32, #tpu.memory_space<vmem>>) target_semaphore(%arg22 : memref<!tpu.dma_semaphore, #tpu.memory_space<semaphore_mem>>)
        %dma_start3A_583 = arith.constant 2560 : i32
        %dma_start3A_584 = tpu.memref_slice %arg8[%dma_start3A_583] : memref<5120xi32, #tpu.memory_space<vmem>> -> memref<2560xi32, #tpu.memory_space<vmem>>
        %dma_start3A_585 = arith.constant 0 : i32
        %dma_start3A_586 = tpu.memref_slice %arg4[%arg1, %dma_start3A_585] : memref<16x20480xi32, #tpu.memory_space<hbm>> -> memref<1x20480xi32, #tpu.memory_space<hbm>>
        %dma_start3A_587 = tpu.memref_squeeze %dma_start3A_586 : memref<1x20480xi32, #tpu.memory_space<hbm>> -> memref<20480xi32, #tpu.memory_space<hbm>>
        %dma_start3A_588 = tpu.memref_slice %dma_start3A_587[%multiple_of3A_570] : memref<20480xi32, #tpu.memory_space<hbm>> -> memref<2560xi32, #tpu.memory_space<hbm>>
        %dma_start3A_589 = arith.constant 2560 : i32
        %dma_start3A_590 = tpu.memref_slice %arg8[%dma_start3A_589] : memref<5120xi32, #tpu.memory_space<vmem>> -> memref<2560xi32, #tpu.memory_space<vmem>>
        %dma_start3A_591 = arith.constant 0 : i32
        %dma_start3A_592 = tpu.memref_slice %arg4[%arg1, %dma_start3A_591] : memref<16x20480xi32, #tpu.memory_space<hbm>> -> memref<1x20480xi32, #tpu.memory_space<hbm>>
        %dma_start3A_593 = tpu.memref_squeeze %dma_start3A_592 : memref<1x20480xi32, #tpu.memory_space<hbm>> -> memref<20480xi32, #tpu.memory_space<hbm>>
        %dma_start3A_594 = tpu.memref_slice %dma_start3A_593[%multiple_of3A_570] : memref<20480xi32, #tpu.memory_space<hbm>> -> memref<2560xi32, #tpu.memory_space<hbm>>
        tpu.enqueue_dma source(%dma_start3A_594 : memref<2560xi32, #tpu.memory_space<hbm>>) target(%dma_start3A_590 : memref<2560xi32, #tpu.memory_space<vmem>>) target_semaphore(%arg22 : memref<!tpu.dma_semaphore, #tpu.memory_space<semaphore_mem>>)
      } else {
      }
      %jit3A_443 = arith.constant 40 : i32
      %eq3A_444 = arith.constant 0 : i32
      %eq3A_445 = arith.cmpi eq, %jit3A_443, %eq3A_444 : i32
      %jit3A_446 = arith.constant 1 : i32
      %select_n3A_447 = arith.select %eq3A_445, %jit3A_446, %jit3A_443 : i32
      %rem3A_448 = arith.remsi %add3A_387, %select_n3A_447 : i32
      %ne3A_449 = arith.constant 0 : i32
      %ne3A_450 = arith.cmpi ne, %rem3A_448, %ne3A_449 : i32
      %lt3A_451 = arith.constant 0 : i32
      %lt3A_452 = arith.cmpi slt, %rem3A_448, %lt3A_451 : i32
      %lt3A_453 = arith.constant 0 : i32
      %lt3A_454 = arith.cmpi slt, %select_n3A_447, %lt3A_453 : i32
      %ne3A_455 = arith.xori %lt3A_452, %lt3A_454 : i1
      %and3A_456 = arith.andi %ne3A_455, %ne3A_450 : i1
      %add3A_457 = arith.addi %rem3A_448, %select_n3A_447 : i32
      %select_n3A_458 = arith.select %and3A_456, %add3A_457, %rem3A_448 : i32
      %mul3A_459 = arith.constant 128 : i32
      %mul3A_460 = arith.muli %select_n3A_458, %mul3A_459 : i32
      %multiple_of3A_461 = tpu.assume_multiple %mul3A_460, 128 : i32
      %dma_wait3A_462 = tpu.memref_slice %arg7[%multiple_of3A_461] : memref<5120xi32, #tpu.memory_space<vmem>> -> memref<128xi32, #tpu.memory_space<vmem>>
      %dma_wait3A_463 = arith.constant 0 : i32
      %dma_wait3A_464 = arith.constant 0 : i32
      %dma_wait3A_465 = tpu.memref_slice %arg25[%dma_wait3A_463, %dma_wait3A_464] : memref<10000x64xf32, #tpu.memory_space<vmem_shared>> -> memref<10000x64xf32, #tpu.memory_space<vmem_shared>>
      tpu.wait_indirect_dma semaphore(%arg15 : memref<!tpu.dma_semaphore, #tpu.memory_space<semaphore_mem>>) src(%dma_wait3A_465 : memref<10000x64xf32, #tpu.memory_space<vmem_shared>>) dst(%arg11 : memref<128x64xf32, #tpu.memory_space<vmem>>)
      %jit3A_466 = arith.constant 40 : i32
      %eq3A_467 = arith.constant 0 : i32
      %eq3A_468 = arith.cmpi eq, %jit3A_466, %eq3A_467 : i32
      %jit3A_469 = arith.constant 1 : i32
      %select_n3A_470 = arith.select %eq3A_468, %jit3A_469, %jit3A_466 : i32
      %rem3A_471 = arith.remsi %add3A_387, %select_n3A_470 : i32
      %ne3A_472 = arith.constant 0 : i32
      %ne3A_473 = arith.cmpi ne, %rem3A_471, %ne3A_472 : i32
      %lt3A_474 = arith.constant 0 : i32
      %lt3A_475 = arith.cmpi slt, %rem3A_471, %lt3A_474 : i32
      %lt3A_476 = arith.constant 0 : i32
      %lt3A_477 = arith.cmpi slt, %select_n3A_470, %lt3A_476 : i32
      %ne3A_478 = arith.xori %lt3A_475, %lt3A_477 : i1
      %and3A_479 = arith.andi %ne3A_478, %ne3A_473 : i1
      %add3A_480 = arith.addi %rem3A_471, %select_n3A_470 : i32
      %select_n3A_481 = arith.select %and3A_479, %add3A_480, %rem3A_471 : i32
      %mul3A_482 = arith.constant 128 : i32
      %mul3A_483 = arith.muli %select_n3A_481, %mul3A_482 : i32
      %multiple_of3A_484 = tpu.assume_multiple %mul3A_483, 128 : i32
      %dma_start3A_485 = tpu.memref_slice %arg8[%multiple_of3A_484] : memref<5120xi32, #tpu.memory_space<vmem>> -> memref<128xi32, #tpu.memory_space<vmem>>
      %dma_start3A_486 = arith.constant 0 : i32
      %dma_start3A_487 = arith.constant 0 : i32
      %dma_start3A_488 = tpu.memref_slice %arg24[%dma_start3A_486, %dma_start3A_487] : memref<10112x64xf32, #tpu.memory_space<vmem_shared>> -> memref<10112x64xf32, #tpu.memory_space<vmem_shared>>
      tpu.enqueue_indirect_dma source(%arg11 : memref<128x64xf32, #tpu.memory_space<vmem>>) target(%dma_start3A_488 : memref<10112x64xf32, #tpu.memory_space<vmem_shared>>) offsets(%dma_start3A_485 : memref<128xi32, #tpu.memory_space<vmem>>) semaphore(%arg19 : memref<!tpu.dma_semaphore, #tpu.memory_space<semaphore_mem>>) {add = true}
      %add3A_489 = arith.constant 3 : i32
      %add3A_490 = arith.addi %mul3A_235, %add3A_489 : i32
      %add3A_491 = arith.constant 2 : i32
      %add3A_492 = arith.addi %add3A_490, %add3A_491 : i32
      %le3A_493 = arith.constant 159 : i32
      %le3A_494 = arith.cmpi sle, %add3A_492, %le3A_493 : i32
      %convert_element_type3A_495 = arith.extui %le3A_494 : i1 to i32
      %cond3A_496 = arith.constant 0 : i32
      %cond3A_497 = arith.cmpi ne, %convert_element_type3A_495, %cond3A_496 : i32
      scf.if %cond3A_497 {
        %sub3A = arith.constant 2 : i32
        %sub3A_545 = arith.subi %add3A_490, %sub3A : i32
        %jit3A_546 = arith.constant 40 : i32
        %eq3A_547 = arith.constant 0 : i32
        %eq3A_548 = arith.cmpi eq, %jit3A_546, %eq3A_547 : i32
        %jit3A_549 = arith.constant 1 : i32
        %select_n3A_550 = arith.select %eq3A_548, %jit3A_549, %jit3A_546 : i32
        %rem3A_551 = arith.remsi %sub3A_545, %select_n3A_550 : i32
        %ne3A_552 = arith.constant 0 : i32
        %ne3A_553 = arith.cmpi ne, %rem3A_551, %ne3A_552 : i32
        %lt3A_554 = arith.constant 0 : i32
        %lt3A_555 = arith.cmpi slt, %rem3A_551, %lt3A_554 : i32
        %lt3A_556 = arith.constant 0 : i32
        %lt3A_557 = arith.cmpi slt, %select_n3A_550, %lt3A_556 : i32
        %ne3A_558 = arith.xori %lt3A_555, %lt3A_557 : i1
        %and3A_559 = arith.andi %ne3A_558, %ne3A_553 : i1
        %add3A_560 = arith.addi %rem3A_551, %select_n3A_550 : i32
        %select_n3A_561 = arith.select %and3A_559, %add3A_560, %rem3A_551 : i32
        %mul3A_562 = arith.constant 128 : i32
        %mul3A_563 = arith.muli %select_n3A_561, %mul3A_562 : i32
        %multiple_of3A_564 = tpu.assume_multiple %mul3A_563, 128 : i32
        %dma_wait3A_565 = tpu.memref_slice %arg8[%multiple_of3A_564] : memref<5120xi32, #tpu.memory_space<vmem>> -> memref<128xi32, #tpu.memory_space<vmem>>
        %dma_wait3A_566 = arith.constant 0 : i32
        %dma_wait3A_567 = arith.constant 0 : i32
        %dma_wait3A_568 = tpu.memref_slice %arg24[%dma_wait3A_566, %dma_wait3A_567] : memref<10112x64xf32, #tpu.memory_space<vmem_shared>> -> memref<10112x64xf32, #tpu.memory_space<vmem_shared>>
        tpu.wait_indirect_dma semaphore(%arg18 : memref<!tpu.dma_semaphore, #tpu.memory_space<semaphore_mem>>) src(%arg10 : memref<128x64xf32, #tpu.memory_space<vmem>>) dst(%dma_wait3A_568 : memref<10112x64xf32, #tpu.memory_space<vmem_shared>>)
        %add3A_569 = arith.constant 2 : i32
        %add3A_570 = arith.addi %add3A_490, %add3A_569 : i32
        %jit3A_571 = arith.constant 40 : i32
        %eq3A_572 = arith.constant 0 : i32
        %eq3A_573 = arith.cmpi eq, %jit3A_571, %eq3A_572 : i32
        %jit3A_574 = arith.constant 1 : i32
        %select_n3A_575 = arith.select %eq3A_573, %jit3A_574, %jit3A_571 : i32
        %rem3A_576 = arith.remsi %add3A_570, %select_n3A_575 : i32
        %ne3A_577 = arith.constant 0 : i32
        %ne3A_578 = arith.cmpi ne, %rem3A_576, %ne3A_577 : i32
        %lt3A_579 = arith.constant 0 : i32
        %lt3A_580 = arith.cmpi slt, %rem3A_576, %lt3A_579 : i32
        %lt3A_581 = arith.constant 0 : i32
        %lt3A_582 = arith.cmpi slt, %select_n3A_575, %lt3A_581 : i32
        %ne3A_583 = arith.xori %lt3A_580, %lt3A_582 : i1
        %and3A_584 = arith.andi %ne3A_583, %ne3A_578 : i1
        %add3A_585 = arith.addi %rem3A_576, %select_n3A_575 : i32
        %select_n3A_586 = arith.select %and3A_584, %add3A_585, %rem3A_576 : i32
        %mul3A_587 = arith.constant 128 : i32
        %mul3A_588 = arith.muli %select_n3A_586, %mul3A_587 : i32
        %multiple_of3A_589 = tpu.assume_multiple %mul3A_588, 128 : i32
        %dma_start3A_590 = tpu.memref_slice %arg7[%multiple_of3A_589] : memref<5120xi32, #tpu.memory_space<vmem>> -> memref<128xi32, #tpu.memory_space<vmem>>
        %dma_start3A_591 = arith.constant 0 : i32
        %dma_start3A_592 = arith.constant 0 : i32
        %dma_start3A_593 = tpu.memref_slice %arg25[%dma_start3A_591, %dma_start3A_592] : memref<10000x64xf32, #tpu.memory_space<vmem_shared>> -> memref<10000x64xf32, #tpu.memory_space<vmem_shared>>
        tpu.enqueue_indirect_dma source(%dma_start3A_593 : memref<10000x64xf32, #tpu.memory_space<vmem_shared>>) target(%arg10 : memref<128x64xf32, #tpu.memory_space<vmem>>) offsets(%dma_start3A_590 : memref<128xi32, #tpu.memory_space<vmem>>) semaphore(%arg14 : memref<!tpu.dma_semaphore, #tpu.memory_space<semaphore_mem>>)
      } else {
      }
      %jit3A_498 = arith.constant 40 : i32
      %eq3A_499 = arith.constant 0 : i32
      %eq3A_500 = arith.cmpi eq, %jit3A_498, %eq3A_499 : i32
      %jit3A_501 = arith.constant 1 : i32
      %select_n3A_502 = arith.select %eq3A_500, %jit3A_501, %jit3A_498 : i32
      %rem3A_503 = arith.remsi %add3A_490, %select_n3A_502 : i32
      %ne3A_504 = arith.constant 0 : i32
      %ne3A_505 = arith.cmpi ne, %rem3A_503, %ne3A_504 : i32
      %lt3A_506 = arith.constant 0 : i32
      %lt3A_507 = arith.cmpi slt, %rem3A_503, %lt3A_506 : i32
      %lt3A_508 = arith.constant 0 : i32
      %lt3A_509 = arith.cmpi slt, %select_n3A_502, %lt3A_508 : i32
      %ne3A_510 = arith.xori %lt3A_507, %lt3A_509 : i1
      %and3A_511 = arith.andi %ne3A_510, %ne3A_505 : i1
      %add3A_512 = arith.addi %rem3A_503, %select_n3A_502 : i32
      %select_n3A_513 = arith.select %and3A_511, %add3A_512, %rem3A_503 : i32
      %mul3A_514 = arith.constant 128 : i32
      %mul3A_515 = arith.muli %select_n3A_513, %mul3A_514 : i32
      %multiple_of3A_516 = tpu.assume_multiple %mul3A_515, 128 : i32
      %dma_wait3A_517 = tpu.memref_slice %arg7[%multiple_of3A_516] : memref<5120xi32, #tpu.memory_space<vmem>> -> memref<128xi32, #tpu.memory_space<vmem>>
      %dma_wait3A_518 = arith.constant 0 : i32
      %dma_wait3A_519 = arith.constant 0 : i32
      %dma_wait3A_520 = tpu.memref_slice %arg25[%dma_wait3A_518, %dma_wait3A_519] : memref<10000x64xf32, #tpu.memory_space<vmem_shared>> -> memref<10000x64xf32, #tpu.memory_space<vmem_shared>>
      tpu.wait_indirect_dma semaphore(%arg16 : memref<!tpu.dma_semaphore, #tpu.memory_space<semaphore_mem>>) src(%dma_wait3A_520 : memref<10000x64xf32, #tpu.memory_space<vmem_shared>>) dst(%arg12 : memref<128x64xf32, #tpu.memory_space<vmem>>)
      %jit3A_521 = arith.constant 40 : i32
      %eq3A_522 = arith.constant 0 : i32
      %eq3A_523 = arith.cmpi eq, %jit3A_521, %eq3A_522 : i32
      %jit3A_524 = arith.constant 1 : i32
      %select_n3A_525 = arith.select %eq3A_523, %jit3A_524, %jit3A_521 : i32
      %rem3A_526 = arith.remsi %add3A_490, %select_n3A_525 : i32
      %ne3A_527 = arith.constant 0 : i32
      %ne3A_528 = arith.cmpi ne, %rem3A_526, %ne3A_527 : i32
      %lt3A_529 = arith.constant 0 : i32
      %lt3A_530 = arith.cmpi slt, %rem3A_526, %lt3A_529 : i32
      %lt3A_531 = arith.constant 0 : i32
      %lt3A_532 = arith.cmpi slt, %select_n3A_525, %lt3A_531 : i32
      %ne3A_533 = arith.xori %lt3A_530, %lt3A_532 : i1
      %and3A_534 = arith.andi %ne3A_533, %ne3A_528 : i1
      %add3A_535 = arith.addi %rem3A_526, %select_n3A_525 : i32
      %select_n3A_536 = arith.select %and3A_534, %add3A_535, %rem3A_526 : i32
      %mul3A_537 = arith.constant 128 : i32
      %mul3A_538 = arith.muli %select_n3A_536, %mul3A_537 : i32
      %multiple_of3A_539 = tpu.assume_multiple %mul3A_538, 128 : i32
      %dma_start3A_540 = tpu.memref_slice %arg8[%multiple_of3A_539] : memref<5120xi32, #tpu.memory_space<vmem>> -> memref<128xi32, #tpu.memory_space<vmem>>
      %dma_start3A_541 = arith.constant 0 : i32
      %dma_start3A_542 = arith.constant 0 : i32
      %dma_start3A_543 = tpu.memref_slice %arg24[%dma_start3A_541, %dma_start3A_542] : memref<10112x64xf32, #tpu.memory_space<vmem_shared>> -> memref<10112x64xf32, #tpu.memory_space<vmem_shared>>
      tpu.enqueue_indirect_dma source(%arg12 : memref<128x64xf32, #tpu.memory_space<vmem>>) target(%dma_start3A_543 : memref<10112x64xf32, #tpu.memory_space<vmem_shared>>) offsets(%dma_start3A_540 : memref<128xi32, #tpu.memory_space<vmem>>) semaphore(%arg20 : memref<!tpu.dma_semaphore, #tpu.memory_space<semaphore_mem>>) {add = true}
      %scan3A_544 = arith.constant 0 : i32
      scf.yield %scan3A_544 : i32
    }
    %scan3A_197 = arith.constant 39 : i32
    %multiple_of3A_198 = arith.constant 4608 : i32
    %multiple_of3A_199 = tpu.assume_multiple %multiple_of3A_198, 128 : i32
    %dma_wait3A_200 = tpu.memref_slice %arg8[%multiple_of3A_199] : memref<5120xi32, #tpu.memory_space<vmem>> -> memref<128xi32, #tpu.memory_space<vmem>>
    %dma_wait3A_201 = arith.constant 0 : i32
    %dma_wait3A_202 = arith.constant 0 : i32
    %dma_wait3A_203 = tpu.memref_slice %arg24[%dma_wait3A_201, %dma_wait3A_202] : memref<10112x64xf32, #tpu.memory_space<vmem_shared>> -> memref<10112x64xf32, #tpu.memory_space<vmem_shared>>
    tpu.wait_indirect_dma semaphore(%arg17 : memref<!tpu.dma_semaphore, #tpu.memory_space<semaphore_mem>>) src(%arg9 : memref<128x64xf32, #tpu.memory_space<vmem>>) dst(%dma_wait3A_203 : memref<10112x64xf32, #tpu.memory_space<vmem_shared>>)
    %multiple_of3A_204 = arith.constant 4736 : i32
    %multiple_of3A_205 = tpu.assume_multiple %multiple_of3A_204, 128 : i32
    %dma_wait3A_206 = tpu.memref_slice %arg8[%multiple_of3A_205] : memref<5120xi32, #tpu.memory_space<vmem>> -> memref<128xi32, #tpu.memory_space<vmem>>
    %dma_wait3A_207 = arith.constant 0 : i32
    %dma_wait3A_208 = arith.constant 0 : i32
    %dma_wait3A_209 = tpu.memref_slice %arg24[%dma_wait3A_207, %dma_wait3A_208] : memref<10112x64xf32, #tpu.memory_space<vmem_shared>> -> memref<10112x64xf32, #tpu.memory_space<vmem_shared>>
    tpu.wait_indirect_dma semaphore(%arg18 : memref<!tpu.dma_semaphore, #tpu.memory_space<semaphore_mem>>) src(%arg10 : memref<128x64xf32, #tpu.memory_space<vmem>>) dst(%dma_wait3A_209 : memref<10112x64xf32, #tpu.memory_space<vmem_shared>>)
    %multiple_of3A_210 = arith.constant 4864 : i32
    %multiple_of3A_211 = tpu.assume_multiple %multiple_of3A_210, 128 : i32
    %dma_wait3A_212 = tpu.memref_slice %arg8[%multiple_of3A_211] : memref<5120xi32, #tpu.memory_space<vmem>> -> memref<128xi32, #tpu.memory_space<vmem>>
    %dma_wait3A_213 = arith.constant 0 : i32
    %dma_wait3A_214 = arith.constant 0 : i32
    %dma_wait3A_215 = tpu.memref_slice %arg24[%dma_wait3A_213, %dma_wait3A_214] : memref<10112x64xf32, #tpu.memory_space<vmem_shared>> -> memref<10112x64xf32, #tpu.memory_space<vmem_shared>>
    tpu.wait_indirect_dma semaphore(%arg19 : memref<!tpu.dma_semaphore, #tpu.memory_space<semaphore_mem>>) src(%arg11 : memref<128x64xf32, #tpu.memory_space<vmem>>) dst(%dma_wait3A_215 : memref<10112x64xf32, #tpu.memory_space<vmem_shared>>)
    %multiple_of3A_216 = arith.constant 4992 : i32
    %multiple_of3A_217 = tpu.assume_multiple %multiple_of3A_216, 128 : i32
    %dma_wait3A_218 = tpu.memref_slice %arg8[%multiple_of3A_217] : memref<5120xi32, #tpu.memory_space<vmem>> -> memref<128xi32, #tpu.memory_space<vmem>>
    %dma_wait3A_219 = arith.constant 0 : i32
    %dma_wait3A_220 = arith.constant 0 : i32
    %dma_wait3A_221 = tpu.memref_slice %arg24[%dma_wait3A_219, %dma_wait3A_220] : memref<10112x64xf32, #tpu.memory_space<vmem_shared>> -> memref<10112x64xf32, #tpu.memory_space<vmem_shared>>
    tpu.wait_indirect_dma semaphore(%arg20 : memref<!tpu.dma_semaphore, #tpu.memory_space<semaphore_mem>>) src(%arg12 : memref<128x64xf32, #tpu.memory_space<vmem>>) dst(%dma_wait3A_221 : memref<10112x64xf32, #tpu.memory_space<vmem_shared>>)
    %barrier3A_222 = arith.constant 0 : index
    tpu.barrier barrier_id(%barrier3A_222)
    %mul3A_223 = arith.constant 624 : i32
    %mul3A_224 = arith.muli %arg1, %mul3A_223 : i32
    %mul3A_225 = arith.constant 624 : i32
    %mul3A_226 = arith.muli %arg1, %mul3A_225 : i32
    "tpu.region"() ({
      %run_scoped3A = tpu.sem_alloc : memref<!tpu.dma_semaphore, #tpu.memory_space<semaphore_mem>>
      %dma_start3A_232 = arith.constant 0 : i32
      %dma_start3A_233 = arith.constant 0 : i32
      %dma_start3A_234 = tpu.memref_slice %arg6[%arg0, %dma_start3A_232, %dma_start3A_233] : memref<2x10000x64xf32, #tpu.memory_space<hbm>> -> memref<1x10000x64xf32, #tpu.memory_space<hbm>>
      %dma_start3A_235 = tpu.memref_squeeze %dma_start3A_234 : memref<1x10000x64xf32, #tpu.memory_space<hbm>> -> memref<10000x64xf32, #tpu.memory_space<hbm>>
      %dma_start3A_236 = arith.constant 0 : i32
      %dma_start3A_237 = tpu.memref_slice %dma_start3A_235[%mul3A_226, %dma_start3A_236] : memref<10000x64xf32, #tpu.memory_space<hbm>> -> memref<624x64xf32, #tpu.memory_space<hbm>>
      %dma_start3A_238 = arith.constant 0 : i32
      %dma_start3A_239 = tpu.memref_slice %arg24[%mul3A_224, %dma_start3A_238] : memref<10112x64xf32, #tpu.memory_space<vmem_shared>> -> memref<624x64xf32, #tpu.memory_space<vmem_shared>>
      tpu.enqueue_dma source(%dma_start3A_239 : memref<624x64xf32, #tpu.memory_space<vmem_shared>>) target(%dma_start3A_237 : memref<624x64xf32, #tpu.memory_space<hbm>>) target_semaphore(%run_scoped3A : memref<!tpu.dma_semaphore, #tpu.memory_space<semaphore_mem>>)
      %dma_wait3A_240 = arith.constant 0 : i32
      %dma_wait3A_241 = arith.constant 0 : i32
      %dma_wait3A_242 = tpu.memref_slice %arg6[%arg0, %dma_wait3A_240, %dma_wait3A_241] : memref<2x10000x64xf32, #tpu.memory_space<hbm>> -> memref<1x10000x64xf32, #tpu.memory_space<hbm>>
      %dma_wait3A_243 = tpu.memref_squeeze %dma_wait3A_242 : memref<1x10000x64xf32, #tpu.memory_space<hbm>> -> memref<10000x64xf32, #tpu.memory_space<hbm>>
      %dma_wait3A_244 = arith.constant 0 : i32
      %dma_wait3A_245 = tpu.memref_slice %dma_wait3A_243[%mul3A_226, %dma_wait3A_244] : memref<10000x64xf32, #tpu.memory_space<hbm>> -> memref<624x64xf32, #tpu.memory_space<hbm>>
      %dma_wait3A_246 = arith.constant 0 : i32
      %dma_wait3A_247 = tpu.memref_slice %arg24[%mul3A_224, %dma_wait3A_246] : memref<10112x64xf32, #tpu.memory_space<vmem_shared>> -> memref<624x64xf32, #tpu.memory_space<vmem_shared>>
      tpu.wait_dma2 semaphore(%run_scoped3A : memref<!tpu.dma_semaphore, #tpu.memory_space<semaphore_mem>>) src(%dma_wait3A_247 : memref<624x64xf32, #tpu.memory_space<vmem_shared>>) dst(%dma_wait3A_245 : memref<624x64xf32, #tpu.memory_space<hbm>>)
      tpu.yield
    }) : () -> ()
    %eq3A_227 = arith.constant 15 : i32
    %eq3A_228 = arith.cmpi eq, %arg1, %eq3A_227 : i32
    %convert_element_type3A_229 = arith.extui %eq3A_228 : i1 to i32
    %cond3A_230 = arith.constant 0 : i32
    %cond3A_231 = arith.cmpi ne, %convert_element_type3A_229, %cond3A_230 : i32
    scf.if %cond3A_231 {
      "tpu.region"() ({
        %run_scoped3A = tpu.sem_alloc : memref<!tpu.dma_semaphore, #tpu.memory_space<semaphore_mem>>
        %dma_start3A_232 = arith.constant 0 : i32
        %dma_start3A_233 = arith.constant 0 : i32
        %dma_start3A_234 = tpu.memref_slice %arg6[%arg0, %dma_start3A_232, %dma_start3A_233] : memref<2x10000x64xf32, #tpu.memory_space<hbm>> -> memref<1x10000x64xf32, #tpu.memory_space<hbm>>
        %dma_start3A_235 = tpu.memref_squeeze %dma_start3A_234 : memref<1x10000x64xf32, #tpu.memory_space<hbm>> -> memref<10000x64xf32, #tpu.memory_space<hbm>>
        %dma_start3A_236 = arith.constant 9984 : i32
        %dma_start3A_237 = arith.constant 0 : i32
        %dma_start3A_238 = tpu.memref_slice %dma_start3A_235[%dma_start3A_236, %dma_start3A_237] : memref<10000x64xf32, #tpu.memory_space<hbm>> -> memref<16x64xf32, #tpu.memory_space<hbm>>
        %dma_start3A_239 = arith.constant 9984 : i32
        %dma_start3A_240 = arith.constant 0 : i32
        %dma_start3A_241 = tpu.memref_slice %arg24[%dma_start3A_239, %dma_start3A_240] : memref<10112x64xf32, #tpu.memory_space<vmem_shared>> -> memref<16x64xf32, #tpu.memory_space<vmem_shared>>
        tpu.enqueue_dma source(%dma_start3A_241 : memref<16x64xf32, #tpu.memory_space<vmem_shared>>) target(%dma_start3A_238 : memref<16x64xf32, #tpu.memory_space<hbm>>) target_semaphore(%run_scoped3A : memref<!tpu.dma_semaphore, #tpu.memory_space<semaphore_mem>>)
        %dma_wait3A_242 = arith.constant 0 : i32
        %dma_wait3A_243 = arith.constant 0 : i32
        %dma_wait3A_244 = tpu.memref_slice %arg6[%arg0, %dma_wait3A_242, %dma_wait3A_243] : memref<2x10000x64xf32, #tpu.memory_space<hbm>> -> memref<1x10000x64xf32, #tpu.memory_space<hbm>>
        %dma_wait3A_245 = tpu.memref_squeeze %dma_wait3A_244 : memref<1x10000x64xf32, #tpu.memory_space<hbm>> -> memref<10000x64xf32, #tpu.memory_space<hbm>>
        %dma_wait3A_246 = arith.constant 9984 : i32
        %dma_wait3A_247 = arith.constant 0 : i32
        %dma_wait3A_248 = tpu.memref_slice %dma_wait3A_245[%dma_wait3A_246, %dma_wait3A_247] : memref<10000x64xf32, #tpu.memory_space<hbm>> -> memref<16x64xf32, #tpu.memory_space<hbm>>
        %dma_wait3A_249 = arith.constant 9984 : i32
        %dma_wait3A_250 = arith.constant 0 : i32
        %dma_wait3A_251 = tpu.memref_slice %arg24[%dma_wait3A_249, %dma_wait3A_250] : memref<10112x64xf32, #tpu.memory_space<vmem_shared>> -> memref<16x64xf32, #tpu.memory_space<vmem_shared>>
        tpu.wait_dma2 semaphore(%run_scoped3A : memref<!tpu.dma_semaphore, #tpu.memory_space<semaphore_mem>>) src(%dma_wait3A_251 : memref<16x64xf32, #tpu.memory_space<vmem_shared>>) dst(%dma_wait3A_248 : memref<16x64xf32, #tpu.memory_space<hbm>>)
        tpu.yield
      }) : () -> ()
    } else {
    }
    return
  }
}

#map = affine_map<(d0, d1) -> (0, 0, 0)>
#map1 = affine_map<(d0, d1) -> (0, 0)>
module attributes {stable_mosaic.version = 14 : i64} {
  func.func @_agg_body(%arg0: i32, %arg1: i32, %arg2: memref<2x10000x64xf32, #tpu.memory_space<hbm>>, %arg3: memref<16x20480xi32, #tpu.memory_space<hbm>>, %arg4: memref<16x20480xi32, #tpu.memory_space<hbm>>, %arg5: memref<632x64xf32, #tpu.memory_space<hbm>>, %arg6: memref<2x10000x64xf32, #tpu.memory_space<hbm>>, %arg7: memref<5120xi32, #tpu.memory_space<vmem>>, %arg8: memref<5120xi32, #tpu.memory_space<vmem>>, %arg9: memref<128x64xf32, #tpu.memory_space<vmem>>, %arg10: memref<128x64xf32, #tpu.memory_space<vmem>>, %arg11: memref<128x64xf32, #tpu.memory_space<vmem>>, %arg12: memref<128x64xf32, #tpu.memory_space<vmem>>, %arg13: memref<!tpu.dma_semaphore, #tpu.memory_space<semaphore_mem>>, %arg14: memref<!tpu.dma_semaphore, #tpu.memory_space<semaphore_mem>>, %arg15: memref<!tpu.dma_semaphore, #tpu.memory_space<semaphore_mem>>, %arg16: memref<!tpu.dma_semaphore, #tpu.memory_space<semaphore_mem>>, %arg17: memref<!tpu.dma_semaphore, #tpu.memory_space<semaphore_mem>>, %arg18: memref<!tpu.dma_semaphore, #tpu.memory_space<semaphore_mem>>, %arg19: memref<!tpu.dma_semaphore, #tpu.memory_space<semaphore_mem>>, %arg20: memref<!tpu.dma_semaphore, #tpu.memory_space<semaphore_mem>>, %arg21: memref<!tpu.dma_semaphore, #tpu.memory_space<semaphore_mem>>, %arg22: memref<!tpu.dma_semaphore, #tpu.memory_space<semaphore_mem>>, %arg23: memref<!tpu.dma_semaphore, #tpu.memory_space<semaphore_mem>>, %arg24: memref<10112x64xf32, #tpu.memory_space<vmem_shared>>, %arg25: memref<10000x64xf32, #tpu.memory_space<vmem_shared>>) attributes {dimension_semantics = [#tpu.dimension_semantics<core_parallel>, #tpu.dimension_semantics<subcore_parallel>], iteration_bounds = array<i64: 2, 16>, scalar_prefetch = 0 : i64, scratch_operands = 19 : i64, tpu.core_type = #tpu.core_type<sc_vector_subcore>, window_params = [{transform_indices = #map}, {transform_indices = #map1}, {transform_indices = #map1}, {transform_indices = #map1}, {transform_indices = #map}]} {
    %multiple_of3A = arith.constant 0 : i32
    %multiple_of3A_0 = tpu.assume_multiple %multiple_of3A, 2560 : i32
    %dma_start3A = arith.constant 0 : i32
    %dma_start3A_1 = tpu.memref_slice %arg7[%dma_start3A] : memref<5120xi32, #tpu.memory_space<vmem>> -> memref<2560xi32, #tpu.memory_space<vmem>>
    %dma_start3A_2 = arith.constant 0 : i32
    %dma_start3A_3 = tpu.memref_slice %arg3[%arg1, %dma_start3A_2] : memref<16x20480xi32, #tpu.memory_space<hbm>> -> memref<1x20480xi32, #tpu.memory_space<hbm>>
    %dma_start3A_4 = tpu.memref_squeeze %dma_start3A_3 : memref<1x20480xi32, #tpu.memory_space<hbm>> -> memref<20480xi32, #tpu.memory_space<hbm>>
    %dma_start3A_5 = tpu.memref_slice %dma_start3A_4[%multiple_of3A_0] : memref<20480xi32, #tpu.memory_space<hbm>> -> memref<2560xi32, #tpu.memory_space<hbm>>
    %dma_start3A_6 = arith.constant 0 : i32
    %dma_start3A_7 = tpu.memref_slice %arg7[%dma_start3A_6] : memref<5120xi32, #tpu.memory_space<vmem>> -> memref<2560xi32, #tpu.memory_space<vmem>>
    %dma_start3A_8 = arith.constant 0 : i32
    %dma_start3A_9 = tpu.memref_slice %arg3[%arg1, %dma_start3A_8] : memref<16x20480xi32, #tpu.memory_space<hbm>> -> memref<1x20480xi32, #tpu.memory_space<hbm>>
    %dma_start3A_10 = tpu.memref_squeeze %dma_start3A_9 : memref<1x20480xi32, #tpu.memory_space<hbm>> -> memref<20480xi32, #tpu.memory_space<hbm>>
    %dma_start3A_11 = tpu.memref_slice %dma_start3A_10[%multiple_of3A_0] : memref<20480xi32, #tpu.memory_space<hbm>> -> memref<2560xi32, #tpu.memory_space<hbm>>
    tpu.enqueue_dma source(%dma_start3A_11 : memref<2560xi32, #tpu.memory_space<hbm>>) target(%dma_start3A_7 : memref<2560xi32, #tpu.memory_space<vmem>>) target_semaphore(%arg21 : memref<!tpu.dma_semaphore, #tpu.memory_space<semaphore_mem>>)
    %dma_start3A_12 = arith.constant 0 : i32
    %dma_start3A_13 = tpu.memref_slice %arg8[%dma_start3A_12] : memref<5120xi32, #tpu.memory_space<vmem>> -> memref<2560xi32, #tpu.memory_space<vmem>>
    %dma_start3A_14 = arith.constant 0 : i32
    %dma_start3A_15 = tpu.memref_slice %arg4[%arg1, %dma_start3A_14] : memref<16x20480xi32, #tpu.memory_space<hbm>> -> memref<1x20480xi32, #tpu.memory_space<hbm>>
    %dma_start3A_16 = tpu.memref_squeeze %dma_start3A_15 : memref<1x20480xi32, #tpu.memory_space<hbm>> -> memref<20480xi32, #tpu.memory_space<hbm>>
    %dma_start3A_17 = tpu.memref_slice %dma_start3A_16[%multiple_of3A_0] : memref<20480xi32, #tpu.memory_space<hbm>> -> memref<2560xi32, #tpu.memory_space<hbm>>
    %dma_start3A_18 = arith.constant 0 : i32
    %dma_start3A_19 = tpu.memref_slice %arg8[%dma_start3A_18] : memref<5120xi32, #tpu.memory_space<vmem>> -> memref<2560xi32, #tpu.memory_space<vmem>>
    %dma_start3A_20 = arith.constant 0 : i32
    %dma_start3A_21 = tpu.memref_slice %arg4[%arg1, %dma_start3A_20] : memref<16x20480xi32, #tpu.memory_space<hbm>> -> memref<1x20480xi32, #tpu.memory_space<hbm>>
    %dma_start3A_22 = tpu.memref_squeeze %dma_start3A_21 : memref<1x20480xi32, #tpu.memory_space<hbm>> -> memref<20480xi32, #tpu.memory_space<hbm>>
    %dma_start3A_23 = tpu.memref_slice %dma_start3A_22[%multiple_of3A_0] : memref<20480xi32, #tpu.memory_space<hbm>> -> memref<2560xi32, #tpu.memory_space<hbm>>
    tpu.enqueue_dma source(%dma_start3A_23 : memref<2560xi32, #tpu.memory_space<hbm>>) target(%dma_start3A_19 : memref<2560xi32, #tpu.memory_space<vmem>>) target_semaphore(%arg21 : memref<!tpu.dma_semaphore, #tpu.memory_space<semaphore_mem>>)
    %multiple_of3A_24 = arith.constant 2560 : i32
    %multiple_of3A_25 = tpu.assume_multiple %multiple_of3A_24, 2560 : i32
    %dma_start3A_26 = arith.constant 2560 : i32
    %dma_start3A_27 = tpu.memref_slice %arg7[%dma_start3A_26] : memref<5120xi32, #tpu.memory_space<vmem>> -> memref<2560xi32, #tpu.memory_space<vmem>>
    %dma_start3A_28 = arith.constant 0 : i32
    %dma_start3A_29 = tpu.memref_slice %arg3[%arg1, %dma_start3A_28] : memref<16x20480xi32, #tpu.memory_space<hbm>> -> memref<1x20480xi32, #tpu.memory_space<hbm>>
    %dma_start3A_30 = tpu.memref_squeeze %dma_start3A_29 : memref<1x20480xi32, #tpu.memory_space<hbm>> -> memref<20480xi32, #tpu.memory_space<hbm>>
    %dma_start3A_31 = tpu.memref_slice %dma_start3A_30[%multiple_of3A_25] : memref<20480xi32, #tpu.memory_space<hbm>> -> memref<2560xi32, #tpu.memory_space<hbm>>
    %dma_start3A_32 = arith.constant 2560 : i32
    %dma_start3A_33 = tpu.memref_slice %arg7[%dma_start3A_32] : memref<5120xi32, #tpu.memory_space<vmem>> -> memref<2560xi32, #tpu.memory_space<vmem>>
    %dma_start3A_34 = arith.constant 0 : i32
    %dma_start3A_35 = tpu.memref_slice %arg3[%arg1, %dma_start3A_34] : memref<16x20480xi32, #tpu.memory_space<hbm>> -> memref<1x20480xi32, #tpu.memory_space<hbm>>
    %dma_start3A_36 = tpu.memref_squeeze %dma_start3A_35 : memref<1x20480xi32, #tpu.memory_space<hbm>> -> memref<20480xi32, #tpu.memory_space<hbm>>
    %dma_start3A_37 = tpu.memref_slice %dma_start3A_36[%multiple_of3A_25] : memref<20480xi32, #tpu.memory_space<hbm>> -> memref<2560xi32, #tpu.memory_space<hbm>>
    tpu.enqueue_dma source(%dma_start3A_37 : memref<2560xi32, #tpu.memory_space<hbm>>) target(%dma_start3A_33 : memref<2560xi32, #tpu.memory_space<vmem>>) target_semaphore(%arg22 : memref<!tpu.dma_semaphore, #tpu.memory_space<semaphore_mem>>)
    %dma_start3A_38 = arith.constant 2560 : i32
    %dma_start3A_39 = tpu.memref_slice %arg8[%dma_start3A_38] : memref<5120xi32, #tpu.memory_space<vmem>> -> memref<2560xi32, #tpu.memory_space<vmem>>
    %dma_start3A_40 = arith.constant 0 : i32
    %dma_start3A_41 = tpu.memref_slice %arg4[%arg1, %dma_start3A_40] : memref<16x20480xi32, #tpu.memory_space<hbm>> -> memref<1x20480xi32, #tpu.memory_space<hbm>>
    %dma_start3A_42 = tpu.memref_squeeze %dma_start3A_41 : memref<1x20480xi32, #tpu.memory_space<hbm>> -> memref<20480xi32, #tpu.memory_space<hbm>>
    %dma_start3A_43 = tpu.memref_slice %dma_start3A_42[%multiple_of3A_25] : memref<20480xi32, #tpu.memory_space<hbm>> -> memref<2560xi32, #tpu.memory_space<hbm>>
    %dma_start3A_44 = arith.constant 2560 : i32
    %dma_start3A_45 = tpu.memref_slice %arg8[%dma_start3A_44] : memref<5120xi32, #tpu.memory_space<vmem>> -> memref<2560xi32, #tpu.memory_space<vmem>>
    %dma_start3A_46 = arith.constant 0 : i32
    %dma_start3A_47 = tpu.memref_slice %arg4[%arg1, %dma_start3A_46] : memref<16x20480xi32, #tpu.memory_space<hbm>> -> memref<1x20480xi32, #tpu.memory_space<hbm>>
    %dma_start3A_48 = tpu.memref_squeeze %dma_start3A_47 : memref<1x20480xi32, #tpu.memory_space<hbm>> -> memref<20480xi32, #tpu.memory_space<hbm>>
    %dma_start3A_49 = tpu.memref_slice %dma_start3A_48[%multiple_of3A_25] : memref<20480xi32, #tpu.memory_space<hbm>> -> memref<2560xi32, #tpu.memory_space<hbm>>
    tpu.enqueue_dma source(%dma_start3A_49 : memref<2560xi32, #tpu.memory_space<hbm>>) target(%dma_start3A_45 : memref<2560xi32, #tpu.memory_space<vmem>>) target_semaphore(%arg22 : memref<!tpu.dma_semaphore, #tpu.memory_space<semaphore_mem>>)
    %mul3A = arith.constant 624 : i32
    %mul3A_50 = arith.muli %arg1, %mul3A : i32
    %dma_start3A_51 = arith.constant 0 : i32
    %dma_start3A_52 = tpu.memref_slice %arg25[%mul3A_50, %dma_start3A_51] : memref<10000x64xf32, #tpu.memory_space<vmem_shared>> -> memref<624x64xf32, #tpu.memory_space<vmem_shared>>
    %dma_start3A_53 = arith.constant 0 : i32
    %dma_start3A_54 = arith.constant 0 : i32
    %dma_start3A_55 = tpu.memref_slice %arg2[%arg0, %dma_start3A_53, %dma_start3A_54] : memref<2x10000x64xf32, #tpu.memory_space<hbm>> -> memref<1x10000x64xf32, #tpu.memory_space<hbm>>
    %dma_start3A_56 = tpu.memref_squeeze %dma_start3A_55 : memref<1x10000x64xf32, #tpu.memory_space<hbm>> -> memref<10000x64xf32, #tpu.memory_space<hbm>>
    %dma_start3A_57 = arith.constant 0 : i32
    %dma_start3A_58 = tpu.memref_slice %dma_start3A_56[%mul3A_50, %dma_start3A_57] : memref<10000x64xf32, #tpu.memory_space<hbm>> -> memref<624x64xf32, #tpu.memory_space<hbm>>
    tpu.enqueue_dma source(%dma_start3A_58 : memref<624x64xf32, #tpu.memory_space<hbm>>) target(%dma_start3A_52 : memref<624x64xf32, #tpu.memory_space<vmem_shared>>) target_semaphore(%arg23 : memref<!tpu.dma_semaphore, #tpu.memory_space<semaphore_mem>>)
    %mul3A_59 = arith.constant 632 : i32
    %mul3A_60 = arith.muli %arg1, %mul3A_59 : i32
    "tpu.region"() ({
      %run_scoped3A = tpu.sem_alloc : memref<!tpu.dma_semaphore, #tpu.memory_space<semaphore_mem>>
      %dma_start3A_232 = arith.constant 0 : i32
      %dma_start3A_233 = tpu.memref_slice %arg24[%mul3A_60, %dma_start3A_232] : memref<10112x64xf32, #tpu.memory_space<vmem_shared>> -> memref<632x64xf32, #tpu.memory_space<vmem_shared>>
      tpu.enqueue_dma source(%arg5 : memref<632x64xf32, #tpu.memory_space<hbm>>) target(%dma_start3A_233 : memref<632x64xf32, #tpu.memory_space<vmem_shared>>) target_semaphore(%run_scoped3A : memref<!tpu.dma_semaphore, #tpu.memory_space<semaphore_mem>>)
      %dma_wait3A_234 = arith.constant 0 : i32
      %dma_wait3A_235 = tpu.memref_slice %arg24[%mul3A_60, %dma_wait3A_234] : memref<10112x64xf32, #tpu.memory_space<vmem_shared>> -> memref<632x64xf32, #tpu.memory_space<vmem_shared>>
      tpu.wait_dma2 semaphore(%run_scoped3A : memref<!tpu.dma_semaphore, #tpu.memory_space<semaphore_mem>>) src(%arg5 : memref<632x64xf32, #tpu.memory_space<hbm>>) dst(%dma_wait3A_235 : memref<632x64xf32, #tpu.memory_space<vmem_shared>>)
      tpu.yield
    }) : () -> ()
    %eq3A = arith.constant 15 : i32
    %eq3A_61 = arith.cmpi eq, %arg1, %eq3A : i32
    %convert_element_type3A = arith.extui %eq3A_61 : i1 to i32
    %cond3A = arith.constant 0 : i32
    %cond3A_62 = arith.cmpi ne, %convert_element_type3A, %cond3A : i32
    scf.if %cond3A_62 {
      "tpu.region"() ({
        %run_scoped3A = tpu.sem_alloc : memref<!tpu.dma_semaphore, #tpu.memory_space<semaphore_mem>>
        %dma_start3A_232 = arith.constant 9984 : i32
        %dma_start3A_233 = arith.constant 0 : i32
        %dma_start3A_234 = tpu.memref_slice %arg25[%dma_start3A_232, %dma_start3A_233] : memref<10000x64xf32, #tpu.memory_space<vmem_shared>> -> memref<16x64xf32, #tpu.memory_space<vmem_shared>>
        %dma_start3A_235 = arith.constant 0 : i32
        %dma_start3A_236 = arith.constant 0 : i32
        %dma_start3A_237 = tpu.memref_slice %arg2[%arg0, %dma_start3A_235, %dma_start3A_236] : memref<2x10000x64xf32, #tpu.memory_space<hbm>> -> memref<1x10000x64xf32, #tpu.memory_space<hbm>>
        %dma_start3A_238 = tpu.memref_squeeze %dma_start3A_237 : memref<1x10000x64xf32, #tpu.memory_space<hbm>> -> memref<10000x64xf32, #tpu.memory_space<hbm>>
        %dma_start3A_239 = arith.constant 9984 : i32
        %dma_start3A_240 = arith.constant 0 : i32
        %dma_start3A_241 = tpu.memref_slice %dma_start3A_238[%dma_start3A_239, %dma_start3A_240] : memref<10000x64xf32, #tpu.memory_space<hbm>> -> memref<16x64xf32, #tpu.memory_space<hbm>>
        tpu.enqueue_dma source(%dma_start3A_241 : memref<16x64xf32, #tpu.memory_space<hbm>>) target(%dma_start3A_234 : memref<16x64xf32, #tpu.memory_space<vmem_shared>>) target_semaphore(%run_scoped3A : memref<!tpu.dma_semaphore, #tpu.memory_space<semaphore_mem>>)
        %dma_wait3A_242 = arith.constant 9984 : i32
        %dma_wait3A_243 = arith.constant 0 : i32
        %dma_wait3A_244 = tpu.memref_slice %arg25[%dma_wait3A_242, %dma_wait3A_243] : memref<10000x64xf32, #tpu.memory_space<vmem_shared>> -> memref<16x64xf32, #tpu.memory_space<vmem_shared>>
        %dma_wait3A_245 = arith.constant 0 : i32
        %dma_wait3A_246 = arith.constant 0 : i32
        %dma_wait3A_247 = tpu.memref_slice %arg2[%arg0, %dma_wait3A_245, %dma_wait3A_246] : memref<2x10000x64xf32, #tpu.memory_space<hbm>> -> memref<1x10000x64xf32, #tpu.memory_space<hbm>>
        %dma_wait3A_248 = tpu.memref_squeeze %dma_wait3A_247 : memref<1x10000x64xf32, #tpu.memory_space<hbm>> -> memref<10000x64xf32, #tpu.memory_space<hbm>>
        %dma_wait3A_249 = arith.constant 9984 : i32
        %dma_wait3A_250 = arith.constant 0 : i32
        %dma_wait3A_251 = tpu.memref_slice %dma_wait3A_248[%dma_wait3A_249, %dma_wait3A_250] : memref<10000x64xf32, #tpu.memory_space<hbm>> -> memref<16x64xf32, #tpu.memory_space<hbm>>
        tpu.wait_dma2 semaphore(%run_scoped3A : memref<!tpu.dma_semaphore, #tpu.memory_space<semaphore_mem>>) src(%dma_wait3A_251 : memref<16x64xf32, #tpu.memory_space<hbm>>) dst(%dma_wait3A_244 : memref<16x64xf32, #tpu.memory_space<vmem_shared>>)
        tpu.yield
      }) : () -> ()
    } else {
    }
    %dma_wait3A = arith.constant 0 : i32
    %dma_wait3A_63 = tpu.memref_slice %arg25[%mul3A_50, %dma_wait3A] : memref<10000x64xf32, #tpu.memory_space<vmem_shared>> -> memref<624x64xf32, #tpu.memory_space<vmem_shared>>
    %dma_wait3A_64 = arith.constant 0 : i32
    %dma_wait3A_65 = arith.constant 0 : i32
    %dma_wait3A_66 = tpu.memref_slice %arg2[%arg0, %dma_wait3A_64, %dma_wait3A_65] : memref<2x10000x64xf32, #tpu.memory_space<hbm>> -> memref<1x10000x64xf32, #tpu.memory_space<hbm>>
    %dma_wait3A_67 = tpu.memref_squeeze %dma_wait3A_66 : memref<1x10000x64xf32, #tpu.memory_space<hbm>> -> memref<10000x64xf32, #tpu.memory_space<hbm>>
    %dma_wait3A_68 = arith.constant 0 : i32
    %dma_wait3A_69 = tpu.memref_slice %dma_wait3A_67[%mul3A_50, %dma_wait3A_68] : memref<10000x64xf32, #tpu.memory_space<hbm>> -> memref<624x64xf32, #tpu.memory_space<hbm>>
    tpu.wait_dma2 semaphore(%arg23 : memref<!tpu.dma_semaphore, #tpu.memory_space<semaphore_mem>>) src(%dma_wait3A_69 : memref<624x64xf32, #tpu.memory_space<hbm>>) dst(%dma_wait3A_63 : memref<624x64xf32, #tpu.memory_space<vmem_shared>>)
    %multiple_of3A_70 = arith.constant 0 : i32
    %multiple_of3A_71 = tpu.assume_multiple %multiple_of3A_70, 2560 : i32
    %dma_wait3A_72 = arith.constant 0 : i32
    %dma_wait3A_73 = tpu.memref_slice %arg7[%dma_wait3A_72] : memref<5120xi32, #tpu.memory_space<vmem>> -> memref<2560xi32, #tpu.memory_space<vmem>>
    %dma_wait3A_74 = arith.constant 0 : i32
    %dma_wait3A_75 = tpu.memref_slice %arg3[%arg1, %dma_wait3A_74] : memref<16x20480xi32, #tpu.memory_space<hbm>> -> memref<1x20480xi32, #tpu.memory_space<hbm>>
    %dma_wait3A_76 = tpu.memref_squeeze %dma_wait3A_75 : memref<1x20480xi32, #tpu.memory_space<hbm>> -> memref<20480xi32, #tpu.memory_space<hbm>>
    %dma_wait3A_77 = tpu.memref_slice %dma_wait3A_76[%multiple_of3A_71] : memref<20480xi32, #tpu.memory_space<hbm>> -> memref<2560xi32, #tpu.memory_space<hbm>>
    %dma_wait3A_78 = arith.constant 0 : i32
    %dma_wait3A_79 = tpu.memref_slice %arg7[%dma_wait3A_78] : memref<5120xi32, #tpu.memory_space<vmem>> -> memref<2560xi32, #tpu.memory_space<vmem>>
    %dma_wait3A_80 = arith.constant 0 : i32
    %dma_wait3A_81 = tpu.memref_slice %arg3[%arg1, %dma_wait3A_80] : memref<16x20480xi32, #tpu.memory_space<hbm>> -> memref<1x20480xi32, #tpu.memory_space<hbm>>
    %dma_wait3A_82 = tpu.memref_squeeze %dma_wait3A_81 : memref<1x20480xi32, #tpu.memory_space<hbm>> -> memref<20480xi32, #tpu.memory_space<hbm>>
    %dma_wait3A_83 = tpu.memref_slice %dma_wait3A_82[%multiple_of3A_71] : memref<20480xi32, #tpu.memory_space<hbm>> -> memref<2560xi32, #tpu.memory_space<hbm>>
    tpu.wait_dma2 semaphore(%arg21 : memref<!tpu.dma_semaphore, #tpu.memory_space<semaphore_mem>>) src(%dma_wait3A_83 : memref<2560xi32, #tpu.memory_space<hbm>>) dst(%dma_wait3A_79 : memref<2560xi32, #tpu.memory_space<vmem>>)
    %dma_wait3A_84 = arith.constant 0 : i32
    %dma_wait3A_85 = tpu.memref_slice %arg8[%dma_wait3A_84] : memref<5120xi32, #tpu.memory_space<vmem>> -> memref<2560xi32, #tpu.memory_space<vmem>>
    %dma_wait3A_86 = arith.constant 0 : i32
    %dma_wait3A_87 = tpu.memref_slice %arg4[%arg1, %dma_wait3A_86] : memref<16x20480xi32, #tpu.memory_space<hbm>> -> memref<1x20480xi32, #tpu.memory_space<hbm>>
    %dma_wait3A_88 = tpu.memref_squeeze %dma_wait3A_87 : memref<1x20480xi32, #tpu.memory_space<hbm>> -> memref<20480xi32, #tpu.memory_space<hbm>>
    %dma_wait3A_89 = tpu.memref_slice %dma_wait3A_88[%multiple_of3A_71] : memref<20480xi32, #tpu.memory_space<hbm>> -> memref<2560xi32, #tpu.memory_space<hbm>>
    %dma_wait3A_90 = arith.constant 0 : i32
    %dma_wait3A_91 = tpu.memref_slice %arg8[%dma_wait3A_90] : memref<5120xi32, #tpu.memory_space<vmem>> -> memref<2560xi32, #tpu.memory_space<vmem>>
    %dma_wait3A_92 = arith.constant 0 : i32
    %dma_wait3A_93 = tpu.memref_slice %arg4[%arg1, %dma_wait3A_92] : memref<16x20480xi32, #tpu.memory_space<hbm>> -> memref<1x20480xi32, #tpu.memory_space<hbm>>
    %dma_wait3A_94 = tpu.memref_squeeze %dma_wait3A_93 : memref<1x20480xi32, #tpu.memory_space<hbm>> -> memref<20480xi32, #tpu.memory_space<hbm>>
    %dma_wait3A_95 = tpu.memref_slice %dma_wait3A_94[%multiple_of3A_71] : memref<20480xi32, #tpu.memory_space<hbm>> -> memref<2560xi32, #tpu.memory_space<hbm>>
    tpu.wait_dma2 semaphore(%arg21 : memref<!tpu.dma_semaphore, #tpu.memory_space<semaphore_mem>>) src(%dma_wait3A_95 : memref<2560xi32, #tpu.memory_space<hbm>>) dst(%dma_wait3A_91 : memref<2560xi32, #tpu.memory_space<vmem>>)
    %barrier3A = arith.constant 0 : index
    tpu.barrier barrier_id(%barrier3A)
    %multiple_of3A_96 = arith.constant 0 : i32
    %multiple_of3A_97 = tpu.assume_multiple %multiple_of3A_96, 128 : i32
    %dma_start3A_98 = tpu.memref_slice %arg7[%multiple_of3A_97] : memref<5120xi32, #tpu.memory_space<vmem>> -> memref<128xi32, #tpu.memory_space<vmem>>
    %dma_start3A_99 = arith.constant 0 : i32
    %dma_start3A_100 = arith.constant 0 : i32
    %dma_start3A_101 = tpu.memref_slice %arg25[%dma_start3A_99, %dma_start3A_100] : memref<10000x64xf32, #tpu.memory_space<vmem_shared>> -> memref<10000x64xf32, #tpu.memory_space<vmem_shared>>
    tpu.enqueue_indirect_dma source(%dma_start3A_101 : memref<10000x64xf32, #tpu.memory_space<vmem_shared>>) target(%arg9 : memref<128x64xf32, #tpu.memory_space<vmem>>) offsets(%dma_start3A_98 : memref<128xi32, #tpu.memory_space<vmem>>) semaphore(%arg13 : memref<!tpu.dma_semaphore, #tpu.memory_space<semaphore_mem>>)
    %multiple_of3A_102 = arith.constant 128 : i32
    %multiple_of3A_103 = tpu.assume_multiple %multiple_of3A_102, 128 : i32
    %dma_start3A_104 = tpu.memref_slice %arg7[%multiple_of3A_103] : memref<5120xi32, #tpu.memory_space<vmem>> -> memref<128xi32, #tpu.memory_space<vmem>>
    %dma_start3A_105 = arith.constant 0 : i32
    %dma_start3A_106 = arith.constant 0 : i32
    %dma_start3A_107 = tpu.memref_slice %arg25[%dma_start3A_105, %dma_start3A_106] : memref<10000x64xf32, #tpu.memory_space<vmem_shared>> -> memref<10000x64xf32, #tpu.memory_space<vmem_shared>>
    tpu.enqueue_indirect_dma source(%dma_start3A_107 : memref<10000x64xf32, #tpu.memory_space<vmem_shared>>) target(%arg10 : memref<128x64xf32, #tpu.memory_space<vmem>>) offsets(%dma_start3A_104 : memref<128xi32, #tpu.memory_space<vmem>>) semaphore(%arg14 : memref<!tpu.dma_semaphore, #tpu.memory_space<semaphore_mem>>)
    %multiple_of3A_108 = arith.constant 256 : i32
    %multiple_of3A_109 = tpu.assume_multiple %multiple_of3A_108, 128 : i32
    %dma_start3A_110 = tpu.memref_slice %arg7[%multiple_of3A_109] : memref<5120xi32, #tpu.memory_space<vmem>> -> memref<128xi32, #tpu.memory_space<vmem>>
    %dma_start3A_111 = arith.constant 0 : i32
    %dma_start3A_112 = arith.constant 0 : i32
    %dma_start3A_113 = tpu.memref_slice %arg25[%dma_start3A_111, %dma_start3A_112] : memref<10000x64xf32, #tpu.memory_space<vmem_shared>> -> memref<10000x64xf32, #tpu.memory_space<vmem_shared>>
    tpu.enqueue_indirect_dma source(%dma_start3A_113 : memref<10000x64xf32, #tpu.memory_space<vmem_shared>>) target(%arg11 : memref<128x64xf32, #tpu.memory_space<vmem>>) offsets(%dma_start3A_110 : memref<128xi32, #tpu.memory_space<vmem>>) semaphore(%arg15 : memref<!tpu.dma_semaphore, #tpu.memory_space<semaphore_mem>>)
    %multiple_of3A_114 = arith.constant 0 : i32
    %multiple_of3A_115 = tpu.assume_multiple %multiple_of3A_114, 128 : i32
    %dma_wait3A_116 = tpu.memref_slice %arg7[%multiple_of3A_115] : memref<5120xi32, #tpu.memory_space<vmem>> -> memref<128xi32, #tpu.memory_space<vmem>>
    %dma_wait3A_117 = arith.constant 0 : i32
    %dma_wait3A_118 = arith.constant 0 : i32
    %dma_wait3A_119 = tpu.memref_slice %arg25[%dma_wait3A_117, %dma_wait3A_118] : memref<10000x64xf32, #tpu.memory_space<vmem_shared>> -> memref<10000x64xf32, #tpu.memory_space<vmem_shared>>
    tpu.wait_indirect_dma semaphore(%arg13 : memref<!tpu.dma_semaphore, #tpu.memory_space<semaphore_mem>>) src(%dma_wait3A_119 : memref<10000x64xf32, #tpu.memory_space<vmem_shared>>) dst(%arg9 : memref<128x64xf32, #tpu.memory_space<vmem>>)
    %multiple_of3A_120 = arith.constant 0 : i32
    %multiple_of3A_121 = tpu.assume_multiple %multiple_of3A_120, 128 : i32
    %dma_start3A_122 = tpu.memref_slice %arg8[%multiple_of3A_121] : memref<5120xi32, #tpu.memory_space<vmem>> -> memref<128xi32, #tpu.memory_space<vmem>>
    %dma_start3A_123 = arith.constant 0 : i32
    %dma_start3A_124 = arith.constant 0 : i32
    %dma_start3A_125 = tpu.memref_slice %arg24[%dma_start3A_123, %dma_start3A_124] : memref<10112x64xf32, #tpu.memory_space<vmem_shared>> -> memref<10112x64xf32, #tpu.memory_space<vmem_shared>>
    tpu.enqueue_indirect_dma source(%arg9 : memref<128x64xf32, #tpu.memory_space<vmem>>) target(%dma_start3A_125 : memref<10112x64xf32, #tpu.memory_space<vmem_shared>>) offsets(%dma_start3A_122 : memref<128xi32, #tpu.memory_space<vmem>>) semaphore(%arg17 : memref<!tpu.dma_semaphore, #tpu.memory_space<semaphore_mem>>) {add = true}
    %multiple_of3A_126 = arith.constant 384 : i32
    %multiple_of3A_127 = tpu.assume_multiple %multiple_of3A_126, 128 : i32
    %dma_start3A_128 = tpu.memref_slice %arg7[%multiple_of3A_127] : memref<5120xi32, #tpu.memory_space<vmem>> -> memref<128xi32, #tpu.memory_space<vmem>>
    %dma_start3A_129 = arith.constant 0 : i32
    %dma_start3A_130 = arith.constant 0 : i32
    %dma_start3A_131 = tpu.memref_slice %arg25[%dma_start3A_129, %dma_start3A_130] : memref<10000x64xf32, #tpu.memory_space<vmem_shared>> -> memref<10000x64xf32, #tpu.memory_space<vmem_shared>>
    tpu.enqueue_indirect_dma source(%dma_start3A_131 : memref<10000x64xf32, #tpu.memory_space<vmem_shared>>) target(%arg12 : memref<128x64xf32, #tpu.memory_space<vmem>>) offsets(%dma_start3A_128 : memref<128xi32, #tpu.memory_space<vmem>>) semaphore(%arg16 : memref<!tpu.dma_semaphore, #tpu.memory_space<semaphore_mem>>)
    %multiple_of3A_132 = arith.constant 128 : i32
    %multiple_of3A_133 = tpu.assume_multiple %multiple_of3A_132, 128 : i32
    %dma_wait3A_134 = tpu.memref_slice %arg7[%multiple_of3A_133] : memref<5120xi32, #tpu.memory_space<vmem>> -> memref<128xi32, #tpu.memory_space<vmem>>
    %dma_wait3A_135 = arith.constant 0 : i32
    %dma_wait3A_136 = arith.constant 0 : i32
    %dma_wait3A_137 = tpu.memref_slice %arg25[%dma_wait3A_135, %dma_wait3A_136] : memref<10000x64xf32, #tpu.memory_space<vmem_shared>> -> memref<10000x64xf32, #tpu.memory_space<vmem_shared>>
    tpu.wait_indirect_dma semaphore(%arg14 : memref<!tpu.dma_semaphore, #tpu.memory_space<semaphore_mem>>) src(%dma_wait3A_137 : memref<10000x64xf32, #tpu.memory_space<vmem_shared>>) dst(%arg10 : memref<128x64xf32, #tpu.memory_space<vmem>>)
    %multiple_of3A_138 = arith.constant 128 : i32
    %multiple_of3A_139 = tpu.assume_multiple %multiple_of3A_138, 128 : i32
    %dma_start3A_140 = tpu.memref_slice %arg8[%multiple_of3A_139] : memref<5120xi32, #tpu.memory_space<vmem>> -> memref<128xi32, #tpu.memory_space<vmem>>
    %dma_start3A_141 = arith.constant 0 : i32
    %dma_start3A_142 = arith.constant 0 : i32
    %dma_start3A_143 = tpu.memref_slice %arg24[%dma_start3A_141, %dma_start3A_142] : memref<10112x64xf32, #tpu.memory_space<vmem_shared>> -> memref<10112x64xf32, #tpu.memory_space<vmem_shared>>
    tpu.enqueue_indirect_dma source(%arg10 : memref<128x64xf32, #tpu.memory_space<vmem>>) target(%dma_start3A_143 : memref<10112x64xf32, #tpu.memory_space<vmem_shared>>) offsets(%dma_start3A_140 : memref<128xi32, #tpu.memory_space<vmem>>) semaphore(%arg18 : memref<!tpu.dma_semaphore, #tpu.memory_space<semaphore_mem>>) {add = true}
    %multiple_of3A_144 = arith.constant 0 : i32
    %multiple_of3A_145 = tpu.assume_multiple %multiple_of3A_144, 128 : i32
    %dma_wait3A_146 = tpu.memref_slice %arg8[%multiple_of3A_145] : memref<5120xi32, #tpu.memory_space<vmem>> -> memref<128xi32, #tpu.memory_space<vmem>>
    %dma_wait3A_147 = arith.constant 0 : i32
    %dma_wait3A_148 = arith.constant 0 : i32
    %dma_wait3A_149 = tpu.memref_slice %arg24[%dma_wait3A_147, %dma_wait3A_148] : memref<10112x64xf32, #tpu.memory_space<vmem_shared>> -> memref<10112x64xf32, #tpu.memory_space<vmem_shared>>
    tpu.wait_indirect_dma semaphore(%arg17 : memref<!tpu.dma_semaphore, #tpu.memory_space<semaphore_mem>>) src(%arg9 : memref<128x64xf32, #tpu.memory_space<vmem>>) dst(%dma_wait3A_149 : memref<10112x64xf32, #tpu.memory_space<vmem_shared>>)
    %multiple_of3A_150 = arith.constant 512 : i32
    %multiple_of3A_151 = tpu.assume_multiple %multiple_of3A_150, 128 : i32
    %dma_start3A_152 = tpu.memref_slice %arg7[%multiple_of3A_151] : memref<5120xi32, #tpu.memory_space<vmem>> -> memref<128xi32, #tpu.memory_space<vmem>>
    %dma_start3A_153 = arith.constant 0 : i32
    %dma_start3A_154 = arith.constant 0 : i32
    %dma_start3A_155 = tpu.memref_slice %arg25[%dma_start3A_153, %dma_start3A_154] : memref<10000x64xf32, #tpu.memory_space<vmem_shared>> -> memref<10000x64xf32, #tpu.memory_space<vmem_shared>>
    tpu.enqueue_indirect_dma source(%dma_start3A_155 : memref<10000x64xf32, #tpu.memory_space<vmem_shared>>) target(%arg9 : memref<128x64xf32, #tpu.memory_space<vmem>>) offsets(%dma_start3A_152 : memref<128xi32, #tpu.memory_space<vmem>>) semaphore(%arg13 : memref<!tpu.dma_semaphore, #tpu.memory_space<semaphore_mem>>)
    %multiple_of3A_156 = arith.constant 256 : i32
    %multiple_of3A_157 = tpu.assume_multiple %multiple_of3A_156, 128 : i32
    %dma_wait3A_158 = tpu.memref_slice %arg7[%multiple_of3A_157] : memref<5120xi32, #tpu.memory_space<vmem>> -> memref<128xi32, #tpu.memory_space<vmem>>
    %dma_wait3A_159 = arith.constant 0 : i32
    %dma_wait3A_160 = arith.constant 0 : i32
    %dma_wait3A_161 = tpu.memref_slice %arg25[%dma_wait3A_159, %dma_wait3A_160] : memref<10000x64xf32, #tpu.memory_space<vmem_shared>> -> memref<10000x64xf32, #tpu.memory_space<vmem_shared>>
    tpu.wait_indirect_dma semaphore(%arg15 : memref<!tpu.dma_semaphore, #tpu.memory_space<semaphore_mem>>) src(%dma_wait3A_161 : memref<10000x64xf32, #tpu.memory_space<vmem_shared>>) dst(%arg11 : memref<128x64xf32, #tpu.memory_space<vmem>>)
    %multiple_of3A_162 = arith.constant 256 : i32
    %multiple_of3A_163 = tpu.assume_multiple %multiple_of3A_162, 128 : i32
    %dma_start3A_164 = tpu.memref_slice %arg8[%multiple_of3A_163] : memref<5120xi32, #tpu.memory_space<vmem>> -> memref<128xi32, #tpu.memory_space<vmem>>
    %dma_start3A_165 = arith.constant 0 : i32
    %dma_start3A_166 = arith.constant 0 : i32
    %dma_start3A_167 = tpu.memref_slice %arg24[%dma_start3A_165, %dma_start3A_166] : memref<10112x64xf32, #tpu.memory_space<vmem_shared>> -> memref<10112x64xf32, #tpu.memory_space<vmem_shared>>
    tpu.enqueue_indirect_dma source(%arg11 : memref<128x64xf32, #tpu.memory_space<vmem>>) target(%dma_start3A_167 : memref<10112x64xf32, #tpu.memory_space<vmem_shared>>) offsets(%dma_start3A_164 : memref<128xi32, #tpu.memory_space<vmem>>) semaphore(%arg19 : memref<!tpu.dma_semaphore, #tpu.memory_space<semaphore_mem>>) {add = true}
    %multiple_of3A_168 = arith.constant 128 : i32
    %multiple_of3A_169 = tpu.assume_multiple %multiple_of3A_168, 128 : i32
    %dma_wait3A_170 = tpu.memref_slice %arg8[%multiple_of3A_169] : memref<5120xi32, #tpu.memory_space<vmem>> -> memref<128xi32, #tpu.memory_space<vmem>>
    %dma_wait3A_171 = arith.constant 0 : i32
    %dma_wait3A_172 = arith.constant 0 : i32
    %dma_wait3A_173 = tpu.memref_slice %arg24[%dma_wait3A_171, %dma_wait3A_172] : memref<10112x64xf32, #tpu.memory_space<vmem_shared>> -> memref<10112x64xf32, #tpu.memory_space<vmem_shared>>
    tpu.wait_indirect_dma semaphore(%arg18 : memref<!tpu.dma_semaphore, #tpu.memory_space<semaphore_mem>>) src(%arg10 : memref<128x64xf32, #tpu.memory_space<vmem>>) dst(%dma_wait3A_173 : memref<10112x64xf32, #tpu.memory_space<vmem_shared>>)
    %multiple_of3A_174 = arith.constant 640 : i32
    %multiple_of3A_175 = tpu.assume_multiple %multiple_of3A_174, 128 : i32
    %dma_start3A_176 = tpu.memref_slice %arg7[%multiple_of3A_175] : memref<5120xi32, #tpu.memory_space<vmem>> -> memref<128xi32, #tpu.memory_space<vmem>>
    %dma_start3A_177 = arith.constant 0 : i32
    %dma_start3A_178 = arith.constant 0 : i32
    %dma_start3A_179 = tpu.memref_slice %arg25[%dma_start3A_177, %dma_start3A_178] : memref<10000x64xf32, #tpu.memory_space<vmem_shared>> -> memref<10000x64xf32, #tpu.memory_space<vmem_shared>>
    tpu.enqueue_indirect_dma source(%dma_start3A_179 : memref<10000x64xf32, #tpu.memory_space<vmem_shared>>) target(%arg10 : memref<128x64xf32, #tpu.memory_space<vmem>>) offsets(%dma_start3A_176 : memref<128xi32, #tpu.memory_space<vmem>>) semaphore(%arg14 : memref<!tpu.dma_semaphore, #tpu.memory_space<semaphore_mem>>)
    %multiple_of3A_180 = arith.constant 384 : i32
    %multiple_of3A_181 = tpu.assume_multiple %multiple_of3A_180, 128 : i32
    %dma_wait3A_182 = tpu.memref_slice %arg7[%multiple_of3A_181] : memref<5120xi32, #tpu.memory_space<vmem>> -> memref<128xi32, #tpu.memory_space<vmem>>
    %dma_wait3A_183 = arith.constant 0 : i32
    %dma_wait3A_184 = arith.constant 0 : i32
    %dma_wait3A_185 = tpu.memref_slice %arg25[%dma_wait3A_183, %dma_wait3A_184] : memref<10000x64xf32, #tpu.memory_space<vmem_shared>> -> memref<10000x64xf32, #tpu.memory_space<vmem_shared>>
    tpu.wait_indirect_dma semaphore(%arg16 : memref<!tpu.dma_semaphore, #tpu.memory_space<semaphore_mem>>) src(%dma_wait3A_185 : memref<10000x64xf32, #tpu.memory_space<vmem_shared>>) dst(%arg12 : memref<128x64xf32, #tpu.memory_space<vmem>>)
    %multiple_of3A_186 = arith.constant 384 : i32
    %multiple_of3A_187 = tpu.assume_multiple %multiple_of3A_186, 128 : i32
    %dma_start3A_188 = tpu.memref_slice %arg8[%multiple_of3A_187] : memref<5120xi32, #tpu.memory_space<vmem>> -> memref<128xi32, #tpu.memory_space<vmem>>
    %dma_start3A_189 = arith.constant 0 : i32
    %dma_start3A_190 = arith.constant 0 : i32
    %dma_start3A_191 = tpu.memref_slice %arg24[%dma_start3A_189, %dma_start3A_190] : memref<10112x64xf32, #tpu.memory_space<vmem_shared>> -> memref<10112x64xf32, #tpu.memory_space<vmem_shared>>
    tpu.enqueue_indirect_dma source(%arg12 : memref<128x64xf32, #tpu.memory_space<vmem>>) target(%dma_start3A_191 : memref<10112x64xf32, #tpu.memory_space<vmem_shared>>) offsets(%dma_start3A_188 : memref<128xi32, #tpu.memory_space<vmem>>) semaphore(%arg20 : memref<!tpu.dma_semaphore, #tpu.memory_space<semaphore_mem>>) {add = true}
    %scan3A = arith.constant 0 : i32
    %scan3A_192 = arith.constant 1 : i32
    %scan3A_193 = arith.constant 39 : i32
    %scan3A_194 = arith.addi %scan3A_192, %scan3A_193 : i32
    %scan3A_195 = arith.constant 1 : i32
    %scan3A_196 = scf.for %scan3A_232 = %scan3A_192 to %scan3A_194 step %scan3A_195 iter_args(%scan3A_233 = %scan3A) -> (i32)  : i32 {
      %mul3A_234 = arith.constant 4 : i32
      %mul3A_235 = arith.muli %scan3A_232, %mul3A_234 : i32
      %add3A = arith.constant 0 : i32
      %add3A_236 = arith.addi %mul3A_235, %add3A : i32
      %add3A_237 = arith.constant 2 : i32
      %add3A_238 = arith.addi %add3A_236, %add3A_237 : i32
      %le3A = arith.constant 159 : i32
      %le3A_239 = arith.cmpi sle, %add3A_238, %le3A : i32
      %convert_element_type3A_240 = arith.extui %le3A_239 : i1 to i32
      %cond3A_241 = arith.constant 0 : i32
      %cond3A_242 = arith.cmpi ne, %convert_element_type3A_240, %cond3A_241 : i32
      scf.if %cond3A_242 {
        %sub3A = arith.constant 2 : i32
        %sub3A_545 = arith.subi %add3A_236, %sub3A : i32
        %jit3A_546 = arith.constant 40 : i32
        %eq3A_547 = arith.constant 0 : i32
        %eq3A_548 = arith.cmpi eq, %jit3A_546, %eq3A_547 : i32
        %jit3A_549 = arith.constant 1 : i32
        %select_n3A_550 = arith.select %eq3A_548, %jit3A_549, %jit3A_546 : i32
        %rem3A_551 = arith.remsi %sub3A_545, %select_n3A_550 : i32
        %ne3A_552 = arith.constant 0 : i32
        %ne3A_553 = arith.cmpi ne, %rem3A_551, %ne3A_552 : i32
        %lt3A_554 = arith.constant 0 : i32
        %lt3A_555 = arith.cmpi slt, %rem3A_551, %lt3A_554 : i32
        %lt3A_556 = arith.constant 0 : i32
        %lt3A_557 = arith.cmpi slt, %select_n3A_550, %lt3A_556 : i32
        %ne3A_558 = arith.xori %lt3A_555, %lt3A_557 : i1
        %and3A_559 = arith.andi %ne3A_558, %ne3A_553 : i1
        %add3A_560 = arith.addi %rem3A_551, %select_n3A_550 : i32
        %select_n3A_561 = arith.select %and3A_559, %add3A_560, %rem3A_551 : i32
        %mul3A_562 = arith.constant 128 : i32
        %mul3A_563 = arith.muli %select_n3A_561, %mul3A_562 : i32
        %multiple_of3A_564 = tpu.assume_multiple %mul3A_563, 128 : i32
        %dma_wait3A_565 = tpu.memref_slice %arg8[%multiple_of3A_564] : memref<5120xi32, #tpu.memory_space<vmem>> -> memref<128xi32, #tpu.memory_space<vmem>>
        %dma_wait3A_566 = arith.constant 0 : i32
        %dma_wait3A_567 = arith.constant 0 : i32
        %dma_wait3A_568 = tpu.memref_slice %arg24[%dma_wait3A_566, %dma_wait3A_567] : memref<10112x64xf32, #tpu.memory_space<vmem_shared>> -> memref<10112x64xf32, #tpu.memory_space<vmem_shared>>
        tpu.wait_indirect_dma semaphore(%arg19 : memref<!tpu.dma_semaphore, #tpu.memory_space<semaphore_mem>>) src(%arg11 : memref<128x64xf32, #tpu.memory_space<vmem>>) dst(%dma_wait3A_568 : memref<10112x64xf32, #tpu.memory_space<vmem_shared>>)
        %add3A_569 = arith.constant 2 : i32
        %add3A_570 = arith.addi %add3A_236, %add3A_569 : i32
        %jit3A_571 = arith.constant 40 : i32
        %eq3A_572 = arith.constant 0 : i32
        %eq3A_573 = arith.cmpi eq, %jit3A_571, %eq3A_572 : i32
        %jit3A_574 = arith.constant 1 : i32
        %select_n3A_575 = arith.select %eq3A_573, %jit3A_574, %jit3A_571 : i32
        %rem3A_576 = arith.remsi %add3A_570, %select_n3A_575 : i32
        %ne3A_577 = arith.constant 0 : i32
        %ne3A_578 = arith.cmpi ne, %rem3A_576, %ne3A_577 : i32
        %lt3A_579 = arith.constant 0 : i32
        %lt3A_580 = arith.cmpi slt, %rem3A_576, %lt3A_579 : i32
        %lt3A_581 = arith.constant 0 : i32
        %lt3A_582 = arith.cmpi slt, %select_n3A_575, %lt3A_581 : i32
        %ne3A_583 = arith.xori %lt3A_580, %lt3A_582 : i1
        %and3A_584 = arith.andi %ne3A_583, %ne3A_578 : i1
        %add3A_585 = arith.addi %rem3A_576, %select_n3A_575 : i32
        %select_n3A_586 = arith.select %and3A_584, %add3A_585, %rem3A_576 : i32
        %mul3A_587 = arith.constant 128 : i32
        %mul3A_588 = arith.muli %select_n3A_586, %mul3A_587 : i32
        %multiple_of3A_589 = tpu.assume_multiple %mul3A_588, 128 : i32
        %dma_start3A_590 = tpu.memref_slice %arg7[%multiple_of3A_589] : memref<5120xi32, #tpu.memory_space<vmem>> -> memref<128xi32, #tpu.memory_space<vmem>>
        %dma_start3A_591 = arith.constant 0 : i32
        %dma_start3A_592 = arith.constant 0 : i32
        %dma_start3A_593 = tpu.memref_slice %arg25[%dma_start3A_591, %dma_start3A_592] : memref<10000x64xf32, #tpu.memory_space<vmem_shared>> -> memref<10000x64xf32, #tpu.memory_space<vmem_shared>>
        tpu.enqueue_indirect_dma source(%dma_start3A_593 : memref<10000x64xf32, #tpu.memory_space<vmem_shared>>) target(%arg11 : memref<128x64xf32, #tpu.memory_space<vmem>>) offsets(%dma_start3A_590 : memref<128xi32, #tpu.memory_space<vmem>>) semaphore(%arg15 : memref<!tpu.dma_semaphore, #tpu.memory_space<semaphore_mem>>)
      } else {
      }
      %jit3A = arith.constant 40 : i32
      %eq3A_243 = arith.constant 0 : i32
      %eq3A_244 = arith.cmpi eq, %jit3A, %eq3A_243 : i32
      %jit3A_245 = arith.constant 1 : i32
      %select_n3A = arith.select %eq3A_244, %jit3A_245, %jit3A : i32
      %rem3A = arith.remsi %add3A_236, %select_n3A : i32
      %ne3A = arith.constant 0 : i32
      %ne3A_246 = arith.cmpi ne, %rem3A, %ne3A : i32
      %lt3A = arith.constant 0 : i32
      %lt3A_247 = arith.cmpi slt, %rem3A, %lt3A : i32
      %lt3A_248 = arith.constant 0 : i32
      %lt3A_249 = arith.cmpi slt, %select_n3A, %lt3A_248 : i32
      %ne3A_250 = arith.xori %lt3A_247, %lt3A_249 : i1
      %and3A = arith.andi %ne3A_250, %ne3A_246 : i1
      %add3A_251 = arith.addi %rem3A, %select_n3A : i32
      %select_n3A_252 = arith.select %and3A, %add3A_251, %rem3A : i32
      %mul3A_253 = arith.constant 128 : i32
      %mul3A_254 = arith.muli %select_n3A_252, %mul3A_253 : i32
      %multiple_of3A_255 = tpu.assume_multiple %mul3A_254, 128 : i32
      %dma_wait3A_256 = tpu.memref_slice %arg7[%multiple_of3A_255] : memref<5120xi32, #tpu.memory_space<vmem>> -> memref<128xi32, #tpu.memory_space<vmem>>
      %dma_wait3A_257 = arith.constant 0 : i32
      %dma_wait3A_258 = arith.constant 0 : i32
      %dma_wait3A_259 = tpu.memref_slice %arg25[%dma_wait3A_257, %dma_wait3A_258] : memref<10000x64xf32, #tpu.memory_space<vmem_shared>> -> memref<10000x64xf32, #tpu.memory_space<vmem_shared>>
      tpu.wait_indirect_dma semaphore(%arg13 : memref<!tpu.dma_semaphore, #tpu.memory_space<semaphore_mem>>) src(%dma_wait3A_259 : memref<10000x64xf32, #tpu.memory_space<vmem_shared>>) dst(%arg9 : memref<128x64xf32, #tpu.memory_space<vmem>>)
      %jit3A_260 = arith.constant 40 : i32
      %eq3A_261 = arith.constant 0 : i32
      %eq3A_262 = arith.cmpi eq, %jit3A_260, %eq3A_261 : i32
      %jit3A_263 = arith.constant 1 : i32
      %select_n3A_264 = arith.select %eq3A_262, %jit3A_263, %jit3A_260 : i32
      %rem3A_265 = arith.remsi %add3A_236, %select_n3A_264 : i32
      %ne3A_266 = arith.constant 0 : i32
      %ne3A_267 = arith.cmpi ne, %rem3A_265, %ne3A_266 : i32
      %lt3A_268 = arith.constant 0 : i32
      %lt3A_269 = arith.cmpi slt, %rem3A_265, %lt3A_268 : i32
      %lt3A_270 = arith.constant 0 : i32
      %lt3A_271 = arith.cmpi slt, %select_n3A_264, %lt3A_270 : i32
      %ne3A_272 = arith.xori %lt3A_269, %lt3A_271 : i1
      %and3A_273 = arith.andi %ne3A_272, %ne3A_267 : i1
      %add3A_274 = arith.addi %rem3A_265, %select_n3A_264 : i32
      %select_n3A_275 = arith.select %and3A_273, %add3A_274, %rem3A_265 : i32
      %mul3A_276 = arith.constant 128 : i32
      %mul3A_277 = arith.muli %select_n3A_275, %mul3A_276 : i32
      %multiple_of3A_278 = tpu.assume_multiple %mul3A_277, 128 : i32
      %dma_start3A_279 = tpu.memref_slice %arg8[%multiple_of3A_278] : memref<5120xi32, #tpu.memory_space<vmem>> -> memref<128xi32, #tpu.memory_space<vmem>>
      %dma_start3A_280 = arith.constant 0 : i32
      %dma_start3A_281 = arith.constant 0 : i32
      %dma_start3A_282 = tpu.memref_slice %arg24[%dma_start3A_280, %dma_start3A_281] : memref<10112x64xf32, #tpu.memory_space<vmem_shared>> -> memref<10112x64xf32, #tpu.memory_space<vmem_shared>>
      tpu.enqueue_indirect_dma source(%arg9 : memref<128x64xf32, #tpu.memory_space<vmem>>) target(%dma_start3A_282 : memref<10112x64xf32, #tpu.memory_space<vmem_shared>>) offsets(%dma_start3A_279 : memref<128xi32, #tpu.memory_space<vmem>>) semaphore(%arg17 : memref<!tpu.dma_semaphore, #tpu.memory_space<semaphore_mem>>) {add = true}
      %add3A_283 = arith.constant 1 : i32
      %add3A_284 = arith.addi %mul3A_235, %add3A_283 : i32
      %jit3A_285 = arith.constant 10 : i32
      %eq3A_286 = arith.constant 0 : i32
      %eq3A_287 = arith.cmpi eq, %jit3A_285, %eq3A_286 : i32
      %jit3A_288 = arith.constant 1 : i32
      %select_n3A_289 = arith.select %eq3A_287, %jit3A_288, %jit3A_285 : i32
      %rem3A_290 = arith.remsi %scan3A_232, %select_n3A_289 : i32
      %ne3A_291 = arith.constant 0 : i32
      %ne3A_292 = arith.cmpi ne, %rem3A_290, %ne3A_291 : i32
      %lt3A_293 = arith.constant 0 : i32
      %lt3A_294 = arith.cmpi slt, %rem3A_290, %lt3A_293 : i32
      %lt3A_295 = arith.constant 0 : i32
      %lt3A_296 = arith.cmpi slt, %select_n3A_289, %lt3A_295 : i32
      %ne3A_297 = arith.xori %lt3A_294, %lt3A_296 : i1
      %and3A_298 = arith.andi %ne3A_297, %ne3A_292 : i1
      %add3A_299 = arith.addi %rem3A_290, %select_n3A_289 : i32
      %select_n3A_300 = arith.select %and3A_298, %add3A_299, %rem3A_290 : i32
      %eq3A_301 = arith.constant 4 : i32
      %eq3A_302 = arith.cmpi eq, %select_n3A_300, %eq3A_301 : i32
      %le3A_303 = arith.constant 34 : i32
      %le3A_304 = arith.cmpi sle, %scan3A_232, %le3A_303 : i32
      %and3A_305 = arith.andi %eq3A_302, %le3A_304 : i1
      %convert_element_type3A_306 = arith.extui %and3A_305 : i1 to i32
      %cond3A_307 = arith.constant 0 : i32
      %cond3A_308 = arith.cmpi ne, %convert_element_type3A_306, %cond3A_307 : i32
      scf.if %cond3A_308 {
        %add3A_545 = arith.constant 1 : i32
        %add3A_546 = arith.addi %scan3A_232, %add3A_545 : i32
        %jit3A_547 = arith.constant 5 : i32
        %div3A = arith.divsi %add3A_546, %jit3A_547 : i32
        %sign3A = arith.constant 0 : i32
        %sign3A_548 = arith.cmpi sgt, %add3A_546, %sign3A : i32
        %sign3A_549 = arith.extui %sign3A_548 : i1 to i32
        %sign3A_550 = arith.constant 0 : i32
        %sign3A_551 = arith.cmpi slt, %add3A_546, %sign3A_550 : i32
        %sign3A_552 = arith.extui %sign3A_551 : i1 to i32
        %sign3A_553 = arith.subi %sign3A_549, %sign3A_552 : i32
        %sign3A_554 = arith.constant 0 : i32
        %sign3A_555 = arith.cmpi sgt, %jit3A_547, %sign3A_554 : i32
        %sign3A_556 = arith.extui %sign3A_555 : i1 to i32
        %sign3A_557 = arith.constant 0 : i32
        %sign3A_558 = arith.cmpi slt, %jit3A_547, %sign3A_557 : i32
        %sign3A_559 = arith.extui %sign3A_558 : i1 to i32
        %sign3A_560 = arith.subi %sign3A_556, %sign3A_559 : i32
        %ne3A_561 = arith.cmpi ne, %sign3A_553, %sign3A_560 : i32
        %rem3A_562 = arith.remsi %add3A_546, %jit3A_547 : i32
        %ne3A_563 = arith.constant 0 : i32
        %ne3A_564 = arith.cmpi ne, %rem3A_562, %ne3A_563 : i32
        %and3A_565 = arith.andi %ne3A_561, %ne3A_564 : i1
        %sub3A = arith.constant 1 : i32
        %sub3A_566 = arith.subi %div3A, %sub3A : i32
        %select_n3A_567 = arith.select %and3A_565, %sub3A_566, %div3A : i32
        %mul3A_568 = arith.constant 2560 : i32
        %mul3A_569 = arith.muli %select_n3A_567, %mul3A_568 : i32
        %multiple_of3A_570 = tpu.assume_multiple %mul3A_569, 2560 : i32
        %dma_wait3A_571 = arith.constant 2560 : i32
        %dma_wait3A_572 = tpu.memref_slice %arg7[%dma_wait3A_571] : memref<5120xi32, #tpu.memory_space<vmem>> -> memref<2560xi32, #tpu.memory_space<vmem>>
        %dma_wait3A_573 = arith.constant 0 : i32
        %dma_wait3A_574 = tpu.memref_slice %arg3[%arg1, %dma_wait3A_573] : memref<16x20480xi32, #tpu.memory_space<hbm>> -> memref<1x20480xi32, #tpu.memory_space<hbm>>
        %dma_wait3A_575 = tpu.memref_squeeze %dma_wait3A_574 : memref<1x20480xi32, #tpu.memory_space<hbm>> -> memref<20480xi32, #tpu.memory_space<hbm>>
        %dma_wait3A_576 = tpu.memref_slice %dma_wait3A_575[%multiple_of3A_570] : memref<20480xi32, #tpu.memory_space<hbm>> -> memref<2560xi32, #tpu.memory_space<hbm>>
        %dma_wait3A_577 = arith.constant 2560 : i32
        %dma_wait3A_578 = tpu.memref_slice %arg7[%dma_wait3A_577] : memref<5120xi32, #tpu.memory_space<vmem>> -> memref<2560xi32, #tpu.memory_space<vmem>>
        %dma_wait3A_579 = arith.constant 0 : i32
        %dma_wait3A_580 = tpu.memref_slice %arg3[%arg1, %dma_wait3A_579] : memref<16x20480xi32, #tpu.memory_space<hbm>> -> memref<1x20480xi32, #tpu.memory_space<hbm>>
        %dma_wait3A_581 = tpu.memref_squeeze %dma_wait3A_580 : memref<1x20480xi32, #tpu.memory_space<hbm>> -> memref<20480xi32, #tpu.memory_space<hbm>>
        %dma_wait3A_582 = tpu.memref_slice %dma_wait3A_581[%multiple_of3A_570] : memref<20480xi32, #tpu.memory_space<hbm>> -> memref<2560xi32, #tpu.memory_space<hbm>>
        tpu.wait_dma2 semaphore(%arg22 : memref<!tpu.dma_semaphore, #tpu.memory_space<semaphore_mem>>) src(%dma_wait3A_582 : memref<2560xi32, #tpu.memory_space<hbm>>) dst(%dma_wait3A_578 : memref<2560xi32, #tpu.memory_space<vmem>>)
        %dma_wait3A_583 = arith.constant 2560 : i32
        %dma_wait3A_584 = tpu.memref_slice %arg8[%dma_wait3A_583] : memref<5120xi32, #tpu.memory_space<vmem>> -> memref<2560xi32, #tpu.memory_space<vmem>>
        %dma_wait3A_585 = arith.constant 0 : i32
        %dma_wait3A_586 = tpu.memref_slice %arg4[%arg1, %dma_wait3A_585] : memref<16x20480xi32, #tpu.memory_space<hbm>> -> memref<1x20480xi32, #tpu.memory_space<hbm>>
        %dma_wait3A_587 = tpu.memref_squeeze %dma_wait3A_586 : memref<1x20480xi32, #tpu.memory_space<hbm>> -> memref<20480xi32, #tpu.memory_space<hbm>>
        %dma_wait3A_588 = tpu.memref_slice %dma_wait3A_587[%multiple_of3A_570] : memref<20480xi32, #tpu.memory_space<hbm>> -> memref<2560xi32, #tpu.memory_space<hbm>>
        %dma_wait3A_589 = arith.constant 2560 : i32
        %dma_wait3A_590 = tpu.memref_slice %arg8[%dma_wait3A_589] : memref<5120xi32, #tpu.memory_space<vmem>> -> memref<2560xi32, #tpu.memory_space<vmem>>
        %dma_wait3A_591 = arith.constant 0 : i32
        %dma_wait3A_592 = tpu.memref_slice %arg4[%arg1, %dma_wait3A_591] : memref<16x20480xi32, #tpu.memory_space<hbm>> -> memref<1x20480xi32, #tpu.memory_space<hbm>>
        %dma_wait3A_593 = tpu.memref_squeeze %dma_wait3A_592 : memref<1x20480xi32, #tpu.memory_space<hbm>> -> memref<20480xi32, #tpu.memory_space<hbm>>
        %dma_wait3A_594 = tpu.memref_slice %dma_wait3A_593[%multiple_of3A_570] : memref<20480xi32, #tpu.memory_space<hbm>> -> memref<2560xi32, #tpu.memory_space<hbm>>
        tpu.wait_dma2 semaphore(%arg22 : memref<!tpu.dma_semaphore, #tpu.memory_space<semaphore_mem>>) src(%dma_wait3A_594 : memref<2560xi32, #tpu.memory_space<hbm>>) dst(%dma_wait3A_590 : memref<2560xi32, #tpu.memory_space<vmem>>)
      } else {
      }
      %jit3A_309 = arith.constant 10 : i32
      %eq3A_310 = arith.constant 0 : i32
      %eq3A_311 = arith.cmpi eq, %jit3A_309, %eq3A_310 : i32
      %jit3A_312 = arith.constant 1 : i32
      %select_n3A_313 = arith.select %eq3A_311, %jit3A_312, %jit3A_309 : i32
      %rem3A_314 = arith.remsi %scan3A_232, %select_n3A_313 : i32
      %ne3A_315 = arith.constant 0 : i32
      %ne3A_316 = arith.cmpi ne, %rem3A_314, %ne3A_315 : i32
      %lt3A_317 = arith.constant 0 : i32
      %lt3A_318 = arith.cmpi slt, %rem3A_314, %lt3A_317 : i32
      %lt3A_319 = arith.constant 0 : i32
      %lt3A_320 = arith.cmpi slt, %select_n3A_313, %lt3A_319 : i32
      %ne3A_321 = arith.xori %lt3A_318, %lt3A_320 : i1
      %and3A_322 = arith.andi %ne3A_321, %ne3A_316 : i1
      %add3A_323 = arith.addi %rem3A_314, %select_n3A_313 : i32
      %select_n3A_324 = arith.select %and3A_322, %add3A_323, %rem3A_314 : i32
      %eq3A_325 = arith.constant 9 : i32
      %eq3A_326 = arith.cmpi eq, %select_n3A_324, %eq3A_325 : i32
      %le3A_327 = arith.constant 29 : i32
      %le3A_328 = arith.cmpi sle, %scan3A_232, %le3A_327 : i32
      %and3A_329 = arith.andi %eq3A_326, %le3A_328 : i1
      %convert_element_type3A_330 = arith.extui %and3A_329 : i1 to i32
      %cond3A_331 = arith.constant 0 : i32
      %cond3A_332 = arith.cmpi ne, %convert_element_type3A_330, %cond3A_331 : i32
      scf.if %cond3A_332 {
        %add3A_545 = arith.constant 1 : i32
        %add3A_546 = arith.addi %scan3A_232, %add3A_545 : i32
        %jit3A_547 = arith.constant 5 : i32
        %div3A = arith.divsi %add3A_546, %jit3A_547 : i32
        %sign3A = arith.constant 0 : i32
        %sign3A_548 = arith.cmpi sgt, %add3A_546, %sign3A : i32
        %sign3A_549 = arith.extui %sign3A_548 : i1 to i32
        %sign3A_550 = arith.constant 0 : i32
        %sign3A_551 = arith.cmpi slt, %add3A_546, %sign3A_550 : i32
        %sign3A_552 = arith.extui %sign3A_551 : i1 to i32
        %sign3A_553 = arith.subi %sign3A_549, %sign3A_552 : i32
        %sign3A_554 = arith.constant 0 : i32
        %sign3A_555 = arith.cmpi sgt, %jit3A_547, %sign3A_554 : i32
        %sign3A_556 = arith.extui %sign3A_555 : i1 to i32
        %sign3A_557 = arith.constant 0 : i32
        %sign3A_558 = arith.cmpi slt, %jit3A_547, %sign3A_557 : i32
        %sign3A_559 = arith.extui %sign3A_558 : i1 to i32
        %sign3A_560 = arith.subi %sign3A_556, %sign3A_559 : i32
        %ne3A_561 = arith.cmpi ne, %sign3A_553, %sign3A_560 : i32
        %rem3A_562 = arith.remsi %add3A_546, %jit3A_547 : i32
        %ne3A_563 = arith.constant 0 : i32
        %ne3A_564 = arith.cmpi ne, %rem3A_562, %ne3A_563 : i32
        %and3A_565 = arith.andi %ne3A_561, %ne3A_564 : i1
        %sub3A = arith.constant 1 : i32
        %sub3A_566 = arith.subi %div3A, %sub3A : i32
        %select_n3A_567 = arith.select %and3A_565, %sub3A_566, %div3A : i32
        %mul3A_568 = arith.constant 2560 : i32
        %mul3A_569 = arith.muli %select_n3A_567, %mul3A_568 : i32
        %multiple_of3A_570 = tpu.assume_multiple %mul3A_569, 2560 : i32
        %dma_wait3A_571 = arith.constant 0 : i32
        %dma_wait3A_572 = tpu.memref_slice %arg7[%dma_wait3A_571] : memref<5120xi32, #tpu.memory_space<vmem>> -> memref<2560xi32, #tpu.memory_space<vmem>>
        %dma_wait3A_573 = arith.constant 0 : i32
        %dma_wait3A_574 = tpu.memref_slice %arg3[%arg1, %dma_wait3A_573] : memref<16x20480xi32, #tpu.memory_space<hbm>> -> memref<1x20480xi32, #tpu.memory_space<hbm>>
        %dma_wait3A_575 = tpu.memref_squeeze %dma_wait3A_574 : memref<1x20480xi32, #tpu.memory_space<hbm>> -> memref<20480xi32, #tpu.memory_space<hbm>>
        %dma_wait3A_576 = tpu.memref_slice %dma_wait3A_575[%multiple_of3A_570] : memref<20480xi32, #tpu.memory_space<hbm>> -> memref<2560xi32, #tpu.memory_space<hbm>>
        %dma_wait3A_577 = arith.constant 0 : i32
        %dma_wait3A_578 = tpu.memref_slice %arg7[%dma_wait3A_577] : memref<5120xi32, #tpu.memory_space<vmem>> -> memref<2560xi32, #tpu.memory_space<vmem>>
        %dma_wait3A_579 = arith.constant 0 : i32
        %dma_wait3A_580 = tpu.memref_slice %arg3[%arg1, %dma_wait3A_579] : memref<16x20480xi32, #tpu.memory_space<hbm>> -> memref<1x20480xi32, #tpu.memory_space<hbm>>
        %dma_wait3A_581 = tpu.memref_squeeze %dma_wait3A_580 : memref<1x20480xi32, #tpu.memory_space<hbm>> -> memref<20480xi32, #tpu.memory_space<hbm>>
        %dma_wait3A_582 = tpu.memref_slice %dma_wait3A_581[%multiple_of3A_570] : memref<20480xi32, #tpu.memory_space<hbm>> -> memref<2560xi32, #tpu.memory_space<hbm>>
        tpu.wait_dma2 semaphore(%arg21 : memref<!tpu.dma_semaphore, #tpu.memory_space<semaphore_mem>>) src(%dma_wait3A_582 : memref<2560xi32, #tpu.memory_space<hbm>>) dst(%dma_wait3A_578 : memref<2560xi32, #tpu.memory_space<vmem>>)
        %dma_wait3A_583 = arith.constant 0 : i32
        %dma_wait3A_584 = tpu.memref_slice %arg8[%dma_wait3A_583] : memref<5120xi32, #tpu.memory_space<vmem>> -> memref<2560xi32, #tpu.memory_space<vmem>>
        %dma_wait3A_585 = arith.constant 0 : i32
        %dma_wait3A_586 = tpu.memref_slice %arg4[%arg1, %dma_wait3A_585] : memref<16x20480xi32, #tpu.memory_space<hbm>> -> memref<1x20480xi32, #tpu.memory_space<hbm>>
        %dma_wait3A_587 = tpu.memref_squeeze %dma_wait3A_586 : memref<1x20480xi32, #tpu.memory_space<hbm>> -> memref<20480xi32, #tpu.memory_space<hbm>>
        %dma_wait3A_588 = tpu.memref_slice %dma_wait3A_587[%multiple_of3A_570] : memref<20480xi32, #tpu.memory_space<hbm>> -> memref<2560xi32, #tpu.memory_space<hbm>>
        %dma_wait3A_589 = arith.constant 0 : i32
        %dma_wait3A_590 = tpu.memref_slice %arg8[%dma_wait3A_589] : memref<5120xi32, #tpu.memory_space<vmem>> -> memref<2560xi32, #tpu.memory_space<vmem>>
        %dma_wait3A_591 = arith.constant 0 : i32
        %dma_wait3A_592 = tpu.memref_slice %arg4[%arg1, %dma_wait3A_591] : memref<16x20480xi32, #tpu.memory_space<hbm>> -> memref<1x20480xi32, #tpu.memory_space<hbm>>
        %dma_wait3A_593 = tpu.memref_squeeze %dma_wait3A_592 : memref<1x20480xi32, #tpu.memory_space<hbm>> -> memref<20480xi32, #tpu.memory_space<hbm>>
        %dma_wait3A_594 = tpu.memref_slice %dma_wait3A_593[%multiple_of3A_570] : memref<20480xi32, #tpu.memory_space<hbm>> -> memref<2560xi32, #tpu.memory_space<hbm>>
        tpu.wait_dma2 semaphore(%arg21 : memref<!tpu.dma_semaphore, #tpu.memory_space<semaphore_mem>>) src(%dma_wait3A_594 : memref<2560xi32, #tpu.memory_space<hbm>>) dst(%dma_wait3A_590 : memref<2560xi32, #tpu.memory_space<vmem>>)
      } else {
      }
      %add3A_333 = arith.constant 2 : i32
      %add3A_334 = arith.addi %add3A_284, %add3A_333 : i32
      %le3A_335 = arith.constant 159 : i32
      %le3A_336 = arith.cmpi sle, %add3A_334, %le3A_335 : i32
      %convert_element_type3A_337 = arith.extui %le3A_336 : i1 to i32
      %cond3A_338 = arith.constant 0 : i32
      %cond3A_339 = arith.cmpi ne, %convert_element_type3A_337, %cond3A_338 : i32
      scf.if %cond3A_339 {
        %sub3A = arith.constant 2 : i32
        %sub3A_545 = arith.subi %add3A_284, %sub3A : i32
        %jit3A_546 = arith.constant 40 : i32
        %eq3A_547 = arith.constant 0 : i32
        %eq3A_548 = arith.cmpi eq, %jit3A_546, %eq3A_547 : i32
        %jit3A_549 = arith.constant 1 : i32
        %select_n3A_550 = arith.select %eq3A_548, %jit3A_549, %jit3A_546 : i32
        %rem3A_551 = arith.remsi %sub3A_545, %select_n3A_550 : i32
        %ne3A_552 = arith.constant 0 : i32
        %ne3A_553 = arith.cmpi ne, %rem3A_551, %ne3A_552 : i32
        %lt3A_554 = arith.constant 0 : i32
        %lt3A_555 = arith.cmpi slt, %rem3A_551, %lt3A_554 : i32
        %lt3A_556 = arith.constant 0 : i32
        %lt3A_557 = arith.cmpi slt, %select_n3A_550, %lt3A_556 : i32
        %ne3A_558 = arith.xori %lt3A_555, %lt3A_557 : i1
        %and3A_559 = arith.andi %ne3A_558, %ne3A_553 : i1
        %add3A_560 = arith.addi %rem3A_551, %select_n3A_550 : i32
        %select_n3A_561 = arith.select %and3A_559, %add3A_560, %rem3A_551 : i32
        %mul3A_562 = arith.constant 128 : i32
        %mul3A_563 = arith.muli %select_n3A_561, %mul3A_562 : i32
        %multiple_of3A_564 = tpu.assume_multiple %mul3A_563, 128 : i32
        %dma_wait3A_565 = tpu.memref_slice %arg8[%multiple_of3A_564] : memref<5120xi32, #tpu.memory_space<vmem>> -> memref<128xi32, #tpu.memory_space<vmem>>
        %dma_wait3A_566 = arith.constant 0 : i32
        %dma_wait3A_567 = arith.constant 0 : i32
        %dma_wait3A_568 = tpu.memref_slice %arg24[%dma_wait3A_566, %dma_wait3A_567] : memref<10112x64xf32, #tpu.memory_space<vmem_shared>> -> memref<10112x64xf32, #tpu.memory_space<vmem_shared>>
        tpu.wait_indirect_dma semaphore(%arg20 : memref<!tpu.dma_semaphore, #tpu.memory_space<semaphore_mem>>) src(%arg12 : memref<128x64xf32, #tpu.memory_space<vmem>>) dst(%dma_wait3A_568 : memref<10112x64xf32, #tpu.memory_space<vmem_shared>>)
        %add3A_569 = arith.constant 2 : i32
        %add3A_570 = arith.addi %add3A_284, %add3A_569 : i32
        %jit3A_571 = arith.constant 40 : i32
        %eq3A_572 = arith.constant 0 : i32
        %eq3A_573 = arith.cmpi eq, %jit3A_571, %eq3A_572 : i32
        %jit3A_574 = arith.constant 1 : i32
        %select_n3A_575 = arith.select %eq3A_573, %jit3A_574, %jit3A_571 : i32
        %rem3A_576 = arith.remsi %add3A_570, %select_n3A_575 : i32
        %ne3A_577 = arith.constant 0 : i32
        %ne3A_578 = arith.cmpi ne, %rem3A_576, %ne3A_577 : i32
        %lt3A_579 = arith.constant 0 : i32
        %lt3A_580 = arith.cmpi slt, %rem3A_576, %lt3A_579 : i32
        %lt3A_581 = arith.constant 0 : i32
        %lt3A_582 = arith.cmpi slt, %select_n3A_575, %lt3A_581 : i32
        %ne3A_583 = arith.xori %lt3A_580, %lt3A_582 : i1
        %and3A_584 = arith.andi %ne3A_583, %ne3A_578 : i1
        %add3A_585 = arith.addi %rem3A_576, %select_n3A_575 : i32
        %select_n3A_586 = arith.select %and3A_584, %add3A_585, %rem3A_576 : i32
        %mul3A_587 = arith.constant 128 : i32
        %mul3A_588 = arith.muli %select_n3A_586, %mul3A_587 : i32
        %multiple_of3A_589 = tpu.assume_multiple %mul3A_588, 128 : i32
        %dma_start3A_590 = tpu.memref_slice %arg7[%multiple_of3A_589] : memref<5120xi32, #tpu.memory_space<vmem>> -> memref<128xi32, #tpu.memory_space<vmem>>
        %dma_start3A_591 = arith.constant 0 : i32
        %dma_start3A_592 = arith.constant 0 : i32
        %dma_start3A_593 = tpu.memref_slice %arg25[%dma_start3A_591, %dma_start3A_592] : memref<10000x64xf32, #tpu.memory_space<vmem_shared>> -> memref<10000x64xf32, #tpu.memory_space<vmem_shared>>
        tpu.enqueue_indirect_dma source(%dma_start3A_593 : memref<10000x64xf32, #tpu.memory_space<vmem_shared>>) target(%arg12 : memref<128x64xf32, #tpu.memory_space<vmem>>) offsets(%dma_start3A_590 : memref<128xi32, #tpu.memory_space<vmem>>) semaphore(%arg16 : memref<!tpu.dma_semaphore, #tpu.memory_space<semaphore_mem>>)
      } else {
      }
      %jit3A_340 = arith.constant 40 : i32
      %eq3A_341 = arith.constant 0 : i32
      %eq3A_342 = arith.cmpi eq, %jit3A_340, %eq3A_341 : i32
      %jit3A_343 = arith.constant 1 : i32
      %select_n3A_344 = arith.select %eq3A_342, %jit3A_343, %jit3A_340 : i32
      %rem3A_345 = arith.remsi %add3A_284, %select_n3A_344 : i32
      %ne3A_346 = arith.constant 0 : i32
      %ne3A_347 = arith.cmpi ne, %rem3A_345, %ne3A_346 : i32
      %lt3A_348 = arith.constant 0 : i32
      %lt3A_349 = arith.cmpi slt, %rem3A_345, %lt3A_348 : i32
      %lt3A_350 = arith.constant 0 : i32
      %lt3A_351 = arith.cmpi slt, %select_n3A_344, %lt3A_350 : i32
      %ne3A_352 = arith.xori %lt3A_349, %lt3A_351 : i1
      %and3A_353 = arith.andi %ne3A_352, %ne3A_347 : i1
      %add3A_354 = arith.addi %rem3A_345, %select_n3A_344 : i32
      %select_n3A_355 = arith.select %and3A_353, %add3A_354, %rem3A_345 : i32
      %mul3A_356 = arith.constant 128 : i32
      %mul3A_357 = arith.muli %select_n3A_355, %mul3A_356 : i32
      %multiple_of3A_358 = tpu.assume_multiple %mul3A_357, 128 : i32
      %dma_wait3A_359 = tpu.memref_slice %arg7[%multiple_of3A_358] : memref<5120xi32, #tpu.memory_space<vmem>> -> memref<128xi32, #tpu.memory_space<vmem>>
      %dma_wait3A_360 = arith.constant 0 : i32
      %dma_wait3A_361 = arith.constant 0 : i32
      %dma_wait3A_362 = tpu.memref_slice %arg25[%dma_wait3A_360, %dma_wait3A_361] : memref<10000x64xf32, #tpu.memory_space<vmem_shared>> -> memref<10000x64xf32, #tpu.memory_space<vmem_shared>>
      tpu.wait_indirect_dma semaphore(%arg14 : memref<!tpu.dma_semaphore, #tpu.memory_space<semaphore_mem>>) src(%dma_wait3A_362 : memref<10000x64xf32, #tpu.memory_space<vmem_shared>>) dst(%arg10 : memref<128x64xf32, #tpu.memory_space<vmem>>)
      %jit3A_363 = arith.constant 40 : i32
      %eq3A_364 = arith.constant 0 : i32
      %eq3A_365 = arith.cmpi eq, %jit3A_363, %eq3A_364 : i32
      %jit3A_366 = arith.constant 1 : i32
      %select_n3A_367 = arith.select %eq3A_365, %jit3A_366, %jit3A_363 : i32
      %rem3A_368 = arith.remsi %add3A_284, %select_n3A_367 : i32
      %ne3A_369 = arith.constant 0 : i32
      %ne3A_370 = arith.cmpi ne, %rem3A_368, %ne3A_369 : i32
      %lt3A_371 = arith.constant 0 : i32
      %lt3A_372 = arith.cmpi slt, %rem3A_368, %lt3A_371 : i32
      %lt3A_373 = arith.constant 0 : i32
      %lt3A_374 = arith.cmpi slt, %select_n3A_367, %lt3A_373 : i32
      %ne3A_375 = arith.xori %lt3A_372, %lt3A_374 : i1
      %and3A_376 = arith.andi %ne3A_375, %ne3A_370 : i1
      %add3A_377 = arith.addi %rem3A_368, %select_n3A_367 : i32
      %select_n3A_378 = arith.select %and3A_376, %add3A_377, %rem3A_368 : i32
      %mul3A_379 = arith.constant 128 : i32
      %mul3A_380 = arith.muli %select_n3A_378, %mul3A_379 : i32
      %multiple_of3A_381 = tpu.assume_multiple %mul3A_380, 128 : i32
      %dma_start3A_382 = tpu.memref_slice %arg8[%multiple_of3A_381] : memref<5120xi32, #tpu.memory_space<vmem>> -> memref<128xi32, #tpu.memory_space<vmem>>
      %dma_start3A_383 = arith.constant 0 : i32
      %dma_start3A_384 = arith.constant 0 : i32
      %dma_start3A_385 = tpu.memref_slice %arg24[%dma_start3A_383, %dma_start3A_384] : memref<10112x64xf32, #tpu.memory_space<vmem_shared>> -> memref<10112x64xf32, #tpu.memory_space<vmem_shared>>
      tpu.enqueue_indirect_dma source(%arg10 : memref<128x64xf32, #tpu.memory_space<vmem>>) target(%dma_start3A_385 : memref<10112x64xf32, #tpu.memory_space<vmem_shared>>) offsets(%dma_start3A_382 : memref<128xi32, #tpu.memory_space<vmem>>) semaphore(%arg18 : memref<!tpu.dma_semaphore, #tpu.memory_space<semaphore_mem>>) {add = true}
      %add3A_386 = arith.constant 2 : i32
      %add3A_387 = arith.addi %mul3A_235, %add3A_386 : i32
      %add3A_388 = arith.constant 2 : i32
      %add3A_389 = arith.addi %add3A_387, %add3A_388 : i32
      %le3A_390 = arith.constant 159 : i32
      %le3A_391 = arith.cmpi sle, %add3A_389, %le3A_390 : i32
      %convert_element_type3A_392 = arith.extui %le3A_391 : i1 to i32
      %cond3A_393 = arith.constant 0 : i32
      %cond3A_394 = arith.cmpi ne, %convert_element_type3A_392, %cond3A_393 : i32
      scf.if %cond3A_394 {
        %sub3A = arith.constant 2 : i32
        %sub3A_545 = arith.subi %add3A_387, %sub3A : i32
        %jit3A_546 = arith.constant 40 : i32
        %eq3A_547 = arith.constant 0 : i32
        %eq3A_548 = arith.cmpi eq, %jit3A_546, %eq3A_547 : i32
        %jit3A_549 = arith.constant 1 : i32
        %select_n3A_550 = arith.select %eq3A_548, %jit3A_549, %jit3A_546 : i32
        %rem3A_551 = arith.remsi %sub3A_545, %select_n3A_550 : i32
        %ne3A_552 = arith.constant 0 : i32
        %ne3A_553 = arith.cmpi ne, %rem3A_551, %ne3A_552 : i32
        %lt3A_554 = arith.constant 0 : i32
        %lt3A_555 = arith.cmpi slt, %rem3A_551, %lt3A_554 : i32
        %lt3A_556 = arith.constant 0 : i32
        %lt3A_557 = arith.cmpi slt, %select_n3A_550, %lt3A_556 : i32
        %ne3A_558 = arith.xori %lt3A_555, %lt3A_557 : i1
        %and3A_559 = arith.andi %ne3A_558, %ne3A_553 : i1
        %add3A_560 = arith.addi %rem3A_551, %select_n3A_550 : i32
        %select_n3A_561 = arith.select %and3A_559, %add3A_560, %rem3A_551 : i32
        %mul3A_562 = arith.constant 128 : i32
        %mul3A_563 = arith.muli %select_n3A_561, %mul3A_562 : i32
        %multiple_of3A_564 = tpu.assume_multiple %mul3A_563, 128 : i32
        %dma_wait3A_565 = tpu.memref_slice %arg8[%multiple_of3A_564] : memref<5120xi32, #tpu.memory_space<vmem>> -> memref<128xi32, #tpu.memory_space<vmem>>
        %dma_wait3A_566 = arith.constant 0 : i32
        %dma_wait3A_567 = arith.constant 0 : i32
        %dma_wait3A_568 = tpu.memref_slice %arg24[%dma_wait3A_566, %dma_wait3A_567] : memref<10112x64xf32, #tpu.memory_space<vmem_shared>> -> memref<10112x64xf32, #tpu.memory_space<vmem_shared>>
        tpu.wait_indirect_dma semaphore(%arg17 : memref<!tpu.dma_semaphore, #tpu.memory_space<semaphore_mem>>) src(%arg9 : memref<128x64xf32, #tpu.memory_space<vmem>>) dst(%dma_wait3A_568 : memref<10112x64xf32, #tpu.memory_space<vmem_shared>>)
        %add3A_569 = arith.constant 2 : i32
        %add3A_570 = arith.addi %add3A_387, %add3A_569 : i32
        %jit3A_571 = arith.constant 40 : i32
        %eq3A_572 = arith.constant 0 : i32
        %eq3A_573 = arith.cmpi eq, %jit3A_571, %eq3A_572 : i32
        %jit3A_574 = arith.constant 1 : i32
        %select_n3A_575 = arith.select %eq3A_573, %jit3A_574, %jit3A_571 : i32
        %rem3A_576 = arith.remsi %add3A_570, %select_n3A_575 : i32
        %ne3A_577 = arith.constant 0 : i32
        %ne3A_578 = arith.cmpi ne, %rem3A_576, %ne3A_577 : i32
        %lt3A_579 = arith.constant 0 : i32
        %lt3A_580 = arith.cmpi slt, %rem3A_576, %lt3A_579 : i32
        %lt3A_581 = arith.constant 0 : i32
        %lt3A_582 = arith.cmpi slt, %select_n3A_575, %lt3A_581 : i32
        %ne3A_583 = arith.xori %lt3A_580, %lt3A_582 : i1
        %and3A_584 = arith.andi %ne3A_583, %ne3A_578 : i1
        %add3A_585 = arith.addi %rem3A_576, %select_n3A_575 : i32
        %select_n3A_586 = arith.select %and3A_584, %add3A_585, %rem3A_576 : i32
        %mul3A_587 = arith.constant 128 : i32
        %mul3A_588 = arith.muli %select_n3A_586, %mul3A_587 : i32
        %multiple_of3A_589 = tpu.assume_multiple %mul3A_588, 128 : i32
        %dma_start3A_590 = tpu.memref_slice %arg7[%multiple_of3A_589] : memref<5120xi32, #tpu.memory_space<vmem>> -> memref<128xi32, #tpu.memory_space<vmem>>
        %dma_start3A_591 = arith.constant 0 : i32
        %dma_start3A_592 = arith.constant 0 : i32
        %dma_start3A_593 = tpu.memref_slice %arg25[%dma_start3A_591, %dma_start3A_592] : memref<10000x64xf32, #tpu.memory_space<vmem_shared>> -> memref<10000x64xf32, #tpu.memory_space<vmem_shared>>
        tpu.enqueue_indirect_dma source(%dma_start3A_593 : memref<10000x64xf32, #tpu.memory_space<vmem_shared>>) target(%arg9 : memref<128x64xf32, #tpu.memory_space<vmem>>) offsets(%dma_start3A_590 : memref<128xi32, #tpu.memory_space<vmem>>) semaphore(%arg13 : memref<!tpu.dma_semaphore, #tpu.memory_space<semaphore_mem>>)
      } else {
      }
      %jit3A_395 = arith.constant 10 : i32
      %eq3A_396 = arith.constant 0 : i32
      %eq3A_397 = arith.cmpi eq, %jit3A_395, %eq3A_396 : i32
      %jit3A_398 = arith.constant 1 : i32
      %select_n3A_399 = arith.select %eq3A_397, %jit3A_398, %jit3A_395 : i32
      %rem3A_400 = arith.remsi %scan3A_232, %select_n3A_399 : i32
      %ne3A_401 = arith.constant 0 : i32
      %ne3A_402 = arith.cmpi ne, %rem3A_400, %ne3A_401 : i32
      %lt3A_403 = arith.constant 0 : i32
      %lt3A_404 = arith.cmpi slt, %rem3A_400, %lt3A_403 : i32
      %lt3A_405 = arith.constant 0 : i32
      %lt3A_406 = arith.cmpi slt, %select_n3A_399, %lt3A_405 : i32
      %ne3A_407 = arith.xori %lt3A_404, %lt3A_406 : i1
      %and3A_408 = arith.andi %ne3A_407, %ne3A_402 : i1
      %add3A_409 = arith.addi %rem3A_400, %select_n3A_399 : i32
      %select_n3A_410 = arith.select %and3A_408, %add3A_409, %rem3A_400 : i32
      %eq3A_411 = arith.constant 5 : i32
      %eq3A_412 = arith.cmpi eq, %select_n3A_410, %eq3A_411 : i32
      %le3A_413 = arith.constant 25 : i32
      %le3A_414 = arith.cmpi sle, %scan3A_232, %le3A_413 : i32
      %and3A_415 = arith.andi %eq3A_412, %le3A_414 : i1
      %convert_element_type3A_416 = arith.extui %and3A_415 : i1 to i32
      %cond3A_417 = arith.constant 0 : i32
      %cond3A_418 = arith.cmpi ne, %convert_element_type3A_416, %cond3A_417 : i32
      scf.if %cond3A_418 {
        %jit3A_545 = arith.constant 5 : i32
        %div3A = arith.divsi %scan3A_232, %jit3A_545 : i32
        %sign3A = arith.constant 0 : i32
        %sign3A_546 = arith.cmpi sgt, %scan3A_232, %sign3A : i32
        %sign3A_547 = arith.extui %sign3A_546 : i1 to i32
        %sign3A_548 = arith.constant 0 : i32
        %sign3A_549 = arith.cmpi slt, %scan3A_232, %sign3A_548 : i32
        %sign3A_550 = arith.extui %sign3A_549 : i1 to i32
        %sign3A_551 = arith.subi %sign3A_547, %sign3A_550 : i32
        %sign3A_552 = arith.constant 0 : i32
        %sign3A_553 = arith.cmpi sgt, %jit3A_545, %sign3A_552 : i32
        %sign3A_554 = arith.extui %sign3A_553 : i1 to i32
        %sign3A_555 = arith.constant 0 : i32
        %sign3A_556 = arith.cmpi slt, %jit3A_545, %sign3A_555 : i32
        %sign3A_557 = arith.extui %sign3A_556 : i1 to i32
        %sign3A_558 = arith.subi %sign3A_554, %sign3A_557 : i32
        %ne3A_559 = arith.cmpi ne, %sign3A_551, %sign3A_558 : i32
        %rem3A_560 = arith.remsi %scan3A_232, %jit3A_545 : i32
        %ne3A_561 = arith.constant 0 : i32
        %ne3A_562 = arith.cmpi ne, %rem3A_560, %ne3A_561 : i32
        %and3A_563 = arith.andi %ne3A_559, %ne3A_562 : i1
        %sub3A = arith.constant 1 : i32
        %sub3A_564 = arith.subi %div3A, %sub3A : i32
        %select_n3A_565 = arith.select %and3A_563, %sub3A_564, %div3A : i32
        %add3A_566 = arith.constant 1 : i32
        %add3A_567 = arith.addi %select_n3A_565, %add3A_566 : i32
        %mul3A_568 = arith.constant 2560 : i32
        %mul3A_569 = arith.muli %add3A_567, %mul3A_568 : i32
        %multiple_of3A_570 = tpu.assume_multiple %mul3A_569, 2560 : i32
        %dma_start3A_571 = arith.constant 0 : i32
        %dma_start3A_572 = tpu.memref_slice %arg7[%dma_start3A_571] : memref<5120xi32, #tpu.memory_space<vmem>> -> memref<2560xi32, #tpu.memory_space<vmem>>
        %dma_start3A_573 = arith.constant 0 : i32
        %dma_start3A_574 = tpu.memref_slice %arg3[%arg1, %dma_start3A_573] : memref<16x20480xi32, #tpu.memory_space<hbm>> -> memref<1x20480xi32, #tpu.memory_space<hbm>>
        %dma_start3A_575 = tpu.memref_squeeze %dma_start3A_574 : memref<1x20480xi32, #tpu.memory_space<hbm>> -> memref<20480xi32, #tpu.memory_space<hbm>>
        %dma_start3A_576 = tpu.memref_slice %dma_start3A_575[%multiple_of3A_570] : memref<20480xi32, #tpu.memory_space<hbm>> -> memref<2560xi32, #tpu.memory_space<hbm>>
        %dma_start3A_577 = arith.constant 0 : i32
        %dma_start3A_578 = tpu.memref_slice %arg7[%dma_start3A_577] : memref<5120xi32, #tpu.memory_space<vmem>> -> memref<2560xi32, #tpu.memory_space<vmem>>
        %dma_start3A_579 = arith.constant 0 : i32
        %dma_start3A_580 = tpu.memref_slice %arg3[%arg1, %dma_start3A_579] : memref<16x20480xi32, #tpu.memory_space<hbm>> -> memref<1x20480xi32, #tpu.memory_space<hbm>>
        %dma_start3A_581 = tpu.memref_squeeze %dma_start3A_580 : memref<1x20480xi32, #tpu.memory_space<hbm>> -> memref<20480xi32, #tpu.memory_space<hbm>>
        %dma_start3A_582 = tpu.memref_slice %dma_start3A_581[%multiple_of3A_570] : memref<20480xi32, #tpu.memory_space<hbm>> -> memref<2560xi32, #tpu.memory_space<hbm>>
        tpu.enqueue_dma source(%dma_start3A_582 : memref<2560xi32, #tpu.memory_space<hbm>>) target(%dma_start3A_578 : memref<2560xi32, #tpu.memory_space<vmem>>) target_semaphore(%arg21 : memref<!tpu.dma_semaphore, #tpu.memory_space<semaphore_mem>>)
        %dma_start3A_583 = arith.constant 0 : i32
        %dma_start3A_584 = tpu.memref_slice %arg8[%dma_start3A_583] : memref<5120xi32, #tpu.memory_space<vmem>> -> memref<2560xi32, #tpu.memory_space<vmem>>
        %dma_start3A_585 = arith.constant 0 : i32
        %dma_start3A_586 = tpu.memref_slice %arg4[%arg1, %dma_start3A_585] : memref<16x20480xi32, #tpu.memory_space<hbm>> -> memref<1x20480xi32, #tpu.memory_space<hbm>>
        %dma_start3A_587 = tpu.memref_squeeze %dma_start3A_586 : memref<1x20480xi32, #tpu.memory_space<hbm>> -> memref<20480xi32, #tpu.memory_space<hbm>>
        %dma_start3A_588 = tpu.memref_slice %dma_start3A_587[%multiple_of3A_570] : memref<20480xi32, #tpu.memory_space<hbm>> -> memref<2560xi32, #tpu.memory_space<hbm>>
        %dma_start3A_589 = arith.constant 0 : i32
        %dma_start3A_590 = tpu.memref_slice %arg8[%dma_start3A_589] : memref<5120xi32, #tpu.memory_space<vmem>> -> memref<2560xi32, #tpu.memory_space<vmem>>
        %dma_start3A_591 = arith.constant 0 : i32
        %dma_start3A_592 = tpu.memref_slice %arg4[%arg1, %dma_start3A_591] : memref<16x20480xi32, #tpu.memory_space<hbm>> -> memref<1x20480xi32, #tpu.memory_space<hbm>>
        %dma_start3A_593 = tpu.memref_squeeze %dma_start3A_592 : memref<1x20480xi32, #tpu.memory_space<hbm>> -> memref<20480xi32, #tpu.memory_space<hbm>>
        %dma_start3A_594 = tpu.memref_slice %dma_start3A_593[%multiple_of3A_570] : memref<20480xi32, #tpu.memory_space<hbm>> -> memref<2560xi32, #tpu.memory_space<hbm>>
        tpu.enqueue_dma source(%dma_start3A_594 : memref<2560xi32, #tpu.memory_space<hbm>>) target(%dma_start3A_590 : memref<2560xi32, #tpu.memory_space<vmem>>) target_semaphore(%arg21 : memref<!tpu.dma_semaphore, #tpu.memory_space<semaphore_mem>>)
      } else {
      }
      %jit3A_419 = arith.constant 10 : i32
      %eq3A_420 = arith.constant 0 : i32
      %eq3A_421 = arith.cmpi eq, %jit3A_419, %eq3A_420 : i32
      %jit3A_422 = arith.constant 1 : i32
      %select_n3A_423 = arith.select %eq3A_421, %jit3A_422, %jit3A_419 : i32
      %rem3A_424 = arith.remsi %scan3A_232, %select_n3A_423 : i32
      %ne3A_425 = arith.constant 0 : i32
      %ne3A_426 = arith.cmpi ne, %rem3A_424, %ne3A_425 : i32
      %lt3A_427 = arith.constant 0 : i32
      %lt3A_428 = arith.cmpi slt, %rem3A_424, %lt3A_427 : i32
      %lt3A_429 = arith.constant 0 : i32
      %lt3A_430 = arith.cmpi slt, %select_n3A_423, %lt3A_429 : i32
      %ne3A_431 = arith.xori %lt3A_428, %lt3A_430 : i1
      %and3A_432 = arith.andi %ne3A_431, %ne3A_426 : i1
      %add3A_433 = arith.addi %rem3A_424, %select_n3A_423 : i32
      %select_n3A_434 = arith.select %and3A_432, %add3A_433, %rem3A_424 : i32
      %eq3A_435 = arith.constant 0 : i32
      %eq3A_436 = arith.cmpi eq, %select_n3A_434, %eq3A_435 : i32
      %le3A_437 = arith.constant 30 : i32
      %le3A_438 = arith.cmpi sle, %scan3A_232, %le3A_437 : i32
      %and3A_439 = arith.andi %eq3A_436, %le3A_438 : i1
      %convert_element_type3A_440 = arith.extui %and3A_439 : i1 to i32
      %cond3A_441 = arith.constant 0 : i32
      %cond3A_442 = arith.cmpi ne, %convert_element_type3A_440, %cond3A_441 : i32
      scf.if %cond3A_442 {
        %jit3A_545 = arith.constant 5 : i32
        %div3A = arith.divsi %scan3A_232, %jit3A_545 : i32
        %sign3A = arith.constant 0 : i32
        %sign3A_546 = arith.cmpi sgt, %scan3A_232, %sign3A : i32
        %sign3A_547 = arith.extui %sign3A_546 : i1 to i32
        %sign3A_548 = arith.constant 0 : i32
        %sign3A_549 = arith.cmpi slt, %scan3A_232, %sign3A_548 : i32
        %sign3A_550 = arith.extui %sign3A_549 : i1 to i32
        %sign3A_551 = arith.subi %sign3A_547, %sign3A_550 : i32
        %sign3A_552 = arith.constant 0 : i32
        %sign3A_553 = arith.cmpi sgt, %jit3A_545, %sign3A_552 : i32
        %sign3A_554 = arith.extui %sign3A_553 : i1 to i32
        %sign3A_555 = arith.constant 0 : i32
        %sign3A_556 = arith.cmpi slt, %jit3A_545, %sign3A_555 : i32
        %sign3A_557 = arith.extui %sign3A_556 : i1 to i32
        %sign3A_558 = arith.subi %sign3A_554, %sign3A_557 : i32
        %ne3A_559 = arith.cmpi ne, %sign3A_551, %sign3A_558 : i32
        %rem3A_560 = arith.remsi %scan3A_232, %jit3A_545 : i32
        %ne3A_561 = arith.constant 0 : i32
        %ne3A_562 = arith.cmpi ne, %rem3A_560, %ne3A_561 : i32
        %and3A_563 = arith.andi %ne3A_559, %ne3A_562 : i1
        %sub3A = arith.constant 1 : i32
        %sub3A_564 = arith.subi %div3A, %sub3A : i32
        %select_n3A_565 = arith.select %and3A_563, %sub3A_564, %div3A : i32
        %add3A_566 = arith.constant 1 : i32
        %add3A_567 = arith.addi %select_n3A_565, %add3A_566 : i32
        %mul3A_568 = arith.constant 2560 : i32
        %mul3A_569 = arith.muli %add3A_567, %mul3A_568 : i32
        %multiple_of3A_570 = tpu.assume_multiple %mul3A_569, 2560 : i32
        %dma_start3A_571 = arith.constant 2560 : i32
        %dma_start3A_572 = tpu.memref_slice %arg7[%dma_start3A_571] : memref<5120xi32, #tpu.memory_space<vmem>> -> memref<2560xi32, #tpu.memory_space<vmem>>
        %dma_start3A_573 = arith.constant 0 : i32
        %dma_start3A_574 = tpu.memref_slice %arg3[%arg1, %dma_start3A_573] : memref<16x20480xi32, #tpu.memory_space<hbm>> -> memref<1x20480xi32, #tpu.memory_space<hbm>>
        %dma_start3A_575 = tpu.memref_squeeze %dma_start3A_574 : memref<1x20480xi32, #tpu.memory_space<hbm>> -> memref<20480xi32, #tpu.memory_space<hbm>>
        %dma_start3A_576 = tpu.memref_slice %dma_start3A_575[%multiple_of3A_570] : memref<20480xi32, #tpu.memory_space<hbm>> -> memref<2560xi32, #tpu.memory_space<hbm>>
        %dma_start3A_577 = arith.constant 2560 : i32
        %dma_start3A_578 = tpu.memref_slice %arg7[%dma_start3A_577] : memref<5120xi32, #tpu.memory_space<vmem>> -> memref<2560xi32, #tpu.memory_space<vmem>>
        %dma_start3A_579 = arith.constant 0 : i32
        %dma_start3A_580 = tpu.memref_slice %arg3[%arg1, %dma_start3A_579] : memref<16x20480xi32, #tpu.memory_space<hbm>> -> memref<1x20480xi32, #tpu.memory_space<hbm>>
        %dma_start3A_581 = tpu.memref_squeeze %dma_start3A_580 : memref<1x20480xi32, #tpu.memory_space<hbm>> -> memref<20480xi32, #tpu.memory_space<hbm>>
        %dma_start3A_582 = tpu.memref_slice %dma_start3A_581[%multiple_of3A_570] : memref<20480xi32, #tpu.memory_space<hbm>> -> memref<2560xi32, #tpu.memory_space<hbm>>
        tpu.enqueue_dma source(%dma_start3A_582 : memref<2560xi32, #tpu.memory_space<hbm>>) target(%dma_start3A_578 : memref<2560xi32, #tpu.memory_space<vmem>>) target_semaphore(%arg22 : memref<!tpu.dma_semaphore, #tpu.memory_space<semaphore_mem>>)
        %dma_start3A_583 = arith.constant 2560 : i32
        %dma_start3A_584 = tpu.memref_slice %arg8[%dma_start3A_583] : memref<5120xi32, #tpu.memory_space<vmem>> -> memref<2560xi32, #tpu.memory_space<vmem>>
        %dma_start3A_585 = arith.constant 0 : i32
        %dma_start3A_586 = tpu.memref_slice %arg4[%arg1, %dma_start3A_585] : memref<16x20480xi32, #tpu.memory_space<hbm>> -> memref<1x20480xi32, #tpu.memory_space<hbm>>
        %dma_start3A_587 = tpu.memref_squeeze %dma_start3A_586 : memref<1x20480xi32, #tpu.memory_space<hbm>> -> memref<20480xi32, #tpu.memory_space<hbm>>
        %dma_start3A_588 = tpu.memref_slice %dma_start3A_587[%multiple_of3A_570] : memref<20480xi32, #tpu.memory_space<hbm>> -> memref<2560xi32, #tpu.memory_space<hbm>>
        %dma_start3A_589 = arith.constant 2560 : i32
        %dma_start3A_590 = tpu.memref_slice %arg8[%dma_start3A_589] : memref<5120xi32, #tpu.memory_space<vmem>> -> memref<2560xi32, #tpu.memory_space<vmem>>
        %dma_start3A_591 = arith.constant 0 : i32
        %dma_start3A_592 = tpu.memref_slice %arg4[%arg1, %dma_start3A_591] : memref<16x20480xi32, #tpu.memory_space<hbm>> -> memref<1x20480xi32, #tpu.memory_space<hbm>>
        %dma_start3A_593 = tpu.memref_squeeze %dma_start3A_592 : memref<1x20480xi32, #tpu.memory_space<hbm>> -> memref<20480xi32, #tpu.memory_space<hbm>>
        %dma_start3A_594 = tpu.memref_slice %dma_start3A_593[%multiple_of3A_570] : memref<20480xi32, #tpu.memory_space<hbm>> -> memref<2560xi32, #tpu.memory_space<hbm>>
        tpu.enqueue_dma source(%dma_start3A_594 : memref<2560xi32, #tpu.memory_space<hbm>>) target(%dma_start3A_590 : memref<2560xi32, #tpu.memory_space<vmem>>) target_semaphore(%arg22 : memref<!tpu.dma_semaphore, #tpu.memory_space<semaphore_mem>>)
      } else {
      }
      %jit3A_443 = arith.constant 40 : i32
      %eq3A_444 = arith.constant 0 : i32
      %eq3A_445 = arith.cmpi eq, %jit3A_443, %eq3A_444 : i32
      %jit3A_446 = arith.constant 1 : i32
      %select_n3A_447 = arith.select %eq3A_445, %jit3A_446, %jit3A_443 : i32
      %rem3A_448 = arith.remsi %add3A_387, %select_n3A_447 : i32
      %ne3A_449 = arith.constant 0 : i32
      %ne3A_450 = arith.cmpi ne, %rem3A_448, %ne3A_449 : i32
      %lt3A_451 = arith.constant 0 : i32
      %lt3A_452 = arith.cmpi slt, %rem3A_448, %lt3A_451 : i32
      %lt3A_453 = arith.constant 0 : i32
      %lt3A_454 = arith.cmpi slt, %select_n3A_447, %lt3A_453 : i32
      %ne3A_455 = arith.xori %lt3A_452, %lt3A_454 : i1
      %and3A_456 = arith.andi %ne3A_455, %ne3A_450 : i1
      %add3A_457 = arith.addi %rem3A_448, %select_n3A_447 : i32
      %select_n3A_458 = arith.select %and3A_456, %add3A_457, %rem3A_448 : i32
      %mul3A_459 = arith.constant 128 : i32
      %mul3A_460 = arith.muli %select_n3A_458, %mul3A_459 : i32
      %multiple_of3A_461 = tpu.assume_multiple %mul3A_460, 128 : i32
      %dma_wait3A_462 = tpu.memref_slice %arg7[%multiple_of3A_461] : memref<5120xi32, #tpu.memory_space<vmem>> -> memref<128xi32, #tpu.memory_space<vmem>>
      %dma_wait3A_463 = arith.constant 0 : i32
      %dma_wait3A_464 = arith.constant 0 : i32
      %dma_wait3A_465 = tpu.memref_slice %arg25[%dma_wait3A_463, %dma_wait3A_464] : memref<10000x64xf32, #tpu.memory_space<vmem_shared>> -> memref<10000x64xf32, #tpu.memory_space<vmem_shared>>
      tpu.wait_indirect_dma semaphore(%arg15 : memref<!tpu.dma_semaphore, #tpu.memory_space<semaphore_mem>>) src(%dma_wait3A_465 : memref<10000x64xf32, #tpu.memory_space<vmem_shared>>) dst(%arg11 : memref<128x64xf32, #tpu.memory_space<vmem>>)
      %jit3A_466 = arith.constant 40 : i32
      %eq3A_467 = arith.constant 0 : i32
      %eq3A_468 = arith.cmpi eq, %jit3A_466, %eq3A_467 : i32
      %jit3A_469 = arith.constant 1 : i32
      %select_n3A_470 = arith.select %eq3A_468, %jit3A_469, %jit3A_466 : i32
      %rem3A_471 = arith.remsi %add3A_387, %select_n3A_470 : i32
      %ne3A_472 = arith.constant 0 : i32
      %ne3A_473 = arith.cmpi ne, %rem3A_471, %ne3A_472 : i32
      %lt3A_474 = arith.constant 0 : i32
      %lt3A_475 = arith.cmpi slt, %rem3A_471, %lt3A_474 : i32
      %lt3A_476 = arith.constant 0 : i32
      %lt3A_477 = arith.cmpi slt, %select_n3A_470, %lt3A_476 : i32
      %ne3A_478 = arith.xori %lt3A_475, %lt3A_477 : i1
      %and3A_479 = arith.andi %ne3A_478, %ne3A_473 : i1
      %add3A_480 = arith.addi %rem3A_471, %select_n3A_470 : i32
      %select_n3A_481 = arith.select %and3A_479, %add3A_480, %rem3A_471 : i32
      %mul3A_482 = arith.constant 128 : i32
      %mul3A_483 = arith.muli %select_n3A_481, %mul3A_482 : i32
      %multiple_of3A_484 = tpu.assume_multiple %mul3A_483, 128 : i32
      %dma_start3A_485 = tpu.memref_slice %arg8[%multiple_of3A_484] : memref<5120xi32, #tpu.memory_space<vmem>> -> memref<128xi32, #tpu.memory_space<vmem>>
      %dma_start3A_486 = arith.constant 0 : i32
      %dma_start3A_487 = arith.constant 0 : i32
      %dma_start3A_488 = tpu.memref_slice %arg24[%dma_start3A_486, %dma_start3A_487] : memref<10112x64xf32, #tpu.memory_space<vmem_shared>> -> memref<10112x64xf32, #tpu.memory_space<vmem_shared>>
      tpu.enqueue_indirect_dma source(%arg11 : memref<128x64xf32, #tpu.memory_space<vmem>>) target(%dma_start3A_488 : memref<10112x64xf32, #tpu.memory_space<vmem_shared>>) offsets(%dma_start3A_485 : memref<128xi32, #tpu.memory_space<vmem>>) semaphore(%arg19 : memref<!tpu.dma_semaphore, #tpu.memory_space<semaphore_mem>>) {add = true}
      %add3A_489 = arith.constant 3 : i32
      %add3A_490 = arith.addi %mul3A_235, %add3A_489 : i32
      %add3A_491 = arith.constant 2 : i32
      %add3A_492 = arith.addi %add3A_490, %add3A_491 : i32
      %le3A_493 = arith.constant 159 : i32
      %le3A_494 = arith.cmpi sle, %add3A_492, %le3A_493 : i32
      %convert_element_type3A_495 = arith.extui %le3A_494 : i1 to i32
      %cond3A_496 = arith.constant 0 : i32
      %cond3A_497 = arith.cmpi ne, %convert_element_type3A_495, %cond3A_496 : i32
      scf.if %cond3A_497 {
        %sub3A = arith.constant 2 : i32
        %sub3A_545 = arith.subi %add3A_490, %sub3A : i32
        %jit3A_546 = arith.constant 40 : i32
        %eq3A_547 = arith.constant 0 : i32
        %eq3A_548 = arith.cmpi eq, %jit3A_546, %eq3A_547 : i32
        %jit3A_549 = arith.constant 1 : i32
        %select_n3A_550 = arith.select %eq3A_548, %jit3A_549, %jit3A_546 : i32
        %rem3A_551 = arith.remsi %sub3A_545, %select_n3A_550 : i32
        %ne3A_552 = arith.constant 0 : i32
        %ne3A_553 = arith.cmpi ne, %rem3A_551, %ne3A_552 : i32
        %lt3A_554 = arith.constant 0 : i32
        %lt3A_555 = arith.cmpi slt, %rem3A_551, %lt3A_554 : i32
        %lt3A_556 = arith.constant 0 : i32
        %lt3A_557 = arith.cmpi slt, %select_n3A_550, %lt3A_556 : i32
        %ne3A_558 = arith.xori %lt3A_555, %lt3A_557 : i1
        %and3A_559 = arith.andi %ne3A_558, %ne3A_553 : i1
        %add3A_560 = arith.addi %rem3A_551, %select_n3A_550 : i32
        %select_n3A_561 = arith.select %and3A_559, %add3A_560, %rem3A_551 : i32
        %mul3A_562 = arith.constant 128 : i32
        %mul3A_563 = arith.muli %select_n3A_561, %mul3A_562 : i32
        %multiple_of3A_564 = tpu.assume_multiple %mul3A_563, 128 : i32
        %dma_wait3A_565 = tpu.memref_slice %arg8[%multiple_of3A_564] : memref<5120xi32, #tpu.memory_space<vmem>> -> memref<128xi32, #tpu.memory_space<vmem>>
        %dma_wait3A_566 = arith.constant 0 : i32
        %dma_wait3A_567 = arith.constant 0 : i32
        %dma_wait3A_568 = tpu.memref_slice %arg24[%dma_wait3A_566, %dma_wait3A_567] : memref<10112x64xf32, #tpu.memory_space<vmem_shared>> -> memref<10112x64xf32, #tpu.memory_space<vmem_shared>>
        tpu.wait_indirect_dma semaphore(%arg18 : memref<!tpu.dma_semaphore, #tpu.memory_space<semaphore_mem>>) src(%arg10 : memref<128x64xf32, #tpu.memory_space<vmem>>) dst(%dma_wait3A_568 : memref<10112x64xf32, #tpu.memory_space<vmem_shared>>)
        %add3A_569 = arith.constant 2 : i32
        %add3A_570 = arith.addi %add3A_490, %add3A_569 : i32
        %jit3A_571 = arith.constant 40 : i32
        %eq3A_572 = arith.constant 0 : i32
        %eq3A_573 = arith.cmpi eq, %jit3A_571, %eq3A_572 : i32
        %jit3A_574 = arith.constant 1 : i32
        %select_n3A_575 = arith.select %eq3A_573, %jit3A_574, %jit3A_571 : i32
        %rem3A_576 = arith.remsi %add3A_570, %select_n3A_575 : i32
        %ne3A_577 = arith.constant 0 : i32
        %ne3A_578 = arith.cmpi ne, %rem3A_576, %ne3A_577 : i32
        %lt3A_579 = arith.constant 0 : i32
        %lt3A_580 = arith.cmpi slt, %rem3A_576, %lt3A_579 : i32
        %lt3A_581 = arith.constant 0 : i32
        %lt3A_582 = arith.cmpi slt, %select_n3A_575, %lt3A_581 : i32
        %ne3A_583 = arith.xori %lt3A_580, %lt3A_582 : i1
        %and3A_584 = arith.andi %ne3A_583, %ne3A_578 : i1
        %add3A_585 = arith.addi %rem3A_576, %select_n3A_575 : i32
        %select_n3A_586 = arith.select %and3A_584, %add3A_585, %rem3A_576 : i32
        %mul3A_587 = arith.constant 128 : i32
        %mul3A_588 = arith.muli %select_n3A_586, %mul3A_587 : i32
        %multiple_of3A_589 = tpu.assume_multiple %mul3A_588, 128 : i32
        %dma_start3A_590 = tpu.memref_slice %arg7[%multiple_of3A_589] : memref<5120xi32, #tpu.memory_space<vmem>> -> memref<128xi32, #tpu.memory_space<vmem>>
        %dma_start3A_591 = arith.constant 0 : i32
        %dma_start3A_592 = arith.constant 0 : i32
        %dma_start3A_593 = tpu.memref_slice %arg25[%dma_start3A_591, %dma_start3A_592] : memref<10000x64xf32, #tpu.memory_space<vmem_shared>> -> memref<10000x64xf32, #tpu.memory_space<vmem_shared>>
        tpu.enqueue_indirect_dma source(%dma_start3A_593 : memref<10000x64xf32, #tpu.memory_space<vmem_shared>>) target(%arg10 : memref<128x64xf32, #tpu.memory_space<vmem>>) offsets(%dma_start3A_590 : memref<128xi32, #tpu.memory_space<vmem>>) semaphore(%arg14 : memref<!tpu.dma_semaphore, #tpu.memory_space<semaphore_mem>>)
      } else {
      }
      %jit3A_498 = arith.constant 40 : i32
      %eq3A_499 = arith.constant 0 : i32
      %eq3A_500 = arith.cmpi eq, %jit3A_498, %eq3A_499 : i32
      %jit3A_501 = arith.constant 1 : i32
      %select_n3A_502 = arith.select %eq3A_500, %jit3A_501, %jit3A_498 : i32
      %rem3A_503 = arith.remsi %add3A_490, %select_n3A_502 : i32
      %ne3A_504 = arith.constant 0 : i32
      %ne3A_505 = arith.cmpi ne, %rem3A_503, %ne3A_504 : i32
      %lt3A_506 = arith.constant 0 : i32
      %lt3A_507 = arith.cmpi slt, %rem3A_503, %lt3A_506 : i32
      %lt3A_508 = arith.constant 0 : i32
      %lt3A_509 = arith.cmpi slt, %select_n3A_502, %lt3A_508 : i32
      %ne3A_510 = arith.xori %lt3A_507, %lt3A_509 : i1
      %and3A_511 = arith.andi %ne3A_510, %ne3A_505 : i1
      %add3A_512 = arith.addi %rem3A_503, %select_n3A_502 : i32
      %select_n3A_513 = arith.select %and3A_511, %add3A_512, %rem3A_503 : i32
      %mul3A_514 = arith.constant 128 : i32
      %mul3A_515 = arith.muli %select_n3A_513, %mul3A_514 : i32
      %multiple_of3A_516 = tpu.assume_multiple %mul3A_515, 128 : i32
      %dma_wait3A_517 = tpu.memref_slice %arg7[%multiple_of3A_516] : memref<5120xi32, #tpu.memory_space<vmem>> -> memref<128xi32, #tpu.memory_space<vmem>>
      %dma_wait3A_518 = arith.constant 0 : i32
      %dma_wait3A_519 = arith.constant 0 : i32
      %dma_wait3A_520 = tpu.memref_slice %arg25[%dma_wait3A_518, %dma_wait3A_519] : memref<10000x64xf32, #tpu.memory_space<vmem_shared>> -> memref<10000x64xf32, #tpu.memory_space<vmem_shared>>
      tpu.wait_indirect_dma semaphore(%arg16 : memref<!tpu.dma_semaphore, #tpu.memory_space<semaphore_mem>>) src(%dma_wait3A_520 : memref<10000x64xf32, #tpu.memory_space<vmem_shared>>) dst(%arg12 : memref<128x64xf32, #tpu.memory_space<vmem>>)
      %jit3A_521 = arith.constant 40 : i32
      %eq3A_522 = arith.constant 0 : i32
      %eq3A_523 = arith.cmpi eq, %jit3A_521, %eq3A_522 : i32
      %jit3A_524 = arith.constant 1 : i32
      %select_n3A_525 = arith.select %eq3A_523, %jit3A_524, %jit3A_521 : i32
      %rem3A_526 = arith.remsi %add3A_490, %select_n3A_525 : i32
      %ne3A_527 = arith.constant 0 : i32
      %ne3A_528 = arith.cmpi ne, %rem3A_526, %ne3A_527 : i32
      %lt3A_529 = arith.constant 0 : i32
      %lt3A_530 = arith.cmpi slt, %rem3A_526, %lt3A_529 : i32
      %lt3A_531 = arith.constant 0 : i32
      %lt3A_532 = arith.cmpi slt, %select_n3A_525, %lt3A_531 : i32
      %ne3A_533 = arith.xori %lt3A_530, %lt3A_532 : i1
      %and3A_534 = arith.andi %ne3A_533, %ne3A_528 : i1
      %add3A_535 = arith.addi %rem3A_526, %select_n3A_525 : i32
      %select_n3A_536 = arith.select %and3A_534, %add3A_535, %rem3A_526 : i32
      %mul3A_537 = arith.constant 128 : i32
      %mul3A_538 = arith.muli %select_n3A_536, %mul3A_537 : i32
      %multiple_of3A_539 = tpu.assume_multiple %mul3A_538, 128 : i32
      %dma_start3A_540 = tpu.memref_slice %arg8[%multiple_of3A_539] : memref<5120xi32, #tpu.memory_space<vmem>> -> memref<128xi32, #tpu.memory_space<vmem>>
      %dma_start3A_541 = arith.constant 0 : i32
      %dma_start3A_542 = arith.constant 0 : i32
      %dma_start3A_543 = tpu.memref_slice %arg24[%dma_start3A_541, %dma_start3A_542] : memref<10112x64xf32, #tpu.memory_space<vmem_shared>> -> memref<10112x64xf32, #tpu.memory_space<vmem_shared>>
      tpu.enqueue_indirect_dma source(%arg12 : memref<128x64xf32, #tpu.memory_space<vmem>>) target(%dma_start3A_543 : memref<10112x64xf32, #tpu.memory_space<vmem_shared>>) offsets(%dma_start3A_540 : memref<128xi32, #tpu.memory_space<vmem>>) semaphore(%arg20 : memref<!tpu.dma_semaphore, #tpu.memory_space<semaphore_mem>>) {add = true}
      %scan3A_544 = arith.constant 0 : i32
      scf.yield %scan3A_544 : i32
    }
    %scan3A_197 = arith.constant 39 : i32
    %multiple_of3A_198 = arith.constant 4608 : i32
    %multiple_of3A_199 = tpu.assume_multiple %multiple_of3A_198, 128 : i32
    %dma_wait3A_200 = tpu.memref_slice %arg8[%multiple_of3A_199] : memref<5120xi32, #tpu.memory_space<vmem>> -> memref<128xi32, #tpu.memory_space<vmem>>
    %dma_wait3A_201 = arith.constant 0 : i32
    %dma_wait3A_202 = arith.constant 0 : i32
    %dma_wait3A_203 = tpu.memref_slice %arg24[%dma_wait3A_201, %dma_wait3A_202] : memref<10112x64xf32, #tpu.memory_space<vmem_shared>> -> memref<10112x64xf32, #tpu.memory_space<vmem_shared>>
    tpu.wait_indirect_dma semaphore(%arg17 : memref<!tpu.dma_semaphore, #tpu.memory_space<semaphore_mem>>) src(%arg9 : memref<128x64xf32, #tpu.memory_space<vmem>>) dst(%dma_wait3A_203 : memref<10112x64xf32, #tpu.memory_space<vmem_shared>>)
    %multiple_of3A_204 = arith.constant 4736 : i32
    %multiple_of3A_205 = tpu.assume_multiple %multiple_of3A_204, 128 : i32
    %dma_wait3A_206 = tpu.memref_slice %arg8[%multiple_of3A_205] : memref<5120xi32, #tpu.memory_space<vmem>> -> memref<128xi32, #tpu.memory_space<vmem>>
    %dma_wait3A_207 = arith.constant 0 : i32
    %dma_wait3A_208 = arith.constant 0 : i32
    %dma_wait3A_209 = tpu.memref_slice %arg24[%dma_wait3A_207, %dma_wait3A_208] : memref<10112x64xf32, #tpu.memory_space<vmem_shared>> -> memref<10112x64xf32, #tpu.memory_space<vmem_shared>>
    tpu.wait_indirect_dma semaphore(%arg18 : memref<!tpu.dma_semaphore, #tpu.memory_space<semaphore_mem>>) src(%arg10 : memref<128x64xf32, #tpu.memory_space<vmem>>) dst(%dma_wait3A_209 : memref<10112x64xf32, #tpu.memory_space<vmem_shared>>)
    %multiple_of3A_210 = arith.constant 4864 : i32
    %multiple_of3A_211 = tpu.assume_multiple %multiple_of3A_210, 128 : i32
    %dma_wait3A_212 = tpu.memref_slice %arg8[%multiple_of3A_211] : memref<5120xi32, #tpu.memory_space<vmem>> -> memref<128xi32, #tpu.memory_space<vmem>>
    %dma_wait3A_213 = arith.constant 0 : i32
    %dma_wait3A_214 = arith.constant 0 : i32
    %dma_wait3A_215 = tpu.memref_slice %arg24[%dma_wait3A_213, %dma_wait3A_214] : memref<10112x64xf32, #tpu.memory_space<vmem_shared>> -> memref<10112x64xf32, #tpu.memory_space<vmem_shared>>
    tpu.wait_indirect_dma semaphore(%arg19 : memref<!tpu.dma_semaphore, #tpu.memory_space<semaphore_mem>>) src(%arg11 : memref<128x64xf32, #tpu.memory_space<vmem>>) dst(%dma_wait3A_215 : memref<10112x64xf32, #tpu.memory_space<vmem_shared>>)
    %multiple_of3A_216 = arith.constant 4992 : i32
    %multiple_of3A_217 = tpu.assume_multiple %multiple_of3A_216, 128 : i32
    %dma_wait3A_218 = tpu.memref_slice %arg8[%multiple_of3A_217] : memref<5120xi32, #tpu.memory_space<vmem>> -> memref<128xi32, #tpu.memory_space<vmem>>
    %dma_wait3A_219 = arith.constant 0 : i32
    %dma_wait3A_220 = arith.constant 0 : i32
    %dma_wait3A_221 = tpu.memref_slice %arg24[%dma_wait3A_219, %dma_wait3A_220] : memref<10112x64xf32, #tpu.memory_space<vmem_shared>> -> memref<10112x64xf32, #tpu.memory_space<vmem_shared>>
    tpu.wait_indirect_dma semaphore(%arg20 : memref<!tpu.dma_semaphore, #tpu.memory_space<semaphore_mem>>) src(%arg12 : memref<128x64xf32, #tpu.memory_space<vmem>>) dst(%dma_wait3A_221 : memref<10112x64xf32, #tpu.memory_space<vmem_shared>>)
    %barrier3A_222 = arith.constant 0 : index
    tpu.barrier barrier_id(%barrier3A_222)
    %mul3A_223 = arith.constant 624 : i32
    %mul3A_224 = arith.muli %arg1, %mul3A_223 : i32
    %mul3A_225 = arith.constant 624 : i32
    %mul3A_226 = arith.muli %arg1, %mul3A_225 : i32
    "tpu.region"() ({
      %run_scoped3A = tpu.sem_alloc : memref<!tpu.dma_semaphore, #tpu.memory_space<semaphore_mem>>
      %dma_start3A_232 = arith.constant 0 : i32
      %dma_start3A_233 = arith.constant 0 : i32
      %dma_start3A_234 = tpu.memref_slice %arg6[%arg0, %dma_start3A_232, %dma_start3A_233] : memref<2x10000x64xf32, #tpu.memory_space<hbm>> -> memref<1x10000x64xf32, #tpu.memory_space<hbm>>
      %dma_start3A_235 = tpu.memref_squeeze %dma_start3A_234 : memref<1x10000x64xf32, #tpu.memory_space<hbm>> -> memref<10000x64xf32, #tpu.memory_space<hbm>>
      %dma_start3A_236 = arith.constant 0 : i32
      %dma_start3A_237 = tpu.memref_slice %dma_start3A_235[%mul3A_226, %dma_start3A_236] : memref<10000x64xf32, #tpu.memory_space<hbm>> -> memref<624x64xf32, #tpu.memory_space<hbm>>
      %dma_start3A_238 = arith.constant 0 : i32
      %dma_start3A_239 = tpu.memref_slice %arg24[%mul3A_224, %dma_start3A_238] : memref<10112x64xf32, #tpu.memory_space<vmem_shared>> -> memref<624x64xf32, #tpu.memory_space<vmem_shared>>
      tpu.enqueue_dma source(%dma_start3A_239 : memref<624x64xf32, #tpu.memory_space<vmem_shared>>) target(%dma_start3A_237 : memref<624x64xf32, #tpu.memory_space<hbm>>) target_semaphore(%run_scoped3A : memref<!tpu.dma_semaphore, #tpu.memory_space<semaphore_mem>>)
      %dma_wait3A_240 = arith.constant 0 : i32
      %dma_wait3A_241 = arith.constant 0 : i32
      %dma_wait3A_242 = tpu.memref_slice %arg6[%arg0, %dma_wait3A_240, %dma_wait3A_241] : memref<2x10000x64xf32, #tpu.memory_space<hbm>> -> memref<1x10000x64xf32, #tpu.memory_space<hbm>>
      %dma_wait3A_243 = tpu.memref_squeeze %dma_wait3A_242 : memref<1x10000x64xf32, #tpu.memory_space<hbm>> -> memref<10000x64xf32, #tpu.memory_space<hbm>>
      %dma_wait3A_244 = arith.constant 0 : i32
      %dma_wait3A_245 = tpu.memref_slice %dma_wait3A_243[%mul3A_226, %dma_wait3A_244] : memref<10000x64xf32, #tpu.memory_space<hbm>> -> memref<624x64xf32, #tpu.memory_space<hbm>>
      %dma_wait3A_246 = arith.constant 0 : i32
      %dma_wait3A_247 = tpu.memref_slice %arg24[%mul3A_224, %dma_wait3A_246] : memref<10112x64xf32, #tpu.memory_space<vmem_shared>> -> memref<624x64xf32, #tpu.memory_space<vmem_shared>>
      tpu.wait_dma2 semaphore(%run_scoped3A : memref<!tpu.dma_semaphore, #tpu.memory_space<semaphore_mem>>) src(%dma_wait3A_247 : memref<624x64xf32, #tpu.memory_space<vmem_shared>>) dst(%dma_wait3A_245 : memref<624x64xf32, #tpu.memory_space<hbm>>)
      tpu.yield
    }) : () -> ()
    %eq3A_227 = arith.constant 15 : i32
    %eq3A_228 = arith.cmpi eq, %arg1, %eq3A_227 : i32
    %convert_element_type3A_229 = arith.extui %eq3A_228 : i1 to i32
    %cond3A_230 = arith.constant 0 : i32
    %cond3A_231 = arith.cmpi ne, %convert_element_type3A_229, %cond3A_230 : i32
    scf.if %cond3A_231 {
      "tpu.region"() ({
        %run_scoped3A = tpu.sem_alloc : memref<!tpu.dma_semaphore, #tpu.memory_space<semaphore_mem>>
        %dma_start3A_232 = arith.constant 0 : i32
        %dma_start3A_233 = arith.constant 0 : i32
        %dma_start3A_234 = tpu.memref_slice %arg6[%arg0, %dma_start3A_232, %dma_start3A_233] : memref<2x10000x64xf32, #tpu.memory_space<hbm>> -> memref<1x10000x64xf32, #tpu.memory_space<hbm>>
        %dma_start3A_235 = tpu.memref_squeeze %dma_start3A_234 : memref<1x10000x64xf32, #tpu.memory_space<hbm>> -> memref<10000x64xf32, #tpu.memory_space<hbm>>
        %dma_start3A_236 = arith.constant 9984 : i32
        %dma_start3A_237 = arith.constant 0 : i32
        %dma_start3A_238 = tpu.memref_slice %dma_start3A_235[%dma_start3A_236, %dma_start3A_237] : memref<10000x64xf32, #tpu.memory_space<hbm>> -> memref<16x64xf32, #tpu.memory_space<hbm>>
        %dma_start3A_239 = arith.constant 9984 : i32
        %dma_start3A_240 = arith.constant 0 : i32
        %dma_start3A_241 = tpu.memref_slice %arg24[%dma_start3A_239, %dma_start3A_240] : memref<10112x64xf32, #tpu.memory_space<vmem_shared>> -> memref<16x64xf32, #tpu.memory_space<vmem_shared>>
        tpu.enqueue_dma source(%dma_start3A_241 : memref<16x64xf32, #tpu.memory_space<vmem_shared>>) target(%dma_start3A_238 : memref<16x64xf32, #tpu.memory_space<hbm>>) target_semaphore(%run_scoped3A : memref<!tpu.dma_semaphore, #tpu.memory_space<semaphore_mem>>)
        %dma_wait3A_242 = arith.constant 0 : i32
        %dma_wait3A_243 = arith.constant 0 : i32
        %dma_wait3A_244 = tpu.memref_slice %arg6[%arg0, %dma_wait3A_242, %dma_wait3A_243] : memref<2x10000x64xf32, #tpu.memory_space<hbm>> -> memref<1x10000x64xf32, #tpu.memory_space<hbm>>
        %dma_wait3A_245 = tpu.memref_squeeze %dma_wait3A_244 : memref<1x10000x64xf32, #tpu.memory_space<hbm>> -> memref<10000x64xf32, #tpu.memory_space<hbm>>
        %dma_wait3A_246 = arith.constant 9984 : i32
        %dma_wait3A_247 = arith.constant 0 : i32
        %dma_wait3A_248 = tpu.memref_slice %dma_wait3A_245[%dma_wait3A_246, %dma_wait3A_247] : memref<10000x64xf32, #tpu.memory_space<hbm>> -> memref<16x64xf32, #tpu.memory_space<hbm>>
        %dma_wait3A_249 = arith.constant 9984 : i32
        %dma_wait3A_250 = arith.constant 0 : i32
        %dma_wait3A_251 = tpu.memref_slice %arg24[%dma_wait3A_249, %dma_wait3A_250] : memref<10112x64xf32, #tpu.memory_space<vmem_shared>> -> memref<16x64xf32, #tpu.memory_space<vmem_shared>>
        tpu.wait_dma2 semaphore(%run_scoped3A : memref<!tpu.dma_semaphore, #tpu.memory_space<semaphore_mem>>) src(%dma_wait3A_251 : memref<16x64xf32, #tpu.memory_space<vmem_shared>>) dst(%dma_wait3A_248 : memref<16x64xf32, #tpu.memory_space<hbm>>)
        tpu.yield
      }) : () -> ()
    } else {
    }
    return
  }
}

#map = affine_map<(d0, d1) -> (0)>
module attributes {stable_mosaic.version = 14 : i64} {
  func.func @_seg_body(%arg0: i32, %arg1: i32, %arg2: memref<1280000xf32, #tpu.memory_space<hbm>>, %arg3: memref<10000xi32, #tpu.memory_space<hbm>>, %arg4: memref<262144xf32, #tpu.memory_space<hbm>>, %arg5: memref<10240xf32, #tpu.memory_space<vmem>>, %arg6: memref<96xi32, #tpu.memory_space<vmem>>, %arg7: memref<8192xf32, #tpu.memory_space<vmem>>) attributes {dimension_semantics = [#tpu.dimension_semantics<core_parallel>, #tpu.dimension_semantics<subcore_parallel>], iteration_bounds = array<i64: 2, 16>, scalar_prefetch = 0 : i64, scratch_operands = 3 : i64, tpu.core_type = #tpu.core_type<sc_vector_subcore>, window_params = [{transform_indices = #map}, {transform_indices = #map}, {transform_indices = #map}]} {
    %mul3A = arith.constant 2 : i32
    %mul3A_0 = arith.muli %arg1, %mul3A : i32
    %add3A = arith.addi %mul3A_0, %arg0 : i32
    %mul3A_1 = arith.constant 320 : i32
    %mul3A_2 = arith.muli %add3A, %mul3A_1 : i32
    %broadcast_in_dim3A = arith.constant 0xFF800000 : f32
    %broadcast_in_dim3A_3 = vector.broadcast %broadcast_in_dim3A : f32 to vector<16xf32>
    %scan3A = arith.constant 0 : i32
    %scan3A_4 = arith.constant 0 : i32
    %scan3A_5 = arith.constant 512 : i32
    %scan3A_6 = arith.addi %scan3A_4, %scan3A_5 : i32
    %scan3A_7 = arith.constant 1 : i32
    %scan3A_8 = scf.for %scan3A_66 = %scan3A_4 to %scan3A_6 step %scan3A_7 iter_args(%scan3A_67 = %scan3A) -> (i32)  : i32 {
      %mul3A_68 = arith.constant 16 : i32
      %mul3A_69 = arith.muli %scan3A_66, %mul3A_68 : i32
      %swap3A = arith.index_cast %mul3A_69 : i32 to index
      %swap3A_70 = tpu.vector_load %arg7[%swap3A] {strides = array<i32>} : memref<8192xf32, #tpu.memory_space<vmem>>, vector<16xf32>,
      %swap3A_71 = vector.shape_cast %swap3A_70 : vector<16xf32> to vector<16xf32>
      %swap3A_72 = vector.shape_cast %broadcast_in_dim3A_3 : vector<16xf32> to vector<16xf32>
      tpu.vector_store %arg7[%swap3A], %swap3A_72 {strides = array<i32>} : memref<8192xf32, #tpu.memory_space<vmem>>, vector<16xf32>,
      %scan3A_73 = arith.constant 0 : i32
      scf.yield %scan3A_73 : i32
    }
    %scan3A_9 = arith.constant 512 : i32
    %sub3A = arith.constant 10000 : i32
    %sub3A_10 = arith.subi %sub3A, %mul3A_2 : i32
    %min3A = arith.constant 320 : i32
    %min3A_11 = arith.minsi %min3A, %sub3A_10 : i32
    %add3A_12 = arith.constant 80 : i32
    %add3A_13 = arith.addi %min3A_11, %add3A_12 : i32
    %sub3A_14 = arith.constant 1 : i32
    %sub3A_15 = arith.subi %add3A_13, %sub3A_14 : i32
    %jit3A = arith.constant 80 : i32
    %div3A = arith.divsi %sub3A_15, %jit3A : i32
    %sign3A = arith.constant 0 : i32
    %sign3A_16 = arith.cmpi sgt, %sub3A_15, %sign3A : i32
    %sign3A_17 = arith.extui %sign3A_16 : i1 to i32
    %sign3A_18 = arith.constant 0 : i32
    %sign3A_19 = arith.cmpi slt, %sub3A_15, %sign3A_18 : i32
    %sign3A_20 = arith.extui %sign3A_19 : i1 to i32
    %sign3A_21 = arith.subi %sign3A_17, %sign3A_20 : i32
    %sign3A_22 = arith.constant 0 : i32
    %sign3A_23 = arith.cmpi sgt, %jit3A, %sign3A_22 : i32
    %sign3A_24 = arith.extui %sign3A_23 : i1 to i32
    %sign3A_25 = arith.constant 0 : i32
    %sign3A_26 = arith.cmpi slt, %jit3A, %sign3A_25 : i32
    %sign3A_27 = arith.extui %sign3A_26 : i1 to i32
    %sign3A_28 = arith.subi %sign3A_24, %sign3A_27 : i32
    %ne3A = arith.cmpi ne, %sign3A_21, %sign3A_28 : i32
    %rem3A = arith.remsi %sub3A_15, %jit3A : i32
    %ne3A_29 = arith.constant 0 : i32
    %ne3A_30 = arith.cmpi ne, %rem3A, %ne3A_29 : i32
    %and3A = arith.andi %ne3A, %ne3A_30 : i1
    %sub3A_31 = arith.constant 1 : i32
    %sub3A_32 = arith.subi %div3A, %sub3A_31 : i32
    %select_n3A = arith.select %and3A, %sub3A_32, %div3A : i32
    %broadcast_in_dim3A_33 = arith.constant 0.000000e+00 : f32
    %broadcast_in_dim3A_34 = vector.broadcast %broadcast_in_dim3A_33 : f32 to vector<16xf32>
    %broadcast_in_dim3A_35 = arith.constant 0.000000e+00 : f32
    %broadcast_in_dim3A_36 = vector.broadcast %broadcast_in_dim3A_35 : f32 to vector<16xf32>
    %broadcast_in_dim3A_37 = arith.constant 0.000000e+00 : f32
    %broadcast_in_dim3A_38 = vector.broadcast %broadcast_in_dim3A_37 : f32 to vector<16xf32>
    %broadcast_in_dim3A_39 = arith.constant 0.000000e+00 : f32
    %broadcast_in_dim3A_40 = vector.broadcast %broadcast_in_dim3A_39 : f32 to vector<16xf32>
    %broadcast_in_dim3A_41 = arith.constant 0.000000e+00 : f32
    %broadcast_in_dim3A_42 = vector.broadcast %broadcast_in_dim3A_41 : f32 to vector<16xf32>
    %broadcast_in_dim3A_43 = arith.constant 0.000000e+00 : f32
    %broadcast_in_dim3A_44 = vector.broadcast %broadcast_in_dim3A_43 : f32 to vector<16xf32>
    %broadcast_in_dim3A_45 = arith.constant 0.000000e+00 : f32
    %broadcast_in_dim3A_46 = vector.broadcast %broadcast_in_dim3A_45 : f32 to vector<16xf32>
    %broadcast_in_dim3A_47 = arith.constant 0.000000e+00 : f32
    %broadcast_in_dim3A_48 = vector.broadcast %broadcast_in_dim3A_47 : f32 to vector<16xf32>
    %while3A = arith.constant 0 : i32
    %while3A_49 = arith.constant -1 : i32
    %while3A_50 = arith.subi %select_n3A, %while3A : i32
    %while3A_51 = arith.addi %while3A, %while3A_50 : i32
    %while3A_52 = arith.constant 1 : i32
    %while3A_53 = arith.divsi %while3A_50, %while3A_52 : i32
    %while3A_54 = arith.muli %while3A_53, %while3A_52 : i32
    %while3A_55 = arith.addi %while3A, %while3A_54 : i32
    %while3A_56 = arith.constant 1 : i32
    %while3A_57:9 = scf.for %while3A_66 = %while3A to %while3A_55 step %while3A_56 iter_args(%while3A_67 = %while3A_49, %while3A_68 = %broadcast_in_dim3A_34, %while3A_69 = %broadcast_in_dim3A_36, %while3A_70 = %broadcast_in_dim3A_38, %while3A_71 = %broadcast_in_dim3A_40, %while3A_72 = %broadcast_in_dim3A_42, %while3A_73 = %broadcast_in_dim3A_44, %while3A_74 = %broadcast_in_dim3A_46, %while3A_75 = %broadcast_in_dim3A_48) -> (i32, vector<16xf32>, vector<16xf32>, vector<16xf32>, vector<16xf32>, vector<16xf32>, vector<16xf32>, vector<16xf32>, vector<16xf32>)  : i32 {
      %mul3A_76 = arith.constant 80 : i32
      %mul3A_77 = arith.muli %while3A_66, %mul3A_76 : i32
      %add3A_78 = arith.addi %mul3A_2, %mul3A_77 : i32
      "tpu.region"() ({
        %run_scoped3A = tpu.sem_alloc : memref<!tpu.dma_semaphore, #tpu.memory_space<semaphore_mem>>
        %dma_start3A = arith.constant 0 : i32
        %dma_start3A_87 = tpu.memref_slice %arg6[%dma_start3A] : memref<96xi32, #tpu.memory_space<vmem>> -> memref<80xi32, #tpu.memory_space<vmem>>
        %dma_start3A_88 = tpu.memref_slice %arg3[%add3A_78] : memref<10000xi32, #tpu.memory_space<hbm>> -> memref<80xi32, #tpu.memory_space<hbm>>
        %dma_start3A_89 = arith.constant 0 : i32
        %dma_start3A_90 = tpu.memref_slice %arg6[%dma_start3A_89] : memref<96xi32, #tpu.memory_space<vmem>> -> memref<80xi32, #tpu.memory_space<vmem>>
        %dma_start3A_91 = tpu.memref_slice %arg3[%add3A_78] : memref<10000xi32, #tpu.memory_space<hbm>> -> memref<80xi32, #tpu.memory_space<hbm>>
        tpu.enqueue_dma source(%dma_start3A_91 : memref<80xi32, #tpu.memory_space<hbm>>) target(%dma_start3A_90 : memref<80xi32, #tpu.memory_space<vmem>>) target_semaphore(%run_scoped3A : memref<!tpu.dma_semaphore, #tpu.memory_space<semaphore_mem>>)
        %dma_wait3A = arith.constant 0 : i32
        %dma_wait3A_92 = tpu.memref_slice %arg6[%dma_wait3A] : memref<96xi32, #tpu.memory_space<vmem>> -> memref<80xi32, #tpu.memory_space<vmem>>
        %dma_wait3A_93 = tpu.memref_slice %arg3[%add3A_78] : memref<10000xi32, #tpu.memory_space<hbm>> -> memref<80xi32, #tpu.memory_space<hbm>>
        %dma_wait3A_94 = arith.constant 0 : i32
        %dma_wait3A_95 = tpu.memref_slice %arg6[%dma_wait3A_94] : memref<96xi32, #tpu.memory_space<vmem>> -> memref<80xi32, #tpu.memory_space<vmem>>
        %dma_wait3A_96 = tpu.memref_slice %arg3[%add3A_78] : memref<10000xi32, #tpu.memory_space<hbm>> -> memref<80xi32, #tpu.memory_space<hbm>>
        tpu.wait_dma2 semaphore(%run_scoped3A : memref<!tpu.dma_semaphore, #tpu.memory_space<semaphore_mem>>) src(%dma_wait3A_96 : memref<80xi32, #tpu.memory_space<hbm>>) dst(%dma_wait3A_95 : memref<80xi32, #tpu.memory_space<vmem>>)
        tpu.yield
      }) : () -> ()
      %mul3A_79 = arith.constant 128 : i32
      %mul3A_80 = arith.muli %add3A_78, %mul3A_79 : i32
      "tpu.region"() ({
        %run_scoped3A = tpu.sem_alloc : memref<!tpu.dma_semaphore, #tpu.memory_space<semaphore_mem>>
        %dma_start3A = tpu.memref_slice %arg2[%mul3A_80] : memref<1280000xf32, #tpu.memory_space<hbm>> -> memref<10240xf32, #tpu.memory_space<hbm>>
        %dma_start3A_87 = tpu.memref_slice %arg2[%mul3A_80] : memref<1280000xf32, #tpu.memory_space<hbm>> -> memref<10240xf32, #tpu.memory_space<hbm>>
        tpu.enqueue_dma source(%dma_start3A_87 : memref<10240xf32, #tpu.memory_space<hbm>>) target(%arg5 : memref<10240xf32, #tpu.memory_space<vmem>>) target_semaphore(%run_scoped3A : memref<!tpu.dma_semaphore, #tpu.memory_space<semaphore_mem>>)
        %dma_wait3A = tpu.memref_slice %arg2[%mul3A_80] : memref<1280000xf32, #tpu.memory_space<hbm>> -> memref<10240xf32, #tpu.memory_space<hbm>>
        %dma_wait3A_88 = tpu.memref_slice %arg2[%mul3A_80] : memref<1280000xf32, #tpu.memory_space<hbm>> -> memref<10240xf32, #tpu.memory_space<hbm>>
        tpu.wait_dma2 semaphore(%run_scoped3A : memref<!tpu.dma_semaphore, #tpu.memory_space<semaphore_mem>>) src(%dma_wait3A_88 : memref<10240xf32, #tpu.memory_space<hbm>>) dst(%arg5 : memref<10240xf32, #tpu.memory_space<vmem>>)
        tpu.yield
      }) : () -> ()
      %scan3A_81 = arith.constant 0 : i32
      %scan3A_82 = arith.constant 80 : i32
      %scan3A_83 = arith.addi %scan3A_81, %scan3A_82 : i32
      %scan3A_84 = arith.constant 1 : i32
      %scan3A_85:9 = scf.for %scan3A_87 = %scan3A_81 to %scan3A_83 step %scan3A_84 iter_args(%scan3A_88 = %while3A_67, %scan3A_89 = %while3A_68, %scan3A_90 = %while3A_69, %scan3A_91 = %while3A_70, %scan3A_92 = %while3A_71, %scan3A_93 = %while3A_72, %scan3A_94 = %while3A_73, %scan3A_95 = %while3A_74, %scan3A_96 = %while3A_75) -> (i32, vector<16xf32>, vector<16xf32>, vector<16xf32>, vector<16xf32>, vector<16xf32>, vector<16xf32>, vector<16xf32>, vector<16xf32>)  : i32 {
        %get3A = arith.index_cast %scan3A_87 : i32 to index
        %get3A_97 = tpu.vector_load %arg6[%get3A] {strides = array<i32>} : memref<96xi32, #tpu.memory_space<vmem>>, vector<16xi32>,
        %get3A_98 = vector.shape_cast %get3A_97 : vector<16xi32> to vector<16xi32>
        %slice3A = vector.extract_strided_slice %get3A_98 {offsets = [0], sizes = [1], strides = [1]} : vector<16xi32> to vector<1xi32>
        %squeeze3A = vector.extract %slice3A[0] : i32 from vector<1xi32>
        %mul3A_99 = arith.constant 128 : i32
        %mul3A_100 = arith.muli %scan3A_87, %mul3A_99 : i32
        %add3A_101 = arith.constant 0 : i32
        %add3A_102 = arith.addi %mul3A_100, %add3A_101 : i32
        %get3A_103 = arith.index_cast %add3A_102 : i32 to index
        %get3A_104 = tpu.vector_load %arg5[%get3A_103] {strides = array<i32>} : memref<10240xf32, #tpu.memory_space<vmem>>, vector<16xf32>,
        %get3A_105 = vector.shape_cast %get3A_104 : vector<16xf32> to vector<16xf32>
        %mul3A_106 = arith.constant 128 : i32
        %mul3A_107 = arith.muli %scan3A_87, %mul3A_106 : i32
        %add3A_108 = arith.constant 16 : i32
        %add3A_109 = arith.addi %mul3A_107, %add3A_108 : i32
        %get3A_110 = arith.index_cast %add3A_109 : i32 to index
        %get3A_111 = tpu.vector_load %arg5[%get3A_110] {strides = array<i32>} : memref<10240xf32, #tpu.memory_space<vmem>>, vector<16xf32>,
        %get3A_112 = vector.shape_cast %get3A_111 : vector<16xf32> to vector<16xf32>
        %mul3A_113 = arith.constant 128 : i32
        %mul3A_114 = arith.muli %scan3A_87, %mul3A_113 : i32
        %add3A_115 = arith.constant 32 : i32
        %add3A_116 = arith.addi %mul3A_114, %add3A_115 : i32
        %get3A_117 = arith.index_cast %add3A_116 : i32 to index
        %get3A_118 = tpu.vector_load %arg5[%get3A_117] {strides = array<i32>} : memref<10240xf32, #tpu.memory_space<vmem>>, vector<16xf32>,
        %get3A_119 = vector.shape_cast %get3A_118 : vector<16xf32> to vector<16xf32>
        %mul3A_120 = arith.constant 128 : i32
        %mul3A_121 = arith.muli %scan3A_87, %mul3A_120 : i32
        %add3A_122 = arith.constant 48 : i32
        %add3A_123 = arith.addi %mul3A_121, %add3A_122 : i32
        %get3A_124 = arith.index_cast %add3A_123 : i32 to index
        %get3A_125 = tpu.vector_load %arg5[%get3A_124] {strides = array<i32>} : memref<10240xf32, #tpu.memory_space<vmem>>, vector<16xf32>,
        %get3A_126 = vector.shape_cast %get3A_125 : vector<16xf32> to vector<16xf32>
        %mul3A_127 = arith.constant 128 : i32
        %mul3A_128 = arith.muli %scan3A_87, %mul3A_127 : i32
        %add3A_129 = arith.constant 64 : i32
        %add3A_130 = arith.addi %mul3A_128, %add3A_129 : i32
        %get3A_131 = arith.index_cast %add3A_130 : i32 to index
        %get3A_132 = tpu.vector_load %arg5[%get3A_131] {strides = array<i32>} : memref<10240xf32, #tpu.memory_space<vmem>>, vector<16xf32>,
        %get3A_133 = vector.shape_cast %get3A_132 : vector<16xf32> to vector<16xf32>
        %mul3A_134 = arith.constant 128 : i32
        %mul3A_135 = arith.muli %scan3A_87, %mul3A_134 : i32
        %add3A_136 = arith.constant 80 : i32
        %add3A_137 = arith.addi %mul3A_135, %add3A_136 : i32
        %get3A_138 = arith.index_cast %add3A_137 : i32 to index
        %get3A_139 = tpu.vector_load %arg5[%get3A_138] {strides = array<i32>} : memref<10240xf32, #tpu.memory_space<vmem>>, vector<16xf32>,
        %get3A_140 = vector.shape_cast %get3A_139 : vector<16xf32> to vector<16xf32>
        %mul3A_141 = arith.constant 128 : i32
        %mul3A_142 = arith.muli %scan3A_87, %mul3A_141 : i32
        %add3A_143 = arith.constant 96 : i32
        %add3A_144 = arith.addi %mul3A_142, %add3A_143 : i32
        %get3A_145 = arith.index_cast %add3A_144 : i32 to index
        %get3A_146 = tpu.vector_load %arg5[%get3A_145] {strides = array<i32>} : memref<10240xf32, #tpu.memory_space<vmem>>, vector<16xf32>,
        %get3A_147 = vector.shape_cast %get3A_146 : vector<16xf32> to vector<16xf32>
        %mul3A_148 = arith.constant 128 : i32
        %mul3A_149 = arith.muli %scan3A_87, %mul3A_148 : i32
        %add3A_150 = arith.constant 112 : i32
        %add3A_151 = arith.addi %mul3A_149, %add3A_150 : i32
        %get3A_152 = arith.index_cast %add3A_151 : i32 to index
        %get3A_153 = tpu.vector_load %arg5[%get3A_152] {strides = array<i32>} : memref<10240xf32, #tpu.memory_space<vmem>>, vector<16xf32>,
        %get3A_154 = vector.shape_cast %get3A_153 : vector<16xf32> to vector<16xf32>
        %ne3A_155 = arith.cmpi ne, %squeeze3A, %scan3A_88 : i32
        %ge3A_156 = arith.constant 0 : i32
        %ge3A_157 = arith.cmpi sge, %scan3A_88, %ge3A_156 : i32
        %and3A_158 = arith.andi %ne3A_155, %ge3A_157 : i1
        %convert_element_type3A_159 = arith.extui %and3A_158 : i1 to i32
        %cond3A_160 = arith.constant 0 : i32
        %cond3A_161 = arith.cmpi ne, %convert_element_type3A_159, %cond3A_160 : i32
        scf.if %cond3A_161 {
          %mul3A_177 = arith.constant 128 : i32
          %mul3A_178 = arith.muli %scan3A_88, %mul3A_177 : i32
          %add3A_179 = arith.constant 0 : i32
          %add3A_180 = arith.addi %mul3A_178, %add3A_179 : i32
          %swap3A = arith.index_cast %add3A_180 : i32 to index
          %swap3A_181 = tpu.vector_load %arg7[%swap3A] {strides = array<i32>} : memref<8192xf32, #tpu.memory_space<vmem>>, vector<16xf32>,
          %swap3A_182 = vector.shape_cast %swap3A_181 : vector<16xf32> to vector<16xf32>
          %swap3A_183 = vector.shape_cast %scan3A_89 : vector<16xf32> to vector<16xf32>
          tpu.vector_store %arg7[%swap3A], %swap3A_183 {strides = array<i32>} : memref<8192xf32, #tpu.memory_space<vmem>>, vector<16xf32>,
          %mul3A_184 = arith.constant 128 : i32
          %mul3A_185 = arith.muli %scan3A_88, %mul3A_184 : i32
          %add3A_186 = arith.constant 16 : i32
          %add3A_187 = arith.addi %mul3A_185, %add3A_186 : i32
          %swap3A_188 = arith.index_cast %add3A_187 : i32 to index
          %swap3A_189 = tpu.vector_load %arg7[%swap3A_188] {strides = array<i32>} : memref<8192xf32, #tpu.memory_space<vmem>>, vector<16xf32>,
          %swap3A_190 = vector.shape_cast %swap3A_189 : vector<16xf32> to vector<16xf32>
          %swap3A_191 = vector.shape_cast %scan3A_90 : vector<16xf32> to vector<16xf32>
          tpu.vector_store %arg7[%swap3A_188], %swap3A_191 {strides = array<i32>} : memref<8192xf32, #tpu.memory_space<vmem>>, vector<16xf32>,
          %mul3A_192 = arith.constant 128 : i32
          %mul3A_193 = arith.muli %scan3A_88, %mul3A_192 : i32
          %add3A_194 = arith.constant 32 : i32
          %add3A_195 = arith.addi %mul3A_193, %add3A_194 : i32
          %swap3A_196 = arith.index_cast %add3A_195 : i32 to index
          %swap3A_197 = tpu.vector_load %arg7[%swap3A_196] {strides = array<i32>} : memref<8192xf32, #tpu.memory_space<vmem>>, vector<16xf32>,
          %swap3A_198 = vector.shape_cast %swap3A_197 : vector<16xf32> to vector<16xf32>
          %swap3A_199 = vector.shape_cast %scan3A_91 : vector<16xf32> to vector<16xf32>
          tpu.vector_store %arg7[%swap3A_196], %swap3A_199 {strides = array<i32>} : memref<8192xf32, #tpu.memory_space<vmem>>, vector<16xf32>,
          %mul3A_200 = arith.constant 128 : i32
          %mul3A_201 = arith.muli %scan3A_88, %mul3A_200 : i32
          %add3A_202 = arith.constant 48 : i32
          %add3A_203 = arith.addi %mul3A_201, %add3A_202 : i32
          %swap3A_204 = arith.index_cast %add3A_203 : i32 to index
          %swap3A_205 = tpu.vector_load %arg7[%swap3A_204] {strides = array<i32>} : memref<8192xf32, #tpu.memory_space<vmem>>, vector<16xf32>,
          %swap3A_206 = vector.shape_cast %swap3A_205 : vector<16xf32> to vector<16xf32>
          %swap3A_207 = vector.shape_cast %scan3A_92 : vector<16xf32> to vector<16xf32>
          tpu.vector_store %arg7[%swap3A_204], %swap3A_207 {strides = array<i32>} : memref<8192xf32, #tpu.memory_space<vmem>>, vector<16xf32>,
          %mul3A_208 = arith.constant 128 : i32
          %mul3A_209 = arith.muli %scan3A_88, %mul3A_208 : i32
          %add3A_210 = arith.constant 64 : i32
          %add3A_211 = arith.addi %mul3A_209, %add3A_210 : i32
          %swap3A_212 = arith.index_cast %add3A_211 : i32 to index
          %swap3A_213 = tpu.vector_load %arg7[%swap3A_212] {strides = array<i32>} : memref<8192xf32, #tpu.memory_space<vmem>>, vector<16xf32>,
          %swap3A_214 = vector.shape_cast %swap3A_213 : vector<16xf32> to vector<16xf32>
          %swap3A_215 = vector.shape_cast %scan3A_93 : vector<16xf32> to vector<16xf32>
          tpu.vector_store %arg7[%swap3A_212], %swap3A_215 {strides = array<i32>} : memref<8192xf32, #tpu.memory_space<vmem>>, vector<16xf32>,
          %mul3A_216 = arith.constant 128 : i32
          %mul3A_217 = arith.muli %scan3A_88, %mul3A_216 : i32
          %add3A_218 = arith.constant 80 : i32
          %add3A_219 = arith.addi %mul3A_217, %add3A_218 : i32
          %swap3A_220 = arith.index_cast %add3A_219 : i32 to index
          %swap3A_221 = tpu.vector_load %arg7[%swap3A_220] {strides = array<i32>} : memref<8192xf32, #tpu.memory_space<vmem>>, vector<16xf32>,
          %swap3A_222 = vector.shape_cast %swap3A_221 : vector<16xf32> to vector<16xf32>
          %swap3A_223 = vector.shape_cast %scan3A_94 : vector<16xf32> to vector<16xf32>
          tpu.vector_store %arg7[%swap3A_220], %swap3A_223 {strides = array<i32>} : memref<8192xf32, #tpu.memory_space<vmem>>, vector<16xf32>,
          %mul3A_224 = arith.constant 128 : i32
          %mul3A_225 = arith.muli %scan3A_88, %mul3A_224 : i32
          %add3A_226 = arith.constant 96 : i32
          %add3A_227 = arith.addi %mul3A_225, %add3A_226 : i32
          %swap3A_228 = arith.index_cast %add3A_227 : i32 to index
          %swap3A_229 = tpu.vector_load %arg7[%swap3A_228] {strides = array<i32>} : memref<8192xf32, #tpu.memory_space<vmem>>, vector<16xf32>,
          %swap3A_230 = vector.shape_cast %swap3A_229 : vector<16xf32> to vector<16xf32>
          %swap3A_231 = vector.shape_cast %scan3A_95 : vector<16xf32> to vector<16xf32>
          tpu.vector_store %arg7[%swap3A_228], %swap3A_231 {strides = array<i32>} : memref<8192xf32, #tpu.memory_space<vmem>>, vector<16xf32>,
          %mul3A_232 = arith.constant 128 : i32
          %mul3A_233 = arith.muli %scan3A_88, %mul3A_232 : i32
          %add3A_234 = arith.constant 112 : i32
          %add3A_235 = arith.addi %mul3A_233, %add3A_234 : i32
          %swap3A_236 = arith.index_cast %add3A_235 : i32 to index
          %swap3A_237 = tpu.vector_load %arg7[%swap3A_236] {strides = array<i32>} : memref<8192xf32, #tpu.memory_space<vmem>>, vector<16xf32>,
          %swap3A_238 = vector.shape_cast %swap3A_237 : vector<16xf32> to vector<16xf32>
          %swap3A_239 = vector.shape_cast %scan3A_96 : vector<16xf32> to vector<16xf32>
          tpu.vector_store %arg7[%swap3A_236], %swap3A_239 {strides = array<i32>} : memref<8192xf32, #tpu.memory_space<vmem>>, vector<16xf32>,
        } else {
        }
        %max3A = arith.maximumf %scan3A_89, %get3A_105 : vector<16xf32>
        %select_n3A_162 = arith.select %ne3A_155, %get3A_105, %max3A : vector<16xf32>
        %max3A_163 = arith.maximumf %scan3A_90, %get3A_112 : vector<16xf32>
        %select_n3A_164 = arith.select %ne3A_155, %get3A_112, %max3A_163 : vector<16xf32>
        %max3A_165 = arith.maximumf %scan3A_91, %get3A_119 : vector<16xf32>
        %select_n3A_166 = arith.select %ne3A_155, %get3A_119, %max3A_165 : vector<16xf32>
        %max3A_167 = arith.maximumf %scan3A_92, %get3A_126 : vector<16xf32>
        %select_n3A_168 = arith.select %ne3A_155, %get3A_126, %max3A_167 : vector<16xf32>
        %max3A_169 = arith.maximumf %scan3A_93, %get3A_133 : vector<16xf32>
        %select_n3A_170 = arith.select %ne3A_155, %get3A_133, %max3A_169 : vector<16xf32>
        %max3A_171 = arith.maximumf %scan3A_94, %get3A_140 : vector<16xf32>
        %select_n3A_172 = arith.select %ne3A_155, %get3A_140, %max3A_171 : vector<16xf32>
        %max3A_173 = arith.maximumf %scan3A_95, %get3A_147 : vector<16xf32>
        %select_n3A_174 = arith.select %ne3A_155, %get3A_147, %max3A_173 : vector<16xf32>
        %max3A_175 = arith.maximumf %scan3A_96, %get3A_154 : vector<16xf32>
        %select_n3A_176 = arith.select %ne3A_155, %get3A_154, %max3A_175 : vector<16xf32>
        scf.yield %squeeze3A, %select_n3A_162, %select_n3A_164, %select_n3A_166, %select_n3A_168, %select_n3A_170, %select_n3A_172, %select_n3A_174, %select_n3A_176 : i32, vector<16xf32>, vector<16xf32>, vector<16xf32>, vector<16xf32>, vector<16xf32>, vector<16xf32>, vector<16xf32>, vector<16xf32>
      }
      %scan3A_86 = arith.constant 80 : i32
      scf.yield %scan3A_85#0, %scan3A_85#1, %scan3A_85#2, %scan3A_85#3, %scan3A_85#4, %scan3A_85#5, %scan3A_85#6, %scan3A_85#7, %scan3A_85#8 : i32, vector<16xf32>, vector<16xf32>, vector<16xf32>, vector<16xf32>, vector<16xf32>, vector<16xf32>, vector<16xf32>, vector<16xf32>
    }
    %while3A_58 = arith.constant 1 : i32
    %while3A_59:9 = scf.for %while3A_66 = %while3A_55 to %while3A_51 step %while3A_58 iter_args(%while3A_67 = %while3A_57#0, %while3A_68 = %while3A_57#1, %while3A_69 = %while3A_57#2, %while3A_70 = %while3A_57#3, %while3A_71 = %while3A_57#4, %while3A_72 = %while3A_57#5, %while3A_73 = %while3A_57#6, %while3A_74 = %while3A_57#7, %while3A_75 = %while3A_57#8) -> (i32, vector<16xf32>, vector<16xf32>, vector<16xf32>, vector<16xf32>, vector<16xf32>, vector<16xf32>, vector<16xf32>, vector<16xf32>)  : i32 {
      %mul3A_76 = arith.constant 80 : i32
      %mul3A_77 = arith.muli %while3A_66, %mul3A_76 : i32
      %add3A_78 = arith.addi %mul3A_2, %mul3A_77 : i32
      "tpu.region"() ({
        %run_scoped3A = tpu.sem_alloc : memref<!tpu.dma_semaphore, #tpu.memory_space<semaphore_mem>>
        %dma_start3A = arith.constant 0 : i32
        %dma_start3A_87 = tpu.memref_slice %arg6[%dma_start3A] : memref<96xi32, #tpu.memory_space<vmem>> -> memref<80xi32, #tpu.memory_space<vmem>>
        %dma_start3A_88 = tpu.memref_slice %arg3[%add3A_78] : memref<10000xi32, #tpu.memory_space<hbm>> -> memref<80xi32, #tpu.memory_space<hbm>>
        %dma_start3A_89 = arith.constant 0 : i32
        %dma_start3A_90 = tpu.memref_slice %arg6[%dma_start3A_89] : memref<96xi32, #tpu.memory_space<vmem>> -> memref<80xi32, #tpu.memory_space<vmem>>
        %dma_start3A_91 = tpu.memref_slice %arg3[%add3A_78] : memref<10000xi32, #tpu.memory_space<hbm>> -> memref<80xi32, #tpu.memory_space<hbm>>
        tpu.enqueue_dma source(%dma_start3A_91 : memref<80xi32, #tpu.memory_space<hbm>>) target(%dma_start3A_90 : memref<80xi32, #tpu.memory_space<vmem>>) target_semaphore(%run_scoped3A : memref<!tpu.dma_semaphore, #tpu.memory_space<semaphore_mem>>)
        %dma_wait3A = arith.constant 0 : i32
        %dma_wait3A_92 = tpu.memref_slice %arg6[%dma_wait3A] : memref<96xi32, #tpu.memory_space<vmem>> -> memref<80xi32, #tpu.memory_space<vmem>>
        %dma_wait3A_93 = tpu.memref_slice %arg3[%add3A_78] : memref<10000xi32, #tpu.memory_space<hbm>> -> memref<80xi32, #tpu.memory_space<hbm>>
        %dma_wait3A_94 = arith.constant 0 : i32
        %dma_wait3A_95 = tpu.memref_slice %arg6[%dma_wait3A_94] : memref<96xi32, #tpu.memory_space<vmem>> -> memref<80xi32, #tpu.memory_space<vmem>>
        %dma_wait3A_96 = tpu.memref_slice %arg3[%add3A_78] : memref<10000xi32, #tpu.memory_space<hbm>> -> memref<80xi32, #tpu.memory_space<hbm>>
        tpu.wait_dma2 semaphore(%run_scoped3A : memref<!tpu.dma_semaphore, #tpu.memory_space<semaphore_mem>>) src(%dma_wait3A_96 : memref<80xi32, #tpu.memory_space<hbm>>) dst(%dma_wait3A_95 : memref<80xi32, #tpu.memory_space<vmem>>)
        tpu.yield
      }) : () -> ()
      %mul3A_79 = arith.constant 128 : i32
      %mul3A_80 = arith.muli %add3A_78, %mul3A_79 : i32
      "tpu.region"() ({
        %run_scoped3A = tpu.sem_alloc : memref<!tpu.dma_semaphore, #tpu.memory_space<semaphore_mem>>
        %dma_start3A = tpu.memref_slice %arg2[%mul3A_80] : memref<1280000xf32, #tpu.memory_space<hbm>> -> memref<10240xf32, #tpu.memory_space<hbm>>
        %dma_start3A_87 = tpu.memref_slice %arg2[%mul3A_80] : memref<1280000xf32, #tpu.memory_space<hbm>> -> memref<10240xf32, #tpu.memory_space<hbm>>
        tpu.enqueue_dma source(%dma_start3A_87 : memref<10240xf32, #tpu.memory_space<hbm>>) target(%arg5 : memref<10240xf32, #tpu.memory_space<vmem>>) target_semaphore(%run_scoped3A : memref<!tpu.dma_semaphore, #tpu.memory_space<semaphore_mem>>)
        %dma_wait3A = tpu.memref_slice %arg2[%mul3A_80] : memref<1280000xf32, #tpu.memory_space<hbm>> -> memref<10240xf32, #tpu.memory_space<hbm>>
        %dma_wait3A_88 = tpu.memref_slice %arg2[%mul3A_80] : memref<1280000xf32, #tpu.memory_space<hbm>> -> memref<10240xf32, #tpu.memory_space<hbm>>
        tpu.wait_dma2 semaphore(%run_scoped3A : memref<!tpu.dma_semaphore, #tpu.memory_space<semaphore_mem>>) src(%dma_wait3A_88 : memref<10240xf32, #tpu.memory_space<hbm>>) dst(%arg5 : memref<10240xf32, #tpu.memory_space<vmem>>)
        tpu.yield
      }) : () -> ()
      %scan3A_81 = arith.constant 0 : i32
      %scan3A_82 = arith.constant 80 : i32
      %scan3A_83 = arith.addi %scan3A_81, %scan3A_82 : i32
      %scan3A_84 = arith.constant 1 : i32
      %scan3A_85:9 = scf.for %scan3A_87 = %scan3A_81 to %scan3A_83 step %scan3A_84 iter_args(%scan3A_88 = %while3A_67, %scan3A_89 = %while3A_68, %scan3A_90 = %while3A_69, %scan3A_91 = %while3A_70, %scan3A_92 = %while3A_71, %scan3A_93 = %while3A_72, %scan3A_94 = %while3A_73, %scan3A_95 = %while3A_74, %scan3A_96 = %while3A_75) -> (i32, vector<16xf32>, vector<16xf32>, vector<16xf32>, vector<16xf32>, vector<16xf32>, vector<16xf32>, vector<16xf32>, vector<16xf32>)  : i32 {
        %get3A = arith.index_cast %scan3A_87 : i32 to index
        %get3A_97 = tpu.vector_load %arg6[%get3A] {strides = array<i32>} : memref<96xi32, #tpu.memory_space<vmem>>, vector<16xi32>,
        %get3A_98 = vector.shape_cast %get3A_97 : vector<16xi32> to vector<16xi32>
        %slice3A = vector.extract_strided_slice %get3A_98 {offsets = [0], sizes = [1], strides = [1]} : vector<16xi32> to vector<1xi32>
        %squeeze3A = vector.extract %slice3A[0] : i32 from vector<1xi32>
        %mul3A_99 = arith.constant 128 : i32
        %mul3A_100 = arith.muli %scan3A_87, %mul3A_99 : i32
        %add3A_101 = arith.constant 0 : i32
        %add3A_102 = arith.addi %mul3A_100, %add3A_101 : i32
        %get3A_103 = arith.index_cast %add3A_102 : i32 to index
        %get3A_104 = tpu.vector_load %arg5[%get3A_103] {strides = array<i32>} : memref<10240xf32, #tpu.memory_space<vmem>>, vector<16xf32>,
        %get3A_105 = vector.shape_cast %get3A_104 : vector<16xf32> to vector<16xf32>
        %mul3A_106 = arith.constant 128 : i32
        %mul3A_107 = arith.muli %scan3A_87, %mul3A_106 : i32
        %add3A_108 = arith.constant 16 : i32
        %add3A_109 = arith.addi %mul3A_107, %add3A_108 : i32
        %get3A_110 = arith.index_cast %add3A_109 : i32 to index
        %get3A_111 = tpu.vector_load %arg5[%get3A_110] {strides = array<i32>} : memref<10240xf32, #tpu.memory_space<vmem>>, vector<16xf32>,
        %get3A_112 = vector.shape_cast %get3A_111 : vector<16xf32> to vector<16xf32>
        %mul3A_113 = arith.constant 128 : i32
        %mul3A_114 = arith.muli %scan3A_87, %mul3A_113 : i32
        %add3A_115 = arith.constant 32 : i32
        %add3A_116 = arith.addi %mul3A_114, %add3A_115 : i32
        %get3A_117 = arith.index_cast %add3A_116 : i32 to index
        %get3A_118 = tpu.vector_load %arg5[%get3A_117] {strides = array<i32>} : memref<10240xf32, #tpu.memory_space<vmem>>, vector<16xf32>,
        %get3A_119 = vector.shape_cast %get3A_118 : vector<16xf32> to vector<16xf32>
        %mul3A_120 = arith.constant 128 : i32
        %mul3A_121 = arith.muli %scan3A_87, %mul3A_120 : i32
        %add3A_122 = arith.constant 48 : i32
        %add3A_123 = arith.addi %mul3A_121, %add3A_122 : i32
        %get3A_124 = arith.index_cast %add3A_123 : i32 to index
        %get3A_125 = tpu.vector_load %arg5[%get3A_124] {strides = array<i32>} : memref<10240xf32, #tpu.memory_space<vmem>>, vector<16xf32>,
        %get3A_126 = vector.shape_cast %get3A_125 : vector<16xf32> to vector<16xf32>
        %mul3A_127 = arith.constant 128 : i32
        %mul3A_128 = arith.muli %scan3A_87, %mul3A_127 : i32
        %add3A_129 = arith.constant 64 : i32
        %add3A_130 = arith.addi %mul3A_128, %add3A_129 : i32
        %get3A_131 = arith.index_cast %add3A_130 : i32 to index
        %get3A_132 = tpu.vector_load %arg5[%get3A_131] {strides = array<i32>} : memref<10240xf32, #tpu.memory_space<vmem>>, vector<16xf32>,
        %get3A_133 = vector.shape_cast %get3A_132 : vector<16xf32> to vector<16xf32>
        %mul3A_134 = arith.constant 128 : i32
        %mul3A_135 = arith.muli %scan3A_87, %mul3A_134 : i32
        %add3A_136 = arith.constant 80 : i32
        %add3A_137 = arith.addi %mul3A_135, %add3A_136 : i32
        %get3A_138 = arith.index_cast %add3A_137 : i32 to index
        %get3A_139 = tpu.vector_load %arg5[%get3A_138] {strides = array<i32>} : memref<10240xf32, #tpu.memory_space<vmem>>, vector<16xf32>,
        %get3A_140 = vector.shape_cast %get3A_139 : vector<16xf32> to vector<16xf32>
        %mul3A_141 = arith.constant 128 : i32
        %mul3A_142 = arith.muli %scan3A_87, %mul3A_141 : i32
        %add3A_143 = arith.constant 96 : i32
        %add3A_144 = arith.addi %mul3A_142, %add3A_143 : i32
        %get3A_145 = arith.index_cast %add3A_144 : i32 to index
        %get3A_146 = tpu.vector_load %arg5[%get3A_145] {strides = array<i32>} : memref<10240xf32, #tpu.memory_space<vmem>>, vector<16xf32>,
        %get3A_147 = vector.shape_cast %get3A_146 : vector<16xf32> to vector<16xf32>
        %mul3A_148 = arith.constant 128 : i32
        %mul3A_149 = arith.muli %scan3A_87, %mul3A_148 : i32
        %add3A_150 = arith.constant 112 : i32
        %add3A_151 = arith.addi %mul3A_149, %add3A_150 : i32
        %get3A_152 = arith.index_cast %add3A_151 : i32 to index
        %get3A_153 = tpu.vector_load %arg5[%get3A_152] {strides = array<i32>} : memref<10240xf32, #tpu.memory_space<vmem>>, vector<16xf32>,
        %get3A_154 = vector.shape_cast %get3A_153 : vector<16xf32> to vector<16xf32>
        %ne3A_155 = arith.cmpi ne, %squeeze3A, %scan3A_88 : i32
        %ge3A_156 = arith.constant 0 : i32
        %ge3A_157 = arith.cmpi sge, %scan3A_88, %ge3A_156 : i32
        %and3A_158 = arith.andi %ne3A_155, %ge3A_157 : i1
        %convert_element_type3A_159 = arith.extui %and3A_158 : i1 to i32
        %cond3A_160 = arith.constant 0 : i32
        %cond3A_161 = arith.cmpi ne, %convert_element_type3A_159, %cond3A_160 : i32
        scf.if %cond3A_161 {
          %mul3A_177 = arith.constant 128 : i32
          %mul3A_178 = arith.muli %scan3A_88, %mul3A_177 : i32
          %add3A_179 = arith.constant 0 : i32
          %add3A_180 = arith.addi %mul3A_178, %add3A_179 : i32
          %swap3A = arith.index_cast %add3A_180 : i32 to index
          %swap3A_181 = tpu.vector_load %arg7[%swap3A] {strides = array<i32>} : memref<8192xf32, #tpu.memory_space<vmem>>, vector<16xf32>,
          %swap3A_182 = vector.shape_cast %swap3A_181 : vector<16xf32> to vector<16xf32>
          %swap3A_183 = vector.shape_cast %scan3A_89 : vector<16xf32> to vector<16xf32>
          tpu.vector_store %arg7[%swap3A], %swap3A_183 {strides = array<i32>} : memref<8192xf32, #tpu.memory_space<vmem>>, vector<16xf32>,
          %mul3A_184 = arith.constant 128 : i32
          %mul3A_185 = arith.muli %scan3A_88, %mul3A_184 : i32
          %add3A_186 = arith.constant 16 : i32
          %add3A_187 = arith.addi %mul3A_185, %add3A_186 : i32
          %swap3A_188 = arith.index_cast %add3A_187 : i32 to index
          %swap3A_189 = tpu.vector_load %arg7[%swap3A_188] {strides = array<i32>} : memref<8192xf32, #tpu.memory_space<vmem>>, vector<16xf32>,
          %swap3A_190 = vector.shape_cast %swap3A_189 : vector<16xf32> to vector<16xf32>
          %swap3A_191 = vector.shape_cast %scan3A_90 : vector<16xf32> to vector<16xf32>
          tpu.vector_store %arg7[%swap3A_188], %swap3A_191 {strides = array<i32>} : memref<8192xf32, #tpu.memory_space<vmem>>, vector<16xf32>,
          %mul3A_192 = arith.constant 128 : i32
          %mul3A_193 = arith.muli %scan3A_88, %mul3A_192 : i32
          %add3A_194 = arith.constant 32 : i32
          %add3A_195 = arith.addi %mul3A_193, %add3A_194 : i32
          %swap3A_196 = arith.index_cast %add3A_195 : i32 to index
          %swap3A_197 = tpu.vector_load %arg7[%swap3A_196] {strides = array<i32>} : memref<8192xf32, #tpu.memory_space<vmem>>, vector<16xf32>,
          %swap3A_198 = vector.shape_cast %swap3A_197 : vector<16xf32> to vector<16xf32>
          %swap3A_199 = vector.shape_cast %scan3A_91 : vector<16xf32> to vector<16xf32>
          tpu.vector_store %arg7[%swap3A_196], %swap3A_199 {strides = array<i32>} : memref<8192xf32, #tpu.memory_space<vmem>>, vector<16xf32>,
          %mul3A_200 = arith.constant 128 : i32
          %mul3A_201 = arith.muli %scan3A_88, %mul3A_200 : i32
          %add3A_202 = arith.constant 48 : i32
          %add3A_203 = arith.addi %mul3A_201, %add3A_202 : i32
          %swap3A_204 = arith.index_cast %add3A_203 : i32 to index
          %swap3A_205 = tpu.vector_load %arg7[%swap3A_204] {strides = array<i32>} : memref<8192xf32, #tpu.memory_space<vmem>>, vector<16xf32>,
          %swap3A_206 = vector.shape_cast %swap3A_205 : vector<16xf32> to vector<16xf32>
          %swap3A_207 = vector.shape_cast %scan3A_92 : vector<16xf32> to vector<16xf32>
          tpu.vector_store %arg7[%swap3A_204], %swap3A_207 {strides = array<i32>} : memref<8192xf32, #tpu.memory_space<vmem>>, vector<16xf32>,
          %mul3A_208 = arith.constant 128 : i32
          %mul3A_209 = arith.muli %scan3A_88, %mul3A_208 : i32
          %add3A_210 = arith.constant 64 : i32
          %add3A_211 = arith.addi %mul3A_209, %add3A_210 : i32
          %swap3A_212 = arith.index_cast %add3A_211 : i32 to index
          %swap3A_213 = tpu.vector_load %arg7[%swap3A_212] {strides = array<i32>} : memref<8192xf32, #tpu.memory_space<vmem>>, vector<16xf32>,
          %swap3A_214 = vector.shape_cast %swap3A_213 : vector<16xf32> to vector<16xf32>
          %swap3A_215 = vector.shape_cast %scan3A_93 : vector<16xf32> to vector<16xf32>
          tpu.vector_store %arg7[%swap3A_212], %swap3A_215 {strides = array<i32>} : memref<8192xf32, #tpu.memory_space<vmem>>, vector<16xf32>,
          %mul3A_216 = arith.constant 128 : i32
          %mul3A_217 = arith.muli %scan3A_88, %mul3A_216 : i32
          %add3A_218 = arith.constant 80 : i32
          %add3A_219 = arith.addi %mul3A_217, %add3A_218 : i32
          %swap3A_220 = arith.index_cast %add3A_219 : i32 to index
          %swap3A_221 = tpu.vector_load %arg7[%swap3A_220] {strides = array<i32>} : memref<8192xf32, #tpu.memory_space<vmem>>, vector<16xf32>,
          %swap3A_222 = vector.shape_cast %swap3A_221 : vector<16xf32> to vector<16xf32>
          %swap3A_223 = vector.shape_cast %scan3A_94 : vector<16xf32> to vector<16xf32>
          tpu.vector_store %arg7[%swap3A_220], %swap3A_223 {strides = array<i32>} : memref<8192xf32, #tpu.memory_space<vmem>>, vector<16xf32>,
          %mul3A_224 = arith.constant 128 : i32
          %mul3A_225 = arith.muli %scan3A_88, %mul3A_224 : i32
          %add3A_226 = arith.constant 96 : i32
          %add3A_227 = arith.addi %mul3A_225, %add3A_226 : i32
          %swap3A_228 = arith.index_cast %add3A_227 : i32 to index
          %swap3A_229 = tpu.vector_load %arg7[%swap3A_228] {strides = array<i32>} : memref<8192xf32, #tpu.memory_space<vmem>>, vector<16xf32>,
          %swap3A_230 = vector.shape_cast %swap3A_229 : vector<16xf32> to vector<16xf32>
          %swap3A_231 = vector.shape_cast %scan3A_95 : vector<16xf32> to vector<16xf32>
          tpu.vector_store %arg7[%swap3A_228], %swap3A_231 {strides = array<i32>} : memref<8192xf32, #tpu.memory_space<vmem>>, vector<16xf32>,
          %mul3A_232 = arith.constant 128 : i32
          %mul3A_233 = arith.muli %scan3A_88, %mul3A_232 : i32
          %add3A_234 = arith.constant 112 : i32
          %add3A_235 = arith.addi %mul3A_233, %add3A_234 : i32
          %swap3A_236 = arith.index_cast %add3A_235 : i32 to index
          %swap3A_237 = tpu.vector_load %arg7[%swap3A_236] {strides = array<i32>} : memref<8192xf32, #tpu.memory_space<vmem>>, vector<16xf32>,
          %swap3A_238 = vector.shape_cast %swap3A_237 : vector<16xf32> to vector<16xf32>
          %swap3A_239 = vector.shape_cast %scan3A_96 : vector<16xf32> to vector<16xf32>
          tpu.vector_store %arg7[%swap3A_236], %swap3A_239 {strides = array<i32>} : memref<8192xf32, #tpu.memory_space<vmem>>, vector<16xf32>,
        } else {
        }
        %max3A = arith.maximumf %scan3A_89, %get3A_105 : vector<16xf32>
        %select_n3A_162 = arith.select %ne3A_155, %get3A_105, %max3A : vector<16xf32>
        %max3A_163 = arith.maximumf %scan3A_90, %get3A_112 : vector<16xf32>
        %select_n3A_164 = arith.select %ne3A_155, %get3A_112, %max3A_163 : vector<16xf32>
        %max3A_165 = arith.maximumf %scan3A_91, %get3A_119 : vector<16xf32>
        %select_n3A_166 = arith.select %ne3A_155, %get3A_119, %max3A_165 : vector<16xf32>
        %max3A_167 = arith.maximumf %scan3A_92, %get3A_126 : vector<16xf32>
        %select_n3A_168 = arith.select %ne3A_155, %get3A_126, %max3A_167 : vector<16xf32>
        %max3A_169 = arith.maximumf %scan3A_93, %get3A_133 : vector<16xf32>
        %select_n3A_170 = arith.select %ne3A_155, %get3A_133, %max3A_169 : vector<16xf32>
        %max3A_171 = arith.maximumf %scan3A_94, %get3A_140 : vector<16xf32>
        %select_n3A_172 = arith.select %ne3A_155, %get3A_140, %max3A_171 : vector<16xf32>
        %max3A_173 = arith.maximumf %scan3A_95, %get3A_147 : vector<16xf32>
        %select_n3A_174 = arith.select %ne3A_155, %get3A_147, %max3A_173 : vector<16xf32>
        %max3A_175 = arith.maximumf %scan3A_96, %get3A_154 : vector<16xf32>
        %select_n3A_176 = arith.select %ne3A_155, %get3A_154, %max3A_175 : vector<16xf32>
        scf.yield %squeeze3A, %select_n3A_162, %select_n3A_164, %select_n3A_166, %select_n3A_168, %select_n3A_170, %select_n3A_172, %select_n3A_174, %select_n3A_176 : i32, vector<16xf32>, vector<16xf32>, vector<16xf32>, vector<16xf32>, vector<16xf32>, vector<16xf32>, vector<16xf32>, vector<16xf32>
      }
      %scan3A_86 = arith.constant 80 : i32
      scf.yield %scan3A_85#0, %scan3A_85#1, %scan3A_85#2, %scan3A_85#3, %scan3A_85#4, %scan3A_85#5, %scan3A_85#6, %scan3A_85#7, %scan3A_85#8 : i32, vector<16xf32>, vector<16xf32>, vector<16xf32>, vector<16xf32>, vector<16xf32>, vector<16xf32>, vector<16xf32>, vector<16xf32>
    }
    %ge3A = arith.constant 0 : i32
    %ge3A_60 = arith.cmpi sge, %while3A_59#0, %ge3A : i32
    %convert_element_type3A = arith.extui %ge3A_60 : i1 to i32
    %cond3A = arith.constant 0 : i32
    %cond3A_61 = arith.cmpi ne, %convert_element_type3A, %cond3A : i32
    scf.if %cond3A_61 {
      %mul3A_66 = arith.constant 128 : i32
      %mul3A_67 = arith.muli %while3A_59#0, %mul3A_66 : i32
      %add3A_68 = arith.constant 0 : i32
      %add3A_69 = arith.addi %mul3A_67, %add3A_68 : i32
      %swap3A = arith.index_cast %add3A_69 : i32 to index
      %swap3A_70 = tpu.vector_load %arg7[%swap3A] {strides = array<i32>} : memref<8192xf32, #tpu.memory_space<vmem>>, vector<16xf32>,
      %swap3A_71 = vector.shape_cast %swap3A_70 : vector<16xf32> to vector<16xf32>
      %swap3A_72 = vector.shape_cast %while3A_59#1 : vector<16xf32> to vector<16xf32>
      tpu.vector_store %arg7[%swap3A], %swap3A_72 {strides = array<i32>} : memref<8192xf32, #tpu.memory_space<vmem>>, vector<16xf32>,
      %mul3A_73 = arith.constant 128 : i32
      %mul3A_74 = arith.muli %while3A_59#0, %mul3A_73 : i32
      %add3A_75 = arith.constant 16 : i32
      %add3A_76 = arith.addi %mul3A_74, %add3A_75 : i32
      %swap3A_77 = arith.index_cast %add3A_76 : i32 to index
      %swap3A_78 = tpu.vector_load %arg7[%swap3A_77] {strides = array<i32>} : memref<8192xf32, #tpu.memory_space<vmem>>, vector<16xf32>,
      %swap3A_79 = vector.shape_cast %swap3A_78 : vector<16xf32> to vector<16xf32>
      %swap3A_80 = vector.shape_cast %while3A_59#2 : vector<16xf32> to vector<16xf32>
      tpu.vector_store %arg7[%swap3A_77], %swap3A_80 {strides = array<i32>} : memref<8192xf32, #tpu.memory_space<vmem>>, vector<16xf32>,
      %mul3A_81 = arith.constant 128 : i32
      %mul3A_82 = arith.muli %while3A_59#0, %mul3A_81 : i32
      %add3A_83 = arith.constant 32 : i32
      %add3A_84 = arith.addi %mul3A_82, %add3A_83 : i32
      %swap3A_85 = arith.index_cast %add3A_84 : i32 to index
      %swap3A_86 = tpu.vector_load %arg7[%swap3A_85] {strides = array<i32>} : memref<8192xf32, #tpu.memory_space<vmem>>, vector<16xf32>,
      %swap3A_87 = vector.shape_cast %swap3A_86 : vector<16xf32> to vector<16xf32>
      %swap3A_88 = vector.shape_cast %while3A_59#3 : vector<16xf32> to vector<16xf32>
      tpu.vector_store %arg7[%swap3A_85], %swap3A_88 {strides = array<i32>} : memref<8192xf32, #tpu.memory_space<vmem>>, vector<16xf32>,
      %mul3A_89 = arith.constant 128 : i32
      %mul3A_90 = arith.muli %while3A_59#0, %mul3A_89 : i32
      %add3A_91 = arith.constant 48 : i32
      %add3A_92 = arith.addi %mul3A_90, %add3A_91 : i32
      %swap3A_93 = arith.index_cast %add3A_92 : i32 to index
      %swap3A_94 = tpu.vector_load %arg7[%swap3A_93] {strides = array<i32>} : memref<8192xf32, #tpu.memory_space<vmem>>, vector<16xf32>,
      %swap3A_95 = vector.shape_cast %swap3A_94 : vector<16xf32> to vector<16xf32>
      %swap3A_96 = vector.shape_cast %while3A_59#4 : vector<16xf32> to vector<16xf32>
      tpu.vector_store %arg7[%swap3A_93], %swap3A_96 {strides = array<i32>} : memref<8192xf32, #tpu.memory_space<vmem>>, vector<16xf32>,
      %mul3A_97 = arith.constant 128 : i32
      %mul3A_98 = arith.muli %while3A_59#0, %mul3A_97 : i32
      %add3A_99 = arith.constant 64 : i32
      %add3A_100 = arith.addi %mul3A_98, %add3A_99 : i32
      %swap3A_101 = arith.index_cast %add3A_100 : i32 to index
      %swap3A_102 = tpu.vector_load %arg7[%swap3A_101] {strides = array<i32>} : memref<8192xf32, #tpu.memory_space<vmem>>, vector<16xf32>,
      %swap3A_103 = vector.shape_cast %swap3A_102 : vector<16xf32> to vector<16xf32>
      %swap3A_104 = vector.shape_cast %while3A_59#5 : vector<16xf32> to vector<16xf32>
      tpu.vector_store %arg7[%swap3A_101], %swap3A_104 {strides = array<i32>} : memref<8192xf32, #tpu.memory_space<vmem>>, vector<16xf32>,
      %mul3A_105 = arith.constant 128 : i32
      %mul3A_106 = arith.muli %while3A_59#0, %mul3A_105 : i32
      %add3A_107 = arith.constant 80 : i32
      %add3A_108 = arith.addi %mul3A_106, %add3A_107 : i32
      %swap3A_109 = arith.index_cast %add3A_108 : i32 to index
      %swap3A_110 = tpu.vector_load %arg7[%swap3A_109] {strides = array<i32>} : memref<8192xf32, #tpu.memory_space<vmem>>, vector<16xf32>,
      %swap3A_111 = vector.shape_cast %swap3A_110 : vector<16xf32> to vector<16xf32>
      %swap3A_112 = vector.shape_cast %while3A_59#6 : vector<16xf32> to vector<16xf32>
      tpu.vector_store %arg7[%swap3A_109], %swap3A_112 {strides = array<i32>} : memref<8192xf32, #tpu.memory_space<vmem>>, vector<16xf32>,
      %mul3A_113 = arith.constant 128 : i32
      %mul3A_114 = arith.muli %while3A_59#0, %mul3A_113 : i32
      %add3A_115 = arith.constant 96 : i32
      %add3A_116 = arith.addi %mul3A_114, %add3A_115 : i32
      %swap3A_117 = arith.index_cast %add3A_116 : i32 to index
      %swap3A_118 = tpu.vector_load %arg7[%swap3A_117] {strides = array<i32>} : memref<8192xf32, #tpu.memory_space<vmem>>, vector<16xf32>,
      %swap3A_119 = vector.shape_cast %swap3A_118 : vector<16xf32> to vector<16xf32>
      %swap3A_120 = vector.shape_cast %while3A_59#7 : vector<16xf32> to vector<16xf32>
      tpu.vector_store %arg7[%swap3A_117], %swap3A_120 {strides = array<i32>} : memref<8192xf32, #tpu.memory_space<vmem>>, vector<16xf32>,
      %mul3A_121 = arith.constant 128 : i32
      %mul3A_122 = arith.muli %while3A_59#0, %mul3A_121 : i32
      %add3A_123 = arith.constant 112 : i32
      %add3A_124 = arith.addi %mul3A_122, %add3A_123 : i32
      %swap3A_125 = arith.index_cast %add3A_124 : i32 to index
      %swap3A_126 = tpu.vector_load %arg7[%swap3A_125] {strides = array<i32>} : memref<8192xf32, #tpu.memory_space<vmem>>, vector<16xf32>,
      %swap3A_127 = vector.shape_cast %swap3A_126 : vector<16xf32> to vector<16xf32>
      %swap3A_128 = vector.shape_cast %while3A_59#8 : vector<16xf32> to vector<16xf32>
      tpu.vector_store %arg7[%swap3A_125], %swap3A_128 {strides = array<i32>} : memref<8192xf32, #tpu.memory_space<vmem>>, vector<16xf32>,
    } else {
    }
    %mul3A_62 = arith.constant 64 : i32
    %mul3A_63 = arith.muli %add3A, %mul3A_62 : i32
    %mul3A_64 = arith.constant 128 : i32
    %mul3A_65 = arith.muli %mul3A_63, %mul3A_64 : i32
    "tpu.region"() ({
      %run_scoped3A = tpu.sem_alloc : memref<!tpu.dma_semaphore, #tpu.memory_space<semaphore_mem>>
      %dma_start3A = tpu.memref_slice %arg4[%mul3A_65] : memref<262144xf32, #tpu.memory_space<hbm>> -> memref<8192xf32, #tpu.memory_space<hbm>>
      %dma_start3A_66 = tpu.memref_slice %arg4[%mul3A_65] : memref<262144xf32, #tpu.memory_space<hbm>> -> memref<8192xf32, #tpu.memory_space<hbm>>
      tpu.enqueue_dma source(%arg7 : memref<8192xf32, #tpu.memory_space<vmem>>) target(%dma_start3A_66 : memref<8192xf32, #tpu.memory_space<hbm>>) target_semaphore(%run_scoped3A : memref<!tpu.dma_semaphore, #tpu.memory_space<semaphore_mem>>)
      %dma_wait3A = tpu.memref_slice %arg4[%mul3A_65] : memref<262144xf32, #tpu.memory_space<hbm>> -> memref<8192xf32, #tpu.memory_space<hbm>>
      %dma_wait3A_67 = tpu.memref_slice %arg4[%mul3A_65] : memref<262144xf32, #tpu.memory_space<hbm>> -> memref<8192xf32, #tpu.memory_space<hbm>>
      tpu.wait_dma2 semaphore(%run_scoped3A : memref<!tpu.dma_semaphore, #tpu.memory_space<semaphore_mem>>) src(%arg7 : memref<8192xf32, #tpu.memory_space<vmem>>) dst(%dma_wait3A_67 : memref<8192xf32, #tpu.memory_space<hbm>>)
      tpu.yield
    }) : () -> ()
    return
  }
}

module attributes {stable_mosaic.version = 14 : i64} {
  func.func @_mm1_body(%arg0: i32, %arg1: memref<1000x128xf32, #tpu.memory_space<vmem>>, %arg2: memref<128x128xf32, #tpu.memory_space<vmem>>, %arg3: memref<1000x128xf32, #tpu.memory_space<vmem>>, %arg4: memref<2x1000x64xf32, #tpu.memory_space<vmem>>) attributes {dimension_semantics = [#tpu.dimension_semantics<arbitrary>], iteration_bounds = array<i64: 10>, scalar_prefetch = 0 : i64, scratch_operands = 0 : i64, tpu.core_type = #tpu.core_type<tc>, window_params = [{transform_indices = @transform_0, window_bounds = array<i64: 1000, 128>}, {pipeline_mode = #tpu.pipeline_mode<synchronous>, transform_indices = @transform_1, window_bounds = array<i64: 128, 128>}, {transform_indices = @transform_2, window_bounds = array<i64: 1000, 128>}, {transform_indices = @transform_3, window_bounds = array<i64: 2, 1000, 64>}]} {
    %get3A = arith.constant 0 : index
    %get3A_0 = arith.constant 0 : index
    %get3A_1 = vector.load %arg1[%get3A, %get3A_0] : memref<1000x128xf32, #tpu.memory_space<vmem>>, vector<1000x128xf32>
    %get3A_2 = arith.constant 0 : index
    %get3A_3 = arith.constant 0 : index
    %get3A_4 = vector.load %arg2[%get3A_2, %get3A_3] : memref<128x128xf32, #tpu.memory_space<vmem>>, vector<128x128xf32>
    %dot_general3A = arith.constant dense<0.000000e+00> : vector<1000x128xf32>
    %dot_general3A_5 = tpu.matmul %get3A_1, %get3A_4, %dot_general3A {dimension_numbers = #tpu.dot_dimension_numbers<[1], [0], [0], [1], [0, 0, 1, 1], [], []>, transpose_lhs_hint = false} : vector<1000x128xf32>, vector<128x128xf32>, vector<1000x128xf32> -> vector<1000x128xf32>
    %get3A_6 = arith.constant 0 : index
    %get3A_7 = arith.constant 0 : index
    %get3A_8 = vector.load %arg3[%get3A_6, %get3A_7] : memref<1000x128xf32, #tpu.memory_space<vmem>>, vector<1000x128xf32>
    %mul3A = arith.mulf %dot_general3A_5, %get3A_8 : vector<1000x128xf32>
    %slice3A = vector.extract_strided_slice %mul3A {offsets = [0, 0], sizes = [1000, 64], strides = [1, 1]} : vector<1000x128xf32> to vector<1000x64xf32>
    %swap3A = arith.constant 0 : index
    %swap3A_9 = arith.constant 0 : index
    %swap3A_10 = arith.constant 0 : index
    %swap3A_11 = vector.load %arg4[%swap3A, %swap3A_9, %swap3A_10] : memref<2x1000x64xf32, #tpu.memory_space<vmem>>, vector<1x1000x64xf32>
    %swap3A_12 = vector.shape_cast %swap3A_11 : vector<1x1000x64xf32> to vector<1000x64xf32>
    %swap3A_13 = vector.shape_cast %slice3A : vector<1000x64xf32> to vector<1x1000x64xf32>
    tpu.vector_store %arg4[%swap3A, %swap3A_9, %swap3A_10], %swap3A_13 {strides = array<i32>} : memref<2x1000x64xf32, #tpu.memory_space<vmem>>, vector<1x1000x64xf32>,
    %slice3A_14 = vector.extract_strided_slice %mul3A {offsets = [0, 64], sizes = [1000, 64], strides = [1, 1]} : vector<1000x128xf32> to vector<1000x64xf32>
    %swap3A_15 = arith.constant 1 : index
    %swap3A_16 = arith.constant 0 : index
    %swap3A_17 = arith.constant 0 : index
    %swap3A_18 = vector.load %arg4[%swap3A_15, %swap3A_16, %swap3A_17] : memref<2x1000x64xf32, #tpu.memory_space<vmem>>, vector<1x1000x64xf32>
    %swap3A_19 = vector.shape_cast %swap3A_18 : vector<1x1000x64xf32> to vector<1000x64xf32>
    %swap3A_20 = vector.shape_cast %slice3A_14 : vector<1000x64xf32> to vector<1x1000x64xf32>
    tpu.vector_store %arg4[%swap3A_15, %swap3A_16, %swap3A_17], %swap3A_20 {strides = array<i32>} : memref<2x1000x64xf32, #tpu.memory_space<vmem>>, vector<1x1000x64xf32>,
    return
  }
  func.func @transform_0(%arg0: i32) -> (i32, i32) {
    %c0_i32 = arith.constant 0 : i32
    %c0_i32_0 = arith.constant 0 : i32
    return %arg0, %c0_i32 : i32, i32
  }
  func.func @transform_1(%arg0: i32) -> (i32, i32) {
    %c0_i32 = arith.constant 0 : i32
    %c0_i32_0 = arith.constant 0 : i32
    %c0_i32_1 = arith.constant 0 : i32
    return %c0_i32, %c0_i32_0 : i32, i32
  }
  func.func @transform_2(%arg0: i32) -> (i32, i32) {
    %c0_i32 = arith.constant 0 : i32
    %c0_i32_0 = arith.constant 0 : i32
    return %arg0, %c0_i32 : i32, i32
  }
  func.func @transform_3(%arg0: i32) -> (i32, i32, i32) {
    %c0_i32 = arith.constant 0 : i32
    %c0_i32_0 = arith.constant 0 : i32
    %c0_i32_1 = arith.constant 0 : i32
    return %c0_i32, %arg0, %c0_i32_0 : i32, i32, i32
  }
}

module attributes {stable_mosaic.version = 14 : i64} {
  func.func @_jk_body(%arg0: i32, %arg1: memref<2x1000x64xf32, #tpu.memory_space<vmem>>, %arg2: memref<2x1000x64xf32, #tpu.memory_space<vmem>>, %arg3: memref<1000x128xf32, #tpu.memory_space<vmem>>, %arg4: memref<1x128xf32, #tpu.memory_space<vmem>>, %arg5: memref<1000x128xf32, #tpu.memory_space<vmem>>, %arg6: memref<1000x128xf32, #tpu.memory_space<vmem>>, %arg7: memref<1000x128xf32, #tpu.memory_space<vmem>>) attributes {dimension_semantics = [#tpu.dimension_semantics<arbitrary>], iteration_bounds = array<i64: 10>, scalar_prefetch = 0 : i64, scratch_operands = 0 : i64, tpu.core_type = #tpu.core_type<tc>, window_params = [{transform_indices = @transform_0, window_bounds = array<i64: 2, 1000, 64>}, {transform_indices = @transform_1, window_bounds = array<i64: 2, 1000, 64>}, {transform_indices = @transform_2, window_bounds = array<i64: 1000, 128>}, {pipeline_mode = #tpu.pipeline_mode<synchronous>, transform_indices = @transform_3, window_bounds = array<i64: 1, 128>}, {transform_indices = @transform_4, window_bounds = array<i64: 1000, 128>}, {transform_indices = @transform_5, window_bounds = array<i64: 1000, 128>}, {transform_indices = @transform_6, window_bounds = array<i64: 1000, 128>}]} {
    %get3A = arith.constant 0 : index
    %get3A_0 = arith.constant 0 : index
    %get3A_1 = arith.constant 0 : index
    %get3A_2 = vector.load %arg1[%get3A, %get3A_0, %get3A_1] : memref<2x1000x64xf32, #tpu.memory_space<vmem>>, vector<1x1000x64xf32>
    %get3A_3 = vector.shape_cast %get3A_2 : vector<1x1000x64xf32> to vector<1000x64xf32>
    %get3A_4 = arith.constant 1 : index
    %get3A_5 = arith.constant 0 : index
    %get3A_6 = arith.constant 0 : index
    %get3A_7 = vector.load %arg1[%get3A_4, %get3A_5, %get3A_6] : memref<2x1000x64xf32, #tpu.memory_space<vmem>>, vector<1x1000x64xf32>
    %get3A_8 = vector.shape_cast %get3A_7 : vector<1x1000x64xf32> to vector<1000x64xf32>
    %concatenate3A = tpu.concatenate %get3A_3, %get3A_8 in 1 : vector<1000x64xf32>, vector<1000x64xf32> -> vector<1000x128xf32>
    %get3A_9 = arith.constant 0 : index
    %get3A_10 = arith.constant 0 : index
    %get3A_11 = arith.constant 0 : index
    %get3A_12 = vector.load %arg2[%get3A_9, %get3A_10, %get3A_11] : memref<2x1000x64xf32, #tpu.memory_space<vmem>>, vector<1x1000x64xf32>
    %get3A_13 = vector.shape_cast %get3A_12 : vector<1x1000x64xf32> to vector<1000x64xf32>
    %get3A_14 = arith.constant 1 : index
    %get3A_15 = arith.constant 0 : index
    %get3A_16 = arith.constant 0 : index
    %get3A_17 = vector.load %arg2[%get3A_14, %get3A_15, %get3A_16] : memref<2x1000x64xf32, #tpu.memory_space<vmem>>, vector<1x1000x64xf32>
    %get3A_18 = vector.shape_cast %get3A_17 : vector<1x1000x64xf32> to vector<1000x64xf32>
    %concatenate3A_19 = tpu.concatenate %get3A_13, %get3A_18 in 1 : vector<1000x64xf32>, vector<1000x64xf32> -> vector<1000x128xf32>
    %add3A = arith.addf %concatenate3A, %concatenate3A_19 : vector<1000x128xf32>
    %get3A_20 = arith.constant 0 : index
    %get3A_21 = arith.constant 0 : index
    %get3A_22 = vector.load %arg3[%get3A_20, %get3A_21] : memref<1000x128xf32, #tpu.memory_space<vmem>>, vector<1000x128xf32>
    %mul3A = arith.mulf %add3A, %get3A_22 : vector<1000x128xf32>
    %get3A_23 = arith.constant 0 : index
    %get3A_24 = arith.constant 0 : index
    %get3A_25 = vector.load %arg4[%get3A_23, %get3A_24] : memref<1x128xf32, #tpu.memory_space<vmem>>, vector<1x128xf32>
    %add3A_26 = vector.broadcast %get3A_25 : vector<1x128xf32> to vector<1000x128xf32>
    %add3A_27 = arith.addf %mul3A, %add3A_26 : vector<1000x128xf32>
    %max3A = arith.constant 0.000000e+00 : f32
    %max3A_28 = vector.broadcast %max3A : f32 to vector<1000x128xf32>
    %max3A_29 = arith.maximumf %add3A_27, %max3A_28 : vector<1000x128xf32>
    %get3A_30 = arith.constant 0 : index
    %get3A_31 = arith.constant 0 : index
    %get3A_32 = vector.load %arg5[%get3A_30, %get3A_31] : memref<1000x128xf32, #tpu.memory_space<vmem>>, vector<1000x128xf32>
    %get3A_33 = arith.constant 0 : index
    %get3A_34 = arith.constant 0 : index
    %get3A_35 = vector.load %arg6[%get3A_33, %get3A_34] : memref<1000x128xf32, #tpu.memory_space<vmem>>, vector<1000x128xf32>
    %max3A_36 = arith.maximumf %get3A_32, %get3A_35 : vector<1000x128xf32>
    %max3A_37 = arith.maximumf %max3A_36, %max3A_29 : vector<1000x128xf32>
    %swap3A = arith.constant 0 : index
    %swap3A_38 = arith.constant 0 : index
    %swap3A_39 = vector.load %arg7[%swap3A, %swap3A_38] : memref<1000x128xf32, #tpu.memory_space<vmem>>, vector<1000x128xf32>
    tpu.vector_store %arg7[%swap3A, %swap3A_38], %max3A_37 {strides = array<i32>} : memref<1000x128xf32, #tpu.memory_space<vmem>>, vector<1000x128xf32>,
    return
  }
  func.func @transform_0(%arg0: i32) -> (i32, i32, i32) {
    %c0_i32 = arith.constant 0 : i32
    %c0_i32_0 = arith.constant 0 : i32
    %c0_i32_1 = arith.constant 0 : i32
    return %c0_i32, %arg0, %c0_i32_0 : i32, i32, i32
  }
  func.func @transform_1(%arg0: i32) -> (i32, i32, i32) {
    %c0_i32 = arith.constant 0 : i32
    %c0_i32_0 = arith.constant 0 : i32
    %c0_i32_1 = arith.constant 0 : i32
    return %c0_i32, %arg0, %c0_i32_0 : i32, i32, i32
  }
  func.func @transform_2(%arg0: i32) -> (i32, i32) {
    %c0_i32 = arith.constant 0 : i32
    %c0_i32_0 = arith.constant 0 : i32
    return %arg0, %c0_i32 : i32, i32
  }
  func.func @transform_3(%arg0: i32) -> (i32, i32) {
    %c0_i32 = arith.constant 0 : i32
    %c0_i32_0 = arith.constant 0 : i32
    %c0_i32_1 = arith.constant 0 : i32
    return %c0_i32, %c0_i32_0 : i32, i32
  }
  func.func @transform_4(%arg0: i32) -> (i32, i32) {
    %c0_i32 = arith.constant 0 : i32
    %c0_i32_0 = arith.constant 0 : i32
    return %arg0, %c0_i32 : i32, i32
  }
  func.func @transform_5(%arg0: i32) -> (i32, i32) {
    %c0_i32 = arith.constant 0 : i32
    %c0_i32_0 = arith.constant 0 : i32
    return %arg0, %c0_i32 : i32, i32
  }
  func.func @transform_6(%arg0: i32) -> (i32, i32) {
    %c0_i32 = arith.constant 0 : i32
    %c0_i32_0 = arith.constant 0 : i32
    return %arg0, %c0_i32 : i32, i32
  }
}

module attributes {stable_mosaic.version = 14 : i64} {
  func.func @_mm2_body(%arg0: i32, %arg1: memref<2x1000x64xf32, #tpu.memory_space<vmem>>, %arg2: memref<2x1000x64xf32, #tpu.memory_space<vmem>>, %arg3: memref<1000x128xf32, #tpu.memory_space<vmem>>, %arg4: memref<1x128xf32, #tpu.memory_space<vmem>>, %arg5: memref<128x128xf32, #tpu.memory_space<vmem>>, %arg6: memref<1000x128xf32, #tpu.memory_space<vmem>>, %arg7: memref<2x1000x64xf32, #tpu.memory_space<vmem>>) attributes {dimension_semantics = [#tpu.dimension_semantics<arbitrary>], iteration_bounds = array<i64: 10>, scalar_prefetch = 0 : i64, scratch_operands = 0 : i64, tpu.core_type = #tpu.core_type<tc>, window_params = [{transform_indices = @transform_0, window_bounds = array<i64: 2, 1000, 64>}, {transform_indices = @transform_1, window_bounds = array<i64: 2, 1000, 64>}, {transform_indices = @transform_2, window_bounds = array<i64: 1000, 128>}, {pipeline_mode = #tpu.pipeline_mode<synchronous>, transform_indices = @transform_3, window_bounds = array<i64: 1, 128>}, {pipeline_mode = #tpu.pipeline_mode<synchronous>, transform_indices = @transform_4, window_bounds = array<i64: 128, 128>}, {transform_indices = @transform_5, window_bounds = array<i64: 1000, 128>}, {transform_indices = @transform_6, window_bounds = array<i64: 2, 1000, 64>}]} {
    %get3A = arith.constant 0 : index
    %get3A_0 = arith.constant 0 : index
    %get3A_1 = arith.constant 0 : index
    %get3A_2 = vector.load %arg1[%get3A, %get3A_0, %get3A_1] : memref<2x1000x64xf32, #tpu.memory_space<vmem>>, vector<1x1000x64xf32>
    %get3A_3 = vector.shape_cast %get3A_2 : vector<1x1000x64xf32> to vector<1000x64xf32>
    %get3A_4 = arith.constant 1 : index
    %get3A_5 = arith.constant 0 : index
    %get3A_6 = arith.constant 0 : index
    %get3A_7 = vector.load %arg1[%get3A_4, %get3A_5, %get3A_6] : memref<2x1000x64xf32, #tpu.memory_space<vmem>>, vector<1x1000x64xf32>
    %get3A_8 = vector.shape_cast %get3A_7 : vector<1x1000x64xf32> to vector<1000x64xf32>
    %concatenate3A = tpu.concatenate %get3A_3, %get3A_8 in 1 : vector<1000x64xf32>, vector<1000x64xf32> -> vector<1000x128xf32>
    %get3A_9 = arith.constant 0 : index
    %get3A_10 = arith.constant 0 : index
    %get3A_11 = arith.constant 0 : index
    %get3A_12 = vector.load %arg2[%get3A_9, %get3A_10, %get3A_11] : memref<2x1000x64xf32, #tpu.memory_space<vmem>>, vector<1x1000x64xf32>
    %get3A_13 = vector.shape_cast %get3A_12 : vector<1x1000x64xf32> to vector<1000x64xf32>
    %get3A_14 = arith.constant 1 : index
    %get3A_15 = arith.constant 0 : index
    %get3A_16 = arith.constant 0 : index
    %get3A_17 = vector.load %arg2[%get3A_14, %get3A_15, %get3A_16] : memref<2x1000x64xf32, #tpu.memory_space<vmem>>, vector<1x1000x64xf32>
    %get3A_18 = vector.shape_cast %get3A_17 : vector<1x1000x64xf32> to vector<1000x64xf32>
    %concatenate3A_19 = tpu.concatenate %get3A_13, %get3A_18 in 1 : vector<1000x64xf32>, vector<1000x64xf32> -> vector<1000x128xf32>
    %add3A = arith.addf %concatenate3A, %concatenate3A_19 : vector<1000x128xf32>
    %get3A_20 = arith.constant 0 : index
    %get3A_21 = arith.constant 0 : index
    %get3A_22 = vector.load %arg3[%get3A_20, %get3A_21] : memref<1000x128xf32, #tpu.memory_space<vmem>>, vector<1000x128xf32>
    %mul3A = arith.mulf %add3A, %get3A_22 : vector<1000x128xf32>
    %get3A_23 = arith.constant 0 : index
    %get3A_24 = arith.constant 0 : index
    %get3A_25 = vector.load %arg4[%get3A_23, %get3A_24] : memref<1x128xf32, #tpu.memory_space<vmem>>, vector<1x128xf32>
    %add3A_26 = vector.broadcast %get3A_25 : vector<1x128xf32> to vector<1000x128xf32>
    %add3A_27 = arith.addf %mul3A, %add3A_26 : vector<1000x128xf32>
    %max3A = arith.constant 0.000000e+00 : f32
    %max3A_28 = vector.broadcast %max3A : f32 to vector<1000x128xf32>
    %max3A_29 = arith.maximumf %add3A_27, %max3A_28 : vector<1000x128xf32>
    %swap3A = arith.constant 0 : index
    %swap3A_30 = arith.constant 0 : index
    %swap3A_31 = vector.load %arg6[%swap3A, %swap3A_30] : memref<1000x128xf32, #tpu.memory_space<vmem>>, vector<1000x128xf32>
    tpu.vector_store %arg6[%swap3A, %swap3A_30], %max3A_29 {strides = array<i32>} : memref<1000x128xf32, #tpu.memory_space<vmem>>, vector<1000x128xf32>,
    %get3A_32 = arith.constant 0 : index
    %get3A_33 = arith.constant 0 : index
    %get3A_34 = vector.load %arg5[%get3A_32, %get3A_33] : memref<128x128xf32, #tpu.memory_space<vmem>>, vector<128x128xf32>
    %dot_general3A = arith.constant dense<0.000000e+00> : vector<1000x128xf32>
    %dot_general3A_35 = tpu.matmul %max3A_29, %get3A_34, %dot_general3A {dimension_numbers = #tpu.dot_dimension_numbers<[1], [0], [0], [1], [0, 0, 1, 1], [], []>, transpose_lhs_hint = false} : vector<1000x128xf32>, vector<128x128xf32>, vector<1000x128xf32> -> vector<1000x128xf32>
    %get3A_36 = arith.constant 0 : index
    %get3A_37 = arith.constant 0 : index
    %get3A_38 = vector.load %arg3[%get3A_36, %get3A_37] : memref<1000x128xf32, #tpu.memory_space<vmem>>, vector<1000x128xf32>
    %mul3A_39 = arith.mulf %dot_general3A_35, %get3A_38 : vector<1000x128xf32>
    %slice3A = vector.extract_strided_slice %mul3A_39 {offsets = [0, 0], sizes = [1000, 64], strides = [1, 1]} : vector<1000x128xf32> to vector<1000x64xf32>
    %swap3A_40 = arith.constant 0 : index
    %swap3A_41 = arith.constant 0 : index
    %swap3A_42 = arith.constant 0 : index
    %swap3A_43 = vector.load %arg7[%swap3A_40, %swap3A_41, %swap3A_42] : memref<2x1000x64xf32, #tpu.memory_space<vmem>>, vector<1x1000x64xf32>
    %swap3A_44 = vector.shape_cast %swap3A_43 : vector<1x1000x64xf32> to vector<1000x64xf32>
    %swap3A_45 = vector.shape_cast %slice3A : vector<1000x64xf32> to vector<1x1000x64xf32>
    tpu.vector_store %arg7[%swap3A_40, %swap3A_41, %swap3A_42], %swap3A_45 {strides = array<i32>} : memref<2x1000x64xf32, #tpu.memory_space<vmem>>, vector<1x1000x64xf32>,
    %slice3A_46 = vector.extract_strided_slice %mul3A_39 {offsets = [0, 64], sizes = [1000, 64], strides = [1, 1]} : vector<1000x128xf32> to vector<1000x64xf32>
    %swap3A_47 = arith.constant 1 : index
    %swap3A_48 = arith.constant 0 : index
    %swap3A_49 = arith.constant 0 : index
    %swap3A_50 = vector.load %arg7[%swap3A_47, %swap3A_48, %swap3A_49] : memref<2x1000x64xf32, #tpu.memory_space<vmem>>, vector<1x1000x64xf32>
    %swap3A_51 = vector.shape_cast %swap3A_50 : vector<1x1000x64xf32> to vector<1000x64xf32>
    %swap3A_52 = vector.shape_cast %slice3A_46 : vector<1000x64xf32> to vector<1x1000x64xf32>
    tpu.vector_store %arg7[%swap3A_47, %swap3A_48, %swap3A_49], %swap3A_52 {strides = array<i32>} : memref<2x1000x64xf32, #tpu.memory_space<vmem>>, vector<1x1000x64xf32>,
    return
  }
  func.func @transform_0(%arg0: i32) -> (i32, i32, i32) {
    %c0_i32 = arith.constant 0 : i32
    %c0_i32_0 = arith.constant 0 : i32
    %c0_i32_1 = arith.constant 0 : i32
    return %c0_i32, %arg0, %c0_i32_0 : i32, i32, i32
  }
  func.func @transform_1(%arg0: i32) -> (i32, i32, i32) {
    %c0_i32 = arith.constant 0 : i32
    %c0_i32_0 = arith.constant 0 : i32
    %c0_i32_1 = arith.constant 0 : i32
    return %c0_i32, %arg0, %c0_i32_0 : i32, i32, i32
  }
  func.func @transform_2(%arg0: i32) -> (i32, i32) {
    %c0_i32 = arith.constant 0 : i32
    %c0_i32_0 = arith.constant 0 : i32
    return %arg0, %c0_i32 : i32, i32
  }
  func.func @transform_3(%arg0: i32) -> (i32, i32) {
    %c0_i32 = arith.constant 0 : i32
    %c0_i32_0 = arith.constant 0 : i32
    %c0_i32_1 = arith.constant 0 : i32
    return %c0_i32, %c0_i32_0 : i32, i32
  }
  func.func @transform_4(%arg0: i32) -> (i32, i32) {
    %c0_i32 = arith.constant 0 : i32
    %c0_i32_0 = arith.constant 0 : i32
    %c0_i32_1 = arith.constant 0 : i32
    return %c0_i32, %c0_i32_0 : i32, i32
  }
  func.func @transform_5(%arg0: i32) -> (i32, i32) {
    %c0_i32 = arith.constant 0 : i32
    %c0_i32_0 = arith.constant 0 : i32
    return %arg0, %c0_i32 : i32, i32
  }
  func.func @transform_6(%arg0: i32) -> (i32, i32, i32) {
    %c0_i32 = arith.constant 0 : i32
    %c0_i32_0 = arith.constant 0 : i32
    %c0_i32_1 = arith.constant 0 : i32
    return %c0_i32, %arg0, %c0_i32_0 : i32, i32, i32
  }
}

module attributes {stable_mosaic.version = 14 : i64} {
  func.func @_final_body(%arg0: memref<32x64x128xf32, #tpu.memory_space<vmem>>, %arg1: memref<128x128xf32, #tpu.memory_space<vmem>>, %arg2: memref<1x128xf32, #tpu.memory_space<vmem>>, %arg3: memref<128x64xf32, #tpu.memory_space<vmem>>, %arg4: memref<1x64xf32, #tpu.memory_space<vmem>>, %arg5: memref<64x64xf32, #tpu.memory_space<vmem>>) attributes {dimension_semantics = [], scalar_prefetch = 0 : i64, scratch_operands = 0 : i64, tpu.core_type = #tpu.core_type<tc>} {
    %get3A = arith.constant 0 : index
    %get3A_0 = arith.constant 0 : index
    %get3A_1 = arith.constant 0 : index
    %get3A_2 = vector.load %arg0[%get3A, %get3A_0, %get3A_1] : memref<32x64x128xf32, #tpu.memory_space<vmem>>, vector<32x64x128xf32>
    %reduce_max3A = arith.constant dense<0xFF800000> : vector<64x128xf32>
    %reduce_max3A_3 = vector.multi_reduction <maximumf>, %get3A_2, %reduce_max3A [0] : vector<32x64x128xf32> to vector<64x128xf32>
    %get3A_4 = arith.constant 0 : index
    %get3A_5 = arith.constant 0 : index
    %get3A_6 = vector.load %arg1[%get3A_4, %get3A_5] : memref<128x128xf32, #tpu.memory_space<vmem>>, vector<128x128xf32>
    %dot_general3A = arith.constant dense<0.000000e+00> : vector<64x128xf32>
    %dot_general3A_7 = tpu.matmul %reduce_max3A_3, %get3A_6, %dot_general3A {dimension_numbers = #tpu.dot_dimension_numbers<[1], [0], [0], [1], [0, 0, 1, 1], [], []>, transpose_lhs_hint = false} : vector<64x128xf32>, vector<128x128xf32>, vector<64x128xf32> -> vector<64x128xf32>
    %get3A_8 = arith.constant 0 : index
    %get3A_9 = arith.constant 0 : index
    %get3A_10 = vector.load %arg2[%get3A_8, %get3A_9] : memref<1x128xf32, #tpu.memory_space<vmem>>, vector<1x128xf32>
    %add3A = vector.broadcast %get3A_10 : vector<1x128xf32> to vector<64x128xf32>
    %add3A_11 = arith.addf %dot_general3A_7, %add3A : vector<64x128xf32>
    %max3A = arith.constant 0.000000e+00 : f32
    %max3A_12 = vector.broadcast %max3A : f32 to vector<64x128xf32>
    %max3A_13 = arith.maximumf %add3A_11, %max3A_12 : vector<64x128xf32>
    %get3A_14 = arith.constant 0 : index
    %get3A_15 = arith.constant 0 : index
    %get3A_16 = vector.load %arg3[%get3A_14, %get3A_15] : memref<128x64xf32, #tpu.memory_space<vmem>>, vector<128x64xf32>
    %dot_general3A_17 = arith.constant dense<0.000000e+00> : vector<64x64xf32>
    %dot_general3A_18 = tpu.matmul %max3A_13, %get3A_16, %dot_general3A_17 {dimension_numbers = #tpu.dot_dimension_numbers<[1], [0], [0], [1], [0, 0, 1, 1], [], []>, transpose_lhs_hint = false} : vector<64x128xf32>, vector<128x64xf32>, vector<64x64xf32> -> vector<64x64xf32>
    %get3A_19 = arith.constant 0 : index
    %get3A_20 = arith.constant 0 : index
    %get3A_21 = vector.load %arg4[%get3A_19, %get3A_20] : memref<1x64xf32, #tpu.memory_space<vmem>>, vector<1x64xf32>
    %add3A_22 = vector.broadcast %get3A_21 : vector<1x64xf32> to vector<64x64xf32>
    %add3A_23 = arith.addf %dot_general3A_18, %add3A_22 : vector<64x64xf32>
    %swap3A = arith.constant 0 : index
    %swap3A_24 = arith.constant 0 : index
    %swap3A_25 = vector.load %arg5[%swap3A, %swap3A_24] : memref<64x64xf32, #tpu.memory_space<vmem>>, vector<64x64xf32>
    tpu.vector_store %arg5[%swap3A, %swap3A_24], %add3A_23 {strides = array<i32>} : memref<64x64xf32, #tpu.memory_space<vmem>>, vector<64x64xf32>,
    return
  }
}

</mosaic_0001>

<sc_bundles>
// kernel: kernel.12.cloned.1.call-start
scs
__scs_entry_jumppad:
0x0: {  	(pc) =	sbr.rel $0x88, $3  }
0x1: {  	(tag) =	ssettag $0x0;
	lr =	simm.s32 $0x1  }
0x2: {  	[smem:$0x3F94] =	sst lr;
	_ =	strace $0xD0000000  }
0x3: {  	_ = 	snop  }
0x4: {  	_ = 	snop  }
0x5: {  	_ = 	snop  }
0x6: {  	_ = 	snop  }
0x7: {  	_ = 	snop  }
__scs_overlays_trampoline_lowered:
0x8: {  	[smem:$0x3FA3] =	sst s0  }
0x9: {  	[smem:$0x3FA4] =	sst s1  }
0xa: {  	[smem:$0x3FA5] =	sst s2  }
0xb: {  	[smem:$0x3FA6] =	sst s3  }
0xc: {  	[smem:$0x3FA7] =	sst s4  }
0xd: {  	[smem:$0x3FA8] =	sst s5  }
0xe: {  	[smem:$0x3FA9] =	sst s6  }
0xf: {  	[smem:$0x3FAA] =	sst s7  }
0x10: {  	[smem:$0x3FAB] =	sst s8  }
0x11: {  	[smem:$0x3FAC] =	sst s9;
	s0 =	simm.s32 @!p0 $0x0  }
0x12: {  	s1 =	sld [smem:$0x3F92];
	s0 =	simm.s32 @p0 $0x1  }
0x13: {  	[smem:$0x3FAD] =	sst s0;
	s0 =	simm.s32 @!p1 $0x0  }
0x14: {  	s2 =	sld [smem:$0x3F91];
	s0 =	simm.s32 @p1 $0x1  }
0x15: {  	[smem:$0x3FAE] =	sst s0;
	s0 =	simm.s32 @!p2 $0x0  }
0x16: {  	s3 =	sld [smem:$0x3FDB];
	s0 =	simm.s32 @p2 $0x1  }
0x17: {  	s4 =	simm.s32 $0x1BF5;
	[smem:$0x3FB0] =	sst s0  }
0x18: {  	s0 =	sld [smem:$0x3F93];
	_ =	swait.ge [sflag:s4], $0x0  }
0x19: {  	s7 =	sld [smem:$0x3F94]  }
0x1a: {  	s8 =	sadd.s32 $0xFFFFE003, lr  }
0x1b: {  	s9 =	sadd.s32 $0xFFFFFEF7, lr;
	s5 =	simm.s32 $0xFFFFFFFF;
	p2 =	slt.u32 s8, $0xFFFFF086  }
0x1c: {  	p1 =	slt.u32 s9, $0xF7A;
	s5 =	simm.s32 @!p2 $0x0  }
0x1d: {  	s5 =	simm.s32 @p1 $0x1;
	p0 =	seq.s32 s7, s2  }
0x1e: {  	s7 =	smul.u32 @!p0 $0xF7A, s2;
	p2 =	seq.s32 @!p0 s5, $0x0  }
0x1f: {  	s9 =	smul.u32 $0xF7A, s1;
	s8 =	simm.s32 @!p0 $0x1BF5;
	p2 =	por !p2, p0  }
0x20: {  	[sflag:s8] =	ssyncset.s32 @!p0 $0xFFFFF086;
	s6 =	sadd.s32 @!p0 s3, s7;
	s7 =	simm.s32 @!p0 $0x108  }
0x21: {  	s3 =	sadd.s32 s3, s9;
	s6 =	sadd.s32 @!p0 $0x88, s6;
	s7 =	simm.s32 @p2 $0x1082  }
0x22: {  	[simem:s7], [sflag:s8] =	dma.local @!p0 [hbm:s6], $0xF7A  }
0x23: {  	s9 =	sor.u32 $0xD0000000, s2;
	s6 =	simm.s32 $0x108;
	_ =	swait.ge @!p0 [sflag:s8], $0x0  }
0x24: {  	s3 =	sadd.s32 $0x88, s3;
	s6 =	simm.s32 @!p1 $0x1082;
	[sflag:s4] =	ssyncset.s32 $0xFFFFF086  }
0x25: {  	[simem:s6], [sflag:s4] =	dma.local [hbm:s3], $0xF7A  }
0x26: {  	[smem:$0x3F94] =	sst s1;
	(tag) =	ssettag s2;
	_ =	strace s9  }
0x27: {  	s1 =	sld [smem:$0x3FA4]  }
0x28: {  	s2 =	sld [smem:$0x3FA5]  }
0x29: {  	s4 =	sld [smem:$0x3FA7]  }
0x2a: {  	p0 =	seq.s32 s5, $0x0;
	s5 =	sld [smem:$0x3FA8]  }
0x2b: {  	s6 =	sld [smem:$0x3FA9]  }
0x2c: {  	s7 =	sld [smem:$0x3FAA]  }
0x2d: {  	s3 =	simm.s32 $0x108;
	s8 =	sld [smem:$0x3FAB]  }
0x2e: {  	s3 =	simm.s32 @!p0 $0x1082;
	s9 =	sld [smem:$0x3FAC]  }
0x2f: {  	lr =	sadd.s32 s0, s3;
	s0 =	sld [smem:$0x3FA3]  }
0x30: {  	s3 =	sld [smem:$0x3FA6]  }
0x31: {  	[smem:$0x3FAF] =	sst s10  }
0x32: {  	s10 =	sld [smem:$0x3FAD];
	_ =	sdelay $0x3  }
0x33: {  	p0 =	seq.s32 s10, $0x1;
	s10 =	sld [smem:$0x3FAF];
	_ =	sdelay $0x3  }
0x34: {  	[smem:$0x3FAF] =	sst s10  }
0x35: {  	s10 =	sld [smem:$0x3FAE];
	_ =	sdelay $0x3  }
0x36: {  	p1 =	seq.s32 s10, $0x1;
	s10 =	sld [smem:$0x3FAF];
	_ =	sdelay $0x3  }
0x37: {  	[smem:$0x3FAF] =	sst s10  }
0x38: {  	s10 =	sld [smem:$0x3FB0]  }
0x39: {  	_ = 	snop;
	(pc) =	sbr.ind lr, $3  }
0x3a: {  	_ = 	snop  }
0x3b: {  	_ = 	snop  }
0x3c: {  	p2 =	seq.s32 s10, $0x1;
	s10 =	sld [smem:$0x3FAF]  }
0x3d: {  	_ =	shalt  }
0x3e: {  	_ =	shalt  }
0x3f: {  	_ =	shalt  }
0x40: {  	_ =	shalt  }
0x41: {  	_ =	shalt  }
0x42: {  	_ =	shalt  }
0x43: {  	_ =	shalt  }
0x44: {  	_ =	shalt  }
0x45: {  	_ =	shalt  }
0x46: {  	_ =	shalt  }
0x47: {  	_ =	shalt  }
0x48: {  	_ =	shalt  }
0x49: {  	_ =	shalt  }
0x4a: {  	_ =	shalt  }
0x4b: {  	_ =	shalt  }
0x4c: {  	_ =	shalt  }
0x4d: {  	_ =	shalt  }
0x4e: {  	_ =	shalt  }
0x4f: {  	_ =	shalt  }
0x50: {  	_ =	shalt  }
0x51: {  	_ =	shalt  }
0x52: {  	_ =	shalt  }
0x53: {  	_ =	shalt  }
0x54: {  	_ =	shalt  }
0x55: {  	_ =	shalt  }
0x56: {  	_ =	shalt  }
0x57: {  	_ =	shalt  }
0x58: {  	_ =	shalt  }
0x59: {  	_ =	shalt  }
0x5a: {  	_ =	shalt  }
0x5b: {  	_ =	shalt  }
0x5c: {  	_ =	shalt  }
0x5d: {  	_ =	shalt  }
0x5e: {  	_ =	shalt  }
0x5f: {  	_ =	shalt  }
0x60: {  	_ =	shalt  }
0x61: {  	_ =	shalt  }
0x62: {  	_ =	shalt  }
0x63: {  	_ =	shalt  }
0x64: {  	_ =	shalt  }
0x65: {  	_ =	shalt  }
0x66: {  	_ =	shalt  }
0x67: {  	_ =	shalt  }
0x68: {  	_ =	shalt  }
0x69: {  	_ =	shalt  }
0x6a: {  	_ =	shalt  }
0x6b: {  	_ =	shalt  }
0x6c: {  	_ =	shalt  }
0x6d: {  	_ =	shalt  }
0x6e: {  	_ =	shalt  }
0x6f: {  	_ =	shalt  }
0x70: {  	_ =	shalt  }
0x71: {  	_ =	shalt  }
0x72: {  	_ =	shalt  }
0x73: {  	_ =	shalt  }
0x74: {  	_ =	shalt  }
0x75: {  	_ =	shalt  }
0x76: {  	_ =	shalt  }
0x77: {  	_ =	shalt  }
0x78: {  	_ =	shalt  }
0x79: {  	_ =	shalt  }
0x7a: {  	_ =	shalt  }
0x7b: {  	_ =	shalt  }
0x7c: {  	_ =	shalt  }
0x7d: {  	_ =	shalt  }
0x7e: {  	_ =	shalt  }
0x7f: {  	_ =	shalt  }
0x80: {  	_ =	shalt  }
0x81: {  	_ =	shalt  }
0x82: {  	_ =	shalt  }
0x83: {  	_ =	shalt  }
0x84: {  	_ =	shalt  }
0x85: {  	_ =	shalt  }
0x86: {  	_ =	shalt  }
0x87: {  	_ =	shalt  }
.Lfunc_end0:
.L_simem_size_0:
called_computation_lowered:
.L_overlay_start_0:
0x88: {  	s2 =	sld [smem:$0x3FD9]  }
0x89: {  	s3 =	sld [smem:$0x3FFE];
	_ =	sdelay $0x1  }
0x8a: {  	s1 =	srdreg.scid  }
0x8b: {  	s0 =	sand.u32 $0x1, s1  }
0x8c: {  	s16 =	sshll.u32 s0, $0xA;
	s2 =	sadd.s32 s3, s2  }
0x8d: {  	s2 =	sadd.s32 s2, s16  }
0x8e: {  	[smem:$0x3FBB] =	sst s2  }
0x8f: {  	_ = 	snop  }
0x90: {  	(tm) =	ssettm $0x1  }
0x91: {  	s17 =	sld [smem:$0x3FFB];
	_ =	sdelay $0x3  }
0x92: {  	_ =	strace s17  }
0x93: {  	s2 =	sld [smem:$0x3FFC];
	_ =	sdelay $0x3  }
0x94: {  	_ =	strace s2  }
0x95: {  	s2 =	sld [smem:$0x3FFD];
	_ =	sdelay $0x3  }
0x96: {  	_ =	strace s2  }
0x97: {  	_ =	strace $0x8FFFFFFF  }
0x98: {  	s18 =	sld [smem:$0x3FDB];
	_ =	sdelay $0x1  }
0x99: {  	s19 =	simm.s32 $_scs_section_size  }
0x9a: {  	s4 =	simm.s32 $_size__tile_overlayer_lowered;
	s5 =	simm.s32 $_tile_overlayer_lowered  }
0x9b: {  	s22 =	simm.s32 $0x1BFF;
	s21 =	sshll.u32 s5, $0x1;
	s2 =	sadd.s32 s19, s18  }
0x9c: {  	s6 =	simm.s32 $0x0;
	s20 =	sshll.u32 s4, $0x1;
	s4 =	sadd.s32 s21, s2  }
0x9d: {  	[timem:s6], [sflag:s22] =	dma.local [hbm:s4], s20  }
0x9e: {  	_ =	swait.ge [sflag:s22], s20  }
0x9f: {  	s3 =	ssub.s32 $0x0, s20;
	[sflag:s22] =	ssyncset.done $0x0  }
0xa0: {  	[sflag:s22] =	ssyncadd.s32 s3;
	_ =	sdelay $0x1  }
0xa1: {  	s23 =	simm.s32 $0x1B8B  }
0xa2: {  	_ =	swait.ge [sflag:s23], $0x1  }
0xa3: {  	[sflag:s23] =	ssyncset.done $0x0  }
0xa4: {  	s25 =	simm.s32 $0x1B8E;
	s24 =	sld [smem:$0x3FFE];
	[sflag:s23] =	ssyncadd.s32 $0xFFFFFFFF  }
0xa5: {  	s26 =	simm.s32 $execute0_lowered;
	[smem:$0x3FD2] =	sst s25  }
0xa6: {  	s4 =	sshll.u32 s26, $0x1;
	_ =	strace $0x80000046;
	[dreg:$0x1] =	wrdreg $0xFFFFFFFF  }
0xa7: {  	s28 =	simm.s32 $_size_execute0_lowered;
	s2 =	sadd.s32 s2, s4;
	[dreg:$0x0] =	wrdreg $0x0  }
0xa8: {  	s4 =	sshll.u32 s28, $0x1;
	[dreg:$0x2] =	wrdreg s2  }
0xa9: {  	[dreg:$0x3] =	wrdreg s4  }
0xaa: {  	[dreg:$0x4] =	wrdreg $0xC0  }
0xab: {  	_ =	task [dreg:s6], $0x5FFFF  }
0xac: {  	[dreg:$0x1] =	wrdreg $0xFFFFFFFF  }
0xad: {  	[dreg:$0x0] =	wrdreg $0x60  }
0xae: {  	[dreg:$0x2] =	wrdreg s24  }
0xaf: {  	[dreg:$0x3] =	wrdreg $0x2B000  }
0xb0: {  	[dreg:$0x4] =	wrdreg $0x9  }
0xb1: {  	_ =	task.clear_ibuf [dreg:s6], $0x5FFFF;
	_ =	strace $0x90000046  }
0xb2: {  	s29 =	simm.s32 $0x9;
	_ =	strace $0x80000048  }
0xb3: {  	_ =	swait.ge [sflag:s29], $0x1  }
0xb4: {  	[sflag:s29] =	ssyncadd.s32 $0xFFFFFFFF  }
0xb5: {  	_ =	strace $0x90000048  }
0xb6: {  	_ =	sfence  }
0xb7: {  	s30 =	sld [smem:$0x0];
	_ =	sdelay $0x2  }
0xb8: {  	s31 =	sshll.u32 s1, $0xD;
	s1 =	sshrl.u32 s1, $0x2  }
0xb9: {  	s3 =	sand.u32 $0x4000, s31;
	s1 =	sadd.s32 s1, s30  }
0xba: {  	s0 =	sor.u32 s3, s0;
	s1 =	sshll.u32 s1, $0x11  }
0xbb: {  	s0 =	sor.u32 s1, s0  }
0xbc: {  	s0 =	sadd.s32 $0x8F2B, s0  }
0xbd: {  	[sflag:s0] =	ssyncadd.remote.s32 $0x1  }
0xbe: {  	_ =	sfence.sel $0xFFFF  }
0xbf: {  	[dreg:$0x0] =	wrdreg $0xFFFFFFFF;
	(pc) =	sbr.abs _section_cstart, $3  }
0xc0: {  	[dreg:$0x1] =	wrdreg $0xFFFFFFFF  }
0xc1: {  	_ =	task.clear_ibuf [dreg:s6], $0x2FFFF;
	_ =	strace $0x9FFFFFFF  }
0xc2: {  	(tm) =	ssettm $0x7FFFFFFF  }
0xc3: {  	_ =	shalt  }
tec
execute0_lowered:
.L_overlay_start_1:
0x0: {  	(tag) =	ssettag $0x1  }
0x1: {  	s4 =	rddreg [dreg:$0x0];
	s0 =	stileid.u32  }
0x2: {  	s2 =	rddreg [dreg:$0x1];
	s3 =	srdreg.scid;
	s11 =	simm.s32 $0x400  }
0x3: {  	s12 =	simm.s32 $0x2800;
	s15 =	simm.s32 $0x0;
	s1 =	sshrl.u32 s0, $0x3  }
0x4: {  	s6 =	sand.u32 $0x1, s3;
	s7 =	smul.u32 $0x280, s0;
	s3 =	simm.s32 $0x0  }
0x5: {  	s8 =	sshll.u32 s0, $0x7;
	s5 =	smul.u32 $0x28000, s1;
	s1 =	rddreg [dreg:$0x2]  }
0x6: {  	s13 =	sshll.u32 s0, $0x6;
	s9 =	smul.u32 $0x2800, s6;
	[smem:$0x7FF] =	sst s3  }
0x7: {  	s8 =	sand.u32 $0x380, s8;
	s6 =	ssub.s32 $0x2, s6;
	s13 =	sor.u32 $0x1C01, s13  }
0x8: {  	_ =	strace $0x80000047;
	s31 =	sshrl.u32 s6, $0x1;
	s5 =	sor.u32 s8, s5  }
0x9: {  	s30 =	sadd.s32 s7, s9;
	s6 =	ssub.s32 s6, s31;
	s5 =	sshrl.u32 s5, $0x3  }
0xa: {  	s8 =	sshrl.u32 s30, $0x3;
	s6 =	smax.u32 s6, $0x1;
	s5 =	sadd.s32 s5, s4  }
0xb: {  	s8 =	sadd.s32 s8, s4;
	s4 =	sadd.s32 s7, s2;
	s7 =	simm.s32 $0x2880  }
0xc: {  	s10 =	sadd.s32 $0x17400, s5;
	s5 =	sadd.s32 $0x21400, s8;
	s8 =	simm.s32 $0x1  }
0xd: {  	v0 =	vimm.f32 $1.000000000e+00;
	v1 =	vimm.f32 $0.0e+00;
	s14 =	sshrl.u32 s4, $0x3;
	s9 =	sadd.s32 s9, s10;
	s10 =	simm.s32 $0x80  }
.LBB2_1:
0xe: {  	[tilespmem:$0x2800] =	vst v0  }
0xf: {  	[tilespmem:$0x2810] =	vst v0  }
0x10: {  	[tilespmem:$0x2820] =	vst v0  }
0x11: {  	[tilespmem:$0x2830] =	vst v0  }
0x12: {  	[tilespmem:$0x2840] =	vst v0  }
0x13: {  	[tilespmem:$0x2850] =	vst v0  }
0x14: {  	[tilespmem:$0x2860] =	vst v0  }
0x15: {  	[tilespmem:$0x2870] =	vst v0  }
0x16: {  	[tilespmem:$0x2880] =	vst v1  }
0x17: {  	[tilespmem:$0x2890] =	vst v1  }
0x18: {  	[tilespmem:$0x28A0] =	vst v1  }
0x19: {  	[tilespmem:$0x28B0] =	vst v1  }
0x1a: {  	[tilespmem:$0x28C0] =	vst v1  }
0x1b: {  	[tilespmem:$0x28D0] =	vst v1  }
0x1c: {  	[tilespmem:$0x28E0] =	vst v1  }
0x1d: {  	[tilespmem:$0x28F0] =	vst v1  }
0x1e: {  	[tilespmem:$0x2900] =	vst v1  }
0x1f: {  	[tilespmem:$0x2910] =	vst v1  }
0x20: {  	[tilespmem:$0x2920] =	vst v1  }
0x21: {  	[tilespmem:$0x2930] =	vst v1  }
0x22: {  	[tilespmem:$0x2940] =	vst v1  }
0x23: {  	[tilespmem:$0x2950] =	vst v1  }
0x24: {  	[tilespmem:$0x2960] =	vst v1  }
0x25: {  	[tilespmem:$0x2970] =	vst v1  }
0x26: {  	[tilespmem:$0x2980] =	vst v1  }
0x27: {  	[tilespmem:$0x2990] =	vst v1  }
0x28: {  	[tilespmem:$0x29A0] =	vst v1  }
0x29: {  	[tilespmem:$0x29B0] =	vst v1  }
0x2a: {  	[tilespmem:$0x29C0] =	vst v1  }
0x2b: {  	[tilespmem:$0x29D0] =	vst v1  }
0x2c: {  	[tilespmem:$0x29E0] =	vst v1  }
0x2d: {  	[tilespmem:$0x29F0] =	vst v1  }
0x2e: {  	[tilespmem:$0x2A00] =	vst v1  }
0x2f: {  	[tilespmem:$0x2A10] =	vst v1  }
0x30: {  	[tilespmem:$0x2A20] =	vst v1  }
0x31: {  	[tilespmem:$0x2A30] =	vst v1  }
0x32: {  	[tilespmem:$0x2A40] =	vst v1  }
0x33: {  	[tilespmem:$0x2A50] =	vst v1  }
0x34: {  	[tilespmem:$0x2A60] =	vst v1  }
0x35: {  	[tilespmem:$0x2A70] =	vst v1  }
0x36: {  	[tilespmem:$0x2A80] =	vst v1  }
0x37: {  	[tilespmem:$0x2A90] =	vst v1  }
0x38: {  	[tilespmem:$0x2AA0] =	vst v1  }
0x39: {  	[tilespmem:$0x2AB0] =	vst v1  }
0x3a: {  	[tilespmem:$0x2AC0] =	vst v1  }
0x3b: {  	[tilespmem:$0x2AD0] =	vst v1  }
0x3c: {  	[tilespmem:$0x2AE0] =	vst v1  }
0x3d: {  	[tilespmem:$0x2AF0] =	vst v1  }
0x3e: {  	[spmem:s4] =	stream.linear.scatter [tilespmem:s7], [sflag:$0x1], $0x280, $0x38;
	[tilespmem:$0x2D80] =	vst v63  }
0x3f: {  	_ =	swait.ge [sflag:s8], $0x280  }
0x40: {  	[sflag:s8] =	ssyncset.done $0x0  }
0x41: {  	[sflag:s8] =	ssyncadd.s32 $0xFFFFFD80  }
0x42: {  	[tilespmem:s3], [sflag:$0x1] =	stream.strided.gather [hbm4b:s9+s10], $0x2800, s11, s10, $0x38;
	[tilespmem:$0x2D80] =	vst v63  }
0x43: {  	_ =	swait.ge [sflag:s8], $0x2800  }
0x44: {  	[sflag:s8] =	ssyncset.done $0x0  }
0x45: {  	[sflag:s8] =	ssyncadd.s32 $0xFFFFD800  }
0x46: {  	s16 =	simm.s32 $0x0;
	[bflag:$0x0] =	sbarrier.arrive $0xFFFF  }
0x47: {  	[spmem:s2] =	stream.indirect.scatter.add.f32 [tilespmem:s12], [sflag:$0x1], $0x1, s16, s10, $0xb8;
	[tilespmem:$0x2D80] =	vst v63  }
0x48: {  	_ =	swait.ge [sflag:s8], $0x80  }
0x49: {  	s16 =	simm.s32 $0x200;
	[sflag:s8] =	ssyncset.done $0x0  }
.LBB2_2:
0x4a: {  	s17 =	sshra.s32 s16, $0x2;
	[sflag:s8] =	ssyncadd.s32 $0xFFFFFF80;
	p0 =	sne.s32 s16, $0x9E00  }
0x4b: {  	[spmem:s2] =	stream.indirect.scatter.add.f32 [tilespmem:s12], [sflag:$0x1], $0x1, s17, s10, $0xb8;
	[tilespmem:$0x2D80] =	vst v63  }
.Ltmp0:
0x4c: {  	_ = 	snop;
	(pc) =	sbr.rel @p0 .LBB2_2-.Ltmp0, $4  }
0x4d: {  	_ = 	snop  }
0x4e: {  	s16 =	sadd.s32 $0x200, s16  }
0x4f: {  	_ =	swait.ge [sflag:s8], $0x80  }
0x50: {  	[sflag:s8] =	ssyncset.done $0x0  }
0x51: {  	s15 =	sadd.s32 $0x1, s15  }
0x52: {  	[sflag:s8] =	ssyncadd.s32 $0xFFFFFF80;
	p0 =	sne.s32 s15, s6  }
.Ltmp1:
0x53: {  	[bflag:$0x0] =	sbarrier.arrive $0xFFFF;
	(pc) =	sbr.rel @p0 .LBB2_1-.Ltmp1, $4  }
0x54: {  	[hbm:s5], [sflag:s13] =	dma.local [spmem:s14], $0x50  }
0x55: {  	_ =	swait.ge [sflag:s8], $0x50  }
0x56: {  	[sflag:s8] =	ssyncset.done $0x0  }
0x57: {  	[sflag:s8] =	ssyncadd.s32 $0xFFFFFFB0  }
0x58: {  	_ =	sfence.sel $0x180000  }
0x59: {  	[bflag:$0x0] =	sbarrier.arrive $0xFFFF  }
0x5a: {  	p0 =	sne.s32 s0, $0x0;
	_ =	strace $0x90000047  }
0x5b: {  	s0 =	sadd.s32 @!p0 $0x100000, s1;
	[bflag:$0x2] =	sbarrier.arrive $0xFFFF  }
0x5c: {  	[sflag:s0] =	ssyncadd.tile.s32 @!p0 $0x1;
	_ =	shalt  }
.Lfunc_end2:
_tile_overlayer_lowered:
.L_overlay_start_2:
0x5d: {  	(tag) =	ssettag $0x2  }
0x5e: {  	s0 =	rddreg [dreg:$0x0];
	s2 =	stileid.u32  }
0x5f: {  	s1 =	rddreg [dreg:$0x1];
	p0 =	sne.s32 s2, $0x0  }
0x60: {  	s3 =	rddreg [dreg:$0x2];
	[bflag:$0x3] =	sbarrier.arrive $0xFFFF;
	s2 =	simm.s32 @!p0 $0x1C01  }
0x61: {  	[timem:s3], [sflag:s2] =	dma.local @!p0 [hbm:s0], s1  }
0x62: {  	s0 =	simm.s32 @!p0 $0x1  }
0x63: {  	_ =	swait.ge @!p0 [sflag:s0], s1  }
0x64: {  	s1 =	ssub.s32 @!p0 $0x0, s1;
	[sflag:s0] =	ssyncset.done @!p0 $0x0  }
0x65: {  	[sflag:s0] =	ssyncadd.s32 @!p0 s1  }
0x66: {  	[bflag:$0x3] =	sbarrier.arrive $0xFFFF  }
0x67: {  	_ =	shalt  }

// kernel: kernel.15.cloned.1.call-start
scs
__scs_entry_jumppad:
0x0: {  	(pc) =	sbr.rel $0x88, $3  }
0x1: {  	(tag) =	ssettag $0x0;
	lr =	simm.s32 $0x1  }
0x2: {  	[smem:$0x3F94] =	sst lr;
	_ =	strace $0xD0000000  }
0x3: {  	_ = 	snop  }
0x4: {  	_ = 	snop  }
0x5: {  	_ = 	snop  }
0x6: {  	_ = 	snop  }
0x7: {  	_ = 	snop  }
__scs_overlays_trampoline_lowered:
0x8: {  	[smem:$0x3FA3] =	sst s0  }
0x9: {  	[smem:$0x3FA4] =	sst s1  }
0xa: {  	[smem:$0x3FA5] =	sst s2  }
0xb: {  	[smem:$0x3FA6] =	sst s3  }
0xc: {  	[smem:$0x3FA7] =	sst s4  }
0xd: {  	[smem:$0x3FA8] =	sst s5  }
0xe: {  	[smem:$0x3FA9] =	sst s6  }
0xf: {  	[smem:$0x3FAA] =	sst s7  }
0x10: {  	[smem:$0x3FAB] =	sst s8  }
0x11: {  	[smem:$0x3FAC] =	sst s9;
	s0 =	simm.s32 @!p0 $0x0  }
0x12: {  	s1 =	sld [smem:$0x3F92];
	s0 =	simm.s32 @p0 $0x1  }
0x13: {  	[smem:$0x3FAD] =	sst s0;
	s0 =	simm.s32 @!p1 $0x0  }
0x14: {  	s2 =	sld [smem:$0x3F91];
	s0 =	simm.s32 @p1 $0x1  }
0x15: {  	[smem:$0x3FAE] =	sst s0;
	s0 =	simm.s32 @!p2 $0x0  }
0x16: {  	s3 =	sld [smem:$0x3FDB];
	s0 =	simm.s32 @p2 $0x1  }
0x17: {  	s4 =	simm.s32 $0x1BF5;
	[smem:$0x3FB0] =	sst s0  }
0x18: {  	s0 =	sld [smem:$0x3F93];
	_ =	swait.ge [sflag:s4], $0x0  }
0x19: {  	s7 =	sld [smem:$0x3F94]  }
0x1a: {  	s8 =	sadd.s32 $0xFFFFE003, lr  }
0x1b: {  	s9 =	sadd.s32 $0xFFFFFEF7, lr;
	s5 =	simm.s32 $0xFFFFFFFF;
	p2 =	slt.u32 s8, $0xFFFFF086  }
0x1c: {  	p1 =	slt.u32 s9, $0xF7A;
	s5 =	simm.s32 @!p2 $0x0  }
0x1d: {  	s5 =	simm.s32 @p1 $0x1;
	p0 =	seq.s32 s7, s2  }
0x1e: {  	s7 =	smul.u32 @!p0 $0xF7A, s2;
	p2 =	seq.s32 @!p0 s5, $0x0  }
0x1f: {  	s9 =	smul.u32 $0xF7A, s1;
	s8 =	simm.s32 @!p0 $0x1BF5;
	p2 =	por !p2, p0  }
0x20: {  	[sflag:s8] =	ssyncset.s32 @!p0 $0xFFFFF086;
	s6 =	sadd.s32 @!p0 s3, s7;
	s7 =	simm.s32 @!p0 $0x108  }
0x21: {  	s3 =	sadd.s32 s3, s9;
	s6 =	sadd.s32 @!p0 $0x88, s6;
	s7 =	simm.s32 @p2 $0x1082  }
0x22: {  	[simem:s7], [sflag:s8] =	dma.local @!p0 [hbm:s6], $0xF7A  }
0x23: {  	s9 =	sor.u32 $0xD0000000, s2;
	s6 =	simm.s32 $0x108;
	_ =	swait.ge @!p0 [sflag:s8], $0x0  }
0x24: {  	s3 =	sadd.s32 $0x88, s3;
	s6 =	simm.s32 @!p1 $0x1082;
	[sflag:s4] =	ssyncset.s32 $0xFFFFF086  }
0x25: {  	[simem:s6], [sflag:s4] =	dma.local [hbm:s3], $0xF7A  }
0x26: {  	[smem:$0x3F94] =	sst s1;
	(tag) =	ssettag s2;
	_ =	strace s9  }
0x27: {  	s1 =	sld [smem:$0x3FA4]  }
0x28: {  	s2 =	sld [smem:$0x3FA5]  }
0x29: {  	s4 =	sld [smem:$0x3FA7]  }
0x2a: {  	p0 =	seq.s32 s5, $0x0;
	s5 =	sld [smem:$0x3FA8]  }
0x2b: {  	s6 =	sld [smem:$0x3FA9]  }
0x2c: {  	s7 =	sld [smem:$0x3FAA]  }
0x2d: {  	s3 =	simm.s32 $0x108;
	s8 =	sld [smem:$0x3FAB]  }
0x2e: {  	s3 =	simm.s32 @!p0 $0x1082;
	s9 =	sld [smem:$0x3FAC]  }
0x2f: {  	lr =	sadd.s32 s0, s3;
	s0 =	sld [smem:$0x3FA3]  }
0x30: {  	s3 =	sld [smem:$0x3FA6]  }
0x31: {  	[smem:$0x3FAF] =	sst s10  }
0x32: {  	s10 =	sld [smem:$0x3FAD];
	_ =	sdelay $0x3  }
0x33: {  	p0 =	seq.s32 s10, $0x1;
	s10 =	sld [smem:$0x3FAF];
	_ =	sdelay $0x3  }
0x34: {  	[smem:$0x3FAF] =	sst s10  }
0x35: {  	s10 =	sld [smem:$0x3FAE];
	_ =	sdelay $0x3  }
0x36: {  	p1 =	seq.s32 s10, $0x1;
	s10 =	sld [smem:$0x3FAF];
	_ =	sdelay $0x3  }
0x37: {  	[smem:$0x3FAF] =	sst s10  }
0x38: {  	s10 =	sld [smem:$0x3FB0]  }
0x39: {  	_ = 	snop;
	(pc) =	sbr.ind lr, $3  }
0x3a: {  	_ = 	snop  }
0x3b: {  	_ = 	snop  }
0x3c: {  	p2 =	seq.s32 s10, $0x1;
	s10 =	sld [smem:$0x3FAF]  }
0x3d: {  	_ =	shalt  }
0x3e: {  	_ =	shalt  }
0x3f: {  	_ =	shalt  }
0x40: {  	_ =	shalt  }
0x41: {  	_ =	shalt  }
0x42: {  	_ =	shalt  }
0x43: {  	_ =	shalt  }
0x44: {  	_ =	shalt  }
0x45: {  	_ =	shalt  }
0x46: {  	_ =	shalt  }
0x47: {  	_ =	shalt  }
0x48: {  	_ =	shalt  }
0x49: {  	_ =	shalt  }
0x4a: {  	_ =	shalt  }
0x4b: {  	_ =	shalt  }
0x4c: {  	_ =	shalt  }
0x4d: {  	_ =	shalt  }
0x4e: {  	_ =	shalt  }
0x4f: {  	_ =	shalt  }
0x50: {  	_ =	shalt  }
0x51: {  	_ =	shalt  }
0x52: {  	_ =	shalt  }
0x53: {  	_ =	shalt  }
0x54: {  	_ =	shalt  }
0x55: {  	_ =	shalt  }
0x56: {  	_ =	shalt  }
0x57: {  	_ =	shalt  }
0x58: {  	_ =	shalt  }
0x59: {  	_ =	shalt  }
0x5a: {  	_ =	shalt  }
0x5b: {  	_ =	shalt  }
0x5c: {  	_ =	shalt  }
0x5d: {  	_ =	shalt  }
0x5e: {  	_ =	shalt  }
0x5f: {  	_ =	shalt  }
0x60: {  	_ =	shalt  }
0x61: {  	_ =	shalt  }
0x62: {  	_ =	shalt  }
0x63: {  	_ =	shalt  }
0x64: {  	_ =	shalt  }
0x65: {  	_ =	shalt  }
0x66: {  	_ =	shalt  }
0x67: {  	_ =	shalt  }
0x68: {  	_ =	shalt  }
0x69: {  	_ =	shalt  }
0x6a: {  	_ =	shalt  }
0x6b: {  	_ =	shalt  }
0x6c: {  	_ =	shalt  }
0x6d: {  	_ =	shalt  }
0x6e: {  	_ =	shalt  }
0x6f: {  	_ =	shalt  }
0x70: {  	_ =	shalt  }
0x71: {  	_ =	shalt  }
0x72: {  	_ =	shalt  }
0x73: {  	_ =	shalt  }
0x74: {  	_ =	shalt  }
0x75: {  	_ =	shalt  }
0x76: {  	_ =	shalt  }
0x77: {  	_ =	shalt  }
0x78: {  	_ =	shalt  }
0x79: {  	_ =	shalt  }
0x7a: {  	_ =	shalt  }
0x7b: {  	_ =	shalt  }
0x7c: {  	_ =	shalt  }
0x7d: {  	_ =	shalt  }
0x7e: {  	_ =	shalt  }
0x7f: {  	_ =	shalt  }
0x80: {  	_ =	shalt  }
0x81: {  	_ =	shalt  }
0x82: {  	_ =	shalt  }
0x83: {  	_ =	shalt  }
0x84: {  	_ =	shalt  }
0x85: {  	_ =	shalt  }
0x86: {  	_ =	shalt  }
0x87: {  	_ =	shalt  }
.Lfunc_end0:
.L_simem_size_0:
called_computation.1_lowered:
.L_overlay_start_0:
0x88: {  	s2 =	sld [smem:$0x3FD9]  }
0x89: {  	s3 =	sld [smem:$0x3FFE];
	_ =	sdelay $0x1  }
0x8a: {  	s1 =	srdreg.scid  }
0x8b: {  	s0 =	sand.u32 $0x1, s1  }
0x8c: {  	s16 =	sshll.u32 s0, $0xA;
	s2 =	sadd.s32 s3, s2  }
0x8d: {  	s2 =	sadd.s32 s2, s16  }
0x8e: {  	[smem:$0x3FBB] =	sst s2  }
0x8f: {  	_ = 	snop  }
0x90: {  	(tm) =	ssettm $0x1  }
0x91: {  	s17 =	sld [smem:$0x3FFB];
	_ =	sdelay $0x3  }
0x92: {  	_ =	strace s17  }
0x93: {  	s2 =	sld [smem:$0x3FFC];
	_ =	sdelay $0x3  }
0x94: {  	_ =	strace s2  }
0x95: {  	s2 =	sld [smem:$0x3FFD];
	_ =	sdelay $0x3  }
0x96: {  	_ =	strace s2  }
0x97: {  	_ =	strace $0x8FFFFFFF  }
0x98: {  	s18 =	sld [smem:$0x3FDB];
	_ =	sdelay $0x1  }
0x99: {  	s19 =	simm.s32 $_scs_section_size  }
0x9a: {  	s4 =	simm.s32 $_size__tile_overlayer_lowered;
	s5 =	simm.s32 $_tile_overlayer_lowered  }
0x9b: {  	s22 =	simm.s32 $0x1BFF;
	s21 =	sshll.u32 s5, $0x1;
	s2 =	sadd.s32 s19, s18  }
0x9c: {  	s6 =	simm.s32 $0x0;
	s20 =	sshll.u32 s4, $0x1;
	s4 =	sadd.s32 s21, s2  }
0x9d: {  	[timem:s6], [sflag:s22] =	dma.local [hbm:s4], s20  }
0x9e: {  	_ =	swait.ge [sflag:s22], s20  }
0x9f: {  	s3 =	ssub.s32 $0x0, s20;
	[sflag:s22] =	ssyncset.done $0x0  }
0xa0: {  	[sflag:s22] =	ssyncadd.s32 s3;
	_ =	sdelay $0x1  }
0xa1: {  	s23 =	simm.s32 $0x1B8B  }
0xa2: {  	_ =	swait.ge [sflag:s23], $0x1  }
0xa3: {  	[sflag:s23] =	ssyncset.done $0x0  }
0xa4: {  	s25 =	simm.s32 $0x1B8E;
	s24 =	sld [smem:$0x3FFE];
	[sflag:s23] =	ssyncadd.s32 $0xFFFFFFFF  }
0xa5: {  	s26 =	simm.s32 $execute0_lowered;
	[smem:$0x3FD2] =	sst s25  }
0xa6: {  	s4 =	sshll.u32 s26, $0x1;
	_ =	strace $0x80000049;
	[dreg:$0x1] =	wrdreg $0xFFFFFFFF  }
0xa7: {  	s28 =	simm.s32 $_size_execute0_lowered;
	s2 =	sadd.s32 s2, s4;
	[dreg:$0x0] =	wrdreg $0x0  }
0xa8: {  	s4 =	sshll.u32 s28, $0x1;
	[dreg:$0x2] =	wrdreg s2  }
0xa9: {  	[dreg:$0x3] =	wrdreg s4  }
0xaa: {  	[dreg:$0x4] =	wrdreg $0xC0  }
0xab: {  	_ =	task [dreg:s6], $0x5FFFF  }
0xac: {  	[dreg:$0x1] =	wrdreg $0xFFFFFFFF  }
0xad: {  	[dreg:$0x0] =	wrdreg $0x60  }
0xae: {  	[dreg:$0x2] =	wrdreg s24  }
0xaf: {  	[dreg:$0x3] =	wrdreg $0x146000  }
0xb0: {  	[dreg:$0x4] =	wrdreg $0xA8000  }
0xb1: {  	[dreg:$0x5] =	wrdreg $0x9  }
0xb2: {  	_ =	task.clear_ibuf [dreg:s6], $0x6FFFF;
	_ =	strace $0x90000049  }
0xb3: {  	s29 =	simm.s32 $0x9;
	_ =	strace $0x8000004B  }
0xb4: {  	_ =	swait.ge [sflag:s29], $0x1  }
0xb5: {  	[sflag:s29] =	ssyncadd.s32 $0xFFFFFFFF  }
0xb6: {  	_ =	strace $0x9000004B  }
0xb7: {  	_ =	sfence  }
0xb8: {  	s30 =	sld [smem:$0x0];
	_ =	sdelay $0x2  }
0xb9: {  	s31 =	sshll.u32 s1, $0xD;
	s1 =	sshrl.u32 s1, $0x2  }
0xba: {  	s3 =	sand.u32 $0x4000, s31;
	s1 =	sadd.s32 s1, s30  }
0xbb: {  	s0 =	sor.u32 s3, s0;
	s1 =	sshll.u32 s1, $0x11  }
0xbc: {  	s0 =	sor.u32 s1, s0  }
0xbd: {  	s0 =	sadd.s32 $0x8F2B, s0  }
0xbe: {  	[sflag:s0] =	ssyncadd.remote.s32 $0x1  }
0xbf: {  	_ =	sfence.sel $0xFFFF  }
0xc0: {  	[dreg:$0x0] =	wrdreg $0xFFFFFFFF;
	(pc) =	sbr.abs _section_cstart, $3  }
0xc1: {  	[dreg:$0x1] =	wrdreg $0xFFFFFFFF  }
0xc2: {  	_ =	task.clear_ibuf [dreg:s6], $0x2FFFF;
	_ =	strace $0x9FFFFFFF  }
0xc3: {  	(tm) =	ssettm $0x7FFFFFFF  }
tec
execute0_lowered:
.L_overlay_start_1:
0x0: {  	(tag) =	ssettag $0x1  }
0x1: {  	s0 =	rddreg [dreg:$0x0]  }
0x2: {  	s2 =	rddreg [dreg:$0x1]  }
0x3: {  	s3 =	rddreg [dreg:$0x2];
	s4 =	simm.s32 $0x0  }
0x4: {  	s12 =	stileid.u32;
	s1 =	srdreg.scid;
	s16 =	simm.s32 $0x1400  }
0x5: {  	s28 =	simm.s32 $0x9;
	s29 =	simm.s32 $0x80;
	s30 =	simm.s32 $0x2800  }
0x6: {  	s31 =	simm.s32 $0x4800;
	s18 =	simm.s32 $0x8800;
	s5 =	smul.u32 $0xA00, s12  }
0x7: {  	s17 =	simm.s32 $0x5;
	[smem:$0x7FF] =	sst s4;
	s8 =	smul.u32 $0x9C00, s12  }
0x8: {  	s1 =	sand.u32 $0x1, s1;
	s7 =	sadd.s32 $0x8C800, s0;
	s21 =	smul.u32 $0x27800, s12  }
0x9: {  	s23 =	sshll.u32 s12, $0x6;
	p0 =	sne.s32 s12, $0xF;
	s12 =	simm.s32 $0x1  }
0xa: {  	_ =	strace $0x8000004A;
	s6 =	smul.u32 $0x13880, s1;
	[dreg:$0x4] =	wrdreg s7  }
0xb: {  	s1 =	ssub.s32 $0x2, s1;
	s11 =	sor.u32 $0x1C0B, s23;
	s5 =	sadd.s32 s5, s0  }
0xc: {  	s20 =	sshrl.u32 s1, $0x1;
	s10 =	sshrl.u32 s8, $0x3;
	s22 =	sadd.s32 s8, s2  }
0xd: {  	[dreg:$0x9] =	wrdreg s11;
	s11 =	sadd.s32 $0x9C000, s2;
	s24 =	sadd.s32 s8, s3  }
0xe: {  	s8 =	sadd.s32 $0x9C000, s3;
	s0 =	sadd.s32 s6, s0;
	s1 =	ssub.s32 s1, s20  }
0xf: {  	s6 =	sadd.s32 $0x3400, s5;
	s9 =	sadd.s32 $0x3540, s5;
	[dreg:$0x6] =	wrdreg s10  }
0x10: {  	s7 =	sadd.s32 $0xD400, s5;
	s5 =	sadd.s32 $0xD540, s5;
	[dreg:$0x5] =	wrdreg s9  }
0x11: {  	s25 =	sshrl.u32 s22, $0x3;
	s20 =	sor.u32 $0x1C0C, s23;
	[dreg:$0x7] =	wrdreg s5  }
0x12: {  	s10 =	sadd.s32 s10, s0;
	s9 =	sshrl.u32 s21, $0x2;
	s13 =	sadd.s32 $0x78E00, s0  }
0x13: {  	s0 =	sadd.s32 $0x8DC00, s0;
	s1 =	smax.u32 s1, $0x1;
	[dreg:$0xd] =	wrdreg s25  }
0x14: {  	s21 =	simm.s32 $0xC;
	s5 =	simm.s32 $0x3;
	[dreg:$0xa] =	wrdreg s13  }
0x15: {  	s10 =	sadd.s32 $0x65600, s10;
	s9 =	sadd.s32 s9, s3;
	[dreg:$0xb] =	wrdreg s0  }
0x16: {  	[dreg:$0xc] =	wrdreg s1;
	s1 =	sshrl.u32 @!p0 s11, $0x3;
	s0 =	sshrl.u32 s24, $0x3  }
.Ltmp0:
0x17: {  	s11 =	simm.s32 $0x7;
	[dreg:$0x8] =	wrdreg s10;
	(pc) =	sbr.rel .LBB2_1-.Ltmp0, $4  }
0x18: {  	s13 =	simm.s32 $0x0;
	s26 =	sshrl.u32 s9, $0x3;
	[dreg:$0xf] =	wrdreg s1  }
0x19: {  	[dreg:$0x10] =	wrdreg s0;
	s0 =	sshrl.u32 @!p0 s8, $0x3;
	s1 =	simm.s32 $0x6800  }
0x1a: {  	s8 =	simm.s32 $0x6;
	s10 =	simm.s32 $0x4;
	[dreg:$0xe] =	wrdreg s26  }
0x1b: {  	s9 =	simm.s32 $0x8;
	[dreg:$0x11] =	wrdreg s0;
	s0 =	simm.s32 $0x2  }
.LBB2_11:
0x1c: {  	_ =	swait.ge [sflag:s17], $0x2000  }
0x1d: {  	[sflag:s17] =	ssyncset.done $0x0  }
0x1e: {  	[sflag:s17] =	ssyncadd.s32 $0xFFFFE000  }
0x1f: {  	_ =	swait.ge [sflag:s8], $0x2000  }
0x20: {  	[sflag:s8] =	ssyncset.done $0x0  }
0x21: {  	[sflag:s8] =	ssyncadd.s32 $0xFFFFE000  }
0x22: {  	_ =	swait.ge [sflag:s11], $0x2000  }
0x23: {  	[sflag:s11] =	ssyncset.done $0x0  }
0x24: {  	[sflag:s11] =	ssyncadd.s32 $0xFFFFE000  }
0x25: {  	_ =	swait.ge [sflag:s9], $0x2000  }
0x26: {  	[sflag:s9] =	ssyncset.done $0x0  }
0x27: {  	[sflag:s9] =	ssyncadd.s32 $0xFFFFE000  }
0x28: {  	[bflag:$0x0] =	sbarrier.arrive $0xFFFF  }
0x29: {  	s14 =	rddreg [dreg:$0x6]  }
0x2a: {  	s15 =	rddreg [dreg:$0xb]  }
0x2b: {  	s21 =	simm.s32 $0xC;
	s19 =	rddreg [dreg:$0x10];
	s14 =	sadd.s32 s14, s15  }
0x2c: {  	[hbm:s14], [sflag:s20] =	dma.local [spmem:s19], $0x1380  }
0x2d: {  	_ =	swait.ge [sflag:s21], $0x1380  }
0x2e: {  	[sflag:s21] =	ssyncset.done $0x0  }
0x2f: {  	s14 =	sadd.s32 @!p0 $0x13800, s15;
	s15 =	rddreg [dreg:$0x11];
	[sflag:s21] =	ssyncadd.s32 $0xFFFFEC80  }
0x30: {  	[hbm:s14], [sflag:s20] =	dma.local @!p0 [spmem:s15], $0x80  }
0x31: {  	s14 =	simm.s32 @!p0 $0xC  }
0x32: {  	_ =	swait.ge @!p0 [sflag:s14], $0x80  }
0x33: {  	s13 =	sadd.s32 $0x1, s13;
	s26 =	rddreg [dreg:$0xc]  }
0x34: {  	p1 =	sne.s32 s13, s26  }
.Ltmp1:
0x35: {  	_ = 	snop;
	(pc) =	sbr.rel @!p1 .LBB2_12-.Ltmp1, $3  }
0x36: {  	_ =	sdelay $0x1  }
0x37: {  	[sflag:s14] =	ssyncset.done @!p0 $0x0  }
0x38: {  	[sflag:s14] =	ssyncadd.s32 @!p0 $0xFFFFFF80  }
.LBB2_1:
0x39: {  	[tilespmem:s4], [sflag:$0x9] =	stream.linear.gather [hbm4b:s6+s4], $0xA00, $0x38;
	[tilespmem:$0x1E240] =	vst v63  }
0x3a: {  	s14 =	rddreg [dreg:$0x5]  }
0x3b: {  	s23 =	rddreg [dreg:$0x7]  }
0x3c: {  	s25 =	rddreg [dreg:$0x8]  }
0x3d: {  	[tilespmem:s16], [sflag:$0x9] =	stream.linear.gather [hbm4b:s7+s4], $0xA00, $0x38;
	[tilespmem:$0x1E240] =	vst v63  }
0x3e: {  	s15 =	simm.s32 $0xA00;
	s26 =	rddreg [dreg:$0x9]  }
0x3f: {  	[tilespmem:s15], [sflag:$0xA] =	stream.linear.gather [hbm4b:s14+s4], $0xA00, $0x38;
	[tilespmem:$0x1E240] =	vst v63  }
0x40: {  	s24 =	simm.s32 $0x1E00;
	s19 =	rddreg [dreg:$0xd]  }
0x41: {  	[tilespmem:s24], [sflag:$0xA] =	stream.linear.gather [hbm4b:s23+s4], $0xA00, $0x38;
	[tilespmem:$0x1E240] =	vst v63  }
0x42: {  	[spmem:s19], [sflag:s26] =	dma.local [hbm:s25], $0x1380  }
0x43: {  	s14 =	rddreg [dreg:$0x4]  }
0x44: {  	s15 =	rddreg [dreg:$0xe]  }
0x45: {  	[spmem:s15], [sflag:s20] =	dma.local [hbm:s14], $0x13C0  }
0x46: {  	_ =	swait.ge [sflag:s21], $0x13C0  }
0x47: {  	[sflag:s21] =	ssyncset.done $0x0;
	s14 =	rddreg [dreg:$0xa]  }
0x48: {  	s15 =	rddreg [dreg:$0xf];
	[sflag:s21] =	ssyncadd.s32 $0xFFFFEC40  }
0x49: {  	[spmem:s15], [sflag:s20] =	dma.local @!p0 [hbm:s14], $0x80  }
0x4a: {  	s15 =	simm.s32 @!p0 $0xC  }
0x4b: {  	_ =	swait.ge @!p0 [sflag:s15], $0x80  }
0x4c: {  	[sflag:s15] =	ssyncset.done @!p0 $0x0  }
0x4d: {  	[sflag:s15] =	ssyncadd.s32 @!p0 $0xFFFFFF80;
	s15 =	simm.s32 $0xB  }
0x4e: {  	_ =	swait.ge [sflag:s15], $0x1380  }
0x4f: {  	[sflag:s15] =	ssyncset.done $0x0  }
0x50: {  	[sflag:s15] =	ssyncadd.s32 $0xFFFFEC80  }
0x51: {  	_ =	swait.ge [sflag:s28], $0xA00  }
0x52: {  	[sflag:s28] =	ssyncset.done $0x0  }
0x53: {  	[sflag:s28] =	ssyncadd.s32 $0xFFFFF600  }
0x54: {  	_ =	swait.ge [sflag:s28], $0xA00  }
0x55: {  	[sflag:s28] =	ssyncset.done $0x0  }
0x56: {  	[sflag:s28] =	ssyncadd.s32 $0xFFFFF600  }
0x57: {  	[bflag:$0x0] =	sbarrier.arrive $0xFFFF  }
0x58: {  	[tilespmem:s30], [sflag:$0x1] =	stream.indirect.gather [spmem:s2], $0x40, s4, s29, $0xb8;
	[tilespmem:$0x1E240] =	vst v63  }
0x59: {  	_ = 	snop  }
0x5a: {  	[tilespmem:s31], [sflag:$0x2] =	stream.indirect.gather [spmem:s2], $0x40, s29, s29, $0xb8;
	[tilespmem:$0x1E240] =	vst v63  }
0x5b: {  	s19 =	simm.s32 $0x100  }
0x5c: {  	[tilespmem:s1], [sflag:$0x3] =	stream.indirect.gather [spmem:s2], $0x40, s19, s29, $0xb8;
	[tilespmem:$0x1E240] =	vst v63  }
0x5d: {  	_ =	swait.ge [sflag:s12], $0x2000  }
0x5e: {  	[sflag:s12] =	ssyncset.done $0x0  }
0x5f: {  	[sflag:s12] =	ssyncadd.s32 $0xFFFFE000  }
0x60: {  	[spmem:s3] =	stream.indirect.scatter.add.f32 [tilespmem:s30], [sflag:$0x5], $0x40, s16, s29, $0xb8;
	[tilespmem:$0x1E240] =	vst v63  }
0x61: {  	s21 =	simm.s32 $0x180  }
0x62: {  	[tilespmem:s18], [sflag:$0x4] =	stream.indirect.gather [spmem:s2], $0x40, s21, s29, $0xb8;
	[tilespmem:$0x1E240] =	vst v63  }
0x63: {  	_ =	swait.ge [sflag:s0], $0x2000  }
0x64: {  	[sflag:s0] =	ssyncset.done $0x0  }
0x65: {  	s22 =	simm.s32 $0x1480;
	[sflag:s0] =	ssyncadd.s32 $0xFFFFE000  }
0x66: {  	[spmem:s3] =	stream.indirect.scatter.add.f32 [tilespmem:s31], [sflag:$0x6], $0x40, s22, s29, $0xb8;
	[tilespmem:$0x1E240] =	vst v63  }
0x67: {  	_ =	swait.ge [sflag:s17], $0x2000  }
0x68: {  	[sflag:s17] =	ssyncset.done $0x0  }
0x69: {  	s23 =	simm.s32 $0x200;
	[sflag:s17] =	ssyncadd.s32 $0xFFFFE000  }
0x6a: {  	[tilespmem:s30], [sflag:$0x1] =	stream.indirect.gather [spmem:s2], $0x40, s23, s29, $0xb8;
	[tilespmem:$0x1E240] =	vst v63  }
0x6b: {  	_ =	swait.ge [sflag:s5], $0x2000  }
0x6c: {  	[sflag:s5] =	ssyncset.done $0x0  }
0x6d: {  	s24 =	simm.s32 $0x1500;
	[sflag:s5] =	ssyncadd.s32 $0xFFFFE000  }
0x6e: {  	[spmem:s3] =	stream.indirect.scatter.add.f32 [tilespmem:s1], [sflag:$0x7], $0x40, s24, s29, $0xb8;
	[tilespmem:$0x1E240] =	vst v63  }
0x6f: {  	_ =	swait.ge [sflag:s8], $0x2000  }
0x70: {  	[sflag:s8] =	ssyncset.done $0x0  }
0x71: {  	s25 =	simm.s32 $0x280;
	[sflag:s8] =	ssyncadd.s32 $0xFFFFE000  }
0x72: {  	[tilespmem:s31], [sflag:$0x2] =	stream.indirect.gather [spmem:s2], $0x40, s25, s29, $0xb8;
	[tilespmem:$0x1E240] =	vst v63  }
.Ltmp2:
0x73: {  	_ = 	snop;
	(pc) =	sbr.rel .LBB2_2-.Ltmp2, $4  }
0x74: {  	_ =	swait.ge [sflag:s10], $0x2000  }
0x75: {  	[sflag:s10] =	ssyncset.done $0x0  }
0x76: {  	s26 =	simm.s32 $0x1580;
	s15 =	simm.s32 $0x1;
	[sflag:s10] =	ssyncadd.s32 $0xFFFFE000  }
0x77: {  	[spmem:s3] =	stream.indirect.scatter.add.f32 [tilespmem:s18], [sflag:$0x8], $0x40, s26, s29, $0xb8;
	[tilespmem:$0x1E240] =	vst v63  }
.LBB2_9:
0x78: {  	_ =	swait.ge [sflag:s5], $0x2000  }
0x79: {  	[sflag:s5] =	ssyncset.done $0x0  }
0x7a: {  	[sflag:s5] =	ssyncadd.s32 $0xFFFFE000  }
0x7b: {  	[spmem:s3] =	stream.indirect.scatter.add.f32 [tilespmem:s1], [sflag:$0x7], $0x40, s25, s29, $0xb8;
	[tilespmem:$0x1E240] =	vst v63  }
.LBB2_10:
0x7c: {  	s15 =	sadd.s32 $0x1, s15  }
0x7d: {  	p1 =	sne.s32 s15, $0x28  }
.Ltmp3:
0x7e: {  	_ = 	snop;
	(pc) =	sbr.rel @!p1 .LBB2_11-.Ltmp3, $4  }
0x7f: {  	_ =	swait.ge [sflag:s10], $0x2000  }
0x80: {  	[sflag:s10] =	ssyncset.done $0x0  }
0x81: {  	s14 =	sadd.s32 $0x1400, s21;
	[sflag:s10] =	ssyncadd.s32 $0xFFFFE000  }
0x82: {  	[spmem:s3] =	stream.indirect.scatter.add.f32 [tilespmem:s18], [sflag:$0x8], $0x40, s14, s29, $0xb8;
	[tilespmem:$0x1E240] =	vst v63  }
.LBB2_2:
0x83: {  	s19 =	sshll.u32 s15, $0x2  }
0x84: {  	s21 =	sor.u32 $0x2, s19  }
0x85: {  	s23 =	sand.u32 $0xFE, s21  }
0x86: {  	s23 =	smul.u32 $0xCD, s23;
	_ =	sdelay $0x1  }
0x87: {  	s23 =	sshrl.u32 s23, $0xD  }
0x88: {  	s23 =	smul.u32 $0x28, s23;
	_ =	sdelay $0x1  }
0x89: {  	s22 =	sand.u32 $0xFC, s19;
	s21 =	ssub.s32 s21, s23  }
0x8a: {  	_ =	swait.ge [sflag:s11], $0x2000;
	s24 =	smul.u32 $0xCD, s22;
	s21 =	sand.u32 $0xFE, s21  }
0x8b: {  	s26 =	sand.u32 $0xFF, s15;
	[sflag:s11] =	ssyncset.done $0x0;
	s21 =	sshll.u32 s21, $0x9  }
0x8c: {  	s23 =	smul.u32 $0xCD, s26;
	s25 =	sshrl.u32 s21, $0x2;
	s21 =	sshrl.u32 s24, $0xD  }
0x8d: {  	[sflag:s11] =	ssyncadd.s32 $0xFFFFE000;
	s21 =	smul.u32 $0x28, s21  }
0x8e: {  	[tilespmem:s1], [sflag:$0x3] =	stream.indirect.gather [spmem:s2], $0x40, s25, s29, $0xb8;
	[tilespmem:$0x1E240] =	vst v63  }
0x8f: {  	s24 =	sshrl.u32 s23, $0xB;
	s21 =	ssub.s32 s19, s21  }
0x90: {  	s24 =	smul.u32 $0xA, s24;
	_ =	swait.ge [sflag:s12], $0x2000;
	s21 =	sand.u32 $0xFC, s21  }
0x91: {  	p1 =	sgt.u32 s15, $0x22;
	[sflag:s12] =	ssyncset.done $0x0;
	s21 =	sshll.u32 s21, $0x7  }
0x92: {  	s24 =	ssub.s32 s15, s24;
	[sflag:s12] =	ssyncadd.s32 $0xFFFFE000;
	s21 =	sadd.s32 $0x1400, s21  }
0x93: {  	[spmem:s3] =	stream.indirect.scatter.add.f32 [tilespmem:s30], [sflag:$0x5], $0x40, s21, s29, $0xb8;
	[tilespmem:$0x1E240] =	vst v63  }
0x94: {  	s21 =	sand.u32 @!p1 $0xFF, s24  }
0x95: {  	p2 =	seq.s32 @!p1 s21, $0x4  }
0x96: {  	p1 =	por p1, !p2  }
0x97: {  	p2 =	sgt.u32 @p1 s15, $0x1D  }
0x98: {  	p3 =	por p2, !p1  }
0x99: {  	s21 =	sand.u32 @!p3 $0xFF, s24  }
0x9a: {  	p3 =	sne.s32 @!p3 s21, $0x9  }
0x9b: {  	p2 =	por @p1 p2, p3  }
0x9c: {  	p2 =	por !p1, !p2  }
.Ltmp4:
0x9d: {  	_ = 	snop;
	(pc) =	sbr.rel @!p2 .LBB2_4-.Ltmp4, $1  }
0x9e: {  	_ =	sdelay $0x3  }
0x9f: {  	s21 =	simm.s32 $0xA  }
0xa0: {  	s21 =	simm.s32 @p1 $0x9  }
0xa1: {  	_ =	swait.ge [sflag:s21], $0xA00  }
0xa2: {  	[sflag:s21] =	ssyncset.done $0x0  }
0xa3: {  	[sflag:s21] =	ssyncadd.s32 $0xFFFFF600  }
0xa4: {  	_ =	swait.ge [sflag:s21], $0xA00  }
0xa5: {  	[sflag:s21] =	ssyncset.done $0x0  }
0xa6: {  	[sflag:s21] =	ssyncadd.s32 $0xFFFFF600  }
.LBB2_4:
0xa7: {  	s21 =	sor.u32 $0x3, s19  }
0xa8: {  	s26 =	sand.u32 $0xFF, s21  }
0xa9: {  	s26 =	smul.u32 $0xCD, s26;
	_ =	sdelay $0x1  }
0xaa: {  	s26 =	sshrl.u32 s26, $0xD  }
0xab: {  	s14 =	sor.u32 $0x1, s19;
	s26 =	smul.u32 $0x28, s26  }
0xac: {  	s22 =	sand.u32 $0xFF, s14  }
0xad: {  	s22 =	smul.u32 $0xCD, s22;
	s21 =	ssub.s32 s21, s26  }
0xae: {  	_ =	swait.ge [sflag:s9], $0x2000;
	p1 =	seq.s32 s15, $0x27;
	s21 =	sand.u32 $0xFF, s21  }
0xaf: {  	[sflag:s9] =	ssyncset.done $0x0;
	s22 =	sshrl.u32 s22, $0xD;
	s21 =	sshll.u32 s21, $0x9  }
0xb0: {  	[sflag:s9] =	ssyncadd.s32 $0xFFFFE000;
	s22 =	smul.u32 $0x28, s22;
	s21 =	sshrl.u32 s21, $0x2  }
0xb1: {  	[tilespmem:s18], [sflag:$0x4] =	stream.indirect.gather [spmem:s2], $0x40, s21, s29, $0xb8;
	[tilespmem:$0x1E240] =	vst v63  }
.Ltmp5:
0xb2: {  	s14 =	ssub.s32 s14, s22;
	(pc) =	sbr.rel @p1 .LBB2_9-.Ltmp5, $4  }
0xb3: {  	s14 =	sand.u32 $0xFF, s14;
	_ =	swait.ge [sflag:s0], $0x2000  }
0xb4: {  	s14 =	sshll.u32 s14, $0x7;
	[sflag:s0] =	ssyncset.done $0x0  }
0xb5: {  	s25 =	sadd.s32 $0x1400, s25;
	s14 =	sadd.s32 $0x1400, s14;
	[sflag:s0] =	ssyncadd.s32 $0xFFFFE000  }
0xb6: {  	[spmem:s3] =	stream.indirect.scatter.add.f32 [tilespmem:s31], [sflag:$0x6], $0x40, s14, s29, $0xb8;
	[tilespmem:$0x1E240] =	vst v63  }
0xb7: {  	s14 =	sadd.s32 $0x4, s19  }
0xb8: {  	s22 =	sand.u32 $0xFF, s14  }
0xb9: {  	s22 =	smul.u32 $0xCD, s22;
	_ =	sdelay $0x1  }
0xba: {  	s22 =	sshrl.u32 s22, $0xD  }
0xbb: {  	s22 =	smul.u32 $0x28, s22;
	_ =	sdelay $0x1  }
0xbc: {  	_ =	swait.ge [sflag:s17], $0x2000;
	s14 =	ssub.s32 s14, s22  }
0xbd: {  	[sflag:s17] =	ssyncset.done $0x0;
	s14 =	sand.u32 $0xFF, s14  }
0xbe: {  	p1 =	sgt.u32 s15, $0x19;
	[sflag:s17] =	ssyncadd.s32 $0xFFFFE000;
	s14 =	sshll.u32 s14, $0x7  }
0xbf: {  	[tilespmem:s30], [sflag:$0x1] =	stream.indirect.gather [spmem:s2], $0x40, s14, s29, $0xb8;
	[tilespmem:$0x1E240] =	vst v63  }
0xc0: {  	s14 =	sand.u32 @!p1 $0xFF, s24  }
0xc1: {  	p2 =	sne.s32 @!p1 s14, $0x5  }
0xc2: {  	p1 =	por p1, p2  }
.Ltmp6:
0xc3: {  	_ = 	snop;
	(pc) =	sbr.rel @p1 .LBB2_7-.Ltmp6, $1  }
0xc4: {  	_ =	sdelay $0x3  }
0xc5: {  	s14 =	sshrl.u32 s23, $0xA  }
0xc6: {  	s14 =	smul.u32 $0xA00, s14;
	_ =	sdelay $0x1  }
0xc7: {  	s14 =	sshrl.u32 s14, $0x3  }
.Ltmp7:
0xc8: {  	s14 =	sadd.s32 $0x140, s14;
	(pc) =	sbr.rel .LBB2_8-.Ltmp7, $4  }
0xc9: {  	s22 =	sadd.s32 s6, s14  }
0xca: {  	[tilespmem:s4], [sflag:$0x9] =	stream.linear.gather [hbm4b:s22+s4], $0xA00, $0x38;
	[tilespmem:$0x1E240] =	vst v63  }
0xcb: {  	s14 =	sadd.s32 s7, s14  }
0xcc: {  	[tilespmem:s16], [sflag:$0x9] =	stream.linear.gather [hbm4b:s14+s4], $0xA00, $0x38;
	[tilespmem:$0x1E240] =	vst v63  }
.LBB2_7:
0xcd: {  	p1 =	sgt.u32 s15, $0x1E  }
0xce: {  	s14 =	sand.u32 @!p1 $0xFF, s24  }
0xcf: {  	p2 =	sne.s32 @!p1 s14, $0x0  }
0xd0: {  	p1 =	por p2, p1  }
0xd1: {  	s14 =	sand.u32 @!p1 $0xFF, s15  }
0xd2: {  	s14 =	smul.u32 @!p1 $0xCD, s14;
	_ =	sdelay $0x1  }
0xd3: {  	s14 =	sshrl.u32 @!p1 s14, $0xA  }
0xd4: {  	s14 =	smul.u32 @!p1 $0xA00, s14;
	_ =	sdelay $0x1  }
0xd5: {  	s14 =	sshrl.u32 @!p1 s14, $0x3  }
0xd6: {  	s14 =	sadd.s32 @!p1 $0x140, s14  }
0xd7: {  	s23 =	simm.s32 @!p1 $0x0;
	s24 =	simm.s32 @!p1 $0xA00;
	s22 =	sadd.s32 @!p1 s6, s14  }
0xd8: {  	[tilespmem:s24], [sflag:$0xA] =	stream.linear.gather @!p1 [hbm4b:s22+s23], $0xA00, $0x38;
	[tilespmem:$0x1E240] =	vst v63  }
0xd9: {  	s14 =	sadd.s32 @!p1 s7, s14;
	s22 =	simm.s32 @!p1 $0x1E00  }
0xda: {  	[tilespmem:s22], [sflag:$0xA] =	stream.linear.gather @!p1 [hbm4b:s14+s23], $0xA00, $0x38;
	[tilespmem:$0x1E240] =	vst v63  }
.LBB2_8:
0xdb: {  	s14 =	sadd.s32 $0x5, s19;
	_ =	swait.ge [sflag:s5], $0x2000  }
0xdc: {  	s19 =	sand.u32 $0xFF, s14;
	[sflag:s5] =	ssyncset.done $0x0  }
0xdd: {  	s19 =	smul.u32 $0xCD, s19;
	[sflag:s5] =	ssyncadd.s32 $0xFFFFE000  }
0xde: {  	[spmem:s3] =	stream.indirect.scatter.add.f32 [tilespmem:s1], [sflag:$0x7], $0x40, s25, s29, $0xb8;
	[tilespmem:$0x1E240] =	vst v63  }
0xdf: {  	s19 =	sshrl.u32 s19, $0xD  }
0xe0: {  	s19 =	smul.u32 $0x28, s19  }
.Ltmp8:
0xe1: {  	_ = 	snop;
	(pc) =	sbr.rel .LBB2_10-.Ltmp8, $4  }
0xe2: {  	_ =	swait.ge [sflag:s8], $0x2000;
	s14 =	ssub.s32 s14, s19  }
0xe3: {  	[sflag:s8] =	ssyncset.done $0x0;
	s14 =	sand.u32 $0xFF, s14  }
0xe4: {  	[sflag:s8] =	ssyncadd.s32 $0xFFFFE000;
	s14 =	sshll.u32 s14, $0x7  }
0xe5: {  	[tilespmem:s31], [sflag:$0x2] =	stream.indirect.gather [spmem:s2], $0x40, s14, s29, $0xb8;
	[tilespmem:$0x1E240] =	vst v63  }
.LBB2_12:
0xe6: {  	_ =	sfence.sel $0x180000  }
0xe7: {  	[bflag:$0x0] =	sbarrier.arrive $0xFFFF  }
0xe8: {  	_ =	strace $0x9000004A  }
0xe9: {  	s0 =	stileid.u32;
	[bflag:$0x2] =	sbarrier.arrive $0xFFFF  }
0xea: {  	p0 =	sne.s32 s0, $0x0;
	s0 =	rddreg [dreg:$0x3]  }
0xeb: {  	s0 =	sadd.s32 @!p0 $0x100000, s0  }
0xec: {  	[sflag:s0] =	ssyncadd.tile.s32 @!p0 $0x1;
	_ =	shalt  }
.Lfunc_end2:
_tile_overlayer_lowered:
.L_overlay_start_2:
0xed: {  	(tag) =	ssettag $0x2  }
0xee: {  	s0 =	rddreg [dreg:$0x0];
	s2 =	stileid.u32  }
0xef: {  	s1 =	rddreg [dreg:$0x1];
	p0 =	sne.s32 s2, $0x0  }
0xf0: {  	s3 =	rddreg [dreg:$0x2];
	[bflag:$0x3] =	sbarrier.arrive $0xFFFF;
	s2 =	simm.s32 @!p0 $0x1C0C  }
0xf1: {  	[timem:s3], [sflag:s2] =	dma.local @!p0 [hbm:s0], s1  }
0xf2: {  	s0 =	simm.s32 @!p0 $0xC  }
0xf3: {  	_ =	swait.ge @!p0 [sflag:s0], s1  }
0xf4: {  	s1 =	ssub.s32 @!p0 $0x0, s1;
	[sflag:s0] =	ssyncset.done @!p0 $0x0  }
0xf5: {  	[sflag:s0] =	ssyncadd.s32 @!p0 s1  }
0xf6: {  	[bflag:$0x3] =	sbarrier.arrive $0xFFFF  }
0xf7: {  	_ =	shalt  }

// kernel: kernel.18.cloned.1.call-start
scs
__scs_entry_jumppad:
0x0: {  	(pc) =	sbr.rel $0x88, $3  }
0x1: {  	(tag) =	ssettag $0x0;
	lr =	simm.s32 $0x1  }
0x2: {  	[smem:$0x3F94] =	sst lr;
	_ =	strace $0xD0000000  }
0x3: {  	_ = 	snop  }
0x4: {  	_ = 	snop  }
0x5: {  	_ = 	snop  }
0x6: {  	_ = 	snop  }
0x7: {  	_ = 	snop  }
__scs_overlays_trampoline_lowered:
0x8: {  	[smem:$0x3FA3] =	sst s0  }
0x9: {  	[smem:$0x3FA4] =	sst s1  }
0xa: {  	[smem:$0x3FA5] =	sst s2  }
0xb: {  	[smem:$0x3FA6] =	sst s3  }
0xc: {  	[smem:$0x3FA7] =	sst s4  }
0xd: {  	[smem:$0x3FA8] =	sst s5  }
0xe: {  	[smem:$0x3FA9] =	sst s6  }
0xf: {  	[smem:$0x3FAA] =	sst s7  }
0x10: {  	[smem:$0x3FAB] =	sst s8  }
0x11: {  	[smem:$0x3FAC] =	sst s9;
	s0 =	simm.s32 @!p0 $0x0  }
0x12: {  	s1 =	sld [smem:$0x3F92];
	s0 =	simm.s32 @p0 $0x1  }
0x13: {  	[smem:$0x3FAD] =	sst s0;
	s0 =	simm.s32 @!p1 $0x0  }
0x14: {  	s2 =	sld [smem:$0x3F91];
	s0 =	simm.s32 @p1 $0x1  }
0x15: {  	[smem:$0x3FAE] =	sst s0;
	s0 =	simm.s32 @!p2 $0x0  }
0x16: {  	s3 =	sld [smem:$0x3FDB];
	s0 =	simm.s32 @p2 $0x1  }
0x17: {  	s4 =	simm.s32 $0x1BF5;
	[smem:$0x3FB0] =	sst s0  }
0x18: {  	s0 =	sld [smem:$0x3F93];
	_ =	swait.ge [sflag:s4], $0x0  }
0x19: {  	s7 =	sld [smem:$0x3F94]  }
0x1a: {  	s8 =	sadd.s32 $0xFFFFE003, lr  }
0x1b: {  	s9 =	sadd.s32 $0xFFFFFEF7, lr;
	s5 =	simm.s32 $0xFFFFFFFF;
	p2 =	slt.u32 s8, $0xFFFFF086  }
0x1c: {  	p1 =	slt.u32 s9, $0xF7A;
	s5 =	simm.s32 @!p2 $0x0  }
0x1d: {  	s5 =	simm.s32 @p1 $0x1;
	p0 =	seq.s32 s7, s2  }
0x1e: {  	s7 =	smul.u32 @!p0 $0xF7A, s2;
	p2 =	seq.s32 @!p0 s5, $0x0  }
0x1f: {  	s9 =	smul.u32 $0xF7A, s1;
	s8 =	simm.s32 @!p0 $0x1BF5;
	p2 =	por !p2, p0  }
0x20: {  	[sflag:s8] =	ssyncset.s32 @!p0 $0xFFFFF086;
	s6 =	sadd.s32 @!p0 s3, s7;
	s7 =	simm.s32 @!p0 $0x108  }
0x21: {  	s3 =	sadd.s32 s3, s9;
	s6 =	sadd.s32 @!p0 $0x88, s6;
	s7 =	simm.s32 @p2 $0x1082  }
0x22: {  	[simem:s7], [sflag:s8] =	dma.local @!p0 [hbm:s6], $0xF7A  }
0x23: {  	s9 =	sor.u32 $0xD0000000, s2;
	s6 =	simm.s32 $0x108;
	_ =	swait.ge @!p0 [sflag:s8], $0x0  }
0x24: {  	s3 =	sadd.s32 $0x88, s3;
	s6 =	simm.s32 @!p1 $0x1082;
	[sflag:s4] =	ssyncset.s32 $0xFFFFF086  }
0x25: {  	[simem:s6], [sflag:s4] =	dma.local [hbm:s3], $0xF7A  }
0x26: {  	[smem:$0x3F94] =	sst s1;
	(tag) =	ssettag s2;
	_ =	strace s9  }
0x27: {  	s1 =	sld [smem:$0x3FA4]  }
0x28: {  	s2 =	sld [smem:$0x3FA5]  }
0x29: {  	s4 =	sld [smem:$0x3FA7]  }
0x2a: {  	p0 =	seq.s32 s5, $0x0;
	s5 =	sld [smem:$0x3FA8]  }
0x2b: {  	s6 =	sld [smem:$0x3FA9]  }
0x2c: {  	s7 =	sld [smem:$0x3FAA]  }
0x2d: {  	s3 =	simm.s32 $0x108;
	s8 =	sld [smem:$0x3FAB]  }
0x2e: {  	s3 =	simm.s32 @!p0 $0x1082;
	s9 =	sld [smem:$0x3FAC]  }
0x2f: {  	lr =	sadd.s32 s0, s3;
	s0 =	sld [smem:$0x3FA3]  }
0x30: {  	s3 =	sld [smem:$0x3FA6]  }
0x31: {  	[smem:$0x3FAF] =	sst s10  }
0x32: {  	s10 =	sld [smem:$0x3FAD];
	_ =	sdelay $0x3  }
0x33: {  	p0 =	seq.s32 s10, $0x1;
	s10 =	sld [smem:$0x3FAF];
	_ =	sdelay $0x3  }
0x34: {  	[smem:$0x3FAF] =	sst s10  }
0x35: {  	s10 =	sld [smem:$0x3FAE];
	_ =	sdelay $0x3  }
0x36: {  	p1 =	seq.s32 s10, $0x1;
	s10 =	sld [smem:$0x3FAF];
	_ =	sdelay $0x3  }
0x37: {  	[smem:$0x3FAF] =	sst s10  }
0x38: {  	s10 =	sld [smem:$0x3FB0]  }
0x39: {  	_ = 	snop;
	(pc) =	sbr.ind lr, $3  }
0x3a: {  	_ = 	snop  }
0x3b: {  	_ = 	snop  }
0x3c: {  	p2 =	seq.s32 s10, $0x1;
	s10 =	sld [smem:$0x3FAF]  }
0x3d: {  	_ =	shalt  }
0x3e: {  	_ =	shalt  }
0x3f: {  	_ =	shalt  }
0x40: {  	_ =	shalt  }
0x41: {  	_ =	shalt  }
0x42: {  	_ =	shalt  }
0x43: {  	_ =	shalt  }
0x44: {  	_ =	shalt  }
0x45: {  	_ =	shalt  }
0x46: {  	_ =	shalt  }
0x47: {  	_ =	shalt  }
0x48: {  	_ =	shalt  }
0x49: {  	_ =	shalt  }
0x4a: {  	_ =	shalt  }
0x4b: {  	_ =	shalt  }
0x4c: {  	_ =	shalt  }
0x4d: {  	_ =	shalt  }
0x4e: {  	_ =	shalt  }
0x4f: {  	_ =	shalt  }
0x50: {  	_ =	shalt  }
0x51: {  	_ =	shalt  }
0x52: {  	_ =	shalt  }
0x53: {  	_ =	shalt  }
0x54: {  	_ =	shalt  }
0x55: {  	_ =	shalt  }
0x56: {  	_ =	shalt  }
0x57: {  	_ =	shalt  }
0x58: {  	_ =	shalt  }
0x59: {  	_ =	shalt  }
0x5a: {  	_ =	shalt  }
0x5b: {  	_ =	shalt  }
0x5c: {  	_ =	shalt  }
0x5d: {  	_ =	shalt  }
0x5e: {  	_ =	shalt  }
0x5f: {  	_ =	shalt  }
0x60: {  	_ =	shalt  }
0x61: {  	_ =	shalt  }
0x62: {  	_ =	shalt  }
0x63: {  	_ =	shalt  }
0x64: {  	_ =	shalt  }
0x65: {  	_ =	shalt  }
0x66: {  	_ =	shalt  }
0x67: {  	_ =	shalt  }
0x68: {  	_ =	shalt  }
0x69: {  	_ =	shalt  }
0x6a: {  	_ =	shalt  }
0x6b: {  	_ =	shalt  }
0x6c: {  	_ =	shalt  }
0x6d: {  	_ =	shalt  }
0x6e: {  	_ =	shalt  }
0x6f: {  	_ =	shalt  }
0x70: {  	_ =	shalt  }
0x71: {  	_ =	shalt  }
0x72: {  	_ =	shalt  }
0x73: {  	_ =	shalt  }
0x74: {  	_ =	shalt  }
0x75: {  	_ =	shalt  }
0x76: {  	_ =	shalt  }
0x77: {  	_ =	shalt  }
0x78: {  	_ =	shalt  }
0x79: {  	_ =	shalt  }
0x7a: {  	_ =	shalt  }
0x7b: {  	_ =	shalt  }
0x7c: {  	_ =	shalt  }
0x7d: {  	_ =	shalt  }
0x7e: {  	_ =	shalt  }
0x7f: {  	_ =	shalt  }
0x80: {  	_ =	shalt  }
0x81: {  	_ =	shalt  }
0x82: {  	_ =	shalt  }
0x83: {  	_ =	shalt  }
0x84: {  	_ =	shalt  }
0x85: {  	_ =	shalt  }
0x86: {  	_ =	shalt  }
0x87: {  	_ =	shalt  }
.Lfunc_end0:
.L_simem_size_0:
called_computation.2_lowered:
.L_overlay_start_0:
0x88: {  	s2 =	sld [smem:$0x3FD9]  }
0x89: {  	s3 =	sld [smem:$0x3FFE];
	_ =	sdelay $0x1  }
0x8a: {  	s1 =	srdreg.scid  }
0x8b: {  	s0 =	sand.u32 $0x1, s1  }
0x8c: {  	s16 =	sshll.u32 s0, $0xA;
	s2 =	sadd.s32 s3, s2  }
0x8d: {  	s2 =	sadd.s32 s2, s16  }
0x8e: {  	[smem:$0x3FBB] =	sst s2  }
0x8f: {  	_ = 	snop  }
0x90: {  	(tm) =	ssettm $0x1  }
0x91: {  	s17 =	sld [smem:$0x3FFB];
	_ =	sdelay $0x3  }
0x92: {  	_ =	strace s17  }
0x93: {  	s2 =	sld [smem:$0x3FFC];
	_ =	sdelay $0x3  }
0x94: {  	_ =	strace s2  }
0x95: {  	s2 =	sld [smem:$0x3FFD];
	_ =	sdelay $0x3  }
0x96: {  	_ =	strace s2  }
0x97: {  	_ =	strace $0x8FFFFFFF  }
0x98: {  	s18 =	sld [smem:$0x3FDB];
	_ =	sdelay $0x1  }
0x99: {  	s19 =	simm.s32 $_scs_section_size  }
0x9a: {  	s4 =	simm.s32 $_size__tile_overlayer_lowered;
	s5 =	simm.s32 $_tile_overlayer_lowered  }
0x9b: {  	s22 =	simm.s32 $0x1BFF;
	s21 =	sshll.u32 s5, $0x1;
	s2 =	sadd.s32 s19, s18  }
0x9c: {  	s6 =	simm.s32 $0x0;
	s20 =	sshll.u32 s4, $0x1;
	s4 =	sadd.s32 s21, s2  }
0x9d: {  	[timem:s6], [sflag:s22] =	dma.local [hbm:s4], s20  }
0x9e: {  	_ =	swait.ge [sflag:s22], s20  }
0x9f: {  	s3 =	ssub.s32 $0x0, s20;
	[sflag:s22] =	ssyncset.done $0x0  }
0xa0: {  	[sflag:s22] =	ssyncadd.s32 s3;
	_ =	sdelay $0x1  }
0xa1: {  	s23 =	simm.s32 $0x1B8B  }
0xa2: {  	_ =	swait.ge [sflag:s23], $0x1  }
0xa3: {  	[sflag:s23] =	ssyncset.done $0x0  }
0xa4: {  	s25 =	simm.s32 $0x1B8E;
	s24 =	sld [smem:$0x3FFE];
	[sflag:s23] =	ssyncadd.s32 $0xFFFFFFFF  }
0xa5: {  	s26 =	simm.s32 $execute0_lowered;
	[smem:$0x3FD2] =	sst s25  }
0xa6: {  	s4 =	sshll.u32 s26, $0x1;
	_ =	strace $0x8000004C;
	[dreg:$0x1] =	wrdreg $0xFFFFFFFF  }
0xa7: {  	s28 =	simm.s32 $_size_execute0_lowered;
	s2 =	sadd.s32 s2, s4;
	[dreg:$0x0] =	wrdreg $0x0  }
0xa8: {  	s4 =	sshll.u32 s28, $0x1;
	[dreg:$0x2] =	wrdreg s2  }
0xa9: {  	[dreg:$0x3] =	wrdreg s4  }
0xaa: {  	[dreg:$0x4] =	wrdreg $0xC0  }
0xab: {  	_ =	task [dreg:s6], $0x5FFFF  }
0xac: {  	[dreg:$0x1] =	wrdreg $0xFFFFFFFF  }
0xad: {  	[dreg:$0x0] =	wrdreg $0x60  }
0xae: {  	[dreg:$0x2] =	wrdreg s24  }
0xaf: {  	[dreg:$0x3] =	wrdreg $0x146000  }
0xb0: {  	[dreg:$0x4] =	wrdreg $0xA8000  }
0xb1: {  	[dreg:$0x5] =	wrdreg $0x9  }
0xb2: {  	_ =	task.clear_ibuf [dreg:s6], $0x6FFFF;
	_ =	strace $0x9000004C  }
0xb3: {  	s29 =	simm.s32 $0x9;
	_ =	strace $0x8000004E  }
0xb4: {  	_ =	swait.ge [sflag:s29], $0x1  }
0xb5: {  	[sflag:s29] =	ssyncadd.s32 $0xFFFFFFFF  }
0xb6: {  	_ =	strace $0x9000004E  }
0xb7: {  	_ =	sfence  }
0xb8: {  	s30 =	sld [smem:$0x0];
	_ =	sdelay $0x2  }
0xb9: {  	s31 =	sshll.u32 s1, $0xD;
	s1 =	sshrl.u32 s1, $0x2  }
0xba: {  	s3 =	sand.u32 $0x4000, s31;
	s1 =	sadd.s32 s1, s30  }
0xbb: {  	s0 =	sor.u32 s3, s0;
	s1 =	sshll.u32 s1, $0x11  }
0xbc: {  	s0 =	sor.u32 s1, s0  }
0xbd: {  	s0 =	sadd.s32 $0x8F2B, s0  }
0xbe: {  	[sflag:s0] =	ssyncadd.remote.s32 $0x1  }
0xbf: {  	_ =	sfence.sel $0xFFFF  }
0xc0: {  	[dreg:$0x0] =	wrdreg $0xFFFFFFFF;
	(pc) =	sbr.abs _section_cstart, $3  }
0xc1: {  	[dreg:$0x1] =	wrdreg $0xFFFFFFFF  }
0xc2: {  	_ =	task.clear_ibuf [dreg:s6], $0x2FFFF;
	_ =	strace $0x9FFFFFFF  }
0xc3: {  	(tm) =	ssettm $0x7FFFFFFF  }
tec
execute0_lowered:
.L_overlay_start_1:
0x0: {  	(tag) =	ssettag $0x1  }
0x1: {  	s0 =	rddreg [dreg:$0x0]  }
0x2: {  	s2 =	rddreg [dreg:$0x1]  }
0x3: {  	s3 =	rddreg [dreg:$0x2];
	s4 =	simm.s32 $0x0  }
0x4: {  	s12 =	stileid.u32;
	s1 =	srdreg.scid;
	s16 =	simm.s32 $0x1400  }
0x5: {  	s28 =	simm.s32 $0x9;
	s29 =	simm.s32 $0x80;
	s30 =	simm.s32 $0x2800  }
0x6: {  	s31 =	simm.s32 $0x4800;
	s18 =	simm.s32 $0x8800;
	s5 =	smul.u32 $0xA00, s12  }
0x7: {  	s17 =	simm.s32 $0x5;
	[smem:$0x7FF] =	sst s4;
	s8 =	smul.u32 $0x9C00, s12  }
0x8: {  	s1 =	sand.u32 $0x1, s1;
	s7 =	sadd.s32 $0x8C800, s0;
	s21 =	smul.u32 $0x27800, s12  }
0x9: {  	s23 =	sshll.u32 s12, $0x6;
	p0 =	sne.s32 s12, $0xF;
	s12 =	simm.s32 $0x1  }
0xa: {  	_ =	strace $0x8000004D;
	s6 =	smul.u32 $0x13880, s1;
	[dreg:$0x4] =	wrdreg s7  }
0xb: {  	s1 =	ssub.s32 $0x2, s1;
	s11 =	sor.u32 $0x1C0B, s23;
	s5 =	sadd.s32 s5, s0  }
0xc: {  	s20 =	sshrl.u32 s1, $0x1;
	s10 =	sshrl.u32 s8, $0x3;
	s22 =	sadd.s32 s8, s2  }
0xd: {  	[dreg:$0x9] =	wrdreg s11;
	s11 =	sadd.s32 $0x9C000, s2;
	s24 =	sadd.s32 s8, s3  }
0xe: {  	s8 =	sadd.s32 $0x9C000, s3;
	s0 =	sadd.s32 s6, s0;
	s1 =	ssub.s32 s1, s20  }
0xf: {  	s6 =	sadd.s32 $0x3400, s5;
	s9 =	sadd.s32 $0x3540, s5;
	[dreg:$0x6] =	wrdreg s10  }
0x10: {  	s7 =	sadd.s32 $0xD400, s5;
	s5 =	sadd.s32 $0xD540, s5;
	[dreg:$0x5] =	wrdreg s9  }
0x11: {  	s25 =	sshrl.u32 s22, $0x3;
	s20 =	sor.u32 $0x1C0C, s23;
	[dreg:$0x7] =	wrdreg s5  }
0x12: {  	s10 =	sadd.s32 s10, s0;
	s9 =	sshrl.u32 s21, $0x2;
	s13 =	sadd.s32 $0x78E00, s0  }
0x13: {  	s0 =	sadd.s32 $0x8DC00, s0;
	s1 =	smax.u32 s1, $0x1;
	[dreg:$0xd] =	wrdreg s25  }
0x14: {  	s21 =	simm.s32 $0xC;
	s5 =	simm.s32 $0x3;
	[dreg:$0xa] =	wrdreg s13  }
0x15: {  	s10 =	sadd.s32 $0x65600, s10;
	s9 =	sadd.s32 s9, s3;
	[dreg:$0xb] =	wrdreg s0  }
0x16: {  	[dreg:$0xc] =	wrdreg s1;
	s1 =	sshrl.u32 @!p0 s11, $0x3;
	s0 =	sshrl.u32 s24, $0x3  }
.Ltmp0:
0x17: {  	s11 =	simm.s32 $0x7;
	[dreg:$0x8] =	wrdreg s10;
	(pc) =	sbr.rel .LBB2_1-.Ltmp0, $4  }
0x18: {  	s13 =	simm.s32 $0x0;
	s26 =	sshrl.u32 s9, $0x3;
	[dreg:$0xf] =	wrdreg s1  }
0x19: {  	[dreg:$0x10] =	wrdreg s0;
	s0 =	sshrl.u32 @!p0 s8, $0x3;
	s1 =	simm.s32 $0x6800  }
0x1a: {  	s8 =	simm.s32 $0x6;
	s10 =	simm.s32 $0x4;
	[dreg:$0xe] =	wrdreg s26  }
0x1b: {  	s9 =	simm.s32 $0x8;
	[dreg:$0x11] =	wrdreg s0;
	s0 =	simm.s32 $0x2  }
.LBB2_11:
0x1c: {  	_ =	swait.ge [sflag:s17], $0x2000  }
0x1d: {  	[sflag:s17] =	ssyncset.done $0x0  }
0x1e: {  	[sflag:s17] =	ssyncadd.s32 $0xFFFFE000  }
0x1f: {  	_ =	swait.ge [sflag:s8], $0x2000  }
0x20: {  	[sflag:s8] =	ssyncset.done $0x0  }
0x21: {  	[sflag:s8] =	ssyncadd.s32 $0xFFFFE000  }
0x22: {  	_ =	swait.ge [sflag:s11], $0x2000  }
0x23: {  	[sflag:s11] =	ssyncset.done $0x0  }
0x24: {  	[sflag:s11] =	ssyncadd.s32 $0xFFFFE000  }
0x25: {  	_ =	swait.ge [sflag:s9], $0x2000  }
0x26: {  	[sflag:s9] =	ssyncset.done $0x0  }
0x27: {  	[sflag:s9] =	ssyncadd.s32 $0xFFFFE000  }
0x28: {  	[bflag:$0x0] =	sbarrier.arrive $0xFFFF  }
0x29: {  	s14 =	rddreg [dreg:$0x6]  }
0x2a: {  	s15 =	rddreg [dreg:$0xb]  }
0x2b: {  	s21 =	simm.s32 $0xC;
	s19 =	rddreg [dreg:$0x10];
	s14 =	sadd.s32 s14, s15  }
0x2c: {  	[hbm:s14], [sflag:s20] =	dma.local [spmem:s19], $0x1380  }
0x2d: {  	_ =	swait.ge [sflag:s21], $0x1380  }
0x2e: {  	[sflag:s21] =	ssyncset.done $0x0  }
0x2f: {  	s14 =	sadd.s32 @!p0 $0x13800, s15;
	s15 =	rddreg [dreg:$0x11];
	[sflag:s21] =	ssyncadd.s32 $0xFFFFEC80  }
0x30: {  	[hbm:s14], [sflag:s20] =	dma.local @!p0 [spmem:s15], $0x80  }
0x31: {  	s14 =	simm.s32 @!p0 $0xC  }
0x32: {  	_ =	swait.ge @!p0 [sflag:s14], $0x80  }
0x33: {  	s13 =	sadd.s32 $0x1, s13;
	s26 =	rddreg [dreg:$0xc]  }
0x34: {  	p1 =	sne.s32 s13, s26  }
.Ltmp1:
0x35: {  	_ = 	snop;
	(pc) =	sbr.rel @!p1 .LBB2_12-.Ltmp1, $3  }
0x36: {  	_ =	sdelay $0x1  }
0x37: {  	[sflag:s14] =	ssyncset.done @!p0 $0x0  }
0x38: {  	[sflag:s14] =	ssyncadd.s32 @!p0 $0xFFFFFF80  }
.LBB2_1:
0x39: {  	[tilespmem:s4], [sflag:$0x9] =	stream.linear.gather [hbm4b:s6+s4], $0xA00, $0x38;
	[tilespmem:$0x1E240] =	vst v63  }
0x3a: {  	s14 =	rddreg [dreg:$0x5]  }
0x3b: {  	s23 =	rddreg [dreg:$0x7]  }
0x3c: {  	s25 =	rddreg [dreg:$0x8]  }
0x3d: {  	[tilespmem:s16], [sflag:$0x9] =	stream.linear.gather [hbm4b:s7+s4], $0xA00, $0x38;
	[tilespmem:$0x1E240] =	vst v63  }
0x3e: {  	s15 =	simm.s32 $0xA00;
	s26 =	rddreg [dreg:$0x9]  }
0x3f: {  	[tilespmem:s15], [sflag:$0xA] =	stream.linear.gather [hbm4b:s14+s4], $0xA00, $0x38;
	[tilespmem:$0x1E240] =	vst v63  }
0x40: {  	s24 =	simm.s32 $0x1E00;
	s19 =	rddreg [dreg:$0xd]  }
0x41: {  	[tilespmem:s24], [sflag:$0xA] =	stream.linear.gather [hbm4b:s23+s4], $0xA00, $0x38;
	[tilespmem:$0x1E240] =	vst v63  }
0x42: {  	[spmem:s19], [sflag:s26] =	dma.local [hbm:s25], $0x1380  }
0x43: {  	s14 =	rddreg [dreg:$0x4]  }
0x44: {  	s15 =	rddreg [dreg:$0xe]  }
0x45: {  	[spmem:s15], [sflag:s20] =	dma.local [hbm:s14], $0x13C0  }
0x46: {  	_ =	swait.ge [sflag:s21], $0x13C0  }
0x47: {  	[sflag:s21] =	ssyncset.done $0x0;
	s14 =	rddreg [dreg:$0xa]  }
0x48: {  	s15 =	rddreg [dreg:$0xf];
	[sflag:s21] =	ssyncadd.s32 $0xFFFFEC40  }
0x49: {  	[spmem:s15], [sflag:s20] =	dma.local @!p0 [hbm:s14], $0x80  }
0x4a: {  	s15 =	simm.s32 @!p0 $0xC  }
0x4b: {  	_ =	swait.ge @!p0 [sflag:s15], $0x80  }
0x4c: {  	[sflag:s15] =	ssyncset.done @!p0 $0x0  }
0x4d: {  	[sflag:s15] =	ssyncadd.s32 @!p0 $0xFFFFFF80;
	s15 =	simm.s32 $0xB  }
0x4e: {  	_ =	swait.ge [sflag:s15], $0x1380  }
0x4f: {  	[sflag:s15] =	ssyncset.done $0x0  }
0x50: {  	[sflag:s15] =	ssyncadd.s32 $0xFFFFEC80  }
0x51: {  	_ =	swait.ge [sflag:s28], $0xA00  }
0x52: {  	[sflag:s28] =	ssyncset.done $0x0  }
0x53: {  	[sflag:s28] =	ssyncadd.s32 $0xFFFFF600  }
0x54: {  	_ =	swait.ge [sflag:s28], $0xA00  }
0x55: {  	[sflag:s28] =	ssyncset.done $0x0  }
0x56: {  	[sflag:s28] =	ssyncadd.s32 $0xFFFFF600  }
0x57: {  	[bflag:$0x0] =	sbarrier.arrive $0xFFFF  }
0x58: {  	[tilespmem:s30], [sflag:$0x1] =	stream.indirect.gather [spmem:s2], $0x40, s4, s29, $0xb8;
	[tilespmem:$0x1E240] =	vst v63  }
0x59: {  	_ = 	snop  }
0x5a: {  	[tilespmem:s31], [sflag:$0x2] =	stream.indirect.gather [spmem:s2], $0x40, s29, s29, $0xb8;
	[tilespmem:$0x1E240] =	vst v63  }
0x5b: {  	s19 =	simm.s32 $0x100  }
0x5c: {  	[tilespmem:s1], [sflag:$0x3] =	stream.indirect.gather [spmem:s2], $0x40, s19, s29, $0xb8;
	[tilespmem:$0x1E240] =	vst v63  }
0x5d: {  	_ =	swait.ge [sflag:s12], $0x2000  }
0x5e: {  	[sflag:s12] =	ssyncset.done $0x0  }
0x5f: {  	[sflag:s12] =	ssyncadd.s32 $0xFFFFE000  }
0x60: {  	[spmem:s3] =	stream.indirect.scatter.add.f32 [tilespmem:s30], [sflag:$0x5], $0x40, s16, s29, $0xb8;
	[tilespmem:$0x1E240] =	vst v63  }
0x61: {  	s21 =	simm.s32 $0x180  }
0x62: {  	[tilespmem:s18], [sflag:$0x4] =	stream.indirect.gather [spmem:s2], $0x40, s21, s29, $0xb8;
	[tilespmem:$0x1E240] =	vst v63  }
0x63: {  	_ =	swait.ge [sflag:s0], $0x2000  }
0x64: {  	[sflag:s0] =	ssyncset.done $0x0  }
0x65: {  	s22 =	simm.s32 $0x1480;
	[sflag:s0] =	ssyncadd.s32 $0xFFFFE000  }
0x66: {  	[spmem:s3] =	stream.indirect.scatter.add.f32 [tilespmem:s31], [sflag:$0x6], $0x40, s22, s29, $0xb8;
	[tilespmem:$0x1E240] =	vst v63  }
0x67: {  	_ =	swait.ge [sflag:s17], $0x2000  }
0x68: {  	[sflag:s17] =	ssyncset.done $0x0  }
0x69: {  	s23 =	simm.s32 $0x200;
	[sflag:s17] =	ssyncadd.s32 $0xFFFFE000  }
0x6a: {  	[tilespmem:s30], [sflag:$0x1] =	stream.indirect.gather [spmem:s2], $0x40, s23, s29, $0xb8;
	[tilespmem:$0x1E240] =	vst v63  }
0x6b: {  	_ =	swait.ge [sflag:s5], $0x2000  }
0x6c: {  	[sflag:s5] =	ssyncset.done $0x0  }
0x6d: {  	s24 =	simm.s32 $0x1500;
	[sflag:s5] =	ssyncadd.s32 $0xFFFFE000  }
0x6e: {  	[spmem:s3] =	stream.indirect.scatter.add.f32 [tilespmem:s1], [sflag:$0x7], $0x40, s24, s29, $0xb8;
	[tilespmem:$0x1E240] =	vst v63  }
0x6f: {  	_ =	swait.ge [sflag:s8], $0x2000  }
0x70: {  	[sflag:s8] =	ssyncset.done $0x0  }
0x71: {  	s25 =	simm.s32 $0x280;
	[sflag:s8] =	ssyncadd.s32 $0xFFFFE000  }
0x72: {  	[tilespmem:s31], [sflag:$0x2] =	stream.indirect.gather [spmem:s2], $0x40, s25, s29, $0xb8;
	[tilespmem:$0x1E240] =	vst v63  }
.Ltmp2:
0x73: {  	_ = 	snop;
	(pc) =	sbr.rel .LBB2_2-.Ltmp2, $4  }
0x74: {  	_ =	swait.ge [sflag:s10], $0x2000  }
0x75: {  	[sflag:s10] =	ssyncset.done $0x0  }
0x76: {  	s26 =	simm.s32 $0x1580;
	s15 =	simm.s32 $0x1;
	[sflag:s10] =	ssyncadd.s32 $0xFFFFE000  }
0x77: {  	[spmem:s3] =	stream.indirect.scatter.add.f32 [tilespmem:s18], [sflag:$0x8], $0x40, s26, s29, $0xb8;
	[tilespmem:$0x1E240] =	vst v63  }
.LBB2_9:
0x78: {  	_ =	swait.ge [sflag:s5], $0x2000  }
0x79: {  	[sflag:s5] =	ssyncset.done $0x0  }
0x7a: {  	[sflag:s5] =	ssyncadd.s32 $0xFFFFE000  }
0x7b: {  	[spmem:s3] =	stream.indirect.scatter.add.f32 [tilespmem:s1], [sflag:$0x7], $0x40, s25, s29, $0xb8;
	[tilespmem:$0x1E240] =	vst v63  }
.LBB2_10:
0x7c: {  	s15 =	sadd.s32 $0x1, s15  }
0x7d: {  	p1 =	sne.s32 s15, $0x28  }
.Ltmp3:
0x7e: {  	_ = 	snop;
	(pc) =	sbr.rel @!p1 .LBB2_11-.Ltmp3, $4  }
0x7f: {  	_ =	swait.ge [sflag:s10], $0x2000  }
0x80: {  	[sflag:s10] =	ssyncset.done $0x0  }
0x81: {  	s14 =	sadd.s32 $0x1400, s21;
	[sflag:s10] =	ssyncadd.s32 $0xFFFFE000  }
0x82: {  	[spmem:s3] =	stream.indirect.scatter.add.f32 [tilespmem:s18], [sflag:$0x8], $0x40, s14, s29, $0xb8;
	[tilespmem:$0x1E240] =	vst v63  }
.LBB2_2:
0x83: {  	s19 =	sshll.u32 s15, $0x2  }
0x84: {  	s21 =	sor.u32 $0x2, s19  }
0x85: {  	s23 =	sand.u32 $0xFE, s21  }
0x86: {  	s23 =	smul.u32 $0xCD, s23;
	_ =	sdelay $0x1  }
0x87: {  	s23 =	sshrl.u32 s23, $0xD  }
0x88: {  	s23 =	smul.u32 $0x28, s23;
	_ =	sdelay $0x1  }
0x89: {  	s22 =	sand.u32 $0xFC, s19;
	s21 =	ssub.s32 s21, s23  }
0x8a: {  	_ =	swait.ge [sflag:s11], $0x2000;
	s24 =	smul.u32 $0xCD, s22;
	s21 =	sand.u32 $0xFE, s21  }
0x8b: {  	s26 =	sand.u32 $0xFF, s15;
	[sflag:s11] =	ssyncset.done $0x0;
	s21 =	sshll.u32 s21, $0x9  }
0x8c: {  	s23 =	smul.u32 $0xCD, s26;
	s25 =	sshrl.u32 s21, $0x2;
	s21 =	sshrl.u32 s24, $0xD  }
0x8d: {  	[sflag:s11] =	ssyncadd.s32 $0xFFFFE000;
	s21 =	smul.u32 $0x28, s21  }
0x8e: {  	[tilespmem:s1], [sflag:$0x3] =	stream.indirect.gather [spmem:s2], $0x40, s25, s29, $0xb8;
	[tilespmem:$0x1E240] =	vst v63  }
0x8f: {  	s24 =	sshrl.u32 s23, $0xB;
	s21 =	ssub.s32 s19, s21  }
0x90: {  	s24 =	smul.u32 $0xA, s24;
	_ =	swait.ge [sflag:s12], $0x2000;
	s21 =	sand.u32 $0xFC, s21  }
0x91: {  	p1 =	sgt.u32 s15, $0x22;
	[sflag:s12] =	ssyncset.done $0x0;
	s21 =	sshll.u32 s21, $0x7  }
0x92: {  	s24 =	ssub.s32 s15, s24;
	[sflag:s12] =	ssyncadd.s32 $0xFFFFE000;
	s21 =	sadd.s32 $0x1400, s21  }
0x93: {  	[spmem:s3] =	stream.indirect.scatter.add.f32 [tilespmem:s30], [sflag:$0x5], $0x40, s21, s29, $0xb8;
	[tilespmem:$0x1E240] =	vst v63  }
0x94: {  	s21 =	sand.u32 @!p1 $0xFF, s24  }
0x95: {  	p2 =	seq.s32 @!p1 s21, $0x4  }
0x96: {  	p1 =	por p1, !p2  }
0x97: {  	p2 =	sgt.u32 @p1 s15, $0x1D  }
0x98: {  	p3 =	por p2, !p1  }
0x99: {  	s21 =	sand.u32 @!p3 $0xFF, s24  }
0x9a: {  	p3 =	sne.s32 @!p3 s21, $0x9  }
0x9b: {  	p2 =	por @p1 p2, p3  }
0x9c: {  	p2 =	por !p1, !p2  }
.Ltmp4:
0x9d: {  	_ = 	snop;
	(pc) =	sbr.rel @!p2 .LBB2_4-.Ltmp4, $1  }
0x9e: {  	_ =	sdelay $0x3  }
0x9f: {  	s21 =	simm.s32 $0xA  }
0xa0: {  	s21 =	simm.s32 @p1 $0x9  }
0xa1: {  	_ =	swait.ge [sflag:s21], $0xA00  }
0xa2: {  	[sflag:s21] =	ssyncset.done $0x0  }
0xa3: {  	[sflag:s21] =	ssyncadd.s32 $0xFFFFF600  }
0xa4: {  	_ =	swait.ge [sflag:s21], $0xA00  }
0xa5: {  	[sflag:s21] =	ssyncset.done $0x0  }
0xa6: {  	[sflag:s21] =	ssyncadd.s32 $0xFFFFF600  }
.LBB2_4:
0xa7: {  	s21 =	sor.u32 $0x3, s19  }
0xa8: {  	s26 =	sand.u32 $0xFF, s21  }
0xa9: {  	s26 =	smul.u32 $0xCD, s26;
	_ =	sdelay $0x1  }
0xaa: {  	s26 =	sshrl.u32 s26, $0xD  }
0xab: {  	s14 =	sor.u32 $0x1, s19;
	s26 =	smul.u32 $0x28, s26  }
0xac: {  	s22 =	sand.u32 $0xFF, s14  }
0xad: {  	s22 =	smul.u32 $0xCD, s22;
	s21 =	ssub.s32 s21, s26  }
0xae: {  	_ =	swait.ge [sflag:s9], $0x2000;
	p1 =	seq.s32 s15, $0x27;
	s21 =	sand.u32 $0xFF, s21  }
0xaf: {  	[sflag:s9] =	ssyncset.done $0x0;
	s22 =	sshrl.u32 s22, $0xD;
	s21 =	sshll.u32 s21, $0x9  }
0xb0: {  	[sflag:s9] =	ssyncadd.s32 $0xFFFFE000;
	s22 =	smul.u32 $0x28, s22;
	s21 =	sshrl.u32 s21, $0x2  }
0xb1: {  	[tilespmem:s18], [sflag:$0x4] =	stream.indirect.gather [spmem:s2], $0x40, s21, s29, $0xb8;
	[tilespmem:$0x1E240] =	vst v63  }
.Ltmp5:
0xb2: {  	s14 =	ssub.s32 s14, s22;
	(pc) =	sbr.rel @p1 .LBB2_9-.Ltmp5, $4  }
0xb3: {  	s14 =	sand.u32 $0xFF, s14;
	_ =	swait.ge [sflag:s0], $0x2000  }
0xb4: {  	s14 =	sshll.u32 s14, $0x7;
	[sflag:s0] =	ssyncset.done $0x0  }
0xb5: {  	s25 =	sadd.s32 $0x1400, s25;
	s14 =	sadd.s32 $0x1400, s14;
	[sflag:s0] =	ssyncadd.s32 $0xFFFFE000  }
0xb6: {  	[spmem:s3] =	stream.indirect.scatter.add.f32 [tilespmem:s31], [sflag:$0x6], $0x40, s14, s29, $0xb8;
	[tilespmem:$0x1E240] =	vst v63  }
0xb7: {  	s14 =	sadd.s32 $0x4, s19  }
0xb8: {  	s22 =	sand.u32 $0xFF, s14  }
0xb9: {  	s22 =	smul.u32 $0xCD, s22;
	_ =	sdelay $0x1  }
0xba: {  	s22 =	sshrl.u32 s22, $0xD  }
0xbb: {  	s22 =	smul.u32 $0x28, s22;
	_ =	sdelay $0x1  }
0xbc: {  	_ =	swait.ge [sflag:s17], $0x2000;
	s14 =	ssub.s32 s14, s22  }
0xbd: {  	[sflag:s17] =	ssyncset.done $0x0;
	s14 =	sand.u32 $0xFF, s14  }
0xbe: {  	p1 =	sgt.u32 s15, $0x19;
	[sflag:s17] =	ssyncadd.s32 $0xFFFFE000;
	s14 =	sshll.u32 s14, $0x7  }
0xbf: {  	[tilespmem:s30], [sflag:$0x1] =	stream.indirect.gather [spmem:s2], $0x40, s14, s29, $0xb8;
	[tilespmem:$0x1E240] =	vst v63  }
0xc0: {  	s14 =	sand.u32 @!p1 $0xFF, s24  }
0xc1: {  	p2 =	sne.s32 @!p1 s14, $0x5  }
0xc2: {  	p1 =	por p1, p2  }
.Ltmp6:
0xc3: {  	_ = 	snop;
	(pc) =	sbr.rel @p1 .LBB2_7-.Ltmp6, $1  }
0xc4: {  	_ =	sdelay $0x3  }
0xc5: {  	s14 =	sshrl.u32 s23, $0xA  }
0xc6: {  	s14 =	smul.u32 $0xA00, s14;
	_ =	sdelay $0x1  }
0xc7: {  	s14 =	sshrl.u32 s14, $0x3  }
.Ltmp7:
0xc8: {  	s14 =	sadd.s32 $0x140, s14;
	(pc) =	sbr.rel .LBB2_8-.Ltmp7, $4  }
0xc9: {  	s22 =	sadd.s32 s6, s14  }
0xca: {  	[tilespmem:s4], [sflag:$0x9] =	stream.linear.gather [hbm4b:s22+s4], $0xA00, $0x38;
	[tilespmem:$0x1E240] =	vst v63  }
0xcb: {  	s14 =	sadd.s32 s7, s14  }
0xcc: {  	[tilespmem:s16], [sflag:$0x9] =	stream.linear.gather [hbm4b:s14+s4], $0xA00, $0x38;
	[tilespmem:$0x1E240] =	vst v63  }
.LBB2_7:
0xcd: {  	p1 =	sgt.u32 s15, $0x1E  }
0xce: {  	s14 =	sand.u32 @!p1 $0xFF, s24  }
0xcf: {  	p2 =	sne.s32 @!p1 s14, $0x0  }
0xd0: {  	p1 =	por p2, p1  }
0xd1: {  	s14 =	sand.u32 @!p1 $0xFF, s15  }
0xd2: {  	s14 =	smul.u32 @!p1 $0xCD, s14;
	_ =	sdelay $0x1  }
0xd3: {  	s14 =	sshrl.u32 @!p1 s14, $0xA  }
0xd4: {  	s14 =	smul.u32 @!p1 $0xA00, s14;
	_ =	sdelay $0x1  }
0xd5: {  	s14 =	sshrl.u32 @!p1 s14, $0x3  }
0xd6: {  	s14 =	sadd.s32 @!p1 $0x140, s14  }
0xd7: {  	s23 =	simm.s32 @!p1 $0x0;
	s24 =	simm.s32 @!p1 $0xA00;
	s22 =	sadd.s32 @!p1 s6, s14  }
0xd8: {  	[tilespmem:s24], [sflag:$0xA] =	stream.linear.gather @!p1 [hbm4b:s22+s23], $0xA00, $0x38;
	[tilespmem:$0x1E240] =	vst v63  }
0xd9: {  	s14 =	sadd.s32 @!p1 s7, s14;
	s22 =	simm.s32 @!p1 $0x1E00  }
0xda: {  	[tilespmem:s22], [sflag:$0xA] =	stream.linear.gather @!p1 [hbm4b:s14+s23], $0xA00, $0x38;
	[tilespmem:$0x1E240] =	vst v63  }
.LBB2_8:
0xdb: {  	s14 =	sadd.s32 $0x5, s19;
	_ =	swait.ge [sflag:s5], $0x2000  }
0xdc: {  	s19 =	sand.u32 $0xFF, s14;
	[sflag:s5] =	ssyncset.done $0x0  }
0xdd: {  	s19 =	smul.u32 $0xCD, s19;
	[sflag:s5] =	ssyncadd.s32 $0xFFFFE000  }
0xde: {  	[spmem:s3] =	stream.indirect.scatter.add.f32 [tilespmem:s1], [sflag:$0x7], $0x40, s25, s29, $0xb8;
	[tilespmem:$0x1E240] =	vst v63  }
0xdf: {  	s19 =	sshrl.u32 s19, $0xD  }
0xe0: {  	s19 =	smul.u32 $0x28, s19  }
.Ltmp8:
0xe1: {  	_ = 	snop;
	(pc) =	sbr.rel .LBB2_10-.Ltmp8, $4  }
0xe2: {  	_ =	swait.ge [sflag:s8], $0x2000;
	s14 =	ssub.s32 s14, s19  }
0xe3: {  	[sflag:s8] =	ssyncset.done $0x0;
	s14 =	sand.u32 $0xFF, s14  }
0xe4: {  	[sflag:s8] =	ssyncadd.s32 $0xFFFFE000;
	s14 =	sshll.u32 s14, $0x7  }
0xe5: {  	[tilespmem:s31], [sflag:$0x2] =	stream.indirect.gather [spmem:s2], $0x40, s14, s29, $0xb8;
	[tilespmem:$0x1E240] =	vst v63  }
.LBB2_12:
0xe6: {  	_ =	sfence.sel $0x180000  }
0xe7: {  	[bflag:$0x0] =	sbarrier.arrive $0xFFFF  }
0xe8: {  	_ =	strace $0x9000004D  }
0xe9: {  	s0 =	stileid.u32;
	[bflag:$0x2] =	sbarrier.arrive $0xFFFF  }
0xea: {  	p0 =	sne.s32 s0, $0x0;
	s0 =	rddreg [dreg:$0x3]  }
0xeb: {  	s0 =	sadd.s32 @!p0 $0x100000, s0  }
0xec: {  	[sflag:s0] =	ssyncadd.tile.s32 @!p0 $0x1;
	_ =	shalt  }
.Lfunc_end2:
_tile_overlayer_lowered:
.L_overlay_start_2:
0xed: {  	(tag) =	ssettag $0x2  }
0xee: {  	s0 =	rddreg [dreg:$0x0];
	s2 =	stileid.u32  }
0xef: {  	s1 =	rddreg [dreg:$0x1];
	p0 =	sne.s32 s2, $0x0  }
0xf0: {  	s3 =	rddreg [dreg:$0x2];
	[bflag:$0x3] =	sbarrier.arrive $0xFFFF;
	s2 =	simm.s32 @!p0 $0x1C0C  }
0xf1: {  	[timem:s3], [sflag:s2] =	dma.local @!p0 [hbm:s0], s1  }
0xf2: {  	s0 =	simm.s32 @!p0 $0xC  }
0xf3: {  	_ =	swait.ge @!p0 [sflag:s0], s1  }
0xf4: {  	s1 =	ssub.s32 @!p0 $0x0, s1;
	[sflag:s0] =	ssyncset.done @!p0 $0x0  }
0xf5: {  	[sflag:s0] =	ssyncadd.s32 @!p0 s1  }
0xf6: {  	[bflag:$0x3] =	sbarrier.arrive $0xFFFF  }
0xf7: {  	_ =	shalt  }

// kernel: kernel.21.cloned.1.call-start
scs
__scs_entry_jumppad:
0x0: {  	(pc) =	sbr.rel $0x88, $3  }
0x1: {  	(tag) =	ssettag $0x0;
	lr =	simm.s32 $0x1  }
0x2: {  	[smem:$0x3F94] =	sst lr;
	_ =	strace $0xD0000000  }
0x3: {  	_ = 	snop  }
0x4: {  	_ = 	snop  }
0x5: {  	_ = 	snop  }
0x6: {  	_ = 	snop  }
0x7: {  	_ = 	snop  }
__scs_overlays_trampoline_lowered:
0x8: {  	[smem:$0x3FA3] =	sst s0  }
0x9: {  	[smem:$0x3FA4] =	sst s1  }
0xa: {  	[smem:$0x3FA5] =	sst s2  }
0xb: {  	[smem:$0x3FA6] =	sst s3  }
0xc: {  	[smem:$0x3FA7] =	sst s4  }
0xd: {  	[smem:$0x3FA8] =	sst s5  }
0xe: {  	[smem:$0x3FA9] =	sst s6  }
0xf: {  	[smem:$0x3FAA] =	sst s7  }
0x10: {  	[smem:$0x3FAB] =	sst s8  }
0x11: {  	[smem:$0x3FAC] =	sst s9;
	s0 =	simm.s32 @!p0 $0x0  }
0x12: {  	s1 =	sld [smem:$0x3F92];
	s0 =	simm.s32 @p0 $0x1  }
0x13: {  	[smem:$0x3FAD] =	sst s0;
	s0 =	simm.s32 @!p1 $0x0  }
0x14: {  	s2 =	sld [smem:$0x3F91];
	s0 =	simm.s32 @p1 $0x1  }
0x15: {  	[smem:$0x3FAE] =	sst s0;
	s0 =	simm.s32 @!p2 $0x0  }
0x16: {  	s3 =	sld [smem:$0x3FDB];
	s0 =	simm.s32 @p2 $0x1  }
0x17: {  	s4 =	simm.s32 $0x1BF5;
	[smem:$0x3FB0] =	sst s0  }
0x18: {  	s0 =	sld [smem:$0x3F93];
	_ =	swait.ge [sflag:s4], $0x0  }
0x19: {  	s7 =	sld [smem:$0x3F94]  }
0x1a: {  	s8 =	sadd.s32 $0xFFFFE003, lr  }
0x1b: {  	s9 =	sadd.s32 $0xFFFFFEF7, lr;
	s5 =	simm.s32 $0xFFFFFFFF;
	p2 =	slt.u32 s8, $0xFFFFF086  }
0x1c: {  	p1 =	slt.u32 s9, $0xF7A;
	s5 =	simm.s32 @!p2 $0x0  }
0x1d: {  	s5 =	simm.s32 @p1 $0x1;
	p0 =	seq.s32 s7, s2  }
0x1e: {  	s7 =	smul.u32 @!p0 $0xF7A, s2;
	p2 =	seq.s32 @!p0 s5, $0x0  }
0x1f: {  	s9 =	smul.u32 $0xF7A, s1;
	s8 =	simm.s32 @!p0 $0x1BF5;
	p2 =	por !p2, p0  }
0x20: {  	[sflag:s8] =	ssyncset.s32 @!p0 $0xFFFFF086;
	s6 =	sadd.s32 @!p0 s3, s7;
	s7 =	simm.s32 @!p0 $0x108  }
0x21: {  	s3 =	sadd.s32 s3, s9;
	s6 =	sadd.s32 @!p0 $0x88, s6;
	s7 =	simm.s32 @p2 $0x1082  }
0x22: {  	[simem:s7], [sflag:s8] =	dma.local @!p0 [hbm:s6], $0xF7A  }
0x23: {  	s9 =	sor.u32 $0xD0000000, s2;
	s6 =	simm.s32 $0x108;
	_ =	swait.ge @!p0 [sflag:s8], $0x0  }
0x24: {  	s3 =	sadd.s32 $0x88, s3;
	s6 =	simm.s32 @!p1 $0x1082;
	[sflag:s4] =	ssyncset.s32 $0xFFFFF086  }
0x25: {  	[simem:s6], [sflag:s4] =	dma.local [hbm:s3], $0xF7A  }
0x26: {  	[smem:$0x3F94] =	sst s1;
	(tag) =	ssettag s2;
	_ =	strace s9  }
0x27: {  	s1 =	sld [smem:$0x3FA4]  }
0x28: {  	s2 =	sld [smem:$0x3FA5]  }
0x29: {  	s4 =	sld [smem:$0x3FA7]  }
0x2a: {  	p0 =	seq.s32 s5, $0x0;
	s5 =	sld [smem:$0x3FA8]  }
0x2b: {  	s6 =	sld [smem:$0x3FA9]  }
0x2c: {  	s7 =	sld [smem:$0x3FAA]  }
0x2d: {  	s3 =	simm.s32 $0x108;
	s8 =	sld [smem:$0x3FAB]  }
0x2e: {  	s3 =	simm.s32 @!p0 $0x1082;
	s9 =	sld [smem:$0x3FAC]  }
0x2f: {  	lr =	sadd.s32 s0, s3;
	s0 =	sld [smem:$0x3FA3]  }
0x30: {  	s3 =	sld [smem:$0x3FA6]  }
0x31: {  	[smem:$0x3FAF] =	sst s10  }
0x32: {  	s10 =	sld [smem:$0x3FAD];
	_ =	sdelay $0x3  }
0x33: {  	p0 =	seq.s32 s10, $0x1;
	s10 =	sld [smem:$0x3FAF];
	_ =	sdelay $0x3  }
0x34: {  	[smem:$0x3FAF] =	sst s10  }
0x35: {  	s10 =	sld [smem:$0x3FAE];
	_ =	sdelay $0x3  }
0x36: {  	p1 =	seq.s32 s10, $0x1;
	s10 =	sld [smem:$0x3FAF];
	_ =	sdelay $0x3  }
0x37: {  	[smem:$0x3FAF] =	sst s10  }
0x38: {  	s10 =	sld [smem:$0x3FB0]  }
0x39: {  	_ = 	snop;
	(pc) =	sbr.ind lr, $3  }
0x3a: {  	_ = 	snop  }
0x3b: {  	_ = 	snop  }
0x3c: {  	p2 =	seq.s32 s10, $0x1;
	s10 =	sld [smem:$0x3FAF]  }
0x3d: {  	_ =	shalt  }
0x3e: {  	_ =	shalt  }
0x3f: {  	_ =	shalt  }
0x40: {  	_ =	shalt  }
0x41: {  	_ =	shalt  }
0x42: {  	_ =	shalt  }
0x43: {  	_ =	shalt  }
0x44: {  	_ =	shalt  }
0x45: {  	_ =	shalt  }
0x46: {  	_ =	shalt  }
0x47: {  	_ =	shalt  }
0x48: {  	_ =	shalt  }
0x49: {  	_ =	shalt  }
0x4a: {  	_ =	shalt  }
0x4b: {  	_ =	shalt  }
0x4c: {  	_ =	shalt  }
0x4d: {  	_ =	shalt  }
0x4e: {  	_ =	shalt  }
0x4f: {  	_ =	shalt  }
0x50: {  	_ =	shalt  }
0x51: {  	_ =	shalt  }
0x52: {  	_ =	shalt  }
0x53: {  	_ =	shalt  }
0x54: {  	_ =	shalt  }
0x55: {  	_ =	shalt  }
0x56: {  	_ =	shalt  }
0x57: {  	_ =	shalt  }
0x58: {  	_ =	shalt  }
0x59: {  	_ =	shalt  }
0x5a: {  	_ =	shalt  }
0x5b: {  	_ =	shalt  }
0x5c: {  	_ =	shalt  }
0x5d: {  	_ =	shalt  }
0x5e: {  	_ =	shalt  }
0x5f: {  	_ =	shalt  }
0x60: {  	_ =	shalt  }
0x61: {  	_ =	shalt  }
0x62: {  	_ =	shalt  }
0x63: {  	_ =	shalt  }
0x64: {  	_ =	shalt  }
0x65: {  	_ =	shalt  }
0x66: {  	_ =	shalt  }
0x67: {  	_ =	shalt  }
0x68: {  	_ =	shalt  }
0x69: {  	_ =	shalt  }
0x6a: {  	_ =	shalt  }
0x6b: {  	_ =	shalt  }
0x6c: {  	_ =	shalt  }
0x6d: {  	_ =	shalt  }
0x6e: {  	_ =	shalt  }
0x6f: {  	_ =	shalt  }
0x70: {  	_ =	shalt  }
0x71: {  	_ =	shalt  }
0x72: {  	_ =	shalt  }
0x73: {  	_ =	shalt  }
0x74: {  	_ =	shalt  }
0x75: {  	_ =	shalt  }
0x76: {  	_ =	shalt  }
0x77: {  	_ =	shalt  }
0x78: {  	_ =	shalt  }
0x79: {  	_ =	shalt  }
0x7a: {  	_ =	shalt  }
0x7b: {  	_ =	shalt  }
0x7c: {  	_ =	shalt  }
0x7d: {  	_ =	shalt  }
0x7e: {  	_ =	shalt  }
0x7f: {  	_ =	shalt  }
0x80: {  	_ =	shalt  }
0x81: {  	_ =	shalt  }
0x82: {  	_ =	shalt  }
0x83: {  	_ =	shalt  }
0x84: {  	_ =	shalt  }
0x85: {  	_ =	shalt  }
0x86: {  	_ =	shalt  }
0x87: {  	_ =	shalt  }
.Lfunc_end0:
.L_simem_size_0:
called_computation.3_lowered:
.L_overlay_start_0:
0x88: {  	s2 =	sld [smem:$0x3FD9]  }
0x89: {  	s3 =	sld [smem:$0x3FFE];
	_ =	sdelay $0x1  }
0x8a: {  	s1 =	srdreg.scid  }
0x8b: {  	s0 =	sand.u32 $0x1, s1  }
0x8c: {  	s16 =	sshll.u32 s0, $0xA;
	s2 =	sadd.s32 s3, s2  }
0x8d: {  	s2 =	sadd.s32 s2, s16  }
0x8e: {  	[smem:$0x3FBB] =	sst s2  }
0x8f: {  	_ = 	snop  }
0x90: {  	(tm) =	ssettm $0x1  }
0x91: {  	s17 =	sld [smem:$0x3FFB];
	_ =	sdelay $0x3  }
0x92: {  	_ =	strace s17  }
0x93: {  	s2 =	sld [smem:$0x3FFC];
	_ =	sdelay $0x3  }
0x94: {  	_ =	strace s2  }
0x95: {  	s2 =	sld [smem:$0x3FFD];
	_ =	sdelay $0x3  }
0x96: {  	_ =	strace s2  }
0x97: {  	_ =	strace $0x8FFFFFFF  }
0x98: {  	s18 =	sld [smem:$0x3FDB];
	_ =	sdelay $0x1  }
0x99: {  	s19 =	simm.s32 $_scs_section_size  }
0x9a: {  	s4 =	simm.s32 $_size__tile_overlayer_lowered;
	s5 =	simm.s32 $_tile_overlayer_lowered  }
0x9b: {  	s22 =	simm.s32 $0x1BFF;
	s21 =	sshll.u32 s5, $0x1;
	s2 =	sadd.s32 s19, s18  }
0x9c: {  	s6 =	simm.s32 $0x0;
	s20 =	sshll.u32 s4, $0x1;
	s4 =	sadd.s32 s21, s2  }
0x9d: {  	[timem:s6], [sflag:s22] =	dma.local [hbm:s4], s20  }
0x9e: {  	_ =	swait.ge [sflag:s22], s20  }
0x9f: {  	s3 =	ssub.s32 $0x0, s20;
	[sflag:s22] =	ssyncset.done $0x0  }
0xa0: {  	[sflag:s22] =	ssyncadd.s32 s3;
	_ =	sdelay $0x1  }
0xa1: {  	s23 =	simm.s32 $0x1B8B  }
0xa2: {  	_ =	swait.ge [sflag:s23], $0x1  }
0xa3: {  	[sflag:s23] =	ssyncset.done $0x0  }
0xa4: {  	s25 =	simm.s32 $0x1B8E;
	s24 =	sld [smem:$0x3FFE];
	[sflag:s23] =	ssyncadd.s32 $0xFFFFFFFF  }
0xa5: {  	s26 =	simm.s32 $execute0_lowered;
	[smem:$0x3FD2] =	sst s25  }
0xa6: {  	s4 =	sshll.u32 s26, $0x1;
	_ =	strace $0x8000004F;
	[dreg:$0x1] =	wrdreg $0xFFFFFFFF  }
0xa7: {  	s28 =	simm.s32 $_size_execute0_lowered;
	s2 =	sadd.s32 s2, s4;
	[dreg:$0x0] =	wrdreg $0x0  }
0xa8: {  	s4 =	sshll.u32 s28, $0x1;
	[dreg:$0x2] =	wrdreg s2  }
0xa9: {  	[dreg:$0x3] =	wrdreg s4  }
0xaa: {  	[dreg:$0x4] =	wrdreg $0xC0  }
0xab: {  	_ =	task [dreg:s6], $0x5FFFF  }
0xac: {  	[dreg:$0x1] =	wrdreg $0xFFFFFFFF  }
0xad: {  	[dreg:$0x0] =	wrdreg $0x60  }
0xae: {  	[dreg:$0x2] =	wrdreg s24  }
0xaf: {  	[dreg:$0x3] =	wrdreg $0x146000  }
0xb0: {  	[dreg:$0x4] =	wrdreg $0xA8000  }
0xb1: {  	[dreg:$0x5] =	wrdreg $0x9  }
0xb2: {  	_ =	task.clear_ibuf [dreg:s6], $0x6FFFF;
	_ =	strace $0x9000004F  }
0xb3: {  	s29 =	simm.s32 $0x9;
	_ =	strace $0x80000051  }
0xb4: {  	_ =	swait.ge [sflag:s29], $0x1  }
0xb5: {  	[sflag:s29] =	ssyncadd.s32 $0xFFFFFFFF  }
0xb6: {  	_ =	strace $0x90000051  }
0xb7: {  	_ =	sfence  }
0xb8: {  	s30 =	sld [smem:$0x0];
	_ =	sdelay $0x2  }
0xb9: {  	s31 =	sshll.u32 s1, $0xD;
	s1 =	sshrl.u32 s1, $0x2  }
0xba: {  	s3 =	sand.u32 $0x4000, s31;
	s1 =	sadd.s32 s1, s30  }
0xbb: {  	s0 =	sor.u32 s3, s0;
	s1 =	sshll.u32 s1, $0x11  }
0xbc: {  	s0 =	sor.u32 s1, s0  }
0xbd: {  	s0 =	sadd.s32 $0x8F2B, s0  }
0xbe: {  	[sflag:s0] =	ssyncadd.remote.s32 $0x1  }
0xbf: {  	_ =	sfence.sel $0xFFFF  }
0xc0: {  	[dreg:$0x0] =	wrdreg $0xFFFFFFFF;
	(pc) =	sbr.abs _section_cstart, $3  }
0xc1: {  	[dreg:$0x1] =	wrdreg $0xFFFFFFFF  }
0xc2: {  	_ =	task.clear_ibuf [dreg:s6], $0x2FFFF;
	_ =	strace $0x9FFFFFFF  }
0xc3: {  	(tm) =	ssettm $0x7FFFFFFF  }
tec
execute0_lowered:
.L_overlay_start_1:
0x0: {  	(tag) =	ssettag $0x1  }
0x1: {  	s0 =	rddreg [dreg:$0x0]  }
0x2: {  	s2 =	rddreg [dreg:$0x1]  }
0x3: {  	s3 =	rddreg [dreg:$0x2];
	s4 =	simm.s32 $0x0  }
0x4: {  	s12 =	stileid.u32;
	s1 =	srdreg.scid;
	s16 =	simm.s32 $0x1400  }
0x5: {  	s28 =	simm.s32 $0x9;
	s29 =	simm.s32 $0x80;
	s30 =	simm.s32 $0x2800  }
0x6: {  	s31 =	simm.s32 $0x4800;
	s18 =	simm.s32 $0x8800;
	s5 =	smul.u32 $0xA00, s12  }
0x7: {  	s17 =	simm.s32 $0x5;
	[smem:$0x7FF] =	sst s4;
	s8 =	smul.u32 $0x9C00, s12  }
0x8: {  	s1 =	sand.u32 $0x1, s1;
	s7 =	sadd.s32 $0x8C800, s0;
	s21 =	smul.u32 $0x27800, s12  }
0x9: {  	s23 =	sshll.u32 s12, $0x6;
	p0 =	sne.s32 s12, $0xF;
	s12 =	simm.s32 $0x1  }
0xa: {  	_ =	strace $0x80000050;
	s6 =	smul.u32 $0x13880, s1;
	[dreg:$0x4] =	wrdreg s7  }
0xb: {  	s1 =	ssub.s32 $0x2, s1;
	s11 =	sor.u32 $0x1C0B, s23;
	s5 =	sadd.s32 s5, s0  }
0xc: {  	s20 =	sshrl.u32 s1, $0x1;
	s10 =	sshrl.u32 s8, $0x3;
	s22 =	sadd.s32 s8, s2  }
0xd: {  	[dreg:$0x9] =	wrdreg s11;
	s11 =	sadd.s32 $0x9C000, s2;
	s24 =	sadd.s32 s8, s3  }
0xe: {  	s8 =	sadd.s32 $0x9C000, s3;
	s0 =	sadd.s32 s6, s0;
	s1 =	ssub.s32 s1, s20  }
0xf: {  	s6 =	sadd.s32 $0x3400, s5;
	s9 =	sadd.s32 $0x3540, s5;
	[dreg:$0x6] =	wrdreg s10  }
0x10: {  	s7 =	sadd.s32 $0xD400, s5;
	s5 =	sadd.s32 $0xD540, s5;
	[dreg:$0x5] =	wrdreg s9  }
0x11: {  	s25 =	sshrl.u32 s22, $0x3;
	s20 =	sor.u32 $0x1C0C, s23;
	[dreg:$0x7] =	wrdreg s5  }
0x12: {  	s10 =	sadd.s32 s10, s0;
	s9 =	sshrl.u32 s21, $0x2;
	s13 =	sadd.s32 $0x78E00, s0  }
0x13: {  	s0 =	sadd.s32 $0x8DC00, s0;
	s1 =	smax.u32 s1, $0x1;
	[dreg:$0xd] =	wrdreg s25  }
0x14: {  	s21 =	simm.s32 $0xC;
	s5 =	simm.s32 $0x3;
	[dreg:$0xa] =	wrdreg s13  }
0x15: {  	s10 =	sadd.s32 $0x65600, s10;
	s9 =	sadd.s32 s9, s3;
	[dreg:$0xb] =	wrdreg s0  }
0x16: {  	[dreg:$0xc] =	wrdreg s1;
	s1 =	sshrl.u32 @!p0 s11, $0x3;
	s0 =	sshrl.u32 s24, $0x3  }
.Ltmp0:
0x17: {  	s11 =	simm.s32 $0x7;
	[dreg:$0x8] =	wrdreg s10;
	(pc) =	sbr.rel .LBB2_1-.Ltmp0, $4  }
0x18: {  	s13 =	simm.s32 $0x0;
	s26 =	sshrl.u32 s9, $0x3;
	[dreg:$0xf] =	wrdreg s1  }
0x19: {  	[dreg:$0x10] =	wrdreg s0;
	s0 =	sshrl.u32 @!p0 s8, $0x3;
	s1 =	simm.s32 $0x6800  }
0x1a: {  	s8 =	simm.s32 $0x6;
	s10 =	simm.s32 $0x4;
	[dreg:$0xe] =	wrdreg s26  }
0x1b: {  	s9 =	simm.s32 $0x8;
	[dreg:$0x11] =	wrdreg s0;
	s0 =	simm.s32 $0x2  }
.LBB2_11:
0x1c: {  	_ =	swait.ge [sflag:s17], $0x2000  }
0x1d: {  	[sflag:s17] =	ssyncset.done $0x0  }
0x1e: {  	[sflag:s17] =	ssyncadd.s32 $0xFFFFE000  }
0x1f: {  	_ =	swait.ge [sflag:s8], $0x2000  }
0x20: {  	[sflag:s8] =	ssyncset.done $0x0  }
0x21: {  	[sflag:s8] =	ssyncadd.s32 $0xFFFFE000  }
0x22: {  	_ =	swait.ge [sflag:s11], $0x2000  }
0x23: {  	[sflag:s11] =	ssyncset.done $0x0  }
0x24: {  	[sflag:s11] =	ssyncadd.s32 $0xFFFFE000  }
0x25: {  	_ =	swait.ge [sflag:s9], $0x2000  }
0x26: {  	[sflag:s9] =	ssyncset.done $0x0  }
0x27: {  	[sflag:s9] =	ssyncadd.s32 $0xFFFFE000  }
0x28: {  	[bflag:$0x0] =	sbarrier.arrive $0xFFFF  }
0x29: {  	s14 =	rddreg [dreg:$0x6]  }
0x2a: {  	s15 =	rddreg [dreg:$0xb]  }
0x2b: {  	s21 =	simm.s32 $0xC;
	s19 =	rddreg [dreg:$0x10];
	s14 =	sadd.s32 s14, s15  }
0x2c: {  	[hbm:s14], [sflag:s20] =	dma.local [spmem:s19], $0x1380  }
0x2d: {  	_ =	swait.ge [sflag:s21], $0x1380  }
0x2e: {  	[sflag:s21] =	ssyncset.done $0x0  }
0x2f: {  	s14 =	sadd.s32 @!p0 $0x13800, s15;
	s15 =	rddreg [dreg:$0x11];
	[sflag:s21] =	ssyncadd.s32 $0xFFFFEC80  }
0x30: {  	[hbm:s14], [sflag:s20] =	dma.local @!p0 [spmem:s15], $0x80  }
0x31: {  	s14 =	simm.s32 @!p0 $0xC  }
0x32: {  	_ =	swait.ge @!p0 [sflag:s14], $0x80  }
0x33: {  	s13 =	sadd.s32 $0x1, s13;
	s26 =	rddreg [dreg:$0xc]  }
0x34: {  	p1 =	sne.s32 s13, s26  }
.Ltmp1:
0x35: {  	_ = 	snop;
	(pc) =	sbr.rel @!p1 .LBB2_12-.Ltmp1, $3  }
0x36: {  	_ =	sdelay $0x1  }
0x37: {  	[sflag:s14] =	ssyncset.done @!p0 $0x0  }
0x38: {  	[sflag:s14] =	ssyncadd.s32 @!p0 $0xFFFFFF80  }
.LBB2_1:
0x39: {  	[tilespmem:s4], [sflag:$0x9] =	stream.linear.gather [hbm4b:s6+s4], $0xA00, $0x38;
	[tilespmem:$0x1E240] =	vst v63  }
0x3a: {  	s14 =	rddreg [dreg:$0x5]  }
0x3b: {  	s23 =	rddreg [dreg:$0x7]  }
0x3c: {  	s25 =	rddreg [dreg:$0x8]  }
0x3d: {  	[tilespmem:s16], [sflag:$0x9] =	stream.linear.gather [hbm4b:s7+s4], $0xA00, $0x38;
	[tilespmem:$0x1E240] =	vst v63  }
0x3e: {  	s15 =	simm.s32 $0xA00;
	s26 =	rddreg [dreg:$0x9]  }
0x3f: {  	[tilespmem:s15], [sflag:$0xA] =	stream.linear.gather [hbm4b:s14+s4], $0xA00, $0x38;
	[tilespmem:$0x1E240] =	vst v63  }
0x40: {  	s24 =	simm.s32 $0x1E00;
	s19 =	rddreg [dreg:$0xd]  }
0x41: {  	[tilespmem:s24], [sflag:$0xA] =	stream.linear.gather [hbm4b:s23+s4], $0xA00, $0x38;
	[tilespmem:$0x1E240] =	vst v63  }
0x42: {  	[spmem:s19], [sflag:s26] =	dma.local [hbm:s25], $0x1380  }
0x43: {  	s14 =	rddreg [dreg:$0x4]  }
0x44: {  	s15 =	rddreg [dreg:$0xe]  }
0x45: {  	[spmem:s15], [sflag:s20] =	dma.local [hbm:s14], $0x13C0  }
0x46: {  	_ =	swait.ge [sflag:s21], $0x13C0  }
0x47: {  	[sflag:s21] =	ssyncset.done $0x0;
	s14 =	rddreg [dreg:$0xa]  }
0x48: {  	s15 =	rddreg [dreg:$0xf];
	[sflag:s21] =	ssyncadd.s32 $0xFFFFEC40  }
0x49: {  	[spmem:s15], [sflag:s20] =	dma.local @!p0 [hbm:s14], $0x80  }
0x4a: {  	s15 =	simm.s32 @!p0 $0xC  }
0x4b: {  	_ =	swait.ge @!p0 [sflag:s15], $0x80  }
0x4c: {  	[sflag:s15] =	ssyncset.done @!p0 $0x0  }
0x4d: {  	[sflag:s15] =	ssyncadd.s32 @!p0 $0xFFFFFF80;
	s15 =	simm.s32 $0xB  }
0x4e: {  	_ =	swait.ge [sflag:s15], $0x1380  }
0x4f: {  	[sflag:s15] =	ssyncset.done $0x0  }
0x50: {  	[sflag:s15] =	ssyncadd.s32 $0xFFFFEC80  }
0x51: {  	_ =	swait.ge [sflag:s28], $0xA00  }
0x52: {  	[sflag:s28] =	ssyncset.done $0x0  }
0x53: {  	[sflag:s28] =	ssyncadd.s32 $0xFFFFF600  }
0x54: {  	_ =	swait.ge [sflag:s28], $0xA00  }
0x55: {  	[sflag:s28] =	ssyncset.done $0x0  }
0x56: {  	[sflag:s28] =	ssyncadd.s32 $0xFFFFF600  }
0x57: {  	[bflag:$0x0] =	sbarrier.arrive $0xFFFF  }
0x58: {  	[tilespmem:s30], [sflag:$0x1] =	stream.indirect.gather [spmem:s2], $0x40, s4, s29, $0xb8;
	[tilespmem:$0x1E240] =	vst v63  }
0x59: {  	_ = 	snop  }
0x5a: {  	[tilespmem:s31], [sflag:$0x2] =	stream.indirect.gather [spmem:s2], $0x40, s29, s29, $0xb8;
	[tilespmem:$0x1E240] =	vst v63  }
0x5b: {  	s19 =	simm.s32 $0x100  }
0x5c: {  	[tilespmem:s1], [sflag:$0x3] =	stream.indirect.gather [spmem:s2], $0x40, s19, s29, $0xb8;
	[tilespmem:$0x1E240] =	vst v63  }
0x5d: {  	_ =	swait.ge [sflag:s12], $0x2000  }
0x5e: {  	[sflag:s12] =	ssyncset.done $0x0  }
0x5f: {  	[sflag:s12] =	ssyncadd.s32 $0xFFFFE000  }
0x60: {  	[spmem:s3] =	stream.indirect.scatter.add.f32 [tilespmem:s30], [sflag:$0x5], $0x40, s16, s29, $0xb8;
	[tilespmem:$0x1E240] =	vst v63  }
0x61: {  	s21 =	simm.s32 $0x180  }
0x62: {  	[tilespmem:s18], [sflag:$0x4] =	stream.indirect.gather [spmem:s2], $0x40, s21, s29, $0xb8;
	[tilespmem:$0x1E240] =	vst v63  }
0x63: {  	_ =	swait.ge [sflag:s0], $0x2000  }
0x64: {  	[sflag:s0] =	ssyncset.done $0x0  }
0x65: {  	s22 =	simm.s32 $0x1480;
	[sflag:s0] =	ssyncadd.s32 $0xFFFFE000  }
0x66: {  	[spmem:s3] =	stream.indirect.scatter.add.f32 [tilespmem:s31], [sflag:$0x6], $0x40, s22, s29, $0xb8;
	[tilespmem:$0x1E240] =	vst v63  }
0x67: {  	_ =	swait.ge [sflag:s17], $0x2000  }
0x68: {  	[sflag:s17] =	ssyncset.done $0x0  }
0x69: {  	s23 =	simm.s32 $0x200;
	[sflag:s17] =	ssyncadd.s32 $0xFFFFE000  }
0x6a: {  	[tilespmem:s30], [sflag:$0x1] =	stream.indirect.gather [spmem:s2], $0x40, s23, s29, $0xb8;
	[tilespmem:$0x1E240] =	vst v63  }
0x6b: {  	_ =	swait.ge [sflag:s5], $0x2000  }
0x6c: {  	[sflag:s5] =	ssyncset.done $0x0  }
0x6d: {  	s24 =	simm.s32 $0x1500;
	[sflag:s5] =	ssyncadd.s32 $0xFFFFE000  }
0x6e: {  	[spmem:s3] =	stream.indirect.scatter.add.f32 [tilespmem:s1], [sflag:$0x7], $0x40, s24, s29, $0xb8;
	[tilespmem:$0x1E240] =	vst v63  }
0x6f: {  	_ =	swait.ge [sflag:s8], $0x2000  }
0x70: {  	[sflag:s8] =	ssyncset.done $0x0  }
0x71: {  	s25 =	simm.s32 $0x280;
	[sflag:s8] =	ssyncadd.s32 $0xFFFFE000  }
0x72: {  	[tilespmem:s31], [sflag:$0x2] =	stream.indirect.gather [spmem:s2], $0x40, s25, s29, $0xb8;
	[tilespmem:$0x1E240] =	vst v63  }
.Ltmp2:
0x73: {  	_ = 	snop;
	(pc) =	sbr.rel .LBB2_2-.Ltmp2, $4  }
0x74: {  	_ =	swait.ge [sflag:s10], $0x2000  }
0x75: {  	[sflag:s10] =	ssyncset.done $0x0  }
0x76: {  	s26 =	simm.s32 $0x1580;
	s15 =	simm.s32 $0x1;
	[sflag:s10] =	ssyncadd.s32 $0xFFFFE000  }
0x77: {  	[spmem:s3] =	stream.indirect.scatter.add.f32 [tilespmem:s18], [sflag:$0x8], $0x40, s26, s29, $0xb8;
	[tilespmem:$0x1E240] =	vst v63  }
.LBB2_9:
0x78: {  	_ =	swait.ge [sflag:s5], $0x2000  }
0x79: {  	[sflag:s5] =	ssyncset.done $0x0  }
0x7a: {  	[sflag:s5] =	ssyncadd.s32 $0xFFFFE000  }
0x7b: {  	[spmem:s3] =	stream.indirect.scatter.add.f32 [tilespmem:s1], [sflag:$0x7], $0x40, s25, s29, $0xb8;
	[tilespmem:$0x1E240] =	vst v63  }
.LBB2_10:
0x7c: {  	s15 =	sadd.s32 $0x1, s15  }
0x7d: {  	p1 =	sne.s32 s15, $0x28  }
.Ltmp3:
0x7e: {  	_ = 	snop;
	(pc) =	sbr.rel @!p1 .LBB2_11-.Ltmp3, $4  }
0x7f: {  	_ =	swait.ge [sflag:s10], $0x2000  }
0x80: {  	[sflag:s10] =	ssyncset.done $0x0  }
0x81: {  	s14 =	sadd.s32 $0x1400, s21;
	[sflag:s10] =	ssyncadd.s32 $0xFFFFE000  }
0x82: {  	[spmem:s3] =	stream.indirect.scatter.add.f32 [tilespmem:s18], [sflag:$0x8], $0x40, s14, s29, $0xb8;
	[tilespmem:$0x1E240] =	vst v63  }
.LBB2_2:
0x83: {  	s19 =	sshll.u32 s15, $0x2  }
0x84: {  	s21 =	sor.u32 $0x2, s19  }
0x85: {  	s23 =	sand.u32 $0xFE, s21  }
0x86: {  	s23 =	smul.u32 $0xCD, s23;
	_ =	sdelay $0x1  }
0x87: {  	s23 =	sshrl.u32 s23, $0xD  }
0x88: {  	s23 =	smul.u32 $0x28, s23;
	_ =	sdelay $0x1  }
0x89: {  	s22 =	sand.u32 $0xFC, s19;
	s21 =	ssub.s32 s21, s23  }
0x8a: {  	_ =	swait.ge [sflag:s11], $0x2000;
	s24 =	smul.u32 $0xCD, s22;
	s21 =	sand.u32 $0xFE, s21  }
0x8b: {  	s26 =	sand.u32 $0xFF, s15;
	[sflag:s11] =	ssyncset.done $0x0;
	s21 =	sshll.u32 s21, $0x9  }
0x8c: {  	s23 =	smul.u32 $0xCD, s26;
	s25 =	sshrl.u32 s21, $0x2;
	s21 =	sshrl.u32 s24, $0xD  }
0x8d: {  	[sflag:s11] =	ssyncadd.s32 $0xFFFFE000;
	s21 =	smul.u32 $0x28, s21  }
0x8e: {  	[tilespmem:s1], [sflag:$0x3] =	stream.indirect.gather [spmem:s2], $0x40, s25, s29, $0xb8;
	[tilespmem:$0x1E240] =	vst v63  }
0x8f: {  	s24 =	sshrl.u32 s23, $0xB;
	s21 =	ssub.s32 s19, s21  }
0x90: {  	s24 =	smul.u32 $0xA, s24;
	_ =	swait.ge [sflag:s12], $0x2000;
	s21 =	sand.u32 $0xFC, s21  }
0x91: {  	p1 =	sgt.u32 s15, $0x22;
	[sflag:s12] =	ssyncset.done $0x0;
	s21 =	sshll.u32 s21, $0x7  }
0x92: {  	s24 =	ssub.s32 s15, s24;
	[sflag:s12] =	ssyncadd.s32 $0xFFFFE000;
	s21 =	sadd.s32 $0x1400, s21  }
0x93: {  	[spmem:s3] =	stream.indirect.scatter.add.f32 [tilespmem:s30], [sflag:$0x5], $0x40, s21, s29, $0xb8;
	[tilespmem:$0x1E240] =	vst v63  }
0x94: {  	s21 =	sand.u32 @!p1 $0xFF, s24  }
0x95: {  	p2 =	seq.s32 @!p1 s21, $0x4  }
0x96: {  	p1 =	por p1, !p2  }
0x97: {  	p2 =	sgt.u32 @p1 s15, $0x1D  }
0x98: {  	p3 =	por p2, !p1  }
0x99: {  	s21 =	sand.u32 @!p3 $0xFF, s24  }
0x9a: {  	p3 =	sne.s32 @!p3 s21, $0x9  }
0x9b: {  	p2 =	por @p1 p2, p3  }
0x9c: {  	p2 =	por !p1, !p2  }
.Ltmp4:
0x9d: {  	_ = 	snop;
	(pc) =	sbr.rel @!p2 .LBB2_4-.Ltmp4, $1  }
0x9e: {  	_ =	sdelay $0x3  }
0x9f: {  	s21 =	simm.s32 $0xA  }
0xa0: {  	s21 =	simm.s32 @p1 $0x9  }
0xa1: {  	_ =	swait.ge [sflag:s21], $0xA00  }
0xa2: {  	[sflag:s21] =	ssyncset.done $0x0  }
0xa3: {  	[sflag:s21] =	ssyncadd.s32 $0xFFFFF600  }
0xa4: {  	_ =	swait.ge [sflag:s21], $0xA00  }
0xa5: {  	[sflag:s21] =	ssyncset.done $0x0  }
0xa6: {  	[sflag:s21] =	ssyncadd.s32 $0xFFFFF600  }
.LBB2_4:
0xa7: {  	s21 =	sor.u32 $0x3, s19  }
0xa8: {  	s26 =	sand.u32 $0xFF, s21  }
0xa9: {  	s26 =	smul.u32 $0xCD, s26;
	_ =	sdelay $0x1  }
0xaa: {  	s26 =	sshrl.u32 s26, $0xD  }
0xab: {  	s14 =	sor.u32 $0x1, s19;
	s26 =	smul.u32 $0x28, s26  }
0xac: {  	s22 =	sand.u32 $0xFF, s14  }
0xad: {  	s22 =	smul.u32 $0xCD, s22;
	s21 =	ssub.s32 s21, s26  }
0xae: {  	_ =	swait.ge [sflag:s9], $0x2000;
	p1 =	seq.s32 s15, $0x27;
	s21 =	sand.u32 $0xFF, s21  }
0xaf: {  	[sflag:s9] =	ssyncset.done $0x0;
	s22 =	sshrl.u32 s22, $0xD;
	s21 =	sshll.u32 s21, $0x9  }
0xb0: {  	[sflag:s9] =	ssyncadd.s32 $0xFFFFE000;
	s22 =	smul.u32 $0x28, s22;
	s21 =	sshrl.u32 s21, $0x2  }
0xb1: {  	[tilespmem:s18], [sflag:$0x4] =	stream.indirect.gather [spmem:s2], $0x40, s21, s29, $0xb8;
	[tilespmem:$0x1E240] =	vst v63  }
.Ltmp5:
0xb2: {  	s14 =	ssub.s32 s14, s22;
	(pc) =	sbr.rel @p1 .LBB2_9-.Ltmp5, $4  }
0xb3: {  	s14 =	sand.u32 $0xFF, s14;
	_ =	swait.ge [sflag:s0], $0x2000  }
0xb4: {  	s14 =	sshll.u32 s14, $0x7;
	[sflag:s0] =	ssyncset.done $0x0  }
0xb5: {  	s25 =	sadd.s32 $0x1400, s25;
	s14 =	sadd.s32 $0x1400, s14;
	[sflag:s0] =	ssyncadd.s32 $0xFFFFE000  }
0xb6: {  	[spmem:s3] =	stream.indirect.scatter.add.f32 [tilespmem:s31], [sflag:$0x6], $0x40, s14, s29, $0xb8;
	[tilespmem:$0x1E240] =	vst v63  }
0xb7: {  	s14 =	sadd.s32 $0x4, s19  }
0xb8: {  	s22 =	sand.u32 $0xFF, s14  }
0xb9: {  	s22 =	smul.u32 $0xCD, s22;
	_ =	sdelay $0x1  }
0xba: {  	s22 =	sshrl.u32 s22, $0xD  }
0xbb: {  	s22 =	smul.u32 $0x28, s22;
	_ =	sdelay $0x1  }
0xbc: {  	_ =	swait.ge [sflag:s17], $0x2000;
	s14 =	ssub.s32 s14, s22  }
0xbd: {  	[sflag:s17] =	ssyncset.done $0x0;
	s14 =	sand.u32 $0xFF, s14  }
0xbe: {  	p1 =	sgt.u32 s15, $0x19;
	[sflag:s17] =	ssyncadd.s32 $0xFFFFE000;
	s14 =	sshll.u32 s14, $0x7  }
0xbf: {  	[tilespmem:s30], [sflag:$0x1] =	stream.indirect.gather [spmem:s2], $0x40, s14, s29, $0xb8;
	[tilespmem:$0x1E240] =	vst v63  }
0xc0: {  	s14 =	sand.u32 @!p1 $0xFF, s24  }
0xc1: {  	p2 =	sne.s32 @!p1 s14, $0x5  }
0xc2: {  	p1 =	por p1, p2  }
.Ltmp6:
0xc3: {  	_ = 	snop;
	(pc) =	sbr.rel @p1 .LBB2_7-.Ltmp6, $1  }
0xc4: {  	_ =	sdelay $0x3  }
0xc5: {  	s14 =	sshrl.u32 s23, $0xA  }
0xc6: {  	s14 =	smul.u32 $0xA00, s14;
	_ =	sdelay $0x1  }
0xc7: {  	s14 =	sshrl.u32 s14, $0x3  }
.Ltmp7:
0xc8: {  	s14 =	sadd.s32 $0x140, s14;
	(pc) =	sbr.rel .LBB2_8-.Ltmp7, $4  }
0xc9: {  	s22 =	sadd.s32 s6, s14  }
0xca: {  	[tilespmem:s4], [sflag:$0x9] =	stream.linear.gather [hbm4b:s22+s4], $0xA00, $0x38;
	[tilespmem:$0x1E240] =	vst v63  }
0xcb: {  	s14 =	sadd.s32 s7, s14  }
0xcc: {  	[tilespmem:s16], [sflag:$0x9] =	stream.linear.gather [hbm4b:s14+s4], $0xA00, $0x38;
	[tilespmem:$0x1E240] =	vst v63  }
.LBB2_7:
0xcd: {  	p1 =	sgt.u32 s15, $0x1E  }
0xce: {  	s14 =	sand.u32 @!p1 $0xFF, s24  }
0xcf: {  	p2 =	sne.s32 @!p1 s14, $0x0  }
0xd0: {  	p1 =	por p2, p1  }
0xd1: {  	s14 =	sand.u32 @!p1 $0xFF, s15  }
0xd2: {  	s14 =	smul.u32 @!p1 $0xCD, s14;
	_ =	sdelay $0x1  }
0xd3: {  	s14 =	sshrl.u32 @!p1 s14, $0xA  }
0xd4: {  	s14 =	smul.u32 @!p1 $0xA00, s14;
	_ =	sdelay $0x1  }
0xd5: {  	s14 =	sshrl.u32 @!p1 s14, $0x3  }
0xd6: {  	s14 =	sadd.s32 @!p1 $0x140, s14  }
0xd7: {  	s23 =	simm.s32 @!p1 $0x0;
	s24 =	simm.s32 @!p1 $0xA00;
	s22 =	sadd.s32 @!p1 s6, s14  }
0xd8: {  	[tilespmem:s24], [sflag:$0xA] =	stream.linear.gather @!p1 [hbm4b:s22+s23], $0xA00, $0x38;
	[tilespmem:$0x1E240] =	vst v63  }
0xd9: {  	s14 =	sadd.s32 @!p1 s7, s14;
	s22 =	simm.s32 @!p1 $0x1E00  }
0xda: {  	[tilespmem:s22], [sflag:$0xA] =	stream.linear.gather @!p1 [hbm4b:s14+s23], $0xA00, $0x38;
	[tilespmem:$0x1E240] =	vst v63  }
.LBB2_8:
0xdb: {  	s14 =	sadd.s32 $0x5, s19;
	_ =	swait.ge [sflag:s5], $0x2000  }
0xdc: {  	s19 =	sand.u32 $0xFF, s14;
	[sflag:s5] =	ssyncset.done $0x0  }
0xdd: {  	s19 =	smul.u32 $0xCD, s19;
	[sflag:s5] =	ssyncadd.s32 $0xFFFFE000  }
0xde: {  	[spmem:s3] =	stream.indirect.scatter.add.f32 [tilespmem:s1], [sflag:$0x7], $0x40, s25, s29, $0xb8;
	[tilespmem:$0x1E240] =	vst v63  }
0xdf: {  	s19 =	sshrl.u32 s19, $0xD  }
0xe0: {  	s19 =	smul.u32 $0x28, s19  }
.Ltmp8:
0xe1: {  	_ = 	snop;
	(pc) =	sbr.rel .LBB2_10-.Ltmp8, $4  }
0xe2: {  	_ =	swait.ge [sflag:s8], $0x2000;
	s14 =	ssub.s32 s14, s19  }
0xe3: {  	[sflag:s8] =	ssyncset.done $0x0;
	s14 =	sand.u32 $0xFF, s14  }
0xe4: {  	[sflag:s8] =	ssyncadd.s32 $0xFFFFE000;
	s14 =	sshll.u32 s14, $0x7  }
0xe5: {  	[tilespmem:s31], [sflag:$0x2] =	stream.indirect.gather [spmem:s2], $0x40, s14, s29, $0xb8;
	[tilespmem:$0x1E240] =	vst v63  }
.LBB2_12:
0xe6: {  	_ =	sfence.sel $0x180000  }
0xe7: {  	[bflag:$0x0] =	sbarrier.arrive $0xFFFF  }
0xe8: {  	_ =	strace $0x90000050  }
0xe9: {  	s0 =	stileid.u32;
	[bflag:$0x2] =	sbarrier.arrive $0xFFFF  }
0xea: {  	p0 =	sne.s32 s0, $0x0;
	s0 =	rddreg [dreg:$0x3]  }
0xeb: {  	s0 =	sadd.s32 @!p0 $0x100000, s0  }
0xec: {  	[sflag:s0] =	ssyncadd.tile.s32 @!p0 $0x1;
	_ =	shalt  }
.Lfunc_end2:
_tile_overlayer_lowered:
.L_overlay_start_2:
0xed: {  	(tag) =	ssettag $0x2  }
0xee: {  	s0 =	rddreg [dreg:$0x0];
	s2 =	stileid.u32  }
0xef: {  	s1 =	rddreg [dreg:$0x1];
	p0 =	sne.s32 s2, $0x0  }
0xf0: {  	s3 =	rddreg [dreg:$0x2];
	[bflag:$0x3] =	sbarrier.arrive $0xFFFF;
	s2 =	simm.s32 @!p0 $0x1C0C  }
0xf1: {  	[timem:s3], [sflag:s2] =	dma.local @!p0 [hbm:s0], s1  }
0xf2: {  	s0 =	simm.s32 @!p0 $0xC  }
0xf3: {  	_ =	swait.ge @!p0 [sflag:s0], s1  }
0xf4: {  	s1 =	ssub.s32 @!p0 $0x0, s1;
	[sflag:s0] =	ssyncset.done @!p0 $0x0  }
0xf5: {  	[sflag:s0] =	ssyncadd.s32 @!p0 s1  }
0xf6: {  	[bflag:$0x3] =	sbarrier.arrive $0xFFFF  }
0xf7: {  	_ =	shalt  }

// kernel: kernel.24.cloned.1.call-start
scs
__scs_entry_jumppad:
0x0: {  	(pc) =	sbr.rel $0x88, $3  }
0x1: {  	(tag) =	ssettag $0x0;
	lr =	simm.s32 $0x1  }
0x2: {  	[smem:$0x3F94] =	sst lr;
	_ =	strace $0xD0000000  }
0x3: {  	_ = 	snop  }
0x4: {  	_ = 	snop  }
0x5: {  	_ = 	snop  }
0x6: {  	_ = 	snop  }
0x7: {  	_ = 	snop  }
__scs_overlays_trampoline_lowered:
0x8: {  	[smem:$0x3FA3] =	sst s0  }
0x9: {  	[smem:$0x3FA4] =	sst s1  }
0xa: {  	[smem:$0x3FA5] =	sst s2  }
0xb: {  	[smem:$0x3FA6] =	sst s3  }
0xc: {  	[smem:$0x3FA7] =	sst s4  }
0xd: {  	[smem:$0x3FA8] =	sst s5  }
0xe: {  	[smem:$0x3FA9] =	sst s6  }
0xf: {  	[smem:$0x3FAA] =	sst s7  }
0x10: {  	[smem:$0x3FAB] =	sst s8  }
0x11: {  	[smem:$0x3FAC] =	sst s9;
	s0 =	simm.s32 @!p0 $0x0  }
0x12: {  	s1 =	sld [smem:$0x3F92];
	s0 =	simm.s32 @p0 $0x1  }
0x13: {  	[smem:$0x3FAD] =	sst s0;
	s0 =	simm.s32 @!p1 $0x0  }
0x14: {  	s2 =	sld [smem:$0x3F91];
	s0 =	simm.s32 @p1 $0x1  }
0x15: {  	[smem:$0x3FAE] =	sst s0;
	s0 =	simm.s32 @!p2 $0x0  }
0x16: {  	s3 =	sld [smem:$0x3FDB];
	s0 =	simm.s32 @p2 $0x1  }
0x17: {  	s4 =	simm.s32 $0x1BF5;
	[smem:$0x3FB0] =	sst s0  }
0x18: {  	s0 =	sld [smem:$0x3F93];
	_ =	swait.ge [sflag:s4], $0x0  }
0x19: {  	s7 =	sld [smem:$0x3F94]  }
0x1a: {  	s8 =	sadd.s32 $0xFFFFE003, lr  }
0x1b: {  	s9 =	sadd.s32 $0xFFFFFEF7, lr;
	s5 =	simm.s32 $0xFFFFFFFF;
	p2 =	slt.u32 s8, $0xFFFFF086  }
0x1c: {  	p1 =	slt.u32 s9, $0xF7A;
	s5 =	simm.s32 @!p2 $0x0  }
0x1d: {  	s5 =	simm.s32 @p1 $0x1;
	p0 =	seq.s32 s7, s2  }
0x1e: {  	s7 =	smul.u32 @!p0 $0xF7A, s2;
	p2 =	seq.s32 @!p0 s5, $0x0  }
0x1f: {  	s9 =	smul.u32 $0xF7A, s1;
	s8 =	simm.s32 @!p0 $0x1BF5;
	p2 =	por !p2, p0  }
0x20: {  	[sflag:s8] =	ssyncset.s32 @!p0 $0xFFFFF086;
	s6 =	sadd.s32 @!p0 s3, s7;
	s7 =	simm.s32 @!p0 $0x108  }
0x21: {  	s3 =	sadd.s32 s3, s9;
	s6 =	sadd.s32 @!p0 $0x88, s6;
	s7 =	simm.s32 @p2 $0x1082  }
0x22: {  	[simem:s7], [sflag:s8] =	dma.local @!p0 [hbm:s6], $0xF7A  }
0x23: {  	s9 =	sor.u32 $0xD0000000, s2;
	s6 =	simm.s32 $0x108;
	_ =	swait.ge @!p0 [sflag:s8], $0x0  }
0x24: {  	s3 =	sadd.s32 $0x88, s3;
	s6 =	simm.s32 @!p1 $0x1082;
	[sflag:s4] =	ssyncset.s32 $0xFFFFF086  }
0x25: {  	[simem:s6], [sflag:s4] =	dma.local [hbm:s3], $0xF7A  }
0x26: {  	[smem:$0x3F94] =	sst s1;
	(tag) =	ssettag s2;
	_ =	strace s9  }
0x27: {  	s1 =	sld [smem:$0x3FA4]  }
0x28: {  	s2 =	sld [smem:$0x3FA5]  }
0x29: {  	s4 =	sld [smem:$0x3FA7]  }
0x2a: {  	p0 =	seq.s32 s5, $0x0;
	s5 =	sld [smem:$0x3FA8]  }
0x2b: {  	s6 =	sld [smem:$0x3FA9]  }
0x2c: {  	s7 =	sld [smem:$0x3FAA]  }
0x2d: {  	s3 =	simm.s32 $0x108;
	s8 =	sld [smem:$0x3FAB]  }
0x2e: {  	s3 =	simm.s32 @!p0 $0x1082;
	s9 =	sld [smem:$0x3FAC]  }
0x2f: {  	lr =	sadd.s32 s0, s3;
	s0 =	sld [smem:$0x3FA3]  }
0x30: {  	s3 =	sld [smem:$0x3FA6]  }
0x31: {  	[smem:$0x3FAF] =	sst s10  }
0x32: {  	s10 =	sld [smem:$0x3FAD];
	_ =	sdelay $0x3  }
0x33: {  	p0 =	seq.s32 s10, $0x1;
	s10 =	sld [smem:$0x3FAF];
	_ =	sdelay $0x3  }
0x34: {  	[smem:$0x3FAF] =	sst s10  }
0x35: {  	s10 =	sld [smem:$0x3FAE];
	_ =	sdelay $0x3  }
0x36: {  	p1 =	seq.s32 s10, $0x1;
	s10 =	sld [smem:$0x3FAF];
	_ =	sdelay $0x3  }
0x37: {  	[smem:$0x3FAF] =	sst s10  }
0x38: {  	s10 =	sld [smem:$0x3FB0]  }
0x39: {  	_ = 	snop;
	(pc) =	sbr.ind lr, $3  }
0x3a: {  	_ = 	snop  }
0x3b: {  	_ = 	snop  }
0x3c: {  	p2 =	seq.s32 s10, $0x1;
	s10 =	sld [smem:$0x3FAF]  }
0x3d: {  	_ =	shalt  }
0x3e: {  	_ =	shalt  }
0x3f: {  	_ =	shalt  }
0x40: {  	_ =	shalt  }
0x41: {  	_ =	shalt  }
0x42: {  	_ =	shalt  }
0x43: {  	_ =	shalt  }
0x44: {  	_ =	shalt  }
0x45: {  	_ =	shalt  }
0x46: {  	_ =	shalt  }
0x47: {  	_ =	shalt  }
0x48: {  	_ =	shalt  }
0x49: {  	_ =	shalt  }
0x4a: {  	_ =	shalt  }
0x4b: {  	_ =	shalt  }
0x4c: {  	_ =	shalt  }
0x4d: {  	_ =	shalt  }
0x4e: {  	_ =	shalt  }
0x4f: {  	_ =	shalt  }
0x50: {  	_ =	shalt  }
0x51: {  	_ =	shalt  }
0x52: {  	_ =	shalt  }
0x53: {  	_ =	shalt  }
0x54: {  	_ =	shalt  }
0x55: {  	_ =	shalt  }
0x56: {  	_ =	shalt  }
0x57: {  	_ =	shalt  }
0x58: {  	_ =	shalt  }
0x59: {  	_ =	shalt  }
0x5a: {  	_ =	shalt  }
0x5b: {  	_ =	shalt  }
0x5c: {  	_ =	shalt  }
0x5d: {  	_ =	shalt  }
0x5e: {  	_ =	shalt  }
0x5f: {  	_ =	shalt  }
0x60: {  	_ =	shalt  }
0x61: {  	_ =	shalt  }
0x62: {  	_ =	shalt  }
0x63: {  	_ =	shalt  }
0x64: {  	_ =	shalt  }
0x65: {  	_ =	shalt  }
0x66: {  	_ =	shalt  }
0x67: {  	_ =	shalt  }
0x68: {  	_ =	shalt  }
0x69: {  	_ =	shalt  }
0x6a: {  	_ =	shalt  }
0x6b: {  	_ =	shalt  }
0x6c: {  	_ =	shalt  }
0x6d: {  	_ =	shalt  }
0x6e: {  	_ =	shalt  }
0x6f: {  	_ =	shalt  }
0x70: {  	_ =	shalt  }
0x71: {  	_ =	shalt  }
0x72: {  	_ =	shalt  }
0x73: {  	_ =	shalt  }
0x74: {  	_ =	shalt  }
0x75: {  	_ =	shalt  }
0x76: {  	_ =	shalt  }
0x77: {  	_ =	shalt  }
0x78: {  	_ =	shalt  }
0x79: {  	_ =	shalt  }
0x7a: {  	_ =	shalt  }
0x7b: {  	_ =	shalt  }
0x7c: {  	_ =	shalt  }
0x7d: {  	_ =	shalt  }
0x7e: {  	_ =	shalt  }
0x7f: {  	_ =	shalt  }
0x80: {  	_ =	shalt  }
0x81: {  	_ =	shalt  }
0x82: {  	_ =	shalt  }
0x83: {  	_ =	shalt  }
0x84: {  	_ =	shalt  }
0x85: {  	_ =	shalt  }
0x86: {  	_ =	shalt  }
0x87: {  	_ =	shalt  }
.Lfunc_end0:
.L_simem_size_0:
called_computation.4_lowered:
.L_overlay_start_0:
0x88: {  	s2 =	sld [smem:$0x3FD9]  }
0x89: {  	s3 =	sld [smem:$0x3FFE];
	_ =	sdelay $0x1  }
0x8a: {  	s1 =	srdreg.scid  }
0x8b: {  	s0 =	sand.u32 $0x1, s1  }
0x8c: {  	s17 =	sshll.u32 s0, $0xA;
	s2 =	sadd.s32 s3, s2  }
0x8d: {  	s2 =	sadd.s32 s2, s17  }
0x8e: {  	[smem:$0x3FBB] =	sst s2  }
0x8f: {  	_ = 	snop  }
0x90: {  	s2 =	sld [smem:$0x3FC7];
	(tm) =	ssettm $0x1  }
0x91: {  	s18 =	sld [smem:$0x3FFB];
	_ =	sdelay $0x3  }
0x92: {  	_ =	strace s18  }
0x93: {  	s3 =	sld [smem:$0x3FFC];
	_ =	sdelay $0x3  }
0x94: {  	_ =	strace s3  }
0x95: {  	s3 =	sld [smem:$0x3FFD];
	_ =	sdelay $0x3  }
0x96: {  	_ =	strace s3  }
0x97: {  	_ =	strace $0x8FFFFFFF  }
0x98: {  	s19 =	sld [smem:$0x3FDB];
	_ =	sdelay $0x1  }
0x99: {  	s4 =	simm.s32 $_scs_section_size  }
0x9a: {  	s5 =	simm.s32 $_size__tile_overlayer_lowered;
	s6 =	simm.s32 $_tile_overlayer_lowered  }
0x9b: {  	s22 =	simm.s32 $0x1BFF;
	s21 =	sshll.u32 s6, $0x1;
	s3 =	sadd.s32 s4, s19  }
0x9c: {  	s7 =	simm.s32 $0x0;
	s20 =	sshll.u32 s5, $0x1;
	s5 =	sadd.s32 s21, s3  }
0x9d: {  	[timem:s7], [sflag:s22] =	dma.local [hbm:s5], s20  }
0x9e: {  	_ =	swait.ge [sflag:s22], s20  }
0x9f: {  	s4 =	ssub.s32 $0x0, s20;
	[sflag:s22] =	ssyncset.done $0x0  }
0xa0: {  	[sflag:s22] =	ssyncadd.s32 s4;
	_ =	sdelay $0x1  }
0xa1: {  	s23 =	simm.s32 $0x1B8B  }
0xa2: {  	_ =	swait.ge [sflag:s23], $0x1  }
0xa3: {  	[sflag:s23] =	ssyncset.done $0x0  }
0xa4: {  	s25 =	simm.s32 $0x1B8E;
	s24 =	sld [smem:$0x3FFE];
	[sflag:s23] =	ssyncadd.s32 $0xFFFFFFFF  }
0xa5: {  	s26 =	simm.s32 $execute0_lowered;
	[smem:$0x3FD2] =	sst s25  }
0xa6: {  	s5 =	sshll.u32 s26, $0x1;
	_ =	strace $0x80000052;
	[dreg:$0x1] =	wrdreg $0xFFFFFFFF  }
0xa7: {  	s28 =	simm.s32 $_size_execute0_lowered;
	s3 =	sadd.s32 s3, s5;
	[dreg:$0x0] =	wrdreg $0x0  }
0xa8: {  	s5 =	sshll.u32 s28, $0x1;
	[dreg:$0x2] =	wrdreg s3  }
0xa9: {  	[dreg:$0x3] =	wrdreg s5  }
0xaa: {  	[dreg:$0x4] =	wrdreg $0xC0  }
0xab: {  	_ =	task [dreg:s7], $0x5FFFF  }
0xac: {  	[dreg:$0x1] =	wrdreg $0xFFFFFFFF  }
0xad: {  	[dreg:$0x0] =	wrdreg $0x60  }
0xae: {  	[dreg:$0x2] =	wrdreg s24  }
0xaf: {  	[dreg:$0x3] =	wrdreg s2  }
0xb0: {  	[dreg:$0x4] =	wrdreg $0x9  }
0xb1: {  	_ =	task.clear_ibuf [dreg:s7], $0x5FFFF;
	_ =	strace $0x90000052  }
0xb2: {  	s29 =	simm.s32 $0x9;
	_ =	strace $0x80000054  }
0xb3: {  	_ =	swait.ge [sflag:s29], $0x1  }
0xb4: {  	[sflag:s29] =	ssyncadd.s32 $0xFFFFFFFF  }
0xb5: {  	_ =	strace $0x90000054  }
0xb6: {  	_ =	sfence  }
0xb7: {  	s30 =	sld [smem:$0x0];
	_ =	sdelay $0x2  }
0xb8: {  	s31 =	sshll.u32 s1, $0xD;
	s1 =	sshrl.u32 s1, $0x2  }
0xb9: {  	s3 =	sand.u32 $0x4000, s31;
	s1 =	sadd.s32 s1, s30  }
0xba: {  	s0 =	sor.u32 s3, s0;
	s1 =	sshll.u32 s1, $0x11  }
0xbb: {  	s0 =	sor.u32 s1, s0  }
0xbc: {  	s0 =	sadd.s32 $0x8F2B, s0  }
0xbd: {  	[sflag:s0] =	ssyncadd.remote.s32 $0x1  }
0xbe: {  	_ =	sfence.sel $0xFFFF  }
0xbf: {  	[dreg:$0x0] =	wrdreg $0xFFFFFFFF;
	(pc) =	sbr.abs _section_cstart, $3  }
0xc0: {  	[dreg:$0x1] =	wrdreg $0xFFFFFFFF  }
0xc1: {  	_ =	task.clear_ibuf [dreg:s7], $0x2FFFF;
	_ =	strace $0x9FFFFFFF  }
0xc2: {  	(tm) =	ssettm $0x7FFFFFFF  }
0xc3: {  	_ =	shalt  }
tec
execute0_lowered:
.L_overlay_start_1:
0x0: {  	(tag) =	ssettag $0x1  }
0x1: {  	s0 =	srdreg.scid;
	s5 =	rddreg [dreg:$0x0]  }
0x2: {  	s2 =	rddreg [dreg:$0x1];
	s4 =	sand.u32 $0x1, s0  }
0x3: {  	s0 =	stileid.u32;
	s6 =	smul.u32 $0xFFFFFEC0, s4  }
0x4: {  	s1 =	rddreg [dreg:$0x2];
	s3 =	simm.s32 $0x0;
	s7 =	smul.u32 $0xFFFFFD80, s0  }
0x5: {  	s11 =	simm.s32 $0x2880;
	[smem:$0x7FF] =	sst s3  }
0x6: {  	s12 =	simm.s32 $0x0;
	_ =	strace $0x80000053;
	s6 =	sadd.s32 s7, s6  }
0x7: {  	s28 =	sshll.u32 s0, $0x1;
	s8 =	ssub.s32 $0x2, s4;
	s6 =	sadd.s32 $0x2710, s6  }
0x8: {  	s9 =	sshrl.u32 s8, $0x1;
	s7 =	sor.u32 s4, s28;
	s29 =	smin.u32 s6, $0x140  }
0x9: {  	s4 =	sadd.s32 $0x3400, s5;
	s8 =	ssub.s32 s8, s9;
	s10 =	smul.u32 $0x334, s29  }
0xa: {  	s9 =	simm.s32 $0x2800;
	s30 =	sshll.u32 s7, $0xA;
	s8 =	smax.u32 s8, $0x1  }
0xb: {  	s6 =	sadd.s32 s30, s5;
	s5 =	smul.u32 $0x140, s7;
	s31 =	sadd.s32 $0xCD00, s10  }
0xc: {  	v0 =	vimm.f32 $-Inf;
	s6 =	sadd.s32 $0x2A600, s6;
	s10 =	simm.s32 $0x1;
	s7 =	sshrl.u32 s31, $0x10  }
.LBB2_1:
0xd: {  	s13 =	simm.s32 $0x0  }
.LBB2_2:
0xe: {  	p0 =	sne.s32 s13, $0x7FC0  }
.Ltmp0:
0xf: {  	_ = 	snop;
	(pc) =	sbr.rel @p0 .LBB2_2-.Ltmp0, $3  }
0x10: {  	_ =	sdelay $0x1  }
0x11: {  	s14 =	sshra.s32 s13, $0x2  }
0x12: {  	s13 =	sadd.s32 $0x40, s13;
	[tilespmem:s14+$0x2880] =	vst v0  }
0x13: {  	v2 =	vimm.f32 $0.0e+00;
	v1 =	vimm.f32 $0.0e+00  }
0x14: {  	v3 =	vimm.f32 $0.0e+00;
	v4 =	vimm.f32 $0.0e+00;
	v8 =	vimm.f32 $0.0e+00  }
0x15: {  	s13 =	simm.s32 $0x0;
	s16 =	simm.s32 $0xFFFFFFFF;
	v5 =	vimm.f32 $0.0e+00;
	v6 =	vimm.f32 $0.0e+00;
	v7 =	vimm.f32 $0.0e+00;
	s14 =	simm.s32 $0x0  }
.LBB2_4:
0x16: {  	s15 =	smul.u32 $0x50, s14;
	_ =	sdelay $0x1  }
0x17: {  	s15 =	sadd.s32 s5, s15  }
0x18: {  	s17 =	sshrl.u32 s15, $0x3  }
0x19: {  	s17 =	sadd.s32 s2, s17  }
0x1a: {  	[tilespmem:s9], [sflag:$0x1] =	stream.linear.gather [hbm4b:s17+s13], $0x50, $0x38;
	[tilespmem:$0x4880] =	vst v63  }
0x1b: {  	_ =	swait.ge [sflag:s10], $0x50  }
0x1c: {  	s15 =	sshll.u32 s15, $0x4;
	[sflag:s10] =	ssyncset.done $0x0  }
0x1d: {  	s15 =	sadd.s32 s4, s15;
	[sflag:s10] =	ssyncadd.s32 $0xFFFFFFB0  }
0x1e: {  	[tilespmem:s13], [sflag:$0x1] =	stream.linear.gather [hbm4b:s15+s13], $0x2800, $0x38;
	[tilespmem:$0x4880] =	vst v63  }
0x1f: {  	_ =	swait.ge [sflag:s10], $0x2800  }
0x20: {  	[sflag:s10] =	ssyncset.done $0x0  }
0x21: {  	s31 =	simm.s32 $0x0;
	[sflag:s10] =	ssyncadd.s32 $0xFFFFD800  }
0x22: {  	v9 =	vld [tilespmem:s31+$0x2800];
	_ =	sdelay $0x4  }
0x23: {  	(v2sf) =	vpush v9, $0x0;
	_ =	sdelay $0xb  }
0x24: {  	s15 =	simm.s32 $0x40  }
0x25: {  	v10 =	vld [tilespmem:s15+$0xFFFFFFC0]  }
0x26: {  	v11 =	vld [tilespmem:s15+$0xFFFFFFD0]  }
0x27: {  	p0 =	slt.s32 s16, $0x0;
	v9 =	vld [tilespmem:s15+$0xFFFFFFF0];
	s19 =	spop (v2sf)  }
0x28: {  	v12 =	vld [tilespmem:s15+$0xFFFFFFE0];
	p1 =	seq.s32 @!p0 s19, s16  }
0x29: {  	v13 =	vld [tilespmem:s15+$0x0];
	p0 =	por p1, p0  }
0x2a: {  	v14 =	vld [tilespmem:s15+$0x10];
	s17 =	sshll.u32 @!p0 s16, $0x9  }
0x2b: {  	v15 =	vld [tilespmem:s15+$0x20];
	s18 =	sshra.s32 @!p0 s17, $0x2  }
0x2c: {  	v16 =	vld [tilespmem:s15+$0x30];
	v17 =	vmax.f32 v8, v9;
	p6 =	sne.s32 s19, s16;
	[tilespmem:s18+$0x2880] =	vst @!p0 v7  }
0x2d: {  	v17 =	vpsel p6, v9, v17;
	[tilespmem:s18+$0x2890] =	vst @!p0 v6  }
0x2e: {  	v9 =	vmax.f32 v5, v12;
	v7 =	vmax.f32 v7, v10;
	v6 =	vmax.f32 v6, v11;
	[tilespmem:s18+$0x28A0] =	vst @!p0 v5  }
0x2f: {  	v5 =	vpsel p6, v12, v9;
	v9 =	vmax.f32 v4, v13;
	[tilespmem:s18+$0x28B0] =	vst @!p0 v8;
	v8 =	vmax.f32 v3, v14  }
0x30: {  	v7 =	vpsel p6, v10, v7;
	v10 =	vpsel p6, v13, v9;
	v9 =	vmax.f32 v2, v15  }
0x31: {  	[tilespmem:s18+$0x28F0] =	vst @!p0 v1;
	v1 =	vmax.f32 v1, v16;
	v6 =	vpsel p6, v11, v6  }
0x32: {  	[tilespmem:s18+$0x28C0] =	vst @!p0 v4;
	v11 =	vpsel p6, v14, v8;
	v1 =	vpsel p6, v16, v1;
	v63 =	vpsel p6, v15, v9  }
0x33: {  	s16 =	smov.u32 s19;
	s17 =	simm.s32 $0x4;
	[tilespmem:s18+$0x28D0] =	vst @!p0 v3;
	v4 =	vmovc v10;
	v3 =	vmovc v11;
	v8 =	vmov v17;
	v9 =	vmov v2;
	v2 =	vmov v63  }
.LBB2_5:
0x34: {  	s19 =	sshra.s32 s17, $0x2;
	s17 =	sadd.s32 $0x4, s17;
	[tilespmem:s18+$0x28E0] =	vst @!p0 v9;
	v10 =	vmovc v8;
	v11 =	vmovc v7;
	v12 =	vmov v6;
	v13 =	vmov v5;
	v14 =	vmov v4;
	s18 =	smov.u32 s16  }
0x35: {  	s15 =	sadd.s32 $0x80, s15;
	v16 =	vmov v3;
	v9 =	vmov v2;
	v15 =	vld [tilespmem:s19+$0x2800];
	p1 =	sne.s32 s17, $0x140  }
0x36: {  	v17 =	vld [tilespmem:s15+$0xFFFFFFF0];
	_ =	sdelay $0x3  }
0x37: {  	(v2sf) =	vpush v15, $0x0  }
0x38: {  	v8 =	vmax.f32 v8, v17;
	_ =	sdelay $0xc  }
0x39: {  	v15 =	vld [tilespmem:s15+$0xFFFFFFC0]  }
0x3a: {  	p0 =	slt.s32 s18, $0x0;
	v18 =	vld [tilespmem:s15+$0xFFFFFFD0];
	s16 =	spop (v2sf)  }
0x3b: {  	v19 =	vld [tilespmem:s15+$0xFFFFFFE0];
	p3 =	seq.s32 @!p0 s16, s18;
	p2 =	sne.s32 s16, s18  }
0x3c: {  	v20 =	vld [tilespmem:s15+$0x0];
	p0 =	por p3, p0;
	v8 =	vpsel p2, v17, v8  }
0x3d: {  	v17 =	vld [tilespmem:s15+$0x10];
	s18 =	sshll.u32 @!p0 s18, $0x9  }
0x3e: {  	v21 =	vld [tilespmem:s15+$0x20];
	s18 =	sshra.s32 @!p0 s18, $0x2;
	v7 =	vmax.f32 v7, v15  }
0x3f: {  	v22 =	vld [tilespmem:s15+$0x30];
	[tilespmem:s18+$0x28F0] =	vst @!p0 v1;
	v7 =	vpsel p2, v15, v7;
	v6 =	vmax.f32 v6, v18  }
0x40: {  	[tilespmem:s18+$0x2880] =	vst @!p0 v11;
	v6 =	vpsel p2, v18, v6;
	v5 =	vmax.f32 v5, v19  }
.Ltmp1:
0x41: {  	[tilespmem:s18+$0x2890] =	vst @!p0 v12;
	v5 =	vpsel p2, v19, v5;
	v4 =	vmax.f32 v4, v20;
	(pc) =	sbr.rel @p1 .LBB2_5-.Ltmp1, $4  }
0x42: {  	[tilespmem:s18+$0x28A0] =	vst @!p0 v13;
	v4 =	vpsel p2, v20, v4;
	v3 =	vmax.f32 v3, v17  }
0x43: {  	[tilespmem:s18+$0x28B0] =	vst @!p0 v10;
	v3 =	vpsel p2, v17, v3;
	v2 =	vmax.f32 v2, v21  }
0x44: {  	[tilespmem:s18+$0x28C0] =	vst @!p0 v14;
	v2 =	vpsel p2, v21, v2;
	v1 =	vmax.f32 v1, v22  }
0x45: {  	[tilespmem:s18+$0x28D0] =	vst @!p0 v16;
	v1 =	vpsel p2, v22, v1  }
0x46: {  	s14 =	sadd.s32 $0x1, s14  }
0x47: {  	p1 =	sne.s32 s14, s7  }
.Ltmp2:
0x48: {  	_ = 	snop;
	(pc) =	sbr.rel @p1 .LBB2_4-.Ltmp2, $2  }
0x49: {  	_ =	sdelay $0x2  }
0x4a: {  	[tilespmem:s18+$0x28E0] =	vst @!p0 v9  }
0x4b: {  	p0 =	slt.s32 s16, $0x0  }
0x4c: {  	s13 =	sshll.u32 @!p0 s16, $0x9  }
0x4d: {  	s13 =	sshra.s32 @!p0 s13, $0x2  }
0x4e: {  	[tilespmem:s13+$0x2880] =	vst @!p0 v7  }
0x4f: {  	[tilespmem:s13+$0x2890] =	vst @!p0 v6  }
0x50: {  	[tilespmem:s13+$0x28A0] =	vst @!p0 v5  }
0x51: {  	[tilespmem:s13+$0x28B0] =	vst @!p0 v8  }
0x52: {  	[tilespmem:s13+$0x28C0] =	vst @!p0 v4  }
0x53: {  	[tilespmem:s13+$0x28D0] =	vst @!p0 v3  }
0x54: {  	s12 =	sadd.s32 $0x1, s12;
	[tilespmem:s13+$0x28E0] =	vst @!p0 v2  }
0x55: {  	[tilespmem:s13+$0x28F0] =	vst @!p0 v1;
	p0 =	sne.s32 s12, s8  }
.Ltmp3:
0x56: {  	_ = 	snop;
	(pc) =	sbr.rel @p0 .LBB2_1-.Ltmp3, $4  }
0x57: {  	[hbm4b:s6+s3] =	stream.linear.scatter [tilespmem:s11], [sflag:$0x1], $0x2000, $0x38;
	[tilespmem:$0x4880] =	vst v63  }
0x58: {  	_ =	swait.ge [sflag:s10], $0x2000  }
0x59: {  	[sflag:s10] =	ssyncset.done $0x0  }
0x5a: {  	[sflag:s10] =	ssyncadd.s32 $0xFFFFE000  }
0x5b: {  	_ =	sfence.sel $0x180000  }
0x5c: {  	[bflag:$0x0] =	sbarrier.arrive $0xFFFF  }
0x5d: {  	p0 =	sne.s32 s0, $0x0;
	_ =	strace $0x90000053  }
0x5e: {  	s0 =	sadd.s32 @!p0 $0x100000, s1;
	[bflag:$0x2] =	sbarrier.arrive $0xFFFF  }
0x5f: {  	[sflag:s0] =	ssyncadd.tile.s32 @!p0 $0x1;
	_ =	shalt  }
.Lfunc_end2:
_tile_overlayer_lowered:
.L_overlay_start_2:
0x60: {  	(tag) =	ssettag $0x2  }
0x61: {  	s0 =	rddreg [dreg:$0x0];
	s2 =	stileid.u32  }
0x62: {  	s1 =	rddreg [dreg:$0x1];
	p0 =	sne.s32 s2, $0x0  }
0x63: {  	s3 =	rddreg [dreg:$0x2];
	[bflag:$0x3] =	sbarrier.arrive $0xFFFF;
	s2 =	simm.s32 @!p0 $0x1C01  }
0x64: {  	[timem:s3], [sflag:s2] =	dma.local @!p0 [hbm:s0], s1  }
0x65: {  	s0 =	simm.s32 @!p0 $0x1  }
0x66: {  	_ =	swait.ge @!p0 [sflag:s0], s1  }
0x67: {  	s1 =	ssub.s32 @!p0 $0x0, s1;
	[sflag:s0] =	ssyncset.done @!p0 $0x0  }
0x68: {  	[sflag:s0] =	ssyncadd.s32 @!p0 s1  }
0x69: {  	[bflag:$0x3] =	sbarrier.arrive $0xFFFF  }
0x6a: {  	_ =	shalt  }

</sc_bundles>
